<compile_context>
chip_gen: v7x
topology: tpu7x:2x2x1
jax: 0.10.2.dev20260603
libtpu: 0.0.44.dev20260713+nightly
codegen_flags: <defaults>
</compile_context>

<pallas_src>
import jax
import jax.numpy as jnp
from jax import lax
from jax.experimental import pallas as pl
from jax.experimental.pallas import tpu as pltpu
from jax.experimental.pallas import tpu_sc as plsc

N, C, K, M, OUT = 10000, 128, 16, 4, 128
NUM_WORKERS = 32
NB = 320
NPAD = NUM_WORKERS * NB
TPAD = 10016
L = 16
SB = 8
NBLK = NB // SB
LB = 2 * L
CHB = C // LB
STAGE_ROWS = NPAD // SB


def _sc_aggregate(x_hbm, adjg_hbm, adj_hbm, uxt_hbm, uxc_hbm, y_hbm,
                  ux_v, uxc_v, adj_v, adjg_v, rows0_v, rows1_v, st0_v, st1_v,
                  gsem0, gsem1, osem0, osem1):
    nc = plsc.get_sparse_core_info().num_cores
    wid = lax.axis_index("s") * nc + lax.axis_index("c")
    base_blk = wid * NBLK
    base = base_blk * SB
    pltpu.sync_copy(uxt_hbm, ux_v)
    pltpu.sync_copy(adj_hbm.at[pl.ds(base_blk, NBLK)], adj_v)
    pltpu.sync_copy(adjg_hbm.at[pl.ds(base_blk, NBLK)], adjg_v)
    pltpu.sync_copy(uxc_hbm.at[pl.ds(base, NB)], uxc_v)

    midx = [jnp.full((L,), m, jnp.int32) for m in range(M)]

    def process(jb, rows_ref, st_ref):
        def node(s, carry):
            adj_vec = adj_v[jb, pl.ds(s * K, K)]
            nid = jnp.full((L,), jb * SB + s, jnp.int32)
            nb_logit = [plsc.load_gather(ux_v, [adj_vec, midx[m]])
                        for m in range(M)]
            own = [plsc.load_gather(uxc_v, [nid, midx[m]]) for m in range(M)]
            p = [own[m] - nb_logit[m] for m in range(M)]
            pmax = jnp.maximum(jnp.maximum(p[0], p[1]),
                               jnp.maximum(p[2], p[3]))
            e = [jnp.exp(pm - pmax) for pm in p]
            ssum = e[0] + e[1] + e[2] + e[3]
            mask = adj_vec != 0
            cnt = plsc.all_reduce_population_count(mask)
            inv = jnp.where(cnt > 0, 1.0 / cnt.astype(jnp.float32), 0.0)
            scale = inv / ssum
            zero = jnp.zeros((L,), jnp.float32)
            wv = [jnp.where(mask, e[m] * scale, zero) for m in range(M)]
            acc = [[jnp.zeros((LB,), jnp.bfloat16) for _ in range(CHB)]
                   for _ in range(M)]
            for k in range(K):
                r = [rows_ref[s * K + k, cc * LB:(cc + 1) * LB]
                     for cc in range(CHB)]
                for m in range(M):
                    wk16 = jnp.full((L,), wv[m][k], jnp.float32)
                    wkb = plsc.pack(wk16, wk16,
                                    format=plsc.PackFormat.INTERLEAVED)
                    for cc in range(CHB):
                        acc[m][cc] = acc[m][cc] + wkb * r[cc]
            for m in range(M):
                for cc in range(CHB):
                    ev, od = plsc.unpack(acc[m][cc],
                                         format=plsc.PackFormat.INTERLEAVED)
                    st_ref[m, s, cc * LB:cc * LB + L] = ev
                    st_ref[m, s, cc * LB + L:(cc + 1) * LB] = od
            return carry

        lax.fori_loop(0, SB, node, 0)

    def flush(jb, st_ref, osem):
        pltpu.async_copy(st_ref, y_hbm.at[base_blk + jb], osem)

    def gather(jb, rows_ref, gsem):
        pltpu.async_copy(x_hbm.at[adjg_v.at[jb]], rows_ref, gsem)

    gather(0, rows0_v, gsem0)

    def body(t, carry):
        jb0 = 2 * t
        jb1 = 2 * t + 1
        gather(jb1, rows1_v, gsem1)
        pltpu.make_async_copy(x_hbm.at[adjg_v.at[jb0]], rows0_v, gsem0).wait()

        @pl.when(t > 0)
        def _():
            pltpu.make_async_copy(st0_v, y_hbm.at[0], osem0).wait()

        process(jb0, rows0_v, st0_v)
        flush(jb0, st0_v, osem0)
        gather(jnp.minimum(jb0 + 2, NBLK - 1), rows0_v, gsem0)
        pltpu.make_async_copy(x_hbm.at[adjg_v.at[jb1]], rows1_v, gsem1).wait()

        @pl.when(t > 0)
        def _():
            pltpu.make_async_copy(st1_v, y_hbm.at[0], osem1).wait()

        process(jb1, rows1_v, st1_v)
        flush(jb1, st1_v, osem1)
        return carry

    lax.fori_loop(0, NBLK // 2, body, 0)
    pltpu.make_async_copy(
        x_hbm.at[adjg_v.at[NBLK - 1]], rows0_v, gsem0).wait()
    pltpu.make_async_copy(st0_v, y_hbm.at[0], osem0).wait()
    pltpu.make_async_copy(st1_v, y_hbm.at[0], osem1).wait()


_sc_call_cache = []


def _sc_call(*args):
    if not _sc_call_cache:
        _sc_call_cache.append(_build_sc_call())
    return _sc_call_cache[0](*args)


def _build_sc_call():
    return pl.kernel(
        _sc_aggregate,
        out_type=jax.ShapeDtypeStruct((NPAD // SB, M, SB, C), jnp.float32),
        mesh=plsc.VectorSubcoreMesh(core_axis_name="c",
                                    subcore_axis_name="s"),
        scratch_types=[
        pltpu.VMEM((TPAD, M), jnp.float32),
        pltpu.VMEM((NB, M), jnp.float32),
        pltpu.VMEM((NBLK, SB * K), jnp.int32),
        pltpu.VMEM((NBLK, SB * K), jnp.int32),
        pltpu.VMEM((SB * K, C), jnp.bfloat16),
        pltpu.VMEM((SB * K, C), jnp.bfloat16),
        pltpu.VMEM((M, SB, C), jnp.float32),
        pltpu.VMEM((M, SB, C), jnp.float32),
        pltpu.SemaphoreType.DMA,
        pltpu.SemaphoreType.DMA,
        pltpu.SemaphoreType.DMA,
        pltpu.SemaphoreType.DMA,
        ],
        compiler_params=pltpu.CompilerParams(
            needs_layout_passes=False, use_tc_tiling_on_sc=False),
    )


def _pre_body(x_ref, u_ref, ux_ref, xb_ref):
    xv = x_ref[...]
    ux_ref[...] = jnp.dot(xv, u_ref[...],
                          preferred_element_type=jnp.float32)
    xb_ref[...] = xv.astype(jnp.bfloat16)


def _pre(x, u_padT, blk):
    n, kk = x.shape
    return pl.pallas_call(
        _pre_body,
        grid=(n // blk,),
        in_specs=[
            pl.BlockSpec((blk, kk), lambda i: (i, 0)),
            pl.BlockSpec((kk, 128), lambda i: (0, 0)),
        ],
        out_specs=[
            pl.BlockSpec((blk, 128), lambda i: (i, 0)),
            pl.BlockSpec((blk, kk), lambda i: (i, 0)),
        ],
        out_shape=[
            jax.ShapeDtypeStruct((n, 128), jnp.float32),
            jax.ShapeDtypeStruct((n, kk), jnp.bfloat16),
        ],
    )(x, u_padT)


def _mm_bias_body(a_ref, w_ref, b_ref, o_ref):
    acc = None
    for m in range(M):
        am = a_ref[:, m, :, :].reshape(-1, C).astype(jnp.bfloat16)
        d = jnp.dot(am, w_ref[m], preferred_element_type=jnp.float32)
        acc = d if acc is None else acc + d
    o_ref[...] = acc + b_ref[...]


def _matmul_bias(a, w, bias, bj, nout):
    nb = a.shape[0]
    out = w.shape[2]
    return pl.pallas_call(
        _mm_bias_body,
        grid=(nb // bj,),
        in_specs=[
            pl.BlockSpec((bj, M, SB, C), lambda i: (i, 0, 0, 0)),
            pl.BlockSpec((M, C, out), lambda i: (0, 0, 0)),
            pl.BlockSpec((1, out), lambda i: (0, 0)),
        ],
        out_specs=pl.BlockSpec((bj * SB, out), lambda i: (i, 0)),
        out_shape=jax.ShapeDtypeStruct((nout, out), jnp.float32),
    )(a, w, bias)


def kernel(x, adj, W, b, u, c):
    u_padT = jnp.zeros((C, 128), jnp.float32).at[:, :M].set(u.T)
    ux_full, x_tab = _pre(x, u_padT, blk=2000)
    ux = ux_full[:, :M]
    ux_tab = jnp.zeros((TPAD, M), jnp.float32).at[1:N + 1].set(ux)
    uxc_pad = (jnp.zeros((NPAD, M), jnp.float32)
               .at[:N].set(ux + c[None, :]))
    adj_pad = jnp.zeros((NPAD, K), jnp.int32).at[:N].set(adj)
    adj_blk = adj_pad.reshape(STAGE_ROWS, SB * K)
    adjg_blk = jnp.maximum(adj_blk - 1, 0)
    y = _sc_call(x_tab, adjg_blk, adj_blk, ux_tab, uxc_pad)
    chmap = jnp.array([32 * (r // 32)
                       + (2 * (r % 32) if r % 32 < 16
                          else 2 * (r % 32 - 16) + 1)
                       for r in range(C)], dtype=jnp.int32)
    Wperm = jnp.transpose(W, (0, 2, 1))[:, chmap, :]
    return _matmul_bias(y, Wperm.astype(jnp.bfloat16),
                        b.reshape(1, OUT), bj=256, nout=N)

# --- scband reference (transcript-rebuilt; emitter-appended) ---
"""Pipeline reference for scband-conv-mesh-9818295239460 (READ-ONLY COPY).

The authoritative reference and input builder live on the scoring server;
editing this copy changes nothing except your own understanding.
"""

import jax, jax.numpy as jnp
import numpy as np

N, C, K, M, OUT = 10000, 128, 16, 4, 128

def setup_inputs(seed: int = 0) -> dict:
    key = jax.random.key(seed)
    k1, k2, k3, k4, k5, k6 = jax.random.split(key, 6)
    x = jax.random.normal(k1, (N, C), dtype=jnp.float32)
    adj = jax.random.randint(k2, (N, K), 0, N + 1, dtype=jnp.int32)
    W = jax.random.uniform(k3, (M, OUT, C), minval=-0.05, maxval=0.05, dtype=jnp.float32)
    b = jax.random.uniform(k4, (OUT,), minval=-0.05, maxval=0.05, dtype=jnp.float32)
    u = jax.random.uniform(k5, (M, C), minval=-0.05, maxval=0.05, dtype=jnp.float32)
    c = jax.random.uniform(k6, (M,), minval=-0.05, maxval=0.05, dtype=jnp.float32)
    return {"x": x, "adj": adj, "W": W, "b": b, "u": u, "c": c}

def _get_patches_1(x, adj):
    # prepend zero row; adj entries are 1-based, 0 = padding
    zeros = jnp.zeros((1, x.shape[1]), dtype=x.dtype)
    xp = jnp.concatenate([zeros, x], axis=0)
    return jnp.take(xp, adj, axis=0)  # [N, K, C]

def reference(x, adj, W, b, u, c):
    n, cin = x.shape
    m, out_ch, _ = W.shape
    k = adj.shape[1]
    # adj_size reciprocal with zero-guard (tf.where(non_zeros, 1/size, 0))
    adj_size = jnp.count_nonzero(adj, axis=1).astype(jnp.float32)
    safe = jnp.where(adj_size > 0, adj_size, 1.0)
    inv = jnp.where(adj_size > 0, 1.0 / safe, 0.0).reshape(-1, 1, 1)
    # weight assignments q = softmax(u @ (x - neighbors) + c) over M
    patches = _get_patches_1(x, adj)                      # [N, K, C]
    diff = x[:, :, None] - jnp.transpose(patches, (0, 2, 1))  # [N, C, K]
    xpat = jnp.transpose(diff, (1, 0, 2)).reshape(cin, -1)    # [C, N*K]
    p = (u @ xpat).reshape(m, -1, k)                      # [M, N, K]
    p = jnp.transpose(p, (2, 1, 0)) + c                   # [K, N, M]
    q = jax.nn.softmax(jnp.transpose(p, (1, 0, 2)), axis=-1)  # [N, K, M]
    # wx = x @ W^T for all M heads
    Wf = W.reshape(m * out_ch, cin)
    wx = (Wf @ x.T).T                                     # [N, M*OUT]
    pw = _get_patches_1(wx, adj).reshape(-1, k, m, out_ch)    # [N, K, M, OUT]
    pw = pw * q[:, :, :, None]                            # weight by q
    s = jnp.sum(pw, axis=1)                               # [N, M, OUT]
    s = inv * s
    outv = jnp.sum(s, axis=1) + b                         # [N, OUT]
    return outv

if __name__ == "__main__":
    import jax
    _d = setup_inputs()
    print(jax.jit(kernel)(*tuple(_d.values())))

</pallas_src>

<mosaic_0001>
#map = affine_map<(d0, d1) -> (0, 0)>
#map1 = affine_map<(d0, d1) -> (0, 0, 0, 0)>
module attributes {stable_mosaic.version = 14 : i64} {
  func.func @_sc_aggregate(%arg0: i32, %arg1: i32, %arg2: memref<10000x128xbf16, #tpu.memory_space<hbm>>, %arg3: memref<1280x128xi32, #tpu.memory_space<hbm>>, %arg4: memref<1280x128xi32, #tpu.memory_space<hbm>>, %arg5: memref<10016x4xf32, #tpu.memory_space<hbm>>, %arg6: memref<10240x4xf32, #tpu.memory_space<hbm>>, %arg7: memref<1280x4x8x128xf32, #tpu.memory_space<hbm>>, %arg8: memref<10016x4xf32, #tpu.memory_space<vmem>>, %arg9: memref<320x4xf32, #tpu.memory_space<vmem>>, %arg10: memref<40x128xi32, #tpu.memory_space<vmem>>, %arg11: memref<40x128xi32, #tpu.memory_space<vmem>>, %arg12: memref<128x128xbf16, #tpu.memory_space<vmem>>, %arg13: memref<128x128xbf16, #tpu.memory_space<vmem>>, %arg14: memref<4x8x128xf32, #tpu.memory_space<vmem>>, %arg15: memref<4x8x128xf32, #tpu.memory_space<vmem>>, %arg16: memref<!tpu.dma_semaphore, #tpu.memory_space<semaphore_mem>>, %arg17: memref<!tpu.dma_semaphore, #tpu.memory_space<semaphore_mem>>, %arg18: memref<!tpu.dma_semaphore, #tpu.memory_space<semaphore_mem>>, %arg19: memref<!tpu.dma_semaphore, #tpu.memory_space<semaphore_mem>>) attributes {dimension_semantics = [#tpu.dimension_semantics<core_parallel>, #tpu.dimension_semantics<subcore_parallel>], iteration_bounds = array<i64: 2, 16>, scalar_prefetch = 0 : i64, scratch_operands = 12 : i64, tpu.core_type = #tpu.core_type<sc_vector_subcore>, window_params = [{transform_indices = #map}, {transform_indices = #map}, {transform_indices = #map}, {transform_indices = #map}, {transform_indices = #map}, {transform_indices = #map1}]} {
    %mul3A = arith.constant 2 : i32
    %mul3A_0 = arith.muli %arg1, %mul3A : i32
    %add3A = arith.addi %mul3A_0, %arg0 : i32
    %mul3A_1 = arith.constant 40 : i32
    %mul3A_2 = arith.muli %add3A, %mul3A_1 : i32
    %mul3A_3 = arith.constant 8 : i32
    %mul3A_4 = arith.muli %mul3A_2, %mul3A_3 : i32
    "tpu.region"() ({
      %run_scoped3A = tpu.sem_alloc : memref<!tpu.dma_semaphore, #tpu.memory_space<semaphore_mem>>
      tpu.enqueue_dma source(%arg5 : memref<10016x4xf32, #tpu.memory_space<hbm>>) target(%arg8 : memref<10016x4xf32, #tpu.memory_space<vmem>>) target_semaphore(%run_scoped3A : memref<!tpu.dma_semaphore, #tpu.memory_space<semaphore_mem>>)
      tpu.wait_dma2 semaphore(%run_scoped3A : memref<!tpu.dma_semaphore, #tpu.memory_space<semaphore_mem>>) src(%arg5 : memref<10016x4xf32, #tpu.memory_space<hbm>>) dst(%arg8 : memref<10016x4xf32, #tpu.memory_space<vmem>>)
      tpu.yield
    }) : () -> ()
    "tpu.region"() ({
      %run_scoped3A = tpu.sem_alloc : memref<!tpu.dma_semaphore, #tpu.memory_space<semaphore_mem>>
      %dma_start3A_51 = arith.constant 0 : i32
      %dma_start3A_52 = tpu.memref_slice %arg4[%mul3A_2, %dma_start3A_51] : memref<1280x128xi32, #tpu.memory_space<hbm>> -> memref<40x128xi32, #tpu.memory_space<hbm>>
      %dma_start3A_53 = arith.constant 0 : i32
      %dma_start3A_54 = tpu.memref_slice %arg4[%mul3A_2, %dma_start3A_53] : memref<1280x128xi32, #tpu.memory_space<hbm>> -> memref<40x128xi32, #tpu.memory_space<hbm>>
      tpu.enqueue_dma source(%dma_start3A_54 : memref<40x128xi32, #tpu.memory_space<hbm>>) target(%arg10 : memref<40x128xi32, #tpu.memory_space<vmem>>) target_semaphore(%run_scoped3A : memref<!tpu.dma_semaphore, #tpu.memory_space<semaphore_mem>>)
      %dma_wait3A_55 = arith.constant 0 : i32
      %dma_wait3A_56 = tpu.memref_slice %arg4[%mul3A_2, %dma_wait3A_55] : memref<1280x128xi32, #tpu.memory_space<hbm>> -> memref<40x128xi32, #tpu.memory_space<hbm>>
      %dma_wait3A_57 = arith.constant 0 : i32
      %dma_wait3A_58 = tpu.memref_slice %arg4[%mul3A_2, %dma_wait3A_57] : memref<1280x128xi32, #tpu.memory_space<hbm>> -> memref<40x128xi32, #tpu.memory_space<hbm>>
      tpu.wait_dma2 semaphore(%run_scoped3A : memref<!tpu.dma_semaphore, #tpu.memory_space<semaphore_mem>>) src(%dma_wait3A_58 : memref<40x128xi32, #tpu.memory_space<hbm>>) dst(%arg10 : memref<40x128xi32, #tpu.memory_space<vmem>>)
      tpu.yield
    }) : () -> ()
    "tpu.region"() ({
      %run_scoped3A = tpu.sem_alloc : memref<!tpu.dma_semaphore, #tpu.memory_space<semaphore_mem>>
      %dma_start3A_51 = arith.constant 0 : i32
      %dma_start3A_52 = tpu.memref_slice %arg3[%mul3A_2, %dma_start3A_51] : memref<1280x128xi32, #tpu.memory_space<hbm>> -> memref<40x128xi32, #tpu.memory_space<hbm>>
      %dma_start3A_53 = arith.constant 0 : i32
      %dma_start3A_54 = tpu.memref_slice %arg3[%mul3A_2, %dma_start3A_53] : memref<1280x128xi32, #tpu.memory_space<hbm>> -> memref<40x128xi32, #tpu.memory_space<hbm>>
      tpu.enqueue_dma source(%dma_start3A_54 : memref<40x128xi32, #tpu.memory_space<hbm>>) target(%arg11 : memref<40x128xi32, #tpu.memory_space<vmem>>) target_semaphore(%run_scoped3A : memref<!tpu.dma_semaphore, #tpu.memory_space<semaphore_mem>>)
      %dma_wait3A_55 = arith.constant 0 : i32
      %dma_wait3A_56 = tpu.memref_slice %arg3[%mul3A_2, %dma_wait3A_55] : memref<1280x128xi32, #tpu.memory_space<hbm>> -> memref<40x128xi32, #tpu.memory_space<hbm>>
      %dma_wait3A_57 = arith.constant 0 : i32
      %dma_wait3A_58 = tpu.memref_slice %arg3[%mul3A_2, %dma_wait3A_57] : memref<1280x128xi32, #tpu.memory_space<hbm>> -> memref<40x128xi32, #tpu.memory_space<hbm>>
      tpu.wait_dma2 semaphore(%run_scoped3A : memref<!tpu.dma_semaphore, #tpu.memory_space<semaphore_mem>>) src(%dma_wait3A_58 : memref<40x128xi32, #tpu.memory_space<hbm>>) dst(%arg11 : memref<40x128xi32, #tpu.memory_space<vmem>>)
      tpu.yield
    }) : () -> ()
    "tpu.region"() ({
      %run_scoped3A = tpu.sem_alloc : memref<!tpu.dma_semaphore, #tpu.memory_space<semaphore_mem>>
      %dma_start3A_51 = arith.constant 0 : i32
      %dma_start3A_52 = tpu.memref_slice %arg6[%mul3A_4, %dma_start3A_51] : memref<10240x4xf32, #tpu.memory_space<hbm>> -> memref<320x4xf32, #tpu.memory_space<hbm>>
      %dma_start3A_53 = arith.constant 0 : i32
      %dma_start3A_54 = tpu.memref_slice %arg6[%mul3A_4, %dma_start3A_53] : memref<10240x4xf32, #tpu.memory_space<hbm>> -> memref<320x4xf32, #tpu.memory_space<hbm>>
      tpu.enqueue_dma source(%dma_start3A_54 : memref<320x4xf32, #tpu.memory_space<hbm>>) target(%arg9 : memref<320x4xf32, #tpu.memory_space<vmem>>) target_semaphore(%run_scoped3A : memref<!tpu.dma_semaphore, #tpu.memory_space<semaphore_mem>>)
      %dma_wait3A_55 = arith.constant 0 : i32
      %dma_wait3A_56 = tpu.memref_slice %arg6[%mul3A_4, %dma_wait3A_55] : memref<10240x4xf32, #tpu.memory_space<hbm>> -> memref<320x4xf32, #tpu.memory_space<hbm>>
      %dma_wait3A_57 = arith.constant 0 : i32
      %dma_wait3A_58 = tpu.memref_slice %arg6[%mul3A_4, %dma_wait3A_57] : memref<10240x4xf32, #tpu.memory_space<hbm>> -> memref<320x4xf32, #tpu.memory_space<hbm>>
      tpu.wait_dma2 semaphore(%run_scoped3A : memref<!tpu.dma_semaphore, #tpu.memory_space<semaphore_mem>>) src(%dma_wait3A_58 : memref<320x4xf32, #tpu.memory_space<hbm>>) dst(%arg9 : memref<320x4xf32, #tpu.memory_space<vmem>>)
      tpu.yield
    }) : () -> ()
    %broadcast_in_dim3A = arith.constant 0 : i32
    %broadcast_in_dim3A_5 = vector.broadcast %broadcast_in_dim3A : i32 to vector<16xi32>
    %broadcast_in_dim3A_6 = arith.constant 1 : i32
    %broadcast_in_dim3A_7 = vector.broadcast %broadcast_in_dim3A_6 : i32 to vector<16xi32>
    %broadcast_in_dim3A_8 = arith.constant 2 : i32
    %broadcast_in_dim3A_9 = vector.broadcast %broadcast_in_dim3A_8 : i32 to vector<16xi32>
    %broadcast_in_dim3A_10 = arith.constant 3 : i32
    %broadcast_in_dim3A_11 = vector.broadcast %broadcast_in_dim3A_10 : i32 to vector<16xi32>
    %dma_start3A = arith.constant 0 : i32
    %dma_start3A_12 = arith.constant 0 : i32
    %dma_start3A_13 = tpu.memref_slice %arg11[%dma_start3A, %dma_start3A_12] : memref<40x128xi32, #tpu.memory_space<vmem>> -> memref<1x128xi32, #tpu.memory_space<vmem>>
    %dma_start3A_14 = tpu.memref_squeeze %dma_start3A_13 : memref<1x128xi32, #tpu.memory_space<vmem>> -> memref<128xi32, #tpu.memory_space<vmem>>
    %dma_start3A_15 = arith.constant 0 : i32
    %dma_start3A_16 = arith.constant 0 : i32
    %dma_start3A_17 = tpu.memref_slice %arg2[%dma_start3A_15, %dma_start3A_16] : memref<10000x128xbf16, #tpu.memory_space<hbm>> -> memref<10000x128xbf16, #tpu.memory_space<hbm>>
    tpu.enqueue_indirect_dma source(%dma_start3A_17 : memref<10000x128xbf16, #tpu.memory_space<hbm>>) target(%arg12 : memref<128x128xbf16, #tpu.memory_space<vmem>>) offsets(%dma_start3A_14 : memref<128xi32, #tpu.memory_space<vmem>>) semaphore(%arg16 : memref<!tpu.dma_semaphore, #tpu.memory_space<semaphore_mem>>)
    %scan3A = arith.constant 0 : i32
    %scan3A_18 = arith.constant 0 : i32
    %scan3A_19 = arith.constant 20 : i32
    %scan3A_20 = arith.addi %scan3A_18, %scan3A_19 : i32
    %scan3A_21 = arith.constant 1 : i32
    scf.for %scan3A_51 = %scan3A_18 to %scan3A_20 step %scan3A_21  : i32 {
      %mul3A_52 = arith.constant 2 : i32
      %mul3A_53 = arith.muli %mul3A_52, %scan3A_51 : i32
      %mul3A_54 = arith.constant 2 : i32
      %mul3A_55 = arith.muli %mul3A_54, %scan3A_51 : i32
      %add3A_56 = arith.constant 1 : i32
      %add3A_57 = arith.addi %mul3A_55, %add3A_56 : i32
      %dma_start3A_58 = arith.constant 0 : i32
      %dma_start3A_59 = tpu.memref_slice %arg11[%add3A_57, %dma_start3A_58] : memref<40x128xi32, #tpu.memory_space<vmem>> -> memref<1x128xi32, #tpu.memory_space<vmem>>
      %dma_start3A_60 = tpu.memref_squeeze %dma_start3A_59 : memref<1x128xi32, #tpu.memory_space<vmem>> -> memref<128xi32, #tpu.memory_space<vmem>>
      %dma_start3A_61 = arith.constant 0 : i32
      %dma_start3A_62 = arith.constant 0 : i32
      %dma_start3A_63 = tpu.memref_slice %arg2[%dma_start3A_61, %dma_start3A_62] : memref<10000x128xbf16, #tpu.memory_space<hbm>> -> memref<10000x128xbf16, #tpu.memory_space<hbm>>
      tpu.enqueue_indirect_dma source(%dma_start3A_63 : memref<10000x128xbf16, #tpu.memory_space<hbm>>) target(%arg13 : memref<128x128xbf16, #tpu.memory_space<vmem>>) offsets(%dma_start3A_60 : memref<128xi32, #tpu.memory_space<vmem>>) semaphore(%arg17 : memref<!tpu.dma_semaphore, #tpu.memory_space<semaphore_mem>>)
      %dma_wait3A_64 = arith.constant 0 : i32
      %dma_wait3A_65 = tpu.memref_slice %arg11[%mul3A_53, %dma_wait3A_64] : memref<40x128xi32, #tpu.memory_space<vmem>> -> memref<1x128xi32, #tpu.memory_space<vmem>>
      %dma_wait3A_66 = tpu.memref_squeeze %dma_wait3A_65 : memref<1x128xi32, #tpu.memory_space<vmem>> -> memref<128xi32, #tpu.memory_space<vmem>>
      %dma_wait3A_67 = arith.constant 0 : i32
      %dma_wait3A_68 = arith.constant 0 : i32
      %dma_wait3A_69 = tpu.memref_slice %arg2[%dma_wait3A_67, %dma_wait3A_68] : memref<10000x128xbf16, #tpu.memory_space<hbm>> -> memref<10000x128xbf16, #tpu.memory_space<hbm>>
      tpu.wait_indirect_dma semaphore(%arg16 : memref<!tpu.dma_semaphore, #tpu.memory_space<semaphore_mem>>) src(%dma_wait3A_69 : memref<10000x128xbf16, #tpu.memory_space<hbm>>) dst(%arg12 : memref<128x128xbf16, #tpu.memory_space<vmem>>)
      %gt3A = arith.constant 0 : i32
      %gt3A_70 = arith.cmpi sgt, %scan3A_51, %gt3A : i32
      %convert_element_type3A = arith.extui %gt3A_70 : i1 to i32
      %cond3A = arith.constant 0 : i32
      %cond3A_71 = arith.cmpi ne, %convert_element_type3A, %cond3A : i32
      scf.if %cond3A_71 {
        %dma_wait3A_126 = arith.constant 0 : i32
        %dma_wait3A_127 = arith.constant 0 : i32
        %dma_wait3A_128 = arith.constant 0 : i32
        %dma_wait3A_129 = arith.constant 0 : i32
        %dma_wait3A_130 = tpu.memref_slice %arg7[%dma_wait3A_126, %dma_wait3A_127, %dma_wait3A_128, %dma_wait3A_129] : memref<1280x4x8x128xf32, #tpu.memory_space<hbm>> -> memref<1x4x8x128xf32, #tpu.memory_space<hbm>>
        %dma_wait3A_131 = tpu.memref_squeeze %dma_wait3A_130 : memref<1x4x8x128xf32, #tpu.memory_space<hbm>> -> memref<4x8x128xf32, #tpu.memory_space<hbm>>
        %dma_wait3A_132 = arith.constant 0 : i32
        %dma_wait3A_133 = arith.constant 0 : i32
        %dma_wait3A_134 = arith.constant 0 : i32
        %dma_wait3A_135 = tpu.memref_slice %arg7[%dma_wait3A_126, %dma_wait3A_132, %dma_wait3A_133, %dma_wait3A_134] : memref<1280x4x8x128xf32, #tpu.memory_space<hbm>> -> memref<1x4x8x128xf32, #tpu.memory_space<hbm>>
        %dma_wait3A_136 = tpu.memref_squeeze %dma_wait3A_135 : memref<1x4x8x128xf32, #tpu.memory_space<hbm>> -> memref<4x8x128xf32, #tpu.memory_space<hbm>>
        tpu.wait_dma2 semaphore(%arg18 : memref<!tpu.dma_semaphore, #tpu.memory_space<semaphore_mem>>) src(%arg14 : memref<4x8x128xf32, #tpu.memory_space<vmem>>) dst(%dma_wait3A_136 : memref<4x8x128xf32, #tpu.memory_space<hbm>>)
      } else {
      }
      %scan3A_72 = arith.constant 0 : i32
      %scan3A_73 = arith.constant 0 : i32
      %scan3A_74 = arith.constant 8 : i32
      %scan3A_75 = arith.addi %scan3A_73, %scan3A_74 : i32
      %scan3A_76 = arith.constant 1 : i32
      scf.for %scan3A_126 = %scan3A_73 to %scan3A_75 step %scan3A_76  : i32 {
        %mul3A_127 = arith.constant 16 : i32
        %mul3A_128 = arith.muli %scan3A_126, %mul3A_127 : i32
        %get3A = arith.index_cast %mul3A_53 : i32 to index
        %get3A_129 = arith.index_cast %mul3A_128 : i32 to index
        %get3A_130 = tpu.vector_load %arg10[%get3A, %get3A_129] {strides = array<i32>} : memref<40x128xi32, #tpu.memory_space<vmem>>, vector<16xi32>,
        %mul3A_131 = arith.constant 8 : i32
        %mul3A_132 = arith.muli %mul3A_53, %mul3A_131 : i32
        %add3A_133 = arith.addi %mul3A_132, %scan3A_126 : i32
        %broadcast_in_dim3A_134 = vector.broadcast %add3A_133 : i32 to vector<16xi32>
        %gather3A = tpu.vector_load_idx %arg8[%get3A_130, %broadcast_in_dim3A_5] : memref<10016x4xf32, #tpu.memory_space<vmem>>[vector<16xi32>, vector<16xi32>], vector<16xf32>,
        %gather3A_135 = tpu.vector_load_idx %arg8[%get3A_130, %broadcast_in_dim3A_7] : memref<10016x4xf32, #tpu.memory_space<vmem>>[vector<16xi32>, vector<16xi32>], vector<16xf32>,
        %gather3A_136 = tpu.vector_load_idx %arg8[%get3A_130, %broadcast_in_dim3A_9] : memref<10016x4xf32, #tpu.memory_space<vmem>>[vector<16xi32>, vector<16xi32>], vector<16xf32>,
        %gather3A_137 = tpu.vector_load_idx %arg8[%get3A_130, %broadcast_in_dim3A_11] : memref<10016x4xf32, #tpu.memory_space<vmem>>[vector<16xi32>, vector<16xi32>], vector<16xf32>,
        %gather3A_138 = tpu.vector_load_idx %arg9[%broadcast_in_dim3A_134, %broadcast_in_dim3A_5] : memref<320x4xf32, #tpu.memory_space<vmem>>[vector<16xi32>, vector<16xi32>], vector<16xf32>,
        %gather3A_139 = tpu.vector_load_idx %arg9[%broadcast_in_dim3A_134, %broadcast_in_dim3A_7] : memref<320x4xf32, #tpu.memory_space<vmem>>[vector<16xi32>, vector<16xi32>], vector<16xf32>,
        %gather3A_140 = tpu.vector_load_idx %arg9[%broadcast_in_dim3A_134, %broadcast_in_dim3A_9] : memref<320x4xf32, #tpu.memory_space<vmem>>[vector<16xi32>, vector<16xi32>], vector<16xf32>,
        %gather3A_141 = tpu.vector_load_idx %arg9[%broadcast_in_dim3A_134, %broadcast_in_dim3A_11] : memref<320x4xf32, #tpu.memory_space<vmem>>[vector<16xi32>, vector<16xi32>], vector<16xf32>,
        %sub3A = arith.subf %gather3A_138, %gather3A : vector<16xf32>
        %sub3A_142 = arith.subf %gather3A_139, %gather3A_135 : vector<16xf32>
        %sub3A_143 = arith.subf %gather3A_140, %gather3A_136 : vector<16xf32>
        %sub3A_144 = arith.subf %gather3A_141, %gather3A_137 : vector<16xf32>
        %max3A = arith.maximumf %sub3A, %sub3A_142 : vector<16xf32>
        %max3A_145 = arith.maximumf %sub3A_143, %sub3A_144 : vector<16xf32>
        %max3A_146 = arith.maximumf %max3A, %max3A_145 : vector<16xf32>
        %sub3A_147 = arith.subf %sub3A, %max3A_146 : vector<16xf32>
        %exp3A = math.exp %sub3A_147 : vector<16xf32>
        %sub3A_148 = arith.subf %sub3A_142, %max3A_146 : vector<16xf32>
        %exp3A_149 = math.exp %sub3A_148 : vector<16xf32>
        %sub3A_150 = arith.subf %sub3A_143, %max3A_146 : vector<16xf32>
        %exp3A_151 = math.exp %sub3A_150 : vector<16xf32>
        %sub3A_152 = arith.subf %sub3A_144, %max3A_146 : vector<16xf32>
        %exp3A_153 = math.exp %sub3A_152 : vector<16xf32>
        %add3A_154 = arith.addf %exp3A, %exp3A_149 : vector<16xf32>
        %add3A_155 = arith.addf %add3A_154, %exp3A_151 : vector<16xf32>
        %add3A_156 = arith.addf %add3A_155, %exp3A_153 : vector<16xf32>
        %ne3A = arith.constant 0 : i32
        %ne3A_157 = vector.broadcast %ne3A : i32 to vector<16xi32>
        %ne3A_158 = arith.cmpi ne, %get3A_130, %ne3A_157 : vector<16xi32>
        %all_reduce_population_count3A = tpu.all_reduce %ne3A_158 {dim = 0 : i64, kind = #tpu.reduction_kind<sum>} : vector<16xi1> -> vector<16xi32>
        %gt3A_159 = arith.constant 0 : i32
        %gt3A_160 = vector.broadcast %gt3A_159 : i32 to vector<16xi32>
        %gt3A_161 = arith.cmpi sgt, %all_reduce_population_count3A, %gt3A_160 : vector<16xi32>
        %convert_element_type3A_162 = arith.sitofp %all_reduce_population_count3A : vector<16xi32> to vector<16xf32>
        %div3A = arith.constant 1.000000e+00 : f32
        %div3A_163 = vector.broadcast %div3A : f32 to vector<16xf32>
        %div3A_164 = arith.divf %div3A_163, %convert_element_type3A_162 : vector<16xf32>
        %jit3A = arith.constant 0.000000e+00 : f32
        %broadcast_in_dim3A_165 = vector.broadcast %jit3A : f32 to vector<16xf32>
        %select_n3A = arith.select %gt3A_161, %div3A_164, %broadcast_in_dim3A_165 : vector<16xi1>, vector<16xf32>
        %div3A_166 = arith.divf %select_n3A, %add3A_156 : vector<16xf32>
        %broadcast_in_dim3A_167 = arith.constant 0.000000e+00 : f32
        %broadcast_in_dim3A_168 = vector.broadcast %broadcast_in_dim3A_167 : f32 to vector<16xf32>
        %mul3A_169 = arith.mulf %exp3A, %div3A_166 : vector<16xf32>
        %select_n3A_170 = arith.select %ne3A_158, %mul3A_169, %broadcast_in_dim3A_168 : vector<16xi1>, vector<16xf32>
        %mul3A_171 = arith.mulf %exp3A_149, %div3A_166 : vector<16xf32>
        %select_n3A_172 = arith.select %ne3A_158, %mul3A_171, %broadcast_in_dim3A_168 : vector<16xi1>, vector<16xf32>
        %mul3A_173 = arith.mulf %exp3A_151, %div3A_166 : vector<16xf32>
        %select_n3A_174 = arith.select %ne3A_158, %mul3A_173, %broadcast_in_dim3A_168 : vector<16xi1>, vector<16xf32>
        %mul3A_175 = arith.mulf %exp3A_153, %div3A_166 : vector<16xf32>
        %select_n3A_176 = arith.select %ne3A_158, %mul3A_175, %broadcast_in_dim3A_168 : vector<16xi1>, vector<16xf32>
        %broadcast_in_dim3A_177 = arith.constant 0.000000e+00 : bf16
        %broadcast_in_dim3A_178 = vector.broadcast %broadcast_in_dim3A_177 : bf16 to vector<32xbf16>
        %broadcast_in_dim3A_179 = arith.constant 0.000000e+00 : bf16
        %broadcast_in_dim3A_180 = vector.broadcast %broadcast_in_dim3A_179 : bf16 to vector<32xbf16>
        %broadcast_in_dim3A_181 = arith.constant 0.000000e+00 : bf16
        %broadcast_in_dim3A_182 = vector.broadcast %broadcast_in_dim3A_181 : bf16 to vector<32xbf16>
        %broadcast_in_dim3A_183 = arith.constant 0.000000e+00 : bf16
        %broadcast_in_dim3A_184 = vector.broadcast %broadcast_in_dim3A_183 : bf16 to vector<32xbf16>
        %broadcast_in_dim3A_185 = arith.constant 0.000000e+00 : bf16
        %broadcast_in_dim3A_186 = vector.broadcast %broadcast_in_dim3A_185 : bf16 to vector<32xbf16>
        %broadcast_in_dim3A_187 = arith.constant 0.000000e+00 : bf16
        %broadcast_in_dim3A_188 = vector.broadcast %broadcast_in_dim3A_187 : bf16 to vector<32xbf16>
        %broadcast_in_dim3A_189 = arith.constant 0.000000e+00 : bf16
        %broadcast_in_dim3A_190 = vector.broadcast %broadcast_in_dim3A_189 : bf16 to vector<32xbf16>
        %broadcast_in_dim3A_191 = arith.constant 0.000000e+00 : bf16
        %broadcast_in_dim3A_192 = vector.broadcast %broadcast_in_dim3A_191 : bf16 to vector<32xbf16>
        %broadcast_in_dim3A_193 = arith.constant 0.000000e+00 : bf16
        %broadcast_in_dim3A_194 = vector.broadcast %broadcast_in_dim3A_193 : bf16 to vector<32xbf16>
        %broadcast_in_dim3A_195 = arith.constant 0.000000e+00 : bf16
        %broadcast_in_dim3A_196 = vector.broadcast %broadcast_in_dim3A_195 : bf16 to vector<32xbf16>
        %broadcast_in_dim3A_197 = arith.constant 0.000000e+00 : bf16
        %broadcast_in_dim3A_198 = vector.broadcast %broadcast_in_dim3A_197 : bf16 to vector<32xbf16>
        %broadcast_in_dim3A_199 = arith.constant 0.000000e+00 : bf16
        %broadcast_in_dim3A_200 = vector.broadcast %broadcast_in_dim3A_199 : bf16 to vector<32xbf16>
        %broadcast_in_dim3A_201 = arith.constant 0.000000e+00 : bf16
        %broadcast_in_dim3A_202 = vector.broadcast %broadcast_in_dim3A_201 : bf16 to vector<32xbf16>
        %broadcast_in_dim3A_203 = arith.constant 0.000000e+00 : bf16
        %broadcast_in_dim3A_204 = vector.broadcast %broadcast_in_dim3A_203 : bf16 to vector<32xbf16>
        %broadcast_in_dim3A_205 = arith.constant 0.000000e+00 : bf16
        %broadcast_in_dim3A_206 = vector.broadcast %broadcast_in_dim3A_205 : bf16 to vector<32xbf16>
        %broadcast_in_dim3A_207 = arith.constant 0.000000e+00 : bf16
        %broadcast_in_dim3A_208 = vector.broadcast %broadcast_in_dim3A_207 : bf16 to vector<32xbf16>
        %mul3A_209 = arith.constant 16 : i32
        %mul3A_210 = arith.muli %scan3A_126, %mul3A_209 : i32
        %add3A_211 = arith.constant 0 : i32
        %add3A_212 = arith.addi %mul3A_210, %add3A_211 : i32
        %get3A_213 = arith.index_cast %add3A_212 : i32 to index
        %get3A_214 = arith.constant 0 : index
        %get3A_215 = tpu.vector_load %arg12[%get3A_213, %get3A_214] {strides = array<i32>} : memref<128x128xbf16, #tpu.memory_space<vmem>>, vector<32xbf16>,
        %mul3A_216 = arith.constant 16 : i32
        %mul3A_217 = arith.muli %scan3A_126, %mul3A_216 : i32
        %add3A_218 = arith.constant 0 : i32
        %add3A_219 = arith.addi %mul3A_217, %add3A_218 : i32
        %get3A_220 = arith.index_cast %add3A_219 : i32 to index
        %get3A_221 = arith.constant 32 : index
        %get3A_222 = tpu.vector_load %arg12[%get3A_220, %get3A_221] {strides = array<i32>} : memref<128x128xbf16, #tpu.memory_space<vmem>>, vector<32xbf16>,
        %mul3A_223 = arith.constant 16 : i32
        %mul3A_224 = arith.muli %scan3A_126, %mul3A_223 : i32
        %add3A_225 = arith.constant 0 : i32
        %add3A_226 = arith.addi %mul3A_224, %add3A_225 : i32
        %get3A_227 = arith.index_cast %add3A_226 : i32 to index
        %get3A_228 = arith.constant 64 : index
        %get3A_229 = tpu.vector_load %arg12[%get3A_227, %get3A_228] {strides = array<i32>} : memref<128x128xbf16, #tpu.memory_space<vmem>>, vector<32xbf16>,
        %mul3A_230 = arith.constant 16 : i32
        %mul3A_231 = arith.muli %scan3A_126, %mul3A_230 : i32
        %add3A_232 = arith.constant 0 : i32
        %add3A_233 = arith.addi %mul3A_231, %add3A_232 : i32
        %get3A_234 = arith.index_cast %add3A_233 : i32 to index
        %get3A_235 = arith.constant 96 : index
        %get3A_236 = tpu.vector_load %arg12[%get3A_234, %get3A_235] {strides = array<i32>} : memref<128x128xbf16, #tpu.memory_space<vmem>>, vector<32xbf16>,
        %slice3A = vector.extract_strided_slice %select_n3A_170 {offsets = [0], sizes = [1], strides = [1]} : vector<16xf32> to vector<1xf32>
        %squeeze3A = vector.extract %slice3A[0] : f32 from vector<1xf32>
        %broadcast_in_dim3A_237 = vector.broadcast %squeeze3A : f32 to vector<16xf32>
        %pack3A = tpu.pack_subelements %broadcast_in_dim3A_237, %broadcast_in_dim3A_237 {pack_format = #tpu.pack_format<interleaved>, positions = array<i32: 0, 1>} : vector<16xf32>, vector<16xf32> -> vector<32xbf16>
        %mul3A_238 = arith.mulf %pack3A, %get3A_215 : vector<32xbf16>
        %add3A_239 = arith.addf %broadcast_in_dim3A_178, %mul3A_238 : vector<32xbf16>
        %mul3A_240 = arith.mulf %pack3A, %get3A_222 : vector<32xbf16>
        %add3A_241 = arith.addf %broadcast_in_dim3A_180, %mul3A_240 : vector<32xbf16>
        %mul3A_242 = arith.mulf %pack3A, %get3A_229 : vector<32xbf16>
        %add3A_243 = arith.addf %broadcast_in_dim3A_182, %mul3A_242 : vector<32xbf16>
        %mul3A_244 = arith.mulf %pack3A, %get3A_236 : vector<32xbf16>
        %add3A_245 = arith.addf %broadcast_in_dim3A_184, %mul3A_244 : vector<32xbf16>
        %slice3A_246 = vector.extract_strided_slice %select_n3A_172 {offsets = [0], sizes = [1], strides = [1]} : vector<16xf32> to vector<1xf32>
        %squeeze3A_247 = vector.extract %slice3A_246[0] : f32 from vector<1xf32>
        %broadcast_in_dim3A_248 = vector.broadcast %squeeze3A_247 : f32 to vector<16xf32>
        %pack3A_249 = tpu.pack_subelements %broadcast_in_dim3A_248, %broadcast_in_dim3A_248 {pack_format = #tpu.pack_format<interleaved>, positions = array<i32: 0, 1>} : vector<16xf32>, vector<16xf32> -> vector<32xbf16>
        %mul3A_250 = arith.mulf %pack3A_249, %get3A_215 : vector<32xbf16>
        %add3A_251 = arith.addf %broadcast_in_dim3A_186, %mul3A_250 : vector<32xbf16>
        %mul3A_252 = arith.mulf %pack3A_249, %get3A_222 : vector<32xbf16>
        %add3A_253 = arith.addf %broadcast_in_dim3A_188, %mul3A_252 : vector<32xbf16>
        %mul3A_254 = arith.mulf %pack3A_249, %get3A_229 : vector<32xbf16>
        %add3A_255 = arith.addf %broadcast_in_dim3A_190, %mul3A_254 : vector<32xbf16>
        %mul3A_256 = arith.mulf %pack3A_249, %get3A_236 : vector<32xbf16>
        %add3A_257 = arith.addf %broadcast_in_dim3A_192, %mul3A_256 : vector<32xbf16>
        %slice3A_258 = vector.extract_strided_slice %select_n3A_174 {offsets = [0], sizes = [1], strides = [1]} : vector<16xf32> to vector<1xf32>
        %squeeze3A_259 = vector.extract %slice3A_258[0] : f32 from vector<1xf32>
        %broadcast_in_dim3A_260 = vector.broadcast %squeeze3A_259 : f32 to vector<16xf32>
        %pack3A_261 = tpu.pack_subelements %broadcast_in_dim3A_260, %broadcast_in_dim3A_260 {pack_format = #tpu.pack_format<interleaved>, positions = array<i32: 0, 1>} : vector<16xf32>, vector<16xf32> -> vector<32xbf16>
        %mul3A_262 = arith.mulf %pack3A_261, %get3A_215 : vector<32xbf16>
        %add3A_263 = arith.addf %broadcast_in_dim3A_194, %mul3A_262 : vector<32xbf16>
        %mul3A_264 = arith.mulf %pack3A_261, %get3A_222 : vector<32xbf16>
        %add3A_265 = arith.addf %broadcast_in_dim3A_196, %mul3A_264 : vector<32xbf16>
        %mul3A_266 = arith.mulf %pack3A_261, %get3A_229 : vector<32xbf16>
        %add3A_267 = arith.addf %broadcast_in_dim3A_198, %mul3A_266 : vector<32xbf16>
        %mul3A_268 = arith.mulf %pack3A_261, %get3A_236 : vector<32xbf16>
        %add3A_269 = arith.addf %broadcast_in_dim3A_200, %mul3A_268 : vector<32xbf16>
        %slice3A_270 = vector.extract_strided_slice %select_n3A_176 {offsets = [0], sizes = [1], strides = [1]} : vector<16xf32> to vector<1xf32>
        %squeeze3A_271 = vector.extract %slice3A_270[0] : f32 from vector<1xf32>
        %broadcast_in_dim3A_272 = vector.broadcast %squeeze3A_271 : f32 to vector<16xf32>
        %pack3A_273 = tpu.pack_subelements %broadcast_in_dim3A_272, %broadcast_in_dim3A_272 {pack_format = #tpu.pack_format<interleaved>, positions = array<i32: 0, 1>} : vector<16xf32>, vector<16xf32> -> vector<32xbf16>
        %mul3A_274 = arith.mulf %pack3A_273, %get3A_215 : vector<32xbf16>
        %add3A_275 = arith.addf %broadcast_in_dim3A_202, %mul3A_274 : vector<32xbf16>
        %mul3A_276 = arith.mulf %pack3A_273, %get3A_222 : vector<32xbf16>
        %add3A_277 = arith.addf %broadcast_in_dim3A_204, %mul3A_276 : vector<32xbf16>
        %mul3A_278 = arith.mulf %pack3A_273, %get3A_229 : vector<32xbf16>
        %add3A_279 = arith.addf %broadcast_in_dim3A_206, %mul3A_278 : vector<32xbf16>
        %mul3A_280 = arith.mulf %pack3A_273, %get3A_236 : vector<32xbf16>
        %add3A_281 = arith.addf %broadcast_in_dim3A_208, %mul3A_280 : vector<32xbf16>
        %mul3A_282 = arith.constant 16 : i32
        %mul3A_283 = arith.muli %scan3A_126, %mul3A_282 : i32
        %add3A_284 = arith.constant 1 : i32
        %add3A_285 = arith.addi %mul3A_283, %add3A_284 : i32
        %get3A_286 = arith.index_cast %add3A_285 : i32 to index
        %get3A_287 = arith.constant 0 : index
        %get3A_288 = tpu.vector_load %arg12[%get3A_286, %get3A_287] {strides = array<i32>} : memref<128x128xbf16, #tpu.memory_space<vmem>>, vector<32xbf16>,
        %mul3A_289 = arith.constant 16 : i32
        %mul3A_290 = arith.muli %scan3A_126, %mul3A_289 : i32
        %add3A_291 = arith.constant 1 : i32
        %add3A_292 = arith.addi %mul3A_290, %add3A_291 : i32
        %get3A_293 = arith.index_cast %add3A_292 : i32 to index
        %get3A_294 = arith.constant 32 : index
        %get3A_295 = tpu.vector_load %arg12[%get3A_293, %get3A_294] {strides = array<i32>} : memref<128x128xbf16, #tpu.memory_space<vmem>>, vector<32xbf16>,
        %mul3A_296 = arith.constant 16 : i32
        %mul3A_297 = arith.muli %scan3A_126, %mul3A_296 : i32
        %add3A_298 = arith.constant 1 : i32
        %add3A_299 = arith.addi %mul3A_297, %add3A_298 : i32
        %get3A_300 = arith.index_cast %add3A_299 : i32 to index
        %get3A_301 = arith.constant 64 : index
        %get3A_302 = tpu.vector_load %arg12[%get3A_300, %get3A_301] {strides = array<i32>} : memref<128x128xbf16, #tpu.memory_space<vmem>>, vector<32xbf16>,
        %mul3A_303 = arith.constant 16 : i32
        %mul3A_304 = arith.muli %scan3A_126, %mul3A_303 : i32
        %add3A_305 = arith.constant 1 : i32
        %add3A_306 = arith.addi %mul3A_304, %add3A_305 : i32
        %get3A_307 = arith.index_cast %add3A_306 : i32 to index
        %get3A_308 = arith.constant 96 : index
        %get3A_309 = tpu.vector_load %arg12[%get3A_307, %get3A_308] {strides = array<i32>} : memref<128x128xbf16, #tpu.memory_space<vmem>>, vector<32xbf16>,
        %slice3A_310 = vector.extract_strided_slice %select_n3A_170 {offsets = [1], sizes = [1], strides = [1]} : vector<16xf32> to vector<1xf32>
        %squeeze3A_311 = vector.extract %slice3A_310[0] : f32 from vector<1xf32>
        %broadcast_in_dim3A_312 = vector.broadcast %squeeze3A_311 : f32 to vector<16xf32>
        %pack3A_313 = tpu.pack_subelements %broadcast_in_dim3A_312, %broadcast_in_dim3A_312 {pack_format = #tpu.pack_format<interleaved>, positions = array<i32: 0, 1>} : vector<16xf32>, vector<16xf32> -> vector<32xbf16>
        %mul3A_314 = arith.mulf %pack3A_313, %get3A_288 : vector<32xbf16>
        %add3A_315 = arith.addf %add3A_239, %mul3A_314 : vector<32xbf16>
        %mul3A_316 = arith.mulf %pack3A_313, %get3A_295 : vector<32xbf16>
        %add3A_317 = arith.addf %add3A_241, %mul3A_316 : vector<32xbf16>
        %mul3A_318 = arith.mulf %pack3A_313, %get3A_302 : vector<32xbf16>
        %add3A_319 = arith.addf %add3A_243, %mul3A_318 : vector<32xbf16>
        %mul3A_320 = arith.mulf %pack3A_313, %get3A_309 : vector<32xbf16>
        %add3A_321 = arith.addf %add3A_245, %mul3A_320 : vector<32xbf16>
        %slice3A_322 = vector.extract_strided_slice %select_n3A_172 {offsets = [1], sizes = [1], strides = [1]} : vector<16xf32> to vector<1xf32>
        %squeeze3A_323 = vector.extract %slice3A_322[0] : f32 from vector<1xf32>
        %broadcast_in_dim3A_324 = vector.broadcast %squeeze3A_323 : f32 to vector<16xf32>
        %pack3A_325 = tpu.pack_subelements %broadcast_in_dim3A_324, %broadcast_in_dim3A_324 {pack_format = #tpu.pack_format<interleaved>, positions = array<i32: 0, 1>} : vector<16xf32>, vector<16xf32> -> vector<32xbf16>
        %mul3A_326 = arith.mulf %pack3A_325, %get3A_288 : vector<32xbf16>
        %add3A_327 = arith.addf %add3A_251, %mul3A_326 : vector<32xbf16>
        %mul3A_328 = arith.mulf %pack3A_325, %get3A_295 : vector<32xbf16>
        %add3A_329 = arith.addf %add3A_253, %mul3A_328 : vector<32xbf16>
        %mul3A_330 = arith.mulf %pack3A_325, %get3A_302 : vector<32xbf16>
        %add3A_331 = arith.addf %add3A_255, %mul3A_330 : vector<32xbf16>
        %mul3A_332 = arith.mulf %pack3A_325, %get3A_309 : vector<32xbf16>
        %add3A_333 = arith.addf %add3A_257, %mul3A_332 : vector<32xbf16>
        %slice3A_334 = vector.extract_strided_slice %select_n3A_174 {offsets = [1], sizes = [1], strides = [1]} : vector<16xf32> to vector<1xf32>
        %squeeze3A_335 = vector.extract %slice3A_334[0] : f32 from vector<1xf32>
        %broadcast_in_dim3A_336 = vector.broadcast %squeeze3A_335 : f32 to vector<16xf32>
        %pack3A_337 = tpu.pack_subelements %broadcast_in_dim3A_336, %broadcast_in_dim3A_336 {pack_format = #tpu.pack_format<interleaved>, positions = array<i32: 0, 1>} : vector<16xf32>, vector<16xf32> -> vector<32xbf16>
        %mul3A_338 = arith.mulf %pack3A_337, %get3A_288 : vector<32xbf16>
        %add3A_339 = arith.addf %add3A_263, %mul3A_338 : vector<32xbf16>
        %mul3A_340 = arith.mulf %pack3A_337, %get3A_295 : vector<32xbf16>
        %add3A_341 = arith.addf %add3A_265, %mul3A_340 : vector<32xbf16>
        %mul3A_342 = arith.mulf %pack3A_337, %get3A_302 : vector<32xbf16>
        %add3A_343 = arith.addf %add3A_267, %mul3A_342 : vector<32xbf16>
        %mul3A_344 = arith.mulf %pack3A_337, %get3A_309 : vector<32xbf16>
        %add3A_345 = arith.addf %add3A_269, %mul3A_344 : vector<32xbf16>
        %slice3A_346 = vector.extract_strided_slice %select_n3A_176 {offsets = [1], sizes = [1], strides = [1]} : vector<16xf32> to vector<1xf32>
        %squeeze3A_347 = vector.extract %slice3A_346[0] : f32 from vector<1xf32>
        %broadcast_in_dim3A_348 = vector.broadcast %squeeze3A_347 : f32 to vector<16xf32>
        %pack3A_349 = tpu.pack_subelements %broadcast_in_dim3A_348, %broadcast_in_dim3A_348 {pack_format = #tpu.pack_format<interleaved>, positions = array<i32: 0, 1>} : vector<16xf32>, vector<16xf32> -> vector<32xbf16>
        %mul3A_350 = arith.mulf %pack3A_349, %get3A_288 : vector<32xbf16>
        %add3A_351 = arith.addf %add3A_275, %mul3A_350 : vector<32xbf16>
        %mul3A_352 = arith.mulf %pack3A_349, %get3A_295 : vector<32xbf16>
        %add3A_353 = arith.addf %add3A_277, %mul3A_352 : vector<32xbf16>
        %mul3A_354 = arith.mulf %pack3A_349, %get3A_302 : vector<32xbf16>
        %add3A_355 = arith.addf %add3A_279, %mul3A_354 : vector<32xbf16>
        %mul3A_356 = arith.mulf %pack3A_349, %get3A_309 : vector<32xbf16>
        %add3A_357 = arith.addf %add3A_281, %mul3A_356 : vector<32xbf16>
        %mul3A_358 = arith.constant 16 : i32
        %mul3A_359 = arith.muli %scan3A_126, %mul3A_358 : i32
        %add3A_360 = arith.constant 2 : i32
        %add3A_361 = arith.addi %mul3A_359, %add3A_360 : i32
        %get3A_362 = arith.index_cast %add3A_361 : i32 to index
        %get3A_363 = arith.constant 0 : index
        %get3A_364 = tpu.vector_load %arg12[%get3A_362, %get3A_363] {strides = array<i32>} : memref<128x128xbf16, #tpu.memory_space<vmem>>, vector<32xbf16>,
        %mul3A_365 = arith.constant 16 : i32
        %mul3A_366 = arith.muli %scan3A_126, %mul3A_365 : i32
        %add3A_367 = arith.constant 2 : i32
        %add3A_368 = arith.addi %mul3A_366, %add3A_367 : i32
        %get3A_369 = arith.index_cast %add3A_368 : i32 to index
        %get3A_370 = arith.constant 32 : index
        %get3A_371 = tpu.vector_load %arg12[%get3A_369, %get3A_370] {strides = array<i32>} : memref<128x128xbf16, #tpu.memory_space<vmem>>, vector<32xbf16>,
        %mul3A_372 = arith.constant 16 : i32
        %mul3A_373 = arith.muli %scan3A_126, %mul3A_372 : i32
        %add3A_374 = arith.constant 2 : i32
        %add3A_375 = arith.addi %mul3A_373, %add3A_374 : i32
        %get3A_376 = arith.index_cast %add3A_375 : i32 to index
        %get3A_377 = arith.constant 64 : index
        %get3A_378 = tpu.vector_load %arg12[%get3A_376, %get3A_377] {strides = array<i32>} : memref<128x128xbf16, #tpu.memory_space<vmem>>, vector<32xbf16>,
        %mul3A_379 = arith.constant 16 : i32
        %mul3A_380 = arith.muli %scan3A_126, %mul3A_379 : i32
        %add3A_381 = arith.constant 2 : i32
        %add3A_382 = arith.addi %mul3A_380, %add3A_381 : i32
        %get3A_383 = arith.index_cast %add3A_382 : i32 to index
        %get3A_384 = arith.constant 96 : index
        %get3A_385 = tpu.vector_load %arg12[%get3A_383, %get3A_384] {strides = array<i32>} : memref<128x128xbf16, #tpu.memory_space<vmem>>, vector<32xbf16>,
        %slice3A_386 = vector.extract_strided_slice %select_n3A_170 {offsets = [2], sizes = [1], strides = [1]} : vector<16xf32> to vector<1xf32>
        %squeeze3A_387 = vector.extract %slice3A_386[0] : f32 from vector<1xf32>
        %broadcast_in_dim3A_388 = vector.broadcast %squeeze3A_387 : f32 to vector<16xf32>
        %pack3A_389 = tpu.pack_subelements %broadcast_in_dim3A_388, %broadcast_in_dim3A_388 {pack_format = #tpu.pack_format<interleaved>, positions = array<i32: 0, 1>} : vector<16xf32>, vector<16xf32> -> vector<32xbf16>
        %mul3A_390 = arith.mulf %pack3A_389, %get3A_364 : vector<32xbf16>
        %add3A_391 = arith.addf %add3A_315, %mul3A_390 : vector<32xbf16>
        %mul3A_392 = arith.mulf %pack3A_389, %get3A_371 : vector<32xbf16>
        %add3A_393 = arith.addf %add3A_317, %mul3A_392 : vector<32xbf16>
        %mul3A_394 = arith.mulf %pack3A_389, %get3A_378 : vector<32xbf16>
        %add3A_395 = arith.addf %add3A_319, %mul3A_394 : vector<32xbf16>
        %mul3A_396 = arith.mulf %pack3A_389, %get3A_385 : vector<32xbf16>
        %add3A_397 = arith.addf %add3A_321, %mul3A_396 : vector<32xbf16>
        %slice3A_398 = vector.extract_strided_slice %select_n3A_172 {offsets = [2], sizes = [1], strides = [1]} : vector<16xf32> to vector<1xf32>
        %squeeze3A_399 = vector.extract %slice3A_398[0] : f32 from vector<1xf32>
        %broadcast_in_dim3A_400 = vector.broadcast %squeeze3A_399 : f32 to vector<16xf32>
        %pack3A_401 = tpu.pack_subelements %broadcast_in_dim3A_400, %broadcast_in_dim3A_400 {pack_format = #tpu.pack_format<interleaved>, positions = array<i32: 0, 1>} : vector<16xf32>, vector<16xf32> -> vector<32xbf16>
        %mul3A_402 = arith.mulf %pack3A_401, %get3A_364 : vector<32xbf16>
        %add3A_403 = arith.addf %add3A_327, %mul3A_402 : vector<32xbf16>
        %mul3A_404 = arith.mulf %pack3A_401, %get3A_371 : vector<32xbf16>
        %add3A_405 = arith.addf %add3A_329, %mul3A_404 : vector<32xbf16>
        %mul3A_406 = arith.mulf %pack3A_401, %get3A_378 : vector<32xbf16>
        %add3A_407 = arith.addf %add3A_331, %mul3A_406 : vector<32xbf16>
        %mul3A_408 = arith.mulf %pack3A_401, %get3A_385 : vector<32xbf16>
        %add3A_409 = arith.addf %add3A_333, %mul3A_408 : vector<32xbf16>
        %slice3A_410 = vector.extract_strided_slice %select_n3A_174 {offsets = [2], sizes = [1], strides = [1]} : vector<16xf32> to vector<1xf32>
        %squeeze3A_411 = vector.extract %slice3A_410[0] : f32 from vector<1xf32>
        %broadcast_in_dim3A_412 = vector.broadcast %squeeze3A_411 : f32 to vector<16xf32>
        %pack3A_413 = tpu.pack_subelements %broadcast_in_dim3A_412, %broadcast_in_dim3A_412 {pack_format = #tpu.pack_format<interleaved>, positions = array<i32: 0, 1>} : vector<16xf32>, vector<16xf32> -> vector<32xbf16>
        %mul3A_414 = arith.mulf %pack3A_413, %get3A_364 : vector<32xbf16>
        %add3A_415 = arith.addf %add3A_339, %mul3A_414 : vector<32xbf16>
        %mul3A_416 = arith.mulf %pack3A_413, %get3A_371 : vector<32xbf16>
        %add3A_417 = arith.addf %add3A_341, %mul3A_416 : vector<32xbf16>
        %mul3A_418 = arith.mulf %pack3A_413, %get3A_378 : vector<32xbf16>
        %add3A_419 = arith.addf %add3A_343, %mul3A_418 : vector<32xbf16>
        %mul3A_420 = arith.mulf %pack3A_413, %get3A_385 : vector<32xbf16>
        %add3A_421 = arith.addf %add3A_345, %mul3A_420 : vector<32xbf16>
        %slice3A_422 = vector.extract_strided_slice %select_n3A_176 {offsets = [2], sizes = [1], strides = [1]} : vector<16xf32> to vector<1xf32>
        %squeeze3A_423 = vector.extract %slice3A_422[0] : f32 from vector<1xf32>
        %broadcast_in_dim3A_424 = vector.broadcast %squeeze3A_423 : f32 to vector<16xf32>
        %pack3A_425 = tpu.pack_subelements %broadcast_in_dim3A_424, %broadcast_in_dim3A_424 {pack_format = #tpu.pack_format<interleaved>, positions = array<i32: 0, 1>} : vector<16xf32>, vector<16xf32> -> vector<32xbf16>
        %mul3A_426 = arith.mulf %pack3A_425, %get3A_364 : vector<32xbf16>
        %add3A_427 = arith.addf %add3A_351, %mul3A_426 : vector<32xbf16>
        %mul3A_428 = arith.mulf %pack3A_425, %get3A_371 : vector<32xbf16>
        %add3A_429 = arith.addf %add3A_353, %mul3A_428 : vector<32xbf16>
        %mul3A_430 = arith.mulf %pack3A_425, %get3A_378 : vector<32xbf16>
        %add3A_431 = arith.addf %add3A_355, %mul3A_430 : vector<32xbf16>
        %mul3A_432 = arith.mulf %pack3A_425, %get3A_385 : vector<32xbf16>
        %add3A_433 = arith.addf %add3A_357, %mul3A_432 : vector<32xbf16>
        %mul3A_434 = arith.constant 16 : i32
        %mul3A_435 = arith.muli %scan3A_126, %mul3A_434 : i32
        %add3A_436 = arith.constant 3 : i32
        %add3A_437 = arith.addi %mul3A_435, %add3A_436 : i32
        %get3A_438 = arith.index_cast %add3A_437 : i32 to index
        %get3A_439 = arith.constant 0 : index
        %get3A_440 = tpu.vector_load %arg12[%get3A_438, %get3A_439] {strides = array<i32>} : memref<128x128xbf16, #tpu.memory_space<vmem>>, vector<32xbf16>,
        %mul3A_441 = arith.constant 16 : i32
        %mul3A_442 = arith.muli %scan3A_126, %mul3A_441 : i32
        %add3A_443 = arith.constant 3 : i32
        %add3A_444 = arith.addi %mul3A_442, %add3A_443 : i32
        %get3A_445 = arith.index_cast %add3A_444 : i32 to index
        %get3A_446 = arith.constant 32 : index
        %get3A_447 = tpu.vector_load %arg12[%get3A_445, %get3A_446] {strides = array<i32>} : memref<128x128xbf16, #tpu.memory_space<vmem>>, vector<32xbf16>,
        %mul3A_448 = arith.constant 16 : i32
        %mul3A_449 = arith.muli %scan3A_126, %mul3A_448 : i32
        %add3A_450 = arith.constant 3 : i32
        %add3A_451 = arith.addi %mul3A_449, %add3A_450 : i32
        %get3A_452 = arith.index_cast %add3A_451 : i32 to index
        %get3A_453 = arith.constant 64 : index
        %get3A_454 = tpu.vector_load %arg12[%get3A_452, %get3A_453] {strides = array<i32>} : memref<128x128xbf16, #tpu.memory_space<vmem>>, vector<32xbf16>,
        %mul3A_455 = arith.constant 16 : i32
        %mul3A_456 = arith.muli %scan3A_126, %mul3A_455 : i32
        %add3A_457 = arith.constant 3 : i32
        %add3A_458 = arith.addi %mul3A_456, %add3A_457 : i32
        %get3A_459 = arith.index_cast %add3A_458 : i32 to index
        %get3A_460 = arith.constant 96 : index
        %get3A_461 = tpu.vector_load %arg12[%get3A_459, %get3A_460] {strides = array<i32>} : memref<128x128xbf16, #tpu.memory_space<vmem>>, vector<32xbf16>,
        %slice3A_462 = vector.extract_strided_slice %select_n3A_170 {offsets = [3], sizes = [1], strides = [1]} : vector<16xf32> to vector<1xf32>
        %squeeze3A_463 = vector.extract %slice3A_462[0] : f32 from vector<1xf32>
        %broadcast_in_dim3A_464 = vector.broadcast %squeeze3A_463 : f32 to vector<16xf32>
        %pack3A_465 = tpu.pack_subelements %broadcast_in_dim3A_464, %broadcast_in_dim3A_464 {pack_format = #tpu.pack_format<interleaved>, positions = array<i32: 0, 1>} : vector<16xf32>, vector<16xf32> -> vector<32xbf16>
        %mul3A_466 = arith.mulf %pack3A_465, %get3A_440 : vector<32xbf16>
        %add3A_467 = arith.addf %add3A_391, %mul3A_466 : vector<32xbf16>
        %mul3A_468 = arith.mulf %pack3A_465, %get3A_447 : vector<32xbf16>
        %add3A_469 = arith.addf %add3A_393, %mul3A_468 : vector<32xbf16>
        %mul3A_470 = arith.mulf %pack3A_465, %get3A_454 : vector<32xbf16>
        %add3A_471 = arith.addf %add3A_395, %mul3A_470 : vector<32xbf16>
        %mul3A_472 = arith.mulf %pack3A_465, %get3A_461 : vector<32xbf16>
        %add3A_473 = arith.addf %add3A_397, %mul3A_472 : vector<32xbf16>
        %slice3A_474 = vector.extract_strided_slice %select_n3A_172 {offsets = [3], sizes = [1], strides = [1]} : vector<16xf32> to vector<1xf32>
        %squeeze3A_475 = vector.extract %slice3A_474[0] : f32 from vector<1xf32>
        %broadcast_in_dim3A_476 = vector.broadcast %squeeze3A_475 : f32 to vector<16xf32>
        %pack3A_477 = tpu.pack_subelements %broadcast_in_dim3A_476, %broadcast_in_dim3A_476 {pack_format = #tpu.pack_format<interleaved>, positions = array<i32: 0, 1>} : vector<16xf32>, vector<16xf32> -> vector<32xbf16>
        %mul3A_478 = arith.mulf %pack3A_477, %get3A_440 : vector<32xbf16>
        %add3A_479 = arith.addf %add3A_403, %mul3A_478 : vector<32xbf16>
        %mul3A_480 = arith.mulf %pack3A_477, %get3A_447 : vector<32xbf16>
        %add3A_481 = arith.addf %add3A_405, %mul3A_480 : vector<32xbf16>
        %mul3A_482 = arith.mulf %pack3A_477, %get3A_454 : vector<32xbf16>
        %add3A_483 = arith.addf %add3A_407, %mul3A_482 : vector<32xbf16>
        %mul3A_484 = arith.mulf %pack3A_477, %get3A_461 : vector<32xbf16>
        %add3A_485 = arith.addf %add3A_409, %mul3A_484 : vector<32xbf16>
        %slice3A_486 = vector.extract_strided_slice %select_n3A_174 {offsets = [3], sizes = [1], strides = [1]} : vector<16xf32> to vector<1xf32>
        %squeeze3A_487 = vector.extract %slice3A_486[0] : f32 from vector<1xf32>
        %broadcast_in_dim3A_488 = vector.broadcast %squeeze3A_487 : f32 to vector<16xf32>
        %pack3A_489 = tpu.pack_subelements %broadcast_in_dim3A_488, %broadcast_in_dim3A_488 {pack_format = #tpu.pack_format<interleaved>, positions = array<i32: 0, 1>} : vector<16xf32>, vector<16xf32> -> vector<32xbf16>
        %mul3A_490 = arith.mulf %pack3A_489, %get3A_440 : vector<32xbf16>
        %add3A_491 = arith.addf %add3A_415, %mul3A_490 : vector<32xbf16>
        %mul3A_492 = arith.mulf %pack3A_489, %get3A_447 : vector<32xbf16>
        %add3A_493 = arith.addf %add3A_417, %mul3A_492 : vector<32xbf16>
        %mul3A_494 = arith.mulf %pack3A_489, %get3A_454 : vector<32xbf16>
        %add3A_495 = arith.addf %add3A_419, %mul3A_494 : vector<32xbf16>
        %mul3A_496 = arith.mulf %pack3A_489, %get3A_461 : vector<32xbf16>
        %add3A_497 = arith.addf %add3A_421, %mul3A_496 : vector<32xbf16>
        %slice3A_498 = vector.extract_strided_slice %select_n3A_176 {offsets = [3], sizes = [1], strides = [1]} : vector<16xf32> to vector<1xf32>
        %squeeze3A_499 = vector.extract %slice3A_498[0] : f32 from vector<1xf32>
        %broadcast_in_dim3A_500 = vector.broadcast %squeeze3A_499 : f32 to vector<16xf32>
        %pack3A_501 = tpu.pack_subelements %broadcast_in_dim3A_500, %broadcast_in_dim3A_500 {pack_format = #tpu.pack_format<interleaved>, positions = array<i32: 0, 1>} : vector<16xf32>, vector<16xf32> -> vector<32xbf16>
        %mul3A_502 = arith.mulf %pack3A_501, %get3A_440 : vector<32xbf16>
        %add3A_503 = arith.addf %add3A_427, %mul3A_502 : vector<32xbf16>
        %mul3A_504 = arith.mulf %pack3A_501, %get3A_447 : vector<32xbf16>
        %add3A_505 = arith.addf %add3A_429, %mul3A_504 : vector<32xbf16>
        %mul3A_506 = arith.mulf %pack3A_501, %get3A_454 : vector<32xbf16>
        %add3A_507 = arith.addf %add3A_431, %mul3A_506 : vector<32xbf16>
        %mul3A_508 = arith.mulf %pack3A_501, %get3A_461 : vector<32xbf16>
        %add3A_509 = arith.addf %add3A_433, %mul3A_508 : vector<32xbf16>
        %mul3A_510 = arith.constant 16 : i32
        %mul3A_511 = arith.muli %scan3A_126, %mul3A_510 : i32
        %add3A_512 = arith.constant 4 : i32
        %add3A_513 = arith.addi %mul3A_511, %add3A_512 : i32
        %get3A_514 = arith.index_cast %add3A_513 : i32 to index
        %get3A_515 = arith.constant 0 : index
        %get3A_516 = tpu.vector_load %arg12[%get3A_514, %get3A_515] {strides = array<i32>} : memref<128x128xbf16, #tpu.memory_space<vmem>>, vector<32xbf16>,
        %mul3A_517 = arith.constant 16 : i32
        %mul3A_518 = arith.muli %scan3A_126, %mul3A_517 : i32
        %add3A_519 = arith.constant 4 : i32
        %add3A_520 = arith.addi %mul3A_518, %add3A_519 : i32
        %get3A_521 = arith.index_cast %add3A_520 : i32 to index
        %get3A_522 = arith.constant 32 : index
        %get3A_523 = tpu.vector_load %arg12[%get3A_521, %get3A_522] {strides = array<i32>} : memref<128x128xbf16, #tpu.memory_space<vmem>>, vector<32xbf16>,
        %mul3A_524 = arith.constant 16 : i32
        %mul3A_525 = arith.muli %scan3A_126, %mul3A_524 : i32
        %add3A_526 = arith.constant 4 : i32
        %add3A_527 = arith.addi %mul3A_525, %add3A_526 : i32
        %get3A_528 = arith.index_cast %add3A_527 : i32 to index
        %get3A_529 = arith.constant 64 : index
        %get3A_530 = tpu.vector_load %arg12[%get3A_528, %get3A_529] {strides = array<i32>} : memref<128x128xbf16, #tpu.memory_space<vmem>>, vector<32xbf16>,
        %mul3A_531 = arith.constant 16 : i32
        %mul3A_532 = arith.muli %scan3A_126, %mul3A_531 : i32
        %add3A_533 = arith.constant 4 : i32
        %add3A_534 = arith.addi %mul3A_532, %add3A_533 : i32
        %get3A_535 = arith.index_cast %add3A_534 : i32 to index
        %get3A_536 = arith.constant 96 : index
        %get3A_537 = tpu.vector_load %arg12[%get3A_535, %get3A_536] {strides = array<i32>} : memref<128x128xbf16, #tpu.memory_space<vmem>>, vector<32xbf16>,
        %slice3A_538 = vector.extract_strided_slice %select_n3A_170 {offsets = [4], sizes = [1], strides = [1]} : vector<16xf32> to vector<1xf32>
        %squeeze3A_539 = vector.extract %slice3A_538[0] : f32 from vector<1xf32>
        %broadcast_in_dim3A_540 = vector.broadcast %squeeze3A_539 : f32 to vector<16xf32>
        %pack3A_541 = tpu.pack_subelements %broadcast_in_dim3A_540, %broadcast_in_dim3A_540 {pack_format = #tpu.pack_format<interleaved>, positions = array<i32: 0, 1>} : vector<16xf32>, vector<16xf32> -> vector<32xbf16>
        %mul3A_542 = arith.mulf %pack3A_541, %get3A_516 : vector<32xbf16>
        %add3A_543 = arith.addf %add3A_467, %mul3A_542 : vector<32xbf16>
        %mul3A_544 = arith.mulf %pack3A_541, %get3A_523 : vector<32xbf16>
        %add3A_545 = arith.addf %add3A_469, %mul3A_544 : vector<32xbf16>
        %mul3A_546 = arith.mulf %pack3A_541, %get3A_530 : vector<32xbf16>
        %add3A_547 = arith.addf %add3A_471, %mul3A_546 : vector<32xbf16>
        %mul3A_548 = arith.mulf %pack3A_541, %get3A_537 : vector<32xbf16>
        %add3A_549 = arith.addf %add3A_473, %mul3A_548 : vector<32xbf16>
        %slice3A_550 = vector.extract_strided_slice %select_n3A_172 {offsets = [4], sizes = [1], strides = [1]} : vector<16xf32> to vector<1xf32>
        %squeeze3A_551 = vector.extract %slice3A_550[0] : f32 from vector<1xf32>
        %broadcast_in_dim3A_552 = vector.broadcast %squeeze3A_551 : f32 to vector<16xf32>
        %pack3A_553 = tpu.pack_subelements %broadcast_in_dim3A_552, %broadcast_in_dim3A_552 {pack_format = #tpu.pack_format<interleaved>, positions = array<i32: 0, 1>} : vector<16xf32>, vector<16xf32> -> vector<32xbf16>
        %mul3A_554 = arith.mulf %pack3A_553, %get3A_516 : vector<32xbf16>
        %add3A_555 = arith.addf %add3A_479, %mul3A_554 : vector<32xbf16>
        %mul3A_556 = arith.mulf %pack3A_553, %get3A_523 : vector<32xbf16>
        %add3A_557 = arith.addf %add3A_481, %mul3A_556 : vector<32xbf16>
        %mul3A_558 = arith.mulf %pack3A_553, %get3A_530 : vector<32xbf16>
        %add3A_559 = arith.addf %add3A_483, %mul3A_558 : vector<32xbf16>
        %mul3A_560 = arith.mulf %pack3A_553, %get3A_537 : vector<32xbf16>
        %add3A_561 = arith.addf %add3A_485, %mul3A_560 : vector<32xbf16>
        %slice3A_562 = vector.extract_strided_slice %select_n3A_174 {offsets = [4], sizes = [1], strides = [1]} : vector<16xf32> to vector<1xf32>
        %squeeze3A_563 = vector.extract %slice3A_562[0] : f32 from vector<1xf32>
        %broadcast_in_dim3A_564 = vector.broadcast %squeeze3A_563 : f32 to vector<16xf32>
        %pack3A_565 = tpu.pack_subelements %broadcast_in_dim3A_564, %broadcast_in_dim3A_564 {pack_format = #tpu.pack_format<interleaved>, positions = array<i32: 0, 1>} : vector<16xf32>, vector<16xf32> -> vector<32xbf16>
        %mul3A_566 = arith.mulf %pack3A_565, %get3A_516 : vector<32xbf16>
        %add3A_567 = arith.addf %add3A_491, %mul3A_566 : vector<32xbf16>
        %mul3A_568 = arith.mulf %pack3A_565, %get3A_523 : vector<32xbf16>
        %add3A_569 = arith.addf %add3A_493, %mul3A_568 : vector<32xbf16>
        %mul3A_570 = arith.mulf %pack3A_565, %get3A_530 : vector<32xbf16>
        %add3A_571 = arith.addf %add3A_495, %mul3A_570 : vector<32xbf16>
        %mul3A_572 = arith.mulf %pack3A_565, %get3A_537 : vector<32xbf16>
        %add3A_573 = arith.addf %add3A_497, %mul3A_572 : vector<32xbf16>
        %slice3A_574 = vector.extract_strided_slice %select_n3A_176 {offsets = [4], sizes = [1], strides = [1]} : vector<16xf32> to vector<1xf32>
        %squeeze3A_575 = vector.extract %slice3A_574[0] : f32 from vector<1xf32>
        %broadcast_in_dim3A_576 = vector.broadcast %squeeze3A_575 : f32 to vector<16xf32>
        %pack3A_577 = tpu.pack_subelements %broadcast_in_dim3A_576, %broadcast_in_dim3A_576 {pack_format = #tpu.pack_format<interleaved>, positions = array<i32: 0, 1>} : vector<16xf32>, vector<16xf32> -> vector<32xbf16>
        %mul3A_578 = arith.mulf %pack3A_577, %get3A_516 : vector<32xbf16>
        %add3A_579 = arith.addf %add3A_503, %mul3A_578 : vector<32xbf16>
        %mul3A_580 = arith.mulf %pack3A_577, %get3A_523 : vector<32xbf16>
        %add3A_581 = arith.addf %add3A_505, %mul3A_580 : vector<32xbf16>
        %mul3A_582 = arith.mulf %pack3A_577, %get3A_530 : vector<32xbf16>
        %add3A_583 = arith.addf %add3A_507, %mul3A_582 : vector<32xbf16>
        %mul3A_584 = arith.mulf %pack3A_577, %get3A_537 : vector<32xbf16>
        %add3A_585 = arith.addf %add3A_509, %mul3A_584 : vector<32xbf16>
        %mul3A_586 = arith.constant 16 : i32
        %mul3A_587 = arith.muli %scan3A_126, %mul3A_586 : i32
        %add3A_588 = arith.constant 5 : i32
        %add3A_589 = arith.addi %mul3A_587, %add3A_588 : i32
        %get3A_590 = arith.index_cast %add3A_589 : i32 to index
        %get3A_591 = arith.constant 0 : index
        %get3A_592 = tpu.vector_load %arg12[%get3A_590, %get3A_591] {strides = array<i32>} : memref<128x128xbf16, #tpu.memory_space<vmem>>, vector<32xbf16>,
        %mul3A_593 = arith.constant 16 : i32
        %mul3A_594 = arith.muli %scan3A_126, %mul3A_593 : i32
        %add3A_595 = arith.constant 5 : i32
        %add3A_596 = arith.addi %mul3A_594, %add3A_595 : i32
        %get3A_597 = arith.index_cast %add3A_596 : i32 to index
        %get3A_598 = arith.constant 32 : index
        %get3A_599 = tpu.vector_load %arg12[%get3A_597, %get3A_598] {strides = array<i32>} : memref<128x128xbf16, #tpu.memory_space<vmem>>, vector<32xbf16>,
        %mul3A_600 = arith.constant 16 : i32
        %mul3A_601 = arith.muli %scan3A_126, %mul3A_600 : i32
        %add3A_602 = arith.constant 5 : i32
        %add3A_603 = arith.addi %mul3A_601, %add3A_602 : i32
        %get3A_604 = arith.index_cast %add3A_603 : i32 to index
        %get3A_605 = arith.constant 64 : index
        %get3A_606 = tpu.vector_load %arg12[%get3A_604, %get3A_605] {strides = array<i32>} : memref<128x128xbf16, #tpu.memory_space<vmem>>, vector<32xbf16>,
        %mul3A_607 = arith.constant 16 : i32
        %mul3A_608 = arith.muli %scan3A_126, %mul3A_607 : i32
        %add3A_609 = arith.constant 5 : i32
        %add3A_610 = arith.addi %mul3A_608, %add3A_609 : i32
        %get3A_611 = arith.index_cast %add3A_610 : i32 to index
        %get3A_612 = arith.constant 96 : index
        %get3A_613 = tpu.vector_load %arg12[%get3A_611, %get3A_612] {strides = array<i32>} : memref<128x128xbf16, #tpu.memory_space<vmem>>, vector<32xbf16>,
        %slice3A_614 = vector.extract_strided_slice %select_n3A_170 {offsets = [5], sizes = [1], strides = [1]} : vector<16xf32> to vector<1xf32>
        %squeeze3A_615 = vector.extract %slice3A_614[0] : f32 from vector<1xf32>
        %broadcast_in_dim3A_616 = vector.broadcast %squeeze3A_615 : f32 to vector<16xf32>
        %pack3A_617 = tpu.pack_subelements %broadcast_in_dim3A_616, %broadcast_in_dim3A_616 {pack_format = #tpu.pack_format<interleaved>, positions = array<i32: 0, 1>} : vector<16xf32>, vector<16xf32> -> vector<32xbf16>
        %mul3A_618 = arith.mulf %pack3A_617, %get3A_592 : vector<32xbf16>
        %add3A_619 = arith.addf %add3A_543, %mul3A_618 : vector<32xbf16>
        %mul3A_620 = arith.mulf %pack3A_617, %get3A_599 : vector<32xbf16>
        %add3A_621 = arith.addf %add3A_545, %mul3A_620 : vector<32xbf16>
        %mul3A_622 = arith.mulf %pack3A_617, %get3A_606 : vector<32xbf16>
        %add3A_623 = arith.addf %add3A_547, %mul3A_622 : vector<32xbf16>
        %mul3A_624 = arith.mulf %pack3A_617, %get3A_613 : vector<32xbf16>
        %add3A_625 = arith.addf %add3A_549, %mul3A_624 : vector<32xbf16>
        %slice3A_626 = vector.extract_strided_slice %select_n3A_172 {offsets = [5], sizes = [1], strides = [1]} : vector<16xf32> to vector<1xf32>
        %squeeze3A_627 = vector.extract %slice3A_626[0] : f32 from vector<1xf32>
        %broadcast_in_dim3A_628 = vector.broadcast %squeeze3A_627 : f32 to vector<16xf32>
        %pack3A_629 = tpu.pack_subelements %broadcast_in_dim3A_628, %broadcast_in_dim3A_628 {pack_format = #tpu.pack_format<interleaved>, positions = array<i32: 0, 1>} : vector<16xf32>, vector<16xf32> -> vector<32xbf16>
        %mul3A_630 = arith.mulf %pack3A_629, %get3A_592 : vector<32xbf16>
        %add3A_631 = arith.addf %add3A_555, %mul3A_630 : vector<32xbf16>
        %mul3A_632 = arith.mulf %pack3A_629, %get3A_599 : vector<32xbf16>
        %add3A_633 = arith.addf %add3A_557, %mul3A_632 : vector<32xbf16>
        %mul3A_634 = arith.mulf %pack3A_629, %get3A_606 : vector<32xbf16>
        %add3A_635 = arith.addf %add3A_559, %mul3A_634 : vector<32xbf16>
        %mul3A_636 = arith.mulf %pack3A_629, %get3A_613 : vector<32xbf16>
        %add3A_637 = arith.addf %add3A_561, %mul3A_636 : vector<32xbf16>
        %slice3A_638 = vector.extract_strided_slice %select_n3A_174 {offsets = [5], sizes = [1], strides = [1]} : vector<16xf32> to vector<1xf32>
        %squeeze3A_639 = vector.extract %slice3A_638[0] : f32 from vector<1xf32>
        %broadcast_in_dim3A_640 = vector.broadcast %squeeze3A_639 : f32 to vector<16xf32>
        %pack3A_641 = tpu.pack_subelements %broadcast_in_dim3A_640, %broadcast_in_dim3A_640 {pack_format = #tpu.pack_format<interleaved>, positions = array<i32: 0, 1>} : vector<16xf32>, vector<16xf32> -> vector<32xbf16>
        %mul3A_642 = arith.mulf %pack3A_641, %get3A_592 : vector<32xbf16>
        %add3A_643 = arith.addf %add3A_567, %mul3A_642 : vector<32xbf16>
        %mul3A_644 = arith.mulf %pack3A_641, %get3A_599 : vector<32xbf16>
        %add3A_645 = arith.addf %add3A_569, %mul3A_644 : vector<32xbf16>
        %mul3A_646 = arith.mulf %pack3A_641, %get3A_606 : vector<32xbf16>
        %add3A_647 = arith.addf %add3A_571, %mul3A_646 : vector<32xbf16>
        %mul3A_648 = arith.mulf %pack3A_641, %get3A_613 : vector<32xbf16>
        %add3A_649 = arith.addf %add3A_573, %mul3A_648 : vector<32xbf16>
        %slice3A_650 = vector.extract_strided_slice %select_n3A_176 {offsets = [5], sizes = [1], strides = [1]} : vector<16xf32> to vector<1xf32>
        %squeeze3A_651 = vector.extract %slice3A_650[0] : f32 from vector<1xf32>
        %broadcast_in_dim3A_652 = vector.broadcast %squeeze3A_651 : f32 to vector<16xf32>
        %pack3A_653 = tpu.pack_subelements %broadcast_in_dim3A_652, %broadcast_in_dim3A_652 {pack_format = #tpu.pack_format<interleaved>, positions = array<i32: 0, 1>} : vector<16xf32>, vector<16xf32> -> vector<32xbf16>
        %mul3A_654 = arith.mulf %pack3A_653, %get3A_592 : vector<32xbf16>
        %add3A_655 = arith.addf %add3A_579, %mul3A_654 : vector<32xbf16>
        %mul3A_656 = arith.mulf %pack3A_653, %get3A_599 : vector<32xbf16>
        %add3A_657 = arith.addf %add3A_581, %mul3A_656 : vector<32xbf16>
        %mul3A_658 = arith.mulf %pack3A_653, %get3A_606 : vector<32xbf16>
        %add3A_659 = arith.addf %add3A_583, %mul3A_658 : vector<32xbf16>
        %mul3A_660 = arith.mulf %pack3A_653, %get3A_613 : vector<32xbf16>
        %add3A_661 = arith.addf %add3A_585, %mul3A_660 : vector<32xbf16>
        %mul3A_662 = arith.constant 16 : i32
        %mul3A_663 = arith.muli %scan3A_126, %mul3A_662 : i32
        %add3A_664 = arith.constant 6 : i32
        %add3A_665 = arith.addi %mul3A_663, %add3A_664 : i32
        %get3A_666 = arith.index_cast %add3A_665 : i32 to index
        %get3A_667 = arith.constant 0 : index
        %get3A_668 = tpu.vector_load %arg12[%get3A_666, %get3A_667] {strides = array<i32>} : memref<128x128xbf16, #tpu.memory_space<vmem>>, vector<32xbf16>,
        %mul3A_669 = arith.constant 16 : i32
        %mul3A_670 = arith.muli %scan3A_126, %mul3A_669 : i32
        %add3A_671 = arith.constant 6 : i32
        %add3A_672 = arith.addi %mul3A_670, %add3A_671 : i32
        %get3A_673 = arith.index_cast %add3A_672 : i32 to index
        %get3A_674 = arith.constant 32 : index
        %get3A_675 = tpu.vector_load %arg12[%get3A_673, %get3A_674] {strides = array<i32>} : memref<128x128xbf16, #tpu.memory_space<vmem>>, vector<32xbf16>,
        %mul3A_676 = arith.constant 16 : i32
        %mul3A_677 = arith.muli %scan3A_126, %mul3A_676 : i32
        %add3A_678 = arith.constant 6 : i32
        %add3A_679 = arith.addi %mul3A_677, %add3A_678 : i32
        %get3A_680 = arith.index_cast %add3A_679 : i32 to index
        %get3A_681 = arith.constant 64 : index
        %get3A_682 = tpu.vector_load %arg12[%get3A_680, %get3A_681] {strides = array<i32>} : memref<128x128xbf16, #tpu.memory_space<vmem>>, vector<32xbf16>,
        %mul3A_683 = arith.constant 16 : i32
        %mul3A_684 = arith.muli %scan3A_126, %mul3A_683 : i32
        %add3A_685 = arith.constant 6 : i32
        %add3A_686 = arith.addi %mul3A_684, %add3A_685 : i32
        %get3A_687 = arith.index_cast %add3A_686 : i32 to index
        %get3A_688 = arith.constant 96 : index
        %get3A_689 = tpu.vector_load %arg12[%get3A_687, %get3A_688] {strides = array<i32>} : memref<128x128xbf16, #tpu.memory_space<vmem>>, vector<32xbf16>,
        %slice3A_690 = vector.extract_strided_slice %select_n3A_170 {offsets = [6], sizes = [1], strides = [1]} : vector<16xf32> to vector<1xf32>
        %squeeze3A_691 = vector.extract %slice3A_690[0] : f32 from vector<1xf32>
        %broadcast_in_dim3A_692 = vector.broadcast %squeeze3A_691 : f32 to vector<16xf32>
        %pack3A_693 = tpu.pack_subelements %broadcast_in_dim3A_692, %broadcast_in_dim3A_692 {pack_format = #tpu.pack_format<interleaved>, positions = array<i32: 0, 1>} : vector<16xf32>, vector<16xf32> -> vector<32xbf16>
        %mul3A_694 = arith.mulf %pack3A_693, %get3A_668 : vector<32xbf16>
        %add3A_695 = arith.addf %add3A_619, %mul3A_694 : vector<32xbf16>
        %mul3A_696 = arith.mulf %pack3A_693, %get3A_675 : vector<32xbf16>
        %add3A_697 = arith.addf %add3A_621, %mul3A_696 : vector<32xbf16>
        %mul3A_698 = arith.mulf %pack3A_693, %get3A_682 : vector<32xbf16>
        %add3A_699 = arith.addf %add3A_623, %mul3A_698 : vector<32xbf16>
        %mul3A_700 = arith.mulf %pack3A_693, %get3A_689 : vector<32xbf16>
        %add3A_701 = arith.addf %add3A_625, %mul3A_700 : vector<32xbf16>
        %slice3A_702 = vector.extract_strided_slice %select_n3A_172 {offsets = [6], sizes = [1], strides = [1]} : vector<16xf32> to vector<1xf32>
        %squeeze3A_703 = vector.extract %slice3A_702[0] : f32 from vector<1xf32>
        %broadcast_in_dim3A_704 = vector.broadcast %squeeze3A_703 : f32 to vector<16xf32>
        %pack3A_705 = tpu.pack_subelements %broadcast_in_dim3A_704, %broadcast_in_dim3A_704 {pack_format = #tpu.pack_format<interleaved>, positions = array<i32: 0, 1>} : vector<16xf32>, vector<16xf32> -> vector<32xbf16>
        %mul3A_706 = arith.mulf %pack3A_705, %get3A_668 : vector<32xbf16>
        %add3A_707 = arith.addf %add3A_631, %mul3A_706 : vector<32xbf16>
        %mul3A_708 = arith.mulf %pack3A_705, %get3A_675 : vector<32xbf16>
        %add3A_709 = arith.addf %add3A_633, %mul3A_708 : vector<32xbf16>
        %mul3A_710 = arith.mulf %pack3A_705, %get3A_682 : vector<32xbf16>
        %add3A_711 = arith.addf %add3A_635, %mul3A_710 : vector<32xbf16>
        %mul3A_712 = arith.mulf %pack3A_705, %get3A_689 : vector<32xbf16>
        %add3A_713 = arith.addf %add3A_637, %mul3A_712 : vector<32xbf16>
        %slice3A_714 = vector.extract_strided_slice %select_n3A_174 {offsets = [6], sizes = [1], strides = [1]} : vector<16xf32> to vector<1xf32>
        %squeeze3A_715 = vector.extract %slice3A_714[0] : f32 from vector<1xf32>
        %broadcast_in_dim3A_716 = vector.broadcast %squeeze3A_715 : f32 to vector<16xf32>
        %pack3A_717 = tpu.pack_subelements %broadcast_in_dim3A_716, %broadcast_in_dim3A_716 {pack_format = #tpu.pack_format<interleaved>, positions = array<i32: 0, 1>} : vector<16xf32>, vector<16xf32> -> vector<32xbf16>
        %mul3A_718 = arith.mulf %pack3A_717, %get3A_668 : vector<32xbf16>
        %add3A_719 = arith.addf %add3A_643, %mul3A_718 : vector<32xbf16>
        %mul3A_720 = arith.mulf %pack3A_717, %get3A_675 : vector<32xbf16>
        %add3A_721 = arith.addf %add3A_645, %mul3A_720 : vector<32xbf16>
        %mul3A_722 = arith.mulf %pack3A_717, %get3A_682 : vector<32xbf16>
        %add3A_723 = arith.addf %add3A_647, %mul3A_722 : vector<32xbf16>
        %mul3A_724 = arith.mulf %pack3A_717, %get3A_689 : vector<32xbf16>
        %add3A_725 = arith.addf %add3A_649, %mul3A_724 : vector<32xbf16>
        %slice3A_726 = vector.extract_strided_slice %select_n3A_176 {offsets = [6], sizes = [1], strides = [1]} : vector<16xf32> to vector<1xf32>
        %squeeze3A_727 = vector.extract %slice3A_726[0] : f32 from vector<1xf32>
        %broadcast_in_dim3A_728 = vector.broadcast %squeeze3A_727 : f32 to vector<16xf32>
        %pack3A_729 = tpu.pack_subelements %broadcast_in_dim3A_728, %broadcast_in_dim3A_728 {pack_format = #tpu.pack_format<interleaved>, positions = array<i32: 0, 1>} : vector<16xf32>, vector<16xf32> -> vector<32xbf16>
        %mul3A_730 = arith.mulf %pack3A_729, %get3A_668 : vector<32xbf16>
        %add3A_731 = arith.addf %add3A_655, %mul3A_730 : vector<32xbf16>
        %mul3A_732 = arith.mulf %pack3A_729, %get3A_675 : vector<32xbf16>
        %add3A_733 = arith.addf %add3A_657, %mul3A_732 : vector<32xbf16>
        %mul3A_734 = arith.mulf %pack3A_729, %get3A_682 : vector<32xbf16>
        %add3A_735 = arith.addf %add3A_659, %mul3A_734 : vector<32xbf16>
        %mul3A_736 = arith.mulf %pack3A_729, %get3A_689 : vector<32xbf16>
        %add3A_737 = arith.addf %add3A_661, %mul3A_736 : vector<32xbf16>
        %mul3A_738 = arith.constant 16 : i32
        %mul3A_739 = arith.muli %scan3A_126, %mul3A_738 : i32
        %add3A_740 = arith.constant 7 : i32
        %add3A_741 = arith.addi %mul3A_739, %add3A_740 : i32
        %get3A_742 = arith.index_cast %add3A_741 : i32 to index
        %get3A_743 = arith.constant 0 : index
        %get3A_744 = tpu.vector_load %arg12[%get3A_742, %get3A_743] {strides = array<i32>} : memref<128x128xbf16, #tpu.memory_space<vmem>>, vector<32xbf16>,
        %mul3A_745 = arith.constant 16 : i32
        %mul3A_746 = arith.muli %scan3A_126, %mul3A_745 : i32
        %add3A_747 = arith.constant 7 : i32
        %add3A_748 = arith.addi %mul3A_746, %add3A_747 : i32
        %get3A_749 = arith.index_cast %add3A_748 : i32 to index
        %get3A_750 = arith.constant 32 : index
        %get3A_751 = tpu.vector_load %arg12[%get3A_749, %get3A_750] {strides = array<i32>} : memref<128x128xbf16, #tpu.memory_space<vmem>>, vector<32xbf16>,
        %mul3A_752 = arith.constant 16 : i32
        %mul3A_753 = arith.muli %scan3A_126, %mul3A_752 : i32
        %add3A_754 = arith.constant 7 : i32
        %add3A_755 = arith.addi %mul3A_753, %add3A_754 : i32
        %get3A_756 = arith.index_cast %add3A_755 : i32 to index
        %get3A_757 = arith.constant 64 : index
        %get3A_758 = tpu.vector_load %arg12[%get3A_756, %get3A_757] {strides = array<i32>} : memref<128x128xbf16, #tpu.memory_space<vmem>>, vector<32xbf16>,
        %mul3A_759 = arith.constant 16 : i32
        %mul3A_760 = arith.muli %scan3A_126, %mul3A_759 : i32
        %add3A_761 = arith.constant 7 : i32
        %add3A_762 = arith.addi %mul3A_760, %add3A_761 : i32
        %get3A_763 = arith.index_cast %add3A_762 : i32 to index
        %get3A_764 = arith.constant 96 : index
        %get3A_765 = tpu.vector_load %arg12[%get3A_763, %get3A_764] {strides = array<i32>} : memref<128x128xbf16, #tpu.memory_space<vmem>>, vector<32xbf16>,
        %slice3A_766 = vector.extract_strided_slice %select_n3A_170 {offsets = [7], sizes = [1], strides = [1]} : vector<16xf32> to vector<1xf32>
        %squeeze3A_767 = vector.extract %slice3A_766[0] : f32 from vector<1xf32>
        %broadcast_in_dim3A_768 = vector.broadcast %squeeze3A_767 : f32 to vector<16xf32>
        %pack3A_769 = tpu.pack_subelements %broadcast_in_dim3A_768, %broadcast_in_dim3A_768 {pack_format = #tpu.pack_format<interleaved>, positions = array<i32: 0, 1>} : vector<16xf32>, vector<16xf32> -> vector<32xbf16>
        %mul3A_770 = arith.mulf %pack3A_769, %get3A_744 : vector<32xbf16>
        %add3A_771 = arith.addf %add3A_695, %mul3A_770 : vector<32xbf16>
        %mul3A_772 = arith.mulf %pack3A_769, %get3A_751 : vector<32xbf16>
        %add3A_773 = arith.addf %add3A_697, %mul3A_772 : vector<32xbf16>
        %mul3A_774 = arith.mulf %pack3A_769, %get3A_758 : vector<32xbf16>
        %add3A_775 = arith.addf %add3A_699, %mul3A_774 : vector<32xbf16>
        %mul3A_776 = arith.mulf %pack3A_769, %get3A_765 : vector<32xbf16>
        %add3A_777 = arith.addf %add3A_701, %mul3A_776 : vector<32xbf16>
        %slice3A_778 = vector.extract_strided_slice %select_n3A_172 {offsets = [7], sizes = [1], strides = [1]} : vector<16xf32> to vector<1xf32>
        %squeeze3A_779 = vector.extract %slice3A_778[0] : f32 from vector<1xf32>
        %broadcast_in_dim3A_780 = vector.broadcast %squeeze3A_779 : f32 to vector<16xf32>
        %pack3A_781 = tpu.pack_subelements %broadcast_in_dim3A_780, %broadcast_in_dim3A_780 {pack_format = #tpu.pack_format<interleaved>, positions = array<i32: 0, 1>} : vector<16xf32>, vector<16xf32> -> vector<32xbf16>
        %mul3A_782 = arith.mulf %pack3A_781, %get3A_744 : vector<32xbf16>
        %add3A_783 = arith.addf %add3A_707, %mul3A_782 : vector<32xbf16>
        %mul3A_784 = arith.mulf %pack3A_781, %get3A_751 : vector<32xbf16>
        %add3A_785 = arith.addf %add3A_709, %mul3A_784 : vector<32xbf16>
        %mul3A_786 = arith.mulf %pack3A_781, %get3A_758 : vector<32xbf16>
        %add3A_787 = arith.addf %add3A_711, %mul3A_786 : vector<32xbf16>
        %mul3A_788 = arith.mulf %pack3A_781, %get3A_765 : vector<32xbf16>
        %add3A_789 = arith.addf %add3A_713, %mul3A_788 : vector<32xbf16>
        %slice3A_790 = vector.extract_strided_slice %select_n3A_174 {offsets = [7], sizes = [1], strides = [1]} : vector<16xf32> to vector<1xf32>
        %squeeze3A_791 = vector.extract %slice3A_790[0] : f32 from vector<1xf32>
        %broadcast_in_dim3A_792 = vector.broadcast %squeeze3A_791 : f32 to vector<16xf32>
        %pack3A_793 = tpu.pack_subelements %broadcast_in_dim3A_792, %broadcast_in_dim3A_792 {pack_format = #tpu.pack_format<interleaved>, positions = array<i32: 0, 1>} : vector<16xf32>, vector<16xf32> -> vector<32xbf16>
        %mul3A_794 = arith.mulf %pack3A_793, %get3A_744 : vector<32xbf16>
        %add3A_795 = arith.addf %add3A_719, %mul3A_794 : vector<32xbf16>
        %mul3A_796 = arith.mulf %pack3A_793, %get3A_751 : vector<32xbf16>
        %add3A_797 = arith.addf %add3A_721, %mul3A_796 : vector<32xbf16>
        %mul3A_798 = arith.mulf %pack3A_793, %get3A_758 : vector<32xbf16>
        %add3A_799 = arith.addf %add3A_723, %mul3A_798 : vector<32xbf16>
        %mul3A_800 = arith.mulf %pack3A_793, %get3A_765 : vector<32xbf16>
        %add3A_801 = arith.addf %add3A_725, %mul3A_800 : vector<32xbf16>
        %slice3A_802 = vector.extract_strided_slice %select_n3A_176 {offsets = [7], sizes = [1], strides = [1]} : vector<16xf32> to vector<1xf32>
        %squeeze3A_803 = vector.extract %slice3A_802[0] : f32 from vector<1xf32>
        %broadcast_in_dim3A_804 = vector.broadcast %squeeze3A_803 : f32 to vector<16xf32>
        %pack3A_805 = tpu.pack_subelements %broadcast_in_dim3A_804, %broadcast_in_dim3A_804 {pack_format = #tpu.pack_format<interleaved>, positions = array<i32: 0, 1>} : vector<16xf32>, vector<16xf32> -> vector<32xbf16>
        %mul3A_806 = arith.mulf %pack3A_805, %get3A_744 : vector<32xbf16>
        %add3A_807 = arith.addf %add3A_731, %mul3A_806 : vector<32xbf16>
        %mul3A_808 = arith.mulf %pack3A_805, %get3A_751 : vector<32xbf16>
        %add3A_809 = arith.addf %add3A_733, %mul3A_808 : vector<32xbf16>
        %mul3A_810 = arith.mulf %pack3A_805, %get3A_758 : vector<32xbf16>
        %add3A_811 = arith.addf %add3A_735, %mul3A_810 : vector<32xbf16>
        %mul3A_812 = arith.mulf %pack3A_805, %get3A_765 : vector<32xbf16>
        %add3A_813 = arith.addf %add3A_737, %mul3A_812 : vector<32xbf16>
        %mul3A_814 = arith.constant 16 : i32
        %mul3A_815 = arith.muli %scan3A_126, %mul3A_814 : i32
        %add3A_816 = arith.constant 8 : i32
        %add3A_817 = arith.addi %mul3A_815, %add3A_816 : i32
        %get3A_818 = arith.index_cast %add3A_817 : i32 to index
        %get3A_819 = arith.constant 0 : index
        %get3A_820 = tpu.vector_load %arg12[%get3A_818, %get3A_819] {strides = array<i32>} : memref<128x128xbf16, #tpu.memory_space<vmem>>, vector<32xbf16>,
        %mul3A_821 = arith.constant 16 : i32
        %mul3A_822 = arith.muli %scan3A_126, %mul3A_821 : i32
        %add3A_823 = arith.constant 8 : i32
        %add3A_824 = arith.addi %mul3A_822, %add3A_823 : i32
        %get3A_825 = arith.index_cast %add3A_824 : i32 to index
        %get3A_826 = arith.constant 32 : index
        %get3A_827 = tpu.vector_load %arg12[%get3A_825, %get3A_826] {strides = array<i32>} : memref<128x128xbf16, #tpu.memory_space<vmem>>, vector<32xbf16>,
        %mul3A_828 = arith.constant 16 : i32
        %mul3A_829 = arith.muli %scan3A_126, %mul3A_828 : i32
        %add3A_830 = arith.constant 8 : i32
        %add3A_831 = arith.addi %mul3A_829, %add3A_830 : i32
        %get3A_832 = arith.index_cast %add3A_831 : i32 to index
        %get3A_833 = arith.constant 64 : index
        %get3A_834 = tpu.vector_load %arg12[%get3A_832, %get3A_833] {strides = array<i32>} : memref<128x128xbf16, #tpu.memory_space<vmem>>, vector<32xbf16>,
        %mul3A_835 = arith.constant 16 : i32
        %mul3A_836 = arith.muli %scan3A_126, %mul3A_835 : i32
        %add3A_837 = arith.constant 8 : i32
        %add3A_838 = arith.addi %mul3A_836, %add3A_837 : i32
        %get3A_839 = arith.index_cast %add3A_838 : i32 to index
        %get3A_840 = arith.constant 96 : index
        %get3A_841 = tpu.vector_load %arg12[%get3A_839, %get3A_840] {strides = array<i32>} : memref<128x128xbf16, #tpu.memory_space<vmem>>, vector<32xbf16>,
        %slice3A_842 = vector.extract_strided_slice %select_n3A_170 {offsets = [8], sizes = [1], strides = [1]} : vector<16xf32> to vector<1xf32>
        %squeeze3A_843 = vector.extract %slice3A_842[0] : f32 from vector<1xf32>
        %broadcast_in_dim3A_844 = vector.broadcast %squeeze3A_843 : f32 to vector<16xf32>
        %pack3A_845 = tpu.pack_subelements %broadcast_in_dim3A_844, %broadcast_in_dim3A_844 {pack_format = #tpu.pack_format<interleaved>, positions = array<i32: 0, 1>} : vector<16xf32>, vector<16xf32> -> vector<32xbf16>
        %mul3A_846 = arith.mulf %pack3A_845, %get3A_820 : vector<32xbf16>
        %add3A_847 = arith.addf %add3A_771, %mul3A_846 : vector<32xbf16>
        %mul3A_848 = arith.mulf %pack3A_845, %get3A_827 : vector<32xbf16>
        %add3A_849 = arith.addf %add3A_773, %mul3A_848 : vector<32xbf16>
        %mul3A_850 = arith.mulf %pack3A_845, %get3A_834 : vector<32xbf16>
        %add3A_851 = arith.addf %add3A_775, %mul3A_850 : vector<32xbf16>
        %mul3A_852 = arith.mulf %pack3A_845, %get3A_841 : vector<32xbf16>
        %add3A_853 = arith.addf %add3A_777, %mul3A_852 : vector<32xbf16>
        %slice3A_854 = vector.extract_strided_slice %select_n3A_172 {offsets = [8], sizes = [1], strides = [1]} : vector<16xf32> to vector<1xf32>
        %squeeze3A_855 = vector.extract %slice3A_854[0] : f32 from vector<1xf32>
        %broadcast_in_dim3A_856 = vector.broadcast %squeeze3A_855 : f32 to vector<16xf32>
        %pack3A_857 = tpu.pack_subelements %broadcast_in_dim3A_856, %broadcast_in_dim3A_856 {pack_format = #tpu.pack_format<interleaved>, positions = array<i32: 0, 1>} : vector<16xf32>, vector<16xf32> -> vector<32xbf16>
        %mul3A_858 = arith.mulf %pack3A_857, %get3A_820 : vector<32xbf16>
        %add3A_859 = arith.addf %add3A_783, %mul3A_858 : vector<32xbf16>
        %mul3A_860 = arith.mulf %pack3A_857, %get3A_827 : vector<32xbf16>
        %add3A_861 = arith.addf %add3A_785, %mul3A_860 : vector<32xbf16>
        %mul3A_862 = arith.mulf %pack3A_857, %get3A_834 : vector<32xbf16>
        %add3A_863 = arith.addf %add3A_787, %mul3A_862 : vector<32xbf16>
        %mul3A_864 = arith.mulf %pack3A_857, %get3A_841 : vector<32xbf16>
        %add3A_865 = arith.addf %add3A_789, %mul3A_864 : vector<32xbf16>
        %slice3A_866 = vector.extract_strided_slice %select_n3A_174 {offsets = [8], sizes = [1], strides = [1]} : vector<16xf32> to vector<1xf32>
        %squeeze3A_867 = vector.extract %slice3A_866[0] : f32 from vector<1xf32>
        %broadcast_in_dim3A_868 = vector.broadcast %squeeze3A_867 : f32 to vector<16xf32>
        %pack3A_869 = tpu.pack_subelements %broadcast_in_dim3A_868, %broadcast_in_dim3A_868 {pack_format = #tpu.pack_format<interleaved>, positions = array<i32: 0, 1>} : vector<16xf32>, vector<16xf32> -> vector<32xbf16>
        %mul3A_870 = arith.mulf %pack3A_869, %get3A_820 : vector<32xbf16>
        %add3A_871 = arith.addf %add3A_795, %mul3A_870 : vector<32xbf16>
        %mul3A_872 = arith.mulf %pack3A_869, %get3A_827 : vector<32xbf16>
        %add3A_873 = arith.addf %add3A_797, %mul3A_872 : vector<32xbf16>
        %mul3A_874 = arith.mulf %pack3A_869, %get3A_834 : vector<32xbf16>
        %add3A_875 = arith.addf %add3A_799, %mul3A_874 : vector<32xbf16>
        %mul3A_876 = arith.mulf %pack3A_869, %get3A_841 : vector<32xbf16>
        %add3A_877 = arith.addf %add3A_801, %mul3A_876 : vector<32xbf16>
        %slice3A_878 = vector.extract_strided_slice %select_n3A_176 {offsets = [8], sizes = [1], strides = [1]} : vector<16xf32> to vector<1xf32>
        %squeeze3A_879 = vector.extract %slice3A_878[0] : f32 from vector<1xf32>
        %broadcast_in_dim3A_880 = vector.broadcast %squeeze3A_879 : f32 to vector<16xf32>
        %pack3A_881 = tpu.pack_subelements %broadcast_in_dim3A_880, %broadcast_in_dim3A_880 {pack_format = #tpu.pack_format<interleaved>, positions = array<i32: 0, 1>} : vector<16xf32>, vector<16xf32> -> vector<32xbf16>
        %mul3A_882 = arith.mulf %pack3A_881, %get3A_820 : vector<32xbf16>
        %add3A_883 = arith.addf %add3A_807, %mul3A_882 : vector<32xbf16>
        %mul3A_884 = arith.mulf %pack3A_881, %get3A_827 : vector<32xbf16>
        %add3A_885 = arith.addf %add3A_809, %mul3A_884 : vector<32xbf16>
        %mul3A_886 = arith.mulf %pack3A_881, %get3A_834 : vector<32xbf16>
        %add3A_887 = arith.addf %add3A_811, %mul3A_886 : vector<32xbf16>
        %mul3A_888 = arith.mulf %pack3A_881, %get3A_841 : vector<32xbf16>
        %add3A_889 = arith.addf %add3A_813, %mul3A_888 : vector<32xbf16>
        %mul3A_890 = arith.constant 16 : i32
        %mul3A_891 = arith.muli %scan3A_126, %mul3A_890 : i32
        %add3A_892 = arith.constant 9 : i32
        %add3A_893 = arith.addi %mul3A_891, %add3A_892 : i32
        %get3A_894 = arith.index_cast %add3A_893 : i32 to index
        %get3A_895 = arith.constant 0 : index
        %get3A_896 = tpu.vector_load %arg12[%get3A_894, %get3A_895] {strides = array<i32>} : memref<128x128xbf16, #tpu.memory_space<vmem>>, vector<32xbf16>,
        %mul3A_897 = arith.constant 16 : i32
        %mul3A_898 = arith.muli %scan3A_126, %mul3A_897 : i32
        %add3A_899 = arith.constant 9 : i32
        %add3A_900 = arith.addi %mul3A_898, %add3A_899 : i32
        %get3A_901 = arith.index_cast %add3A_900 : i32 to index
        %get3A_902 = arith.constant 32 : index
        %get3A_903 = tpu.vector_load %arg12[%get3A_901, %get3A_902] {strides = array<i32>} : memref<128x128xbf16, #tpu.memory_space<vmem>>, vector<32xbf16>,
        %mul3A_904 = arith.constant 16 : i32
        %mul3A_905 = arith.muli %scan3A_126, %mul3A_904 : i32
        %add3A_906 = arith.constant 9 : i32
        %add3A_907 = arith.addi %mul3A_905, %add3A_906 : i32
        %get3A_908 = arith.index_cast %add3A_907 : i32 to index
        %get3A_909 = arith.constant 64 : index
        %get3A_910 = tpu.vector_load %arg12[%get3A_908, %get3A_909] {strides = array<i32>} : memref<128x128xbf16, #tpu.memory_space<vmem>>, vector<32xbf16>,
        %mul3A_911 = arith.constant 16 : i32
        %mul3A_912 = arith.muli %scan3A_126, %mul3A_911 : i32
        %add3A_913 = arith.constant 9 : i32
        %add3A_914 = arith.addi %mul3A_912, %add3A_913 : i32
        %get3A_915 = arith.index_cast %add3A_914 : i32 to index
        %get3A_916 = arith.constant 96 : index
        %get3A_917 = tpu.vector_load %arg12[%get3A_915, %get3A_916] {strides = array<i32>} : memref<128x128xbf16, #tpu.memory_space<vmem>>, vector<32xbf16>,
        %slice3A_918 = vector.extract_strided_slice %select_n3A_170 {offsets = [9], sizes = [1], strides = [1]} : vector<16xf32> to vector<1xf32>
        %squeeze3A_919 = vector.extract %slice3A_918[0] : f32 from vector<1xf32>
        %broadcast_in_dim3A_920 = vector.broadcast %squeeze3A_919 : f32 to vector<16xf32>
        %pack3A_921 = tpu.pack_subelements %broadcast_in_dim3A_920, %broadcast_in_dim3A_920 {pack_format = #tpu.pack_format<interleaved>, positions = array<i32: 0, 1>} : vector<16xf32>, vector<16xf32> -> vector<32xbf16>
        %mul3A_922 = arith.mulf %pack3A_921, %get3A_896 : vector<32xbf16>
        %add3A_923 = arith.addf %add3A_847, %mul3A_922 : vector<32xbf16>
        %mul3A_924 = arith.mulf %pack3A_921, %get3A_903 : vector<32xbf16>
        %add3A_925 = arith.addf %add3A_849, %mul3A_924 : vector<32xbf16>
        %mul3A_926 = arith.mulf %pack3A_921, %get3A_910 : vector<32xbf16>
        %add3A_927 = arith.addf %add3A_851, %mul3A_926 : vector<32xbf16>
        %mul3A_928 = arith.mulf %pack3A_921, %get3A_917 : vector<32xbf16>
        %add3A_929 = arith.addf %add3A_853, %mul3A_928 : vector<32xbf16>
        %slice3A_930 = vector.extract_strided_slice %select_n3A_172 {offsets = [9], sizes = [1], strides = [1]} : vector<16xf32> to vector<1xf32>
        %squeeze3A_931 = vector.extract %slice3A_930[0] : f32 from vector<1xf32>
        %broadcast_in_dim3A_932 = vector.broadcast %squeeze3A_931 : f32 to vector<16xf32>
        %pack3A_933 = tpu.pack_subelements %broadcast_in_dim3A_932, %broadcast_in_dim3A_932 {pack_format = #tpu.pack_format<interleaved>, positions = array<i32: 0, 1>} : vector<16xf32>, vector<16xf32> -> vector<32xbf16>
        %mul3A_934 = arith.mulf %pack3A_933, %get3A_896 : vector<32xbf16>
        %add3A_935 = arith.addf %add3A_859, %mul3A_934 : vector<32xbf16>
        %mul3A_936 = arith.mulf %pack3A_933, %get3A_903 : vector<32xbf16>
        %add3A_937 = arith.addf %add3A_861, %mul3A_936 : vector<32xbf16>
        %mul3A_938 = arith.mulf %pack3A_933, %get3A_910 : vector<32xbf16>
        %add3A_939 = arith.addf %add3A_863, %mul3A_938 : vector<32xbf16>
        %mul3A_940 = arith.mulf %pack3A_933, %get3A_917 : vector<32xbf16>
        %add3A_941 = arith.addf %add3A_865, %mul3A_940 : vector<32xbf16>
        %slice3A_942 = vector.extract_strided_slice %select_n3A_174 {offsets = [9], sizes = [1], strides = [1]} : vector<16xf32> to vector<1xf32>
        %squeeze3A_943 = vector.extract %slice3A_942[0] : f32 from vector<1xf32>
        %broadcast_in_dim3A_944 = vector.broadcast %squeeze3A_943 : f32 to vector<16xf32>
        %pack3A_945 = tpu.pack_subelements %broadcast_in_dim3A_944, %broadcast_in_dim3A_944 {pack_format = #tpu.pack_format<interleaved>, positions = array<i32: 0, 1>} : vector<16xf32>, vector<16xf32> -> vector<32xbf16>
        %mul3A_946 = arith.mulf %pack3A_945, %get3A_896 : vector<32xbf16>
        %add3A_947 = arith.addf %add3A_871, %mul3A_946 : vector<32xbf16>
        %mul3A_948 = arith.mulf %pack3A_945, %get3A_903 : vector<32xbf16>
        %add3A_949 = arith.addf %add3A_873, %mul3A_948 : vector<32xbf16>
        %mul3A_950 = arith.mulf %pack3A_945, %get3A_910 : vector<32xbf16>
        %add3A_951 = arith.addf %add3A_875, %mul3A_950 : vector<32xbf16>
        %mul3A_952 = arith.mulf %pack3A_945, %get3A_917 : vector<32xbf16>
        %add3A_953 = arith.addf %add3A_877, %mul3A_952 : vector<32xbf16>
        %slice3A_954 = vector.extract_strided_slice %select_n3A_176 {offsets = [9], sizes = [1], strides = [1]} : vector<16xf32> to vector<1xf32>
        %squeeze3A_955 = vector.extract %slice3A_954[0] : f32 from vector<1xf32>
        %broadcast_in_dim3A_956 = vector.broadcast %squeeze3A_955 : f32 to vector<16xf32>
        %pack3A_957 = tpu.pack_subelements %broadcast_in_dim3A_956, %broadcast_in_dim3A_956 {pack_format = #tpu.pack_format<interleaved>, positions = array<i32: 0, 1>} : vector<16xf32>, vector<16xf32> -> vector<32xbf16>
        %mul3A_958 = arith.mulf %pack3A_957, %get3A_896 : vector<32xbf16>
        %add3A_959 = arith.addf %add3A_883, %mul3A_958 : vector<32xbf16>
        %mul3A_960 = arith.mulf %pack3A_957, %get3A_903 : vector<32xbf16>
        %add3A_961 = arith.addf %add3A_885, %mul3A_960 : vector<32xbf16>
        %mul3A_962 = arith.mulf %pack3A_957, %get3A_910 : vector<32xbf16>
        %add3A_963 = arith.addf %add3A_887, %mul3A_962 : vector<32xbf16>
        %mul3A_964 = arith.mulf %pack3A_957, %get3A_917 : vector<32xbf16>
        %add3A_965 = arith.addf %add3A_889, %mul3A_964 : vector<32xbf16>
        %mul3A_966 = arith.constant 16 : i32
        %mul3A_967 = arith.muli %scan3A_126, %mul3A_966 : i32
        %add3A_968 = arith.constant 10 : i32
        %add3A_969 = arith.addi %mul3A_967, %add3A_968 : i32
        %get3A_970 = arith.index_cast %add3A_969 : i32 to index
        %get3A_971 = arith.constant 0 : index
        %get3A_972 = tpu.vector_load %arg12[%get3A_970, %get3A_971] {strides = array<i32>} : memref<128x128xbf16, #tpu.memory_space<vmem>>, vector<32xbf16>,
        %mul3A_973 = arith.constant 16 : i32
        %mul3A_974 = arith.muli %scan3A_126, %mul3A_973 : i32
        %add3A_975 = arith.constant 10 : i32
        %add3A_976 = arith.addi %mul3A_974, %add3A_975 : i32
        %get3A_977 = arith.index_cast %add3A_976 : i32 to index
        %get3A_978 = arith.constant 32 : index
        %get3A_979 = tpu.vector_load %arg12[%get3A_977, %get3A_978] {strides = array<i32>} : memref<128x128xbf16, #tpu.memory_space<vmem>>, vector<32xbf16>,
        %mul3A_980 = arith.constant 16 : i32
        %mul3A_981 = arith.muli %scan3A_126, %mul3A_980 : i32
        %add3A_982 = arith.constant 10 : i32
        %add3A_983 = arith.addi %mul3A_981, %add3A_982 : i32
        %get3A_984 = arith.index_cast %add3A_983 : i32 to index
        %get3A_985 = arith.constant 64 : index
        %get3A_986 = tpu.vector_load %arg12[%get3A_984, %get3A_985] {strides = array<i32>} : memref<128x128xbf16, #tpu.memory_space<vmem>>, vector<32xbf16>,
        %mul3A_987 = arith.constant 16 : i32
        %mul3A_988 = arith.muli %scan3A_126, %mul3A_987 : i32
        %add3A_989 = arith.constant 10 : i32
        %add3A_990 = arith.addi %mul3A_988, %add3A_989 : i32
        %get3A_991 = arith.index_cast %add3A_990 : i32 to index
        %get3A_992 = arith.constant 96 : index
        %get3A_993 = tpu.vector_load %arg12[%get3A_991, %get3A_992] {strides = array<i32>} : memref<128x128xbf16, #tpu.memory_space<vmem>>, vector<32xbf16>,
        %slice3A_994 = vector.extract_strided_slice %select_n3A_170 {offsets = [10], sizes = [1], strides = [1]} : vector<16xf32> to vector<1xf32>
        %squeeze3A_995 = vector.extract %slice3A_994[0] : f32 from vector<1xf32>
        %broadcast_in_dim3A_996 = vector.broadcast %squeeze3A_995 : f32 to vector<16xf32>
        %pack3A_997 = tpu.pack_subelements %broadcast_in_dim3A_996, %broadcast_in_dim3A_996 {pack_format = #tpu.pack_format<interleaved>, positions = array<i32: 0, 1>} : vector<16xf32>, vector<16xf32> -> vector<32xbf16>
        %mul3A_998 = arith.mulf %pack3A_997, %get3A_972 : vector<32xbf16>
        %add3A_999 = arith.addf %add3A_923, %mul3A_998 : vector<32xbf16>
        %mul3A_1000 = arith.mulf %pack3A_997, %get3A_979 : vector<32xbf16>
        %add3A_1001 = arith.addf %add3A_925, %mul3A_1000 : vector<32xbf16>
        %mul3A_1002 = arith.mulf %pack3A_997, %get3A_986 : vector<32xbf16>
        %add3A_1003 = arith.addf %add3A_927, %mul3A_1002 : vector<32xbf16>
        %mul3A_1004 = arith.mulf %pack3A_997, %get3A_993 : vector<32xbf16>
        %add3A_1005 = arith.addf %add3A_929, %mul3A_1004 : vector<32xbf16>
        %slice3A_1006 = vector.extract_strided_slice %select_n3A_172 {offsets = [10], sizes = [1], strides = [1]} : vector<16xf32> to vector<1xf32>
        %squeeze3A_1007 = vector.extract %slice3A_1006[0] : f32 from vector<1xf32>
        %broadcast_in_dim3A_1008 = vector.broadcast %squeeze3A_1007 : f32 to vector<16xf32>
        %pack3A_1009 = tpu.pack_subelements %broadcast_in_dim3A_1008, %broadcast_in_dim3A_1008 {pack_format = #tpu.pack_format<interleaved>, positions = array<i32: 0, 1>} : vector<16xf32>, vector<16xf32> -> vector<32xbf16>
        %mul3A_1010 = arith.mulf %pack3A_1009, %get3A_972 : vector<32xbf16>
        %add3A_1011 = arith.addf %add3A_935, %mul3A_1010 : vector<32xbf16>
        %mul3A_1012 = arith.mulf %pack3A_1009, %get3A_979 : vector<32xbf16>
        %add3A_1013 = arith.addf %add3A_937, %mul3A_1012 : vector<32xbf16>
        %mul3A_1014 = arith.mulf %pack3A_1009, %get3A_986 : vector<32xbf16>
        %add3A_1015 = arith.addf %add3A_939, %mul3A_1014 : vector<32xbf16>
        %mul3A_1016 = arith.mulf %pack3A_1009, %get3A_993 : vector<32xbf16>
        %add3A_1017 = arith.addf %add3A_941, %mul3A_1016 : vector<32xbf16>
        %slice3A_1018 = vector.extract_strided_slice %select_n3A_174 {offsets = [10], sizes = [1], strides = [1]} : vector<16xf32> to vector<1xf32>
        %squeeze3A_1019 = vector.extract %slice3A_1018[0] : f32 from vector<1xf32>
        %broadcast_in_dim3A_1020 = vector.broadcast %squeeze3A_1019 : f32 to vector<16xf32>
        %pack3A_1021 = tpu.pack_subelements %broadcast_in_dim3A_1020, %broadcast_in_dim3A_1020 {pack_format = #tpu.pack_format<interleaved>, positions = array<i32: 0, 1>} : vector<16xf32>, vector<16xf32> -> vector<32xbf16>
        %mul3A_1022 = arith.mulf %pack3A_1021, %get3A_972 : vector<32xbf16>
        %add3A_1023 = arith.addf %add3A_947, %mul3A_1022 : vector<32xbf16>
        %mul3A_1024 = arith.mulf %pack3A_1021, %get3A_979 : vector<32xbf16>
        %add3A_1025 = arith.addf %add3A_949, %mul3A_1024 : vector<32xbf16>
        %mul3A_1026 = arith.mulf %pack3A_1021, %get3A_986 : vector<32xbf16>
        %add3A_1027 = arith.addf %add3A_951, %mul3A_1026 : vector<32xbf16>
        %mul3A_1028 = arith.mulf %pack3A_1021, %get3A_993 : vector<32xbf16>
        %add3A_1029 = arith.addf %add3A_953, %mul3A_1028 : vector<32xbf16>
        %slice3A_1030 = vector.extract_strided_slice %select_n3A_176 {offsets = [10], sizes = [1], strides = [1]} : vector<16xf32> to vector<1xf32>
        %squeeze3A_1031 = vector.extract %slice3A_1030[0] : f32 from vector<1xf32>
        %broadcast_in_dim3A_1032 = vector.broadcast %squeeze3A_1031 : f32 to vector<16xf32>
        %pack3A_1033 = tpu.pack_subelements %broadcast_in_dim3A_1032, %broadcast_in_dim3A_1032 {pack_format = #tpu.pack_format<interleaved>, positions = array<i32: 0, 1>} : vector<16xf32>, vector<16xf32> -> vector<32xbf16>
        %mul3A_1034 = arith.mulf %pack3A_1033, %get3A_972 : vector<32xbf16>
        %add3A_1035 = arith.addf %add3A_959, %mul3A_1034 : vector<32xbf16>
        %mul3A_1036 = arith.mulf %pack3A_1033, %get3A_979 : vector<32xbf16>
        %add3A_1037 = arith.addf %add3A_961, %mul3A_1036 : vector<32xbf16>
        %mul3A_1038 = arith.mulf %pack3A_1033, %get3A_986 : vector<32xbf16>
        %add3A_1039 = arith.addf %add3A_963, %mul3A_1038 : vector<32xbf16>
        %mul3A_1040 = arith.mulf %pack3A_1033, %get3A_993 : vector<32xbf16>
        %add3A_1041 = arith.addf %add3A_965, %mul3A_1040 : vector<32xbf16>
        %mul3A_1042 = arith.constant 16 : i32
        %mul3A_1043 = arith.muli %scan3A_126, %mul3A_1042 : i32
        %add3A_1044 = arith.constant 11 : i32
        %add3A_1045 = arith.addi %mul3A_1043, %add3A_1044 : i32
        %get3A_1046 = arith.index_cast %add3A_1045 : i32 to index
        %get3A_1047 = arith.constant 0 : index
        %get3A_1048 = tpu.vector_load %arg12[%get3A_1046, %get3A_1047] {strides = array<i32>} : memref<128x128xbf16, #tpu.memory_space<vmem>>, vector<32xbf16>,
        %mul3A_1049 = arith.constant 16 : i32
        %mul3A_1050 = arith.muli %scan3A_126, %mul3A_1049 : i32
        %add3A_1051 = arith.constant 11 : i32
        %add3A_1052 = arith.addi %mul3A_1050, %add3A_1051 : i32
        %get3A_1053 = arith.index_cast %add3A_1052 : i32 to index
        %get3A_1054 = arith.constant 32 : index
        %get3A_1055 = tpu.vector_load %arg12[%get3A_1053, %get3A_1054] {strides = array<i32>} : memref<128x128xbf16, #tpu.memory_space<vmem>>, vector<32xbf16>,
        %mul3A_1056 = arith.constant 16 : i32
        %mul3A_1057 = arith.muli %scan3A_126, %mul3A_1056 : i32
        %add3A_1058 = arith.constant 11 : i32
        %add3A_1059 = arith.addi %mul3A_1057, %add3A_1058 : i32
        %get3A_1060 = arith.index_cast %add3A_1059 : i32 to index
        %get3A_1061 = arith.constant 64 : index
        %get3A_1062 = tpu.vector_load %arg12[%get3A_1060, %get3A_1061] {strides = array<i32>} : memref<128x128xbf16, #tpu.memory_space<vmem>>, vector<32xbf16>,
        %mul3A_1063 = arith.constant 16 : i32
        %mul3A_1064 = arith.muli %scan3A_126, %mul3A_1063 : i32
        %add3A_1065 = arith.constant 11 : i32
        %add3A_1066 = arith.addi %mul3A_1064, %add3A_1065 : i32
        %get3A_1067 = arith.index_cast %add3A_1066 : i32 to index
        %get3A_1068 = arith.constant 96 : index
        %get3A_1069 = tpu.vector_load %arg12[%get3A_1067, %get3A_1068] {strides = array<i32>} : memref<128x128xbf16, #tpu.memory_space<vmem>>, vector<32xbf16>,
        %slice3A_1070 = vector.extract_strided_slice %select_n3A_170 {offsets = [11], sizes = [1], strides = [1]} : vector<16xf32> to vector<1xf32>
        %squeeze3A_1071 = vector.extract %slice3A_1070[0] : f32 from vector<1xf32>
        %broadcast_in_dim3A_1072 = vector.broadcast %squeeze3A_1071 : f32 to vector<16xf32>
        %pack3A_1073 = tpu.pack_subelements %broadcast_in_dim3A_1072, %broadcast_in_dim3A_1072 {pack_format = #tpu.pack_format<interleaved>, positions = array<i32: 0, 1>} : vector<16xf32>, vector<16xf32> -> vector<32xbf16>
        %mul3A_1074 = arith.mulf %pack3A_1073, %get3A_1048 : vector<32xbf16>
        %add3A_1075 = arith.addf %add3A_999, %mul3A_1074 : vector<32xbf16>
        %mul3A_1076 = arith.mulf %pack3A_1073, %get3A_1055 : vector<32xbf16>
        %add3A_1077 = arith.addf %add3A_1001, %mul3A_1076 : vector<32xbf16>
        %mul3A_1078 = arith.mulf %pack3A_1073, %get3A_1062 : vector<32xbf16>
        %add3A_1079 = arith.addf %add3A_1003, %mul3A_1078 : vector<32xbf16>
        %mul3A_1080 = arith.mulf %pack3A_1073, %get3A_1069 : vector<32xbf16>
        %add3A_1081 = arith.addf %add3A_1005, %mul3A_1080 : vector<32xbf16>
        %slice3A_1082 = vector.extract_strided_slice %select_n3A_172 {offsets = [11], sizes = [1], strides = [1]} : vector<16xf32> to vector<1xf32>
        %squeeze3A_1083 = vector.extract %slice3A_1082[0] : f32 from vector<1xf32>
        %broadcast_in_dim3A_1084 = vector.broadcast %squeeze3A_1083 : f32 to vector<16xf32>
        %pack3A_1085 = tpu.pack_subelements %broadcast_in_dim3A_1084, %broadcast_in_dim3A_1084 {pack_format = #tpu.pack_format<interleaved>, positions = array<i32: 0, 1>} : vector<16xf32>, vector<16xf32> -> vector<32xbf16>
        %mul3A_1086 = arith.mulf %pack3A_1085, %get3A_1048 : vector<32xbf16>
        %add3A_1087 = arith.addf %add3A_1011, %mul3A_1086 : vector<32xbf16>
        %mul3A_1088 = arith.mulf %pack3A_1085, %get3A_1055 : vector<32xbf16>
        %add3A_1089 = arith.addf %add3A_1013, %mul3A_1088 : vector<32xbf16>
        %mul3A_1090 = arith.mulf %pack3A_1085, %get3A_1062 : vector<32xbf16>
        %add3A_1091 = arith.addf %add3A_1015, %mul3A_1090 : vector<32xbf16>
        %mul3A_1092 = arith.mulf %pack3A_1085, %get3A_1069 : vector<32xbf16>
        %add3A_1093 = arith.addf %add3A_1017, %mul3A_1092 : vector<32xbf16>
        %slice3A_1094 = vector.extract_strided_slice %select_n3A_174 {offsets = [11], sizes = [1], strides = [1]} : vector<16xf32> to vector<1xf32>
        %squeeze3A_1095 = vector.extract %slice3A_1094[0] : f32 from vector<1xf32>
        %broadcast_in_dim3A_1096 = vector.broadcast %squeeze3A_1095 : f32 to vector<16xf32>
        %pack3A_1097 = tpu.pack_subelements %broadcast_in_dim3A_1096, %broadcast_in_dim3A_1096 {pack_format = #tpu.pack_format<interleaved>, positions = array<i32: 0, 1>} : vector<16xf32>, vector<16xf32> -> vector<32xbf16>
        %mul3A_1098 = arith.mulf %pack3A_1097, %get3A_1048 : vector<32xbf16>
        %add3A_1099 = arith.addf %add3A_1023, %mul3A_1098 : vector<32xbf16>
        %mul3A_1100 = arith.mulf %pack3A_1097, %get3A_1055 : vector<32xbf16>
        %add3A_1101 = arith.addf %add3A_1025, %mul3A_1100 : vector<32xbf16>
        %mul3A_1102 = arith.mulf %pack3A_1097, %get3A_1062 : vector<32xbf16>
        %add3A_1103 = arith.addf %add3A_1027, %mul3A_1102 : vector<32xbf16>
        %mul3A_1104 = arith.mulf %pack3A_1097, %get3A_1069 : vector<32xbf16>
        %add3A_1105 = arith.addf %add3A_1029, %mul3A_1104 : vector<32xbf16>
        %slice3A_1106 = vector.extract_strided_slice %select_n3A_176 {offsets = [11], sizes = [1], strides = [1]} : vector<16xf32> to vector<1xf32>
        %squeeze3A_1107 = vector.extract %slice3A_1106[0] : f32 from vector<1xf32>
        %broadcast_in_dim3A_1108 = vector.broadcast %squeeze3A_1107 : f32 to vector<16xf32>
        %pack3A_1109 = tpu.pack_subelements %broadcast_in_dim3A_1108, %broadcast_in_dim3A_1108 {pack_format = #tpu.pack_format<interleaved>, positions = array<i32: 0, 1>} : vector<16xf32>, vector<16xf32> -> vector<32xbf16>
        %mul3A_1110 = arith.mulf %pack3A_1109, %get3A_1048 : vector<32xbf16>
        %add3A_1111 = arith.addf %add3A_1035, %mul3A_1110 : vector<32xbf16>
        %mul3A_1112 = arith.mulf %pack3A_1109, %get3A_1055 : vector<32xbf16>
        %add3A_1113 = arith.addf %add3A_1037, %mul3A_1112 : vector<32xbf16>
        %mul3A_1114 = arith.mulf %pack3A_1109, %get3A_1062 : vector<32xbf16>
        %add3A_1115 = arith.addf %add3A_1039, %mul3A_1114 : vector<32xbf16>
        %mul3A_1116 = arith.mulf %pack3A_1109, %get3A_1069 : vector<32xbf16>
        %add3A_1117 = arith.addf %add3A_1041, %mul3A_1116 : vector<32xbf16>
        %mul3A_1118 = arith.constant 16 : i32
        %mul3A_1119 = arith.muli %scan3A_126, %mul3A_1118 : i32
        %add3A_1120 = arith.constant 12 : i32
        %add3A_1121 = arith.addi %mul3A_1119, %add3A_1120 : i32
        %get3A_1122 = arith.index_cast %add3A_1121 : i32 to index
        %get3A_1123 = arith.constant 0 : index
        %get3A_1124 = tpu.vector_load %arg12[%get3A_1122, %get3A_1123] {strides = array<i32>} : memref<128x128xbf16, #tpu.memory_space<vmem>>, vector<32xbf16>,
        %mul3A_1125 = arith.constant 16 : i32
        %mul3A_1126 = arith.muli %scan3A_126, %mul3A_1125 : i32
        %add3A_1127 = arith.constant 12 : i32
        %add3A_1128 = arith.addi %mul3A_1126, %add3A_1127 : i32
        %get3A_1129 = arith.index_cast %add3A_1128 : i32 to index
        %get3A_1130 = arith.constant 32 : index
        %get3A_1131 = tpu.vector_load %arg12[%get3A_1129, %get3A_1130] {strides = array<i32>} : memref<128x128xbf16, #tpu.memory_space<vmem>>, vector<32xbf16>,
        %mul3A_1132 = arith.constant 16 : i32
        %mul3A_1133 = arith.muli %scan3A_126, %mul3A_1132 : i32
        %add3A_1134 = arith.constant 12 : i32
        %add3A_1135 = arith.addi %mul3A_1133, %add3A_1134 : i32
        %get3A_1136 = arith.index_cast %add3A_1135 : i32 to index
        %get3A_1137 = arith.constant 64 : index
        %get3A_1138 = tpu.vector_load %arg12[%get3A_1136, %get3A_1137] {strides = array<i32>} : memref<128x128xbf16, #tpu.memory_space<vmem>>, vector<32xbf16>,
        %mul3A_1139 = arith.constant 16 : i32
        %mul3A_1140 = arith.muli %scan3A_126, %mul3A_1139 : i32
        %add3A_1141 = arith.constant 12 : i32
        %add3A_1142 = arith.addi %mul3A_1140, %add3A_1141 : i32
        %get3A_1143 = arith.index_cast %add3A_1142 : i32 to index
        %get3A_1144 = arith.constant 96 : index
        %get3A_1145 = tpu.vector_load %arg12[%get3A_1143, %get3A_1144] {strides = array<i32>} : memref<128x128xbf16, #tpu.memory_space<vmem>>, vector<32xbf16>,
        %slice3A_1146 = vector.extract_strided_slice %select_n3A_170 {offsets = [12], sizes = [1], strides = [1]} : vector<16xf32> to vector<1xf32>
        %squeeze3A_1147 = vector.extract %slice3A_1146[0] : f32 from vector<1xf32>
        %broadcast_in_dim3A_1148 = vector.broadcast %squeeze3A_1147 : f32 to vector<16xf32>
        %pack3A_1149 = tpu.pack_subelements %broadcast_in_dim3A_1148, %broadcast_in_dim3A_1148 {pack_format = #tpu.pack_format<interleaved>, positions = array<i32: 0, 1>} : vector<16xf32>, vector<16xf32> -> vector<32xbf16>
        %mul3A_1150 = arith.mulf %pack3A_1149, %get3A_1124 : vector<32xbf16>
        %add3A_1151 = arith.addf %add3A_1075, %mul3A_1150 : vector<32xbf16>
        %mul3A_1152 = arith.mulf %pack3A_1149, %get3A_1131 : vector<32xbf16>
        %add3A_1153 = arith.addf %add3A_1077, %mul3A_1152 : vector<32xbf16>
        %mul3A_1154 = arith.mulf %pack3A_1149, %get3A_1138 : vector<32xbf16>
        %add3A_1155 = arith.addf %add3A_1079, %mul3A_1154 : vector<32xbf16>
        %mul3A_1156 = arith.mulf %pack3A_1149, %get3A_1145 : vector<32xbf16>
        %add3A_1157 = arith.addf %add3A_1081, %mul3A_1156 : vector<32xbf16>
        %slice3A_1158 = vector.extract_strided_slice %select_n3A_172 {offsets = [12], sizes = [1], strides = [1]} : vector<16xf32> to vector<1xf32>
        %squeeze3A_1159 = vector.extract %slice3A_1158[0] : f32 from vector<1xf32>
        %broadcast_in_dim3A_1160 = vector.broadcast %squeeze3A_1159 : f32 to vector<16xf32>
        %pack3A_1161 = tpu.pack_subelements %broadcast_in_dim3A_1160, %broadcast_in_dim3A_1160 {pack_format = #tpu.pack_format<interleaved>, positions = array<i32: 0, 1>} : vector<16xf32>, vector<16xf32> -> vector<32xbf16>
        %mul3A_1162 = arith.mulf %pack3A_1161, %get3A_1124 : vector<32xbf16>
        %add3A_1163 = arith.addf %add3A_1087, %mul3A_1162 : vector<32xbf16>
        %mul3A_1164 = arith.mulf %pack3A_1161, %get3A_1131 : vector<32xbf16>
        %add3A_1165 = arith.addf %add3A_1089, %mul3A_1164 : vector<32xbf16>
        %mul3A_1166 = arith.mulf %pack3A_1161, %get3A_1138 : vector<32xbf16>
        %add3A_1167 = arith.addf %add3A_1091, %mul3A_1166 : vector<32xbf16>
        %mul3A_1168 = arith.mulf %pack3A_1161, %get3A_1145 : vector<32xbf16>
        %add3A_1169 = arith.addf %add3A_1093, %mul3A_1168 : vector<32xbf16>
        %slice3A_1170 = vector.extract_strided_slice %select_n3A_174 {offsets = [12], sizes = [1], strides = [1]} : vector<16xf32> to vector<1xf32>
        %squeeze3A_1171 = vector.extract %slice3A_1170[0] : f32 from vector<1xf32>
        %broadcast_in_dim3A_1172 = vector.broadcast %squeeze3A_1171 : f32 to vector<16xf32>
        %pack3A_1173 = tpu.pack_subelements %broadcast_in_dim3A_1172, %broadcast_in_dim3A_1172 {pack_format = #tpu.pack_format<interleaved>, positions = array<i32: 0, 1>} : vector<16xf32>, vector<16xf32> -> vector<32xbf16>
        %mul3A_1174 = arith.mulf %pack3A_1173, %get3A_1124 : vector<32xbf16>
        %add3A_1175 = arith.addf %add3A_1099, %mul3A_1174 : vector<32xbf16>
        %mul3A_1176 = arith.mulf %pack3A_1173, %get3A_1131 : vector<32xbf16>
        %add3A_1177 = arith.addf %add3A_1101, %mul3A_1176 : vector<32xbf16>
        %mul3A_1178 = arith.mulf %pack3A_1173, %get3A_1138 : vector<32xbf16>
        %add3A_1179 = arith.addf %add3A_1103, %mul3A_1178 : vector<32xbf16>
        %mul3A_1180 = arith.mulf %pack3A_1173, %get3A_1145 : vector<32xbf16>
        %add3A_1181 = arith.addf %add3A_1105, %mul3A_1180 : vector<32xbf16>
        %slice3A_1182 = vector.extract_strided_slice %select_n3A_176 {offsets = [12], sizes = [1], strides = [1]} : vector<16xf32> to vector<1xf32>
        %squeeze3A_1183 = vector.extract %slice3A_1182[0] : f32 from vector<1xf32>
        %broadcast_in_dim3A_1184 = vector.broadcast %squeeze3A_1183 : f32 to vector<16xf32>
        %pack3A_1185 = tpu.pack_subelements %broadcast_in_dim3A_1184, %broadcast_in_dim3A_1184 {pack_format = #tpu.pack_format<interleaved>, positions = array<i32: 0, 1>} : vector<16xf32>, vector<16xf32> -> vector<32xbf16>
        %mul3A_1186 = arith.mulf %pack3A_1185, %get3A_1124 : vector<32xbf16>
        %add3A_1187 = arith.addf %add3A_1111, %mul3A_1186 : vector<32xbf16>
        %mul3A_1188 = arith.mulf %pack3A_1185, %get3A_1131 : vector<32xbf16>
        %add3A_1189 = arith.addf %add3A_1113, %mul3A_1188 : vector<32xbf16>
        %mul3A_1190 = arith.mulf %pack3A_1185, %get3A_1138 : vector<32xbf16>
        %add3A_1191 = arith.addf %add3A_1115, %mul3A_1190 : vector<32xbf16>
        %mul3A_1192 = arith.mulf %pack3A_1185, %get3A_1145 : vector<32xbf16>
        %add3A_1193 = arith.addf %add3A_1117, %mul3A_1192 : vector<32xbf16>
        %mul3A_1194 = arith.constant 16 : i32
        %mul3A_1195 = arith.muli %scan3A_126, %mul3A_1194 : i32
        %add3A_1196 = arith.constant 13 : i32
        %add3A_1197 = arith.addi %mul3A_1195, %add3A_1196 : i32
        %get3A_1198 = arith.index_cast %add3A_1197 : i32 to index
        %get3A_1199 = arith.constant 0 : index
        %get3A_1200 = tpu.vector_load %arg12[%get3A_1198, %get3A_1199] {strides = array<i32>} : memref<128x128xbf16, #tpu.memory_space<vmem>>, vector<32xbf16>,
        %mul3A_1201 = arith.constant 16 : i32
        %mul3A_1202 = arith.muli %scan3A_126, %mul3A_1201 : i32
        %add3A_1203 = arith.constant 13 : i32
        %add3A_1204 = arith.addi %mul3A_1202, %add3A_1203 : i32
        %get3A_1205 = arith.index_cast %add3A_1204 : i32 to index
        %get3A_1206 = arith.constant 32 : index
        %get3A_1207 = tpu.vector_load %arg12[%get3A_1205, %get3A_1206] {strides = array<i32>} : memref<128x128xbf16, #tpu.memory_space<vmem>>, vector<32xbf16>,
        %mul3A_1208 = arith.constant 16 : i32
        %mul3A_1209 = arith.muli %scan3A_126, %mul3A_1208 : i32
        %add3A_1210 = arith.constant 13 : i32
        %add3A_1211 = arith.addi %mul3A_1209, %add3A_1210 : i32
        %get3A_1212 = arith.index_cast %add3A_1211 : i32 to index
        %get3A_1213 = arith.constant 64 : index
        %get3A_1214 = tpu.vector_load %arg12[%get3A_1212, %get3A_1213] {strides = array<i32>} : memref<128x128xbf16, #tpu.memory_space<vmem>>, vector<32xbf16>,
        %mul3A_1215 = arith.constant 16 : i32
        %mul3A_1216 = arith.muli %scan3A_126, %mul3A_1215 : i32
        %add3A_1217 = arith.constant 13 : i32
        %add3A_1218 = arith.addi %mul3A_1216, %add3A_1217 : i32
        %get3A_1219 = arith.index_cast %add3A_1218 : i32 to index
        %get3A_1220 = arith.constant 96 : index
        %get3A_1221 = tpu.vector_load %arg12[%get3A_1219, %get3A_1220] {strides = array<i32>} : memref<128x128xbf16, #tpu.memory_space<vmem>>, vector<32xbf16>,
        %slice3A_1222 = vector.extract_strided_slice %select_n3A_170 {offsets = [13], sizes = [1], strides = [1]} : vector<16xf32> to vector<1xf32>
        %squeeze3A_1223 = vector.extract %slice3A_1222[0] : f32 from vector<1xf32>
        %broadcast_in_dim3A_1224 = vector.broadcast %squeeze3A_1223 : f32 to vector<16xf32>
        %pack3A_1225 = tpu.pack_subelements %broadcast_in_dim3A_1224, %broadcast_in_dim3A_1224 {pack_format = #tpu.pack_format<interleaved>, positions = array<i32: 0, 1>} : vector<16xf32>, vector<16xf32> -> vector<32xbf16>
        %mul3A_1226 = arith.mulf %pack3A_1225, %get3A_1200 : vector<32xbf16>
        %add3A_1227 = arith.addf %add3A_1151, %mul3A_1226 : vector<32xbf16>
        %mul3A_1228 = arith.mulf %pack3A_1225, %get3A_1207 : vector<32xbf16>
        %add3A_1229 = arith.addf %add3A_1153, %mul3A_1228 : vector<32xbf16>
        %mul3A_1230 = arith.mulf %pack3A_1225, %get3A_1214 : vector<32xbf16>
        %add3A_1231 = arith.addf %add3A_1155, %mul3A_1230 : vector<32xbf16>
        %mul3A_1232 = arith.mulf %pack3A_1225, %get3A_1221 : vector<32xbf16>
        %add3A_1233 = arith.addf %add3A_1157, %mul3A_1232 : vector<32xbf16>
        %slice3A_1234 = vector.extract_strided_slice %select_n3A_172 {offsets = [13], sizes = [1], strides = [1]} : vector<16xf32> to vector<1xf32>
        %squeeze3A_1235 = vector.extract %slice3A_1234[0] : f32 from vector<1xf32>
        %broadcast_in_dim3A_1236 = vector.broadcast %squeeze3A_1235 : f32 to vector<16xf32>
        %pack3A_1237 = tpu.pack_subelements %broadcast_in_dim3A_1236, %broadcast_in_dim3A_1236 {pack_format = #tpu.pack_format<interleaved>, positions = array<i32: 0, 1>} : vector<16xf32>, vector<16xf32> -> vector<32xbf16>
        %mul3A_1238 = arith.mulf %pack3A_1237, %get3A_1200 : vector<32xbf16>
        %add3A_1239 = arith.addf %add3A_1163, %mul3A_1238 : vector<32xbf16>
        %mul3A_1240 = arith.mulf %pack3A_1237, %get3A_1207 : vector<32xbf16>
        %add3A_1241 = arith.addf %add3A_1165, %mul3A_1240 : vector<32xbf16>
        %mul3A_1242 = arith.mulf %pack3A_1237, %get3A_1214 : vector<32xbf16>
        %add3A_1243 = arith.addf %add3A_1167, %mul3A_1242 : vector<32xbf16>
        %mul3A_1244 = arith.mulf %pack3A_1237, %get3A_1221 : vector<32xbf16>
        %add3A_1245 = arith.addf %add3A_1169, %mul3A_1244 : vector<32xbf16>
        %slice3A_1246 = vector.extract_strided_slice %select_n3A_174 {offsets = [13], sizes = [1], strides = [1]} : vector<16xf32> to vector<1xf32>
        %squeeze3A_1247 = vector.extract %slice3A_1246[0] : f32 from vector<1xf32>
        %broadcast_in_dim3A_1248 = vector.broadcast %squeeze3A_1247 : f32 to vector<16xf32>
        %pack3A_1249 = tpu.pack_subelements %broadcast_in_dim3A_1248, %broadcast_in_dim3A_1248 {pack_format = #tpu.pack_format<interleaved>, positions = array<i32: 0, 1>} : vector<16xf32>, vector<16xf32> -> vector<32xbf16>
        %mul3A_1250 = arith.mulf %pack3A_1249, %get3A_1200 : vector<32xbf16>
        %add3A_1251 = arith.addf %add3A_1175, %mul3A_1250 : vector<32xbf16>
        %mul3A_1252 = arith.mulf %pack3A_1249, %get3A_1207 : vector<32xbf16>
        %add3A_1253 = arith.addf %add3A_1177, %mul3A_1252 : vector<32xbf16>
        %mul3A_1254 = arith.mulf %pack3A_1249, %get3A_1214 : vector<32xbf16>
        %add3A_1255 = arith.addf %add3A_1179, %mul3A_1254 : vector<32xbf16>
        %mul3A_1256 = arith.mulf %pack3A_1249, %get3A_1221 : vector<32xbf16>
        %add3A_1257 = arith.addf %add3A_1181, %mul3A_1256 : vector<32xbf16>
        %slice3A_1258 = vector.extract_strided_slice %select_n3A_176 {offsets = [13], sizes = [1], strides = [1]} : vector<16xf32> to vector<1xf32>
        %squeeze3A_1259 = vector.extract %slice3A_1258[0] : f32 from vector<1xf32>
        %broadcast_in_dim3A_1260 = vector.broadcast %squeeze3A_1259 : f32 to vector<16xf32>
        %pack3A_1261 = tpu.pack_subelements %broadcast_in_dim3A_1260, %broadcast_in_dim3A_1260 {pack_format = #tpu.pack_format<interleaved>, positions = array<i32: 0, 1>} : vector<16xf32>, vector<16xf32> -> vector<32xbf16>
        %mul3A_1262 = arith.mulf %pack3A_1261, %get3A_1200 : vector<32xbf16>
        %add3A_1263 = arith.addf %add3A_1187, %mul3A_1262 : vector<32xbf16>
        %mul3A_1264 = arith.mulf %pack3A_1261, %get3A_1207 : vector<32xbf16>
        %add3A_1265 = arith.addf %add3A_1189, %mul3A_1264 : vector<32xbf16>
        %mul3A_1266 = arith.mulf %pack3A_1261, %get3A_1214 : vector<32xbf16>
        %add3A_1267 = arith.addf %add3A_1191, %mul3A_1266 : vector<32xbf16>
        %mul3A_1268 = arith.mulf %pack3A_1261, %get3A_1221 : vector<32xbf16>
        %add3A_1269 = arith.addf %add3A_1193, %mul3A_1268 : vector<32xbf16>
        %mul3A_1270 = arith.constant 16 : i32
        %mul3A_1271 = arith.muli %scan3A_126, %mul3A_1270 : i32
        %add3A_1272 = arith.constant 14 : i32
        %add3A_1273 = arith.addi %mul3A_1271, %add3A_1272 : i32
        %get3A_1274 = arith.index_cast %add3A_1273 : i32 to index
        %get3A_1275 = arith.constant 0 : index
        %get3A_1276 = tpu.vector_load %arg12[%get3A_1274, %get3A_1275] {strides = array<i32>} : memref<128x128xbf16, #tpu.memory_space<vmem>>, vector<32xbf16>,
        %mul3A_1277 = arith.constant 16 : i32
        %mul3A_1278 = arith.muli %scan3A_126, %mul3A_1277 : i32
        %add3A_1279 = arith.constant 14 : i32
        %add3A_1280 = arith.addi %mul3A_1278, %add3A_1279 : i32
        %get3A_1281 = arith.index_cast %add3A_1280 : i32 to index
        %get3A_1282 = arith.constant 32 : index
        %get3A_1283 = tpu.vector_load %arg12[%get3A_1281, %get3A_1282] {strides = array<i32>} : memref<128x128xbf16, #tpu.memory_space<vmem>>, vector<32xbf16>,
        %mul3A_1284 = arith.constant 16 : i32
        %mul3A_1285 = arith.muli %scan3A_126, %mul3A_1284 : i32
        %add3A_1286 = arith.constant 14 : i32
        %add3A_1287 = arith.addi %mul3A_1285, %add3A_1286 : i32
        %get3A_1288 = arith.index_cast %add3A_1287 : i32 to index
        %get3A_1289 = arith.constant 64 : index
        %get3A_1290 = tpu.vector_load %arg12[%get3A_1288, %get3A_1289] {strides = array<i32>} : memref<128x128xbf16, #tpu.memory_space<vmem>>, vector<32xbf16>,
        %mul3A_1291 = arith.constant 16 : i32
        %mul3A_1292 = arith.muli %scan3A_126, %mul3A_1291 : i32
        %add3A_1293 = arith.constant 14 : i32
        %add3A_1294 = arith.addi %mul3A_1292, %add3A_1293 : i32
        %get3A_1295 = arith.index_cast %add3A_1294 : i32 to index
        %get3A_1296 = arith.constant 96 : index
        %get3A_1297 = tpu.vector_load %arg12[%get3A_1295, %get3A_1296] {strides = array<i32>} : memref<128x128xbf16, #tpu.memory_space<vmem>>, vector<32xbf16>,
        %slice3A_1298 = vector.extract_strided_slice %select_n3A_170 {offsets = [14], sizes = [1], strides = [1]} : vector<16xf32> to vector<1xf32>
        %squeeze3A_1299 = vector.extract %slice3A_1298[0] : f32 from vector<1xf32>
        %broadcast_in_dim3A_1300 = vector.broadcast %squeeze3A_1299 : f32 to vector<16xf32>
        %pack3A_1301 = tpu.pack_subelements %broadcast_in_dim3A_1300, %broadcast_in_dim3A_1300 {pack_format = #tpu.pack_format<interleaved>, positions = array<i32: 0, 1>} : vector<16xf32>, vector<16xf32> -> vector<32xbf16>
        %mul3A_1302 = arith.mulf %pack3A_1301, %get3A_1276 : vector<32xbf16>
        %add3A_1303 = arith.addf %add3A_1227, %mul3A_1302 : vector<32xbf16>
        %mul3A_1304 = arith.mulf %pack3A_1301, %get3A_1283 : vector<32xbf16>
        %add3A_1305 = arith.addf %add3A_1229, %mul3A_1304 : vector<32xbf16>
        %mul3A_1306 = arith.mulf %pack3A_1301, %get3A_1290 : vector<32xbf16>
        %add3A_1307 = arith.addf %add3A_1231, %mul3A_1306 : vector<32xbf16>
        %mul3A_1308 = arith.mulf %pack3A_1301, %get3A_1297 : vector<32xbf16>
        %add3A_1309 = arith.addf %add3A_1233, %mul3A_1308 : vector<32xbf16>
        %slice3A_1310 = vector.extract_strided_slice %select_n3A_172 {offsets = [14], sizes = [1], strides = [1]} : vector<16xf32> to vector<1xf32>
        %squeeze3A_1311 = vector.extract %slice3A_1310[0] : f32 from vector<1xf32>
        %broadcast_in_dim3A_1312 = vector.broadcast %squeeze3A_1311 : f32 to vector<16xf32>
        %pack3A_1313 = tpu.pack_subelements %broadcast_in_dim3A_1312, %broadcast_in_dim3A_1312 {pack_format = #tpu.pack_format<interleaved>, positions = array<i32: 0, 1>} : vector<16xf32>, vector<16xf32> -> vector<32xbf16>
        %mul3A_1314 = arith.mulf %pack3A_1313, %get3A_1276 : vector<32xbf16>
        %add3A_1315 = arith.addf %add3A_1239, %mul3A_1314 : vector<32xbf16>
        %mul3A_1316 = arith.mulf %pack3A_1313, %get3A_1283 : vector<32xbf16>
        %add3A_1317 = arith.addf %add3A_1241, %mul3A_1316 : vector<32xbf16>
        %mul3A_1318 = arith.mulf %pack3A_1313, %get3A_1290 : vector<32xbf16>
        %add3A_1319 = arith.addf %add3A_1243, %mul3A_1318 : vector<32xbf16>
        %mul3A_1320 = arith.mulf %pack3A_1313, %get3A_1297 : vector<32xbf16>
        %add3A_1321 = arith.addf %add3A_1245, %mul3A_1320 : vector<32xbf16>
        %slice3A_1322 = vector.extract_strided_slice %select_n3A_174 {offsets = [14], sizes = [1], strides = [1]} : vector<16xf32> to vector<1xf32>
        %squeeze3A_1323 = vector.extract %slice3A_1322[0] : f32 from vector<1xf32>
        %broadcast_in_dim3A_1324 = vector.broadcast %squeeze3A_1323 : f32 to vector<16xf32>
        %pack3A_1325 = tpu.pack_subelements %broadcast_in_dim3A_1324, %broadcast_in_dim3A_1324 {pack_format = #tpu.pack_format<interleaved>, positions = array<i32: 0, 1>} : vector<16xf32>, vector<16xf32> -> vector<32xbf16>
        %mul3A_1326 = arith.mulf %pack3A_1325, %get3A_1276 : vector<32xbf16>
        %add3A_1327 = arith.addf %add3A_1251, %mul3A_1326 : vector<32xbf16>
        %mul3A_1328 = arith.mulf %pack3A_1325, %get3A_1283 : vector<32xbf16>
        %add3A_1329 = arith.addf %add3A_1253, %mul3A_1328 : vector<32xbf16>
        %mul3A_1330 = arith.mulf %pack3A_1325, %get3A_1290 : vector<32xbf16>
        %add3A_1331 = arith.addf %add3A_1255, %mul3A_1330 : vector<32xbf16>
        %mul3A_1332 = arith.mulf %pack3A_1325, %get3A_1297 : vector<32xbf16>
        %add3A_1333 = arith.addf %add3A_1257, %mul3A_1332 : vector<32xbf16>
        %slice3A_1334 = vector.extract_strided_slice %select_n3A_176 {offsets = [14], sizes = [1], strides = [1]} : vector<16xf32> to vector<1xf32>
        %squeeze3A_1335 = vector.extract %slice3A_1334[0] : f32 from vector<1xf32>
        %broadcast_in_dim3A_1336 = vector.broadcast %squeeze3A_1335 : f32 to vector<16xf32>
        %pack3A_1337 = tpu.pack_subelements %broadcast_in_dim3A_1336, %broadcast_in_dim3A_1336 {pack_format = #tpu.pack_format<interleaved>, positions = array<i32: 0, 1>} : vector<16xf32>, vector<16xf32> -> vector<32xbf16>
        %mul3A_1338 = arith.mulf %pack3A_1337, %get3A_1276 : vector<32xbf16>
        %add3A_1339 = arith.addf %add3A_1263, %mul3A_1338 : vector<32xbf16>
        %mul3A_1340 = arith.mulf %pack3A_1337, %get3A_1283 : vector<32xbf16>
        %add3A_1341 = arith.addf %add3A_1265, %mul3A_1340 : vector<32xbf16>
        %mul3A_1342 = arith.mulf %pack3A_1337, %get3A_1290 : vector<32xbf16>
        %add3A_1343 = arith.addf %add3A_1267, %mul3A_1342 : vector<32xbf16>
        %mul3A_1344 = arith.mulf %pack3A_1337, %get3A_1297 : vector<32xbf16>
        %add3A_1345 = arith.addf %add3A_1269, %mul3A_1344 : vector<32xbf16>
        %mul3A_1346 = arith.constant 16 : i32
        %mul3A_1347 = arith.muli %scan3A_126, %mul3A_1346 : i32
        %add3A_1348 = arith.constant 15 : i32
        %add3A_1349 = arith.addi %mul3A_1347, %add3A_1348 : i32
        %get3A_1350 = arith.index_cast %add3A_1349 : i32 to index
        %get3A_1351 = arith.constant 0 : index
        %get3A_1352 = tpu.vector_load %arg12[%get3A_1350, %get3A_1351] {strides = array<i32>} : memref<128x128xbf16, #tpu.memory_space<vmem>>, vector<32xbf16>,
        %mul3A_1353 = arith.constant 16 : i32
        %mul3A_1354 = arith.muli %scan3A_126, %mul3A_1353 : i32
        %add3A_1355 = arith.constant 15 : i32
        %add3A_1356 = arith.addi %mul3A_1354, %add3A_1355 : i32
        %get3A_1357 = arith.index_cast %add3A_1356 : i32 to index
        %get3A_1358 = arith.constant 32 : index
        %get3A_1359 = tpu.vector_load %arg12[%get3A_1357, %get3A_1358] {strides = array<i32>} : memref<128x128xbf16, #tpu.memory_space<vmem>>, vector<32xbf16>,
        %mul3A_1360 = arith.constant 16 : i32
        %mul3A_1361 = arith.muli %scan3A_126, %mul3A_1360 : i32
        %add3A_1362 = arith.constant 15 : i32
        %add3A_1363 = arith.addi %mul3A_1361, %add3A_1362 : i32
        %get3A_1364 = arith.index_cast %add3A_1363 : i32 to index
        %get3A_1365 = arith.constant 64 : index
        %get3A_1366 = tpu.vector_load %arg12[%get3A_1364, %get3A_1365] {strides = array<i32>} : memref<128x128xbf16, #tpu.memory_space<vmem>>, vector<32xbf16>,
        %mul3A_1367 = arith.constant 16 : i32
        %mul3A_1368 = arith.muli %scan3A_126, %mul3A_1367 : i32
        %add3A_1369 = arith.constant 15 : i32
        %add3A_1370 = arith.addi %mul3A_1368, %add3A_1369 : i32
        %get3A_1371 = arith.index_cast %add3A_1370 : i32 to index
        %get3A_1372 = arith.constant 96 : index
        %get3A_1373 = tpu.vector_load %arg12[%get3A_1371, %get3A_1372] {strides = array<i32>} : memref<128x128xbf16, #tpu.memory_space<vmem>>, vector<32xbf16>,
        %slice3A_1374 = vector.extract_strided_slice %select_n3A_170 {offsets = [15], sizes = [1], strides = [1]} : vector<16xf32> to vector<1xf32>
        %squeeze3A_1375 = vector.extract %slice3A_1374[0] : f32 from vector<1xf32>
        %broadcast_in_dim3A_1376 = vector.broadcast %squeeze3A_1375 : f32 to vector<16xf32>
        %pack3A_1377 = tpu.pack_subelements %broadcast_in_dim3A_1376, %broadcast_in_dim3A_1376 {pack_format = #tpu.pack_format<interleaved>, positions = array<i32: 0, 1>} : vector<16xf32>, vector<16xf32> -> vector<32xbf16>
        %mul3A_1378 = arith.mulf %pack3A_1377, %get3A_1352 : vector<32xbf16>
        %add3A_1379 = arith.addf %add3A_1303, %mul3A_1378 : vector<32xbf16>
        %mul3A_1380 = arith.mulf %pack3A_1377, %get3A_1359 : vector<32xbf16>
        %add3A_1381 = arith.addf %add3A_1305, %mul3A_1380 : vector<32xbf16>
        %mul3A_1382 = arith.mulf %pack3A_1377, %get3A_1366 : vector<32xbf16>
        %add3A_1383 = arith.addf %add3A_1307, %mul3A_1382 : vector<32xbf16>
        %mul3A_1384 = arith.mulf %pack3A_1377, %get3A_1373 : vector<32xbf16>
        %add3A_1385 = arith.addf %add3A_1309, %mul3A_1384 : vector<32xbf16>
        %slice3A_1386 = vector.extract_strided_slice %select_n3A_172 {offsets = [15], sizes = [1], strides = [1]} : vector<16xf32> to vector<1xf32>
        %squeeze3A_1387 = vector.extract %slice3A_1386[0] : f32 from vector<1xf32>
        %broadcast_in_dim3A_1388 = vector.broadcast %squeeze3A_1387 : f32 to vector<16xf32>
        %pack3A_1389 = tpu.pack_subelements %broadcast_in_dim3A_1388, %broadcast_in_dim3A_1388 {pack_format = #tpu.pack_format<interleaved>, positions = array<i32: 0, 1>} : vector<16xf32>, vector<16xf32> -> vector<32xbf16>
        %mul3A_1390 = arith.mulf %pack3A_1389, %get3A_1352 : vector<32xbf16>
        %add3A_1391 = arith.addf %add3A_1315, %mul3A_1390 : vector<32xbf16>
        %mul3A_1392 = arith.mulf %pack3A_1389, %get3A_1359 : vector<32xbf16>
        %add3A_1393 = arith.addf %add3A_1317, %mul3A_1392 : vector<32xbf16>
        %mul3A_1394 = arith.mulf %pack3A_1389, %get3A_1366 : vector<32xbf16>
        %add3A_1395 = arith.addf %add3A_1319, %mul3A_1394 : vector<32xbf16>
        %mul3A_1396 = arith.mulf %pack3A_1389, %get3A_1373 : vector<32xbf16>
        %add3A_1397 = arith.addf %add3A_1321, %mul3A_1396 : vector<32xbf16>
        %slice3A_1398 = vector.extract_strided_slice %select_n3A_174 {offsets = [15], sizes = [1], strides = [1]} : vector<16xf32> to vector<1xf32>
        %squeeze3A_1399 = vector.extract %slice3A_1398[0] : f32 from vector<1xf32>
        %broadcast_in_dim3A_1400 = vector.broadcast %squeeze3A_1399 : f32 to vector<16xf32>
        %pack3A_1401 = tpu.pack_subelements %broadcast_in_dim3A_1400, %broadcast_in_dim3A_1400 {pack_format = #tpu.pack_format<interleaved>, positions = array<i32: 0, 1>} : vector<16xf32>, vector<16xf32> -> vector<32xbf16>
        %mul3A_1402 = arith.mulf %pack3A_1401, %get3A_1352 : vector<32xbf16>
        %add3A_1403 = arith.addf %add3A_1327, %mul3A_1402 : vector<32xbf16>
        %mul3A_1404 = arith.mulf %pack3A_1401, %get3A_1359 : vector<32xbf16>
        %add3A_1405 = arith.addf %add3A_1329, %mul3A_1404 : vector<32xbf16>
        %mul3A_1406 = arith.mulf %pack3A_1401, %get3A_1366 : vector<32xbf16>
        %add3A_1407 = arith.addf %add3A_1331, %mul3A_1406 : vector<32xbf16>
        %mul3A_1408 = arith.mulf %pack3A_1401, %get3A_1373 : vector<32xbf16>
        %add3A_1409 = arith.addf %add3A_1333, %mul3A_1408 : vector<32xbf16>
        %slice3A_1410 = vector.extract_strided_slice %select_n3A_176 {offsets = [15], sizes = [1], strides = [1]} : vector<16xf32> to vector<1xf32>
        %squeeze3A_1411 = vector.extract %slice3A_1410[0] : f32 from vector<1xf32>
        %broadcast_in_dim3A_1412 = vector.broadcast %squeeze3A_1411 : f32 to vector<16xf32>
        %pack3A_1413 = tpu.pack_subelements %broadcast_in_dim3A_1412, %broadcast_in_dim3A_1412 {pack_format = #tpu.pack_format<interleaved>, positions = array<i32: 0, 1>} : vector<16xf32>, vector<16xf32> -> vector<32xbf16>
        %mul3A_1414 = arith.mulf %pack3A_1413, %get3A_1352 : vector<32xbf16>
        %add3A_1415 = arith.addf %add3A_1339, %mul3A_1414 : vector<32xbf16>
        %mul3A_1416 = arith.mulf %pack3A_1413, %get3A_1359 : vector<32xbf16>
        %add3A_1417 = arith.addf %add3A_1341, %mul3A_1416 : vector<32xbf16>
        %mul3A_1418 = arith.mulf %pack3A_1413, %get3A_1366 : vector<32xbf16>
        %add3A_1419 = arith.addf %add3A_1343, %mul3A_1418 : vector<32xbf16>
        %mul3A_1420 = arith.mulf %pack3A_1413, %get3A_1373 : vector<32xbf16>
        %add3A_1421 = arith.addf %add3A_1345, %mul3A_1420 : vector<32xbf16>
        %unpack3A = tpu.unpack_subelements %add3A_1379, 0 {pack_format = #tpu.pack_format<interleaved>} : vector<32xbf16> -> vector<16xf32>
        %unpack3A_1422 = tpu.unpack_subelements %add3A_1379, 1 {pack_format = #tpu.pack_format<interleaved>} : vector<32xbf16> -> vector<16xf32>
        %swap3A = arith.constant 0 : i32
        %swap3A_1423 = arith.index_cast %swap3A : i32 to index
        %swap3A_1424 = arith.index_cast %scan3A_126 : i32 to index
        %swap3A_1425 = arith.constant 0 : index
        %swap3A_1426 = tpu.vector_load %arg14[%swap3A_1423, %swap3A_1424, %swap3A_1425] {strides = array<i32>} : memref<4x8x128xf32, #tpu.memory_space<vmem>>, vector<16xf32>,
        tpu.vector_store %arg14[%swap3A_1423, %swap3A_1424, %swap3A_1425], %unpack3A {strides = array<i32>} : memref<4x8x128xf32, #tpu.memory_space<vmem>>, vector<16xf32>,
        %swap3A_1427 = arith.constant 0 : i32
        %swap3A_1428 = arith.index_cast %swap3A_1427 : i32 to index
        %swap3A_1429 = arith.index_cast %scan3A_126 : i32 to index
        %swap3A_1430 = arith.constant 16 : index
        %swap3A_1431 = tpu.vector_load %arg14[%swap3A_1428, %swap3A_1429, %swap3A_1430] {strides = array<i32>} : memref<4x8x128xf32, #tpu.memory_space<vmem>>, vector<16xf32>,
        tpu.vector_store %arg14[%swap3A_1428, %swap3A_1429, %swap3A_1430], %unpack3A_1422 {strides = array<i32>} : memref<4x8x128xf32, #tpu.memory_space<vmem>>, vector<16xf32>,
        %unpack3A_1432 = tpu.unpack_subelements %add3A_1381, 0 {pack_format = #tpu.pack_format<interleaved>} : vector<32xbf16> -> vector<16xf32>
        %unpack3A_1433 = tpu.unpack_subelements %add3A_1381, 1 {pack_format = #tpu.pack_format<interleaved>} : vector<32xbf16> -> vector<16xf32>
        %swap3A_1434 = arith.constant 0 : i32
        %swap3A_1435 = arith.index_cast %swap3A_1434 : i32 to index
        %swap3A_1436 = arith.index_cast %scan3A_126 : i32 to index
        %swap3A_1437 = arith.constant 32 : index
        %swap3A_1438 = tpu.vector_load %arg14[%swap3A_1435, %swap3A_1436, %swap3A_1437] {strides = array<i32>} : memref<4x8x128xf32, #tpu.memory_space<vmem>>, vector<16xf32>,
        tpu.vector_store %arg14[%swap3A_1435, %swap3A_1436, %swap3A_1437], %unpack3A_1432 {strides = array<i32>} : memref<4x8x128xf32, #tpu.memory_space<vmem>>, vector<16xf32>,
        %swap3A_1439 = arith.constant 0 : i32
        %swap3A_1440 = arith.index_cast %swap3A_1439 : i32 to index
        %swap3A_1441 = arith.index_cast %scan3A_126 : i32 to index
        %swap3A_1442 = arith.constant 48 : index
        %swap3A_1443 = tpu.vector_load %arg14[%swap3A_1440, %swap3A_1441, %swap3A_1442] {strides = array<i32>} : memref<4x8x128xf32, #tpu.memory_space<vmem>>, vector<16xf32>,
        tpu.vector_store %arg14[%swap3A_1440, %swap3A_1441, %swap3A_1442], %unpack3A_1433 {strides = array<i32>} : memref<4x8x128xf32, #tpu.memory_space<vmem>>, vector<16xf32>,
        %unpack3A_1444 = tpu.unpack_subelements %add3A_1383, 0 {pack_format = #tpu.pack_format<interleaved>} : vector<32xbf16> -> vector<16xf32>
        %unpack3A_1445 = tpu.unpack_subelements %add3A_1383, 1 {pack_format = #tpu.pack_format<interleaved>} : vector<32xbf16> -> vector<16xf32>
        %swap3A_1446 = arith.constant 0 : i32
        %swap3A_1447 = arith.index_cast %swap3A_1446 : i32 to index
        %swap3A_1448 = arith.index_cast %scan3A_126 : i32 to index
        %swap3A_1449 = arith.constant 64 : index
        %swap3A_1450 = tpu.vector_load %arg14[%swap3A_1447, %swap3A_1448, %swap3A_1449] {strides = array<i32>} : memref<4x8x128xf32, #tpu.memory_space<vmem>>, vector<16xf32>,
        tpu.vector_store %arg14[%swap3A_1447, %swap3A_1448, %swap3A_1449], %unpack3A_1444 {strides = array<i32>} : memref<4x8x128xf32, #tpu.memory_space<vmem>>, vector<16xf32>,
        %swap3A_1451 = arith.constant 0 : i32
        %swap3A_1452 = arith.index_cast %swap3A_1451 : i32 to index
        %swap3A_1453 = arith.index_cast %scan3A_126 : i32 to index
        %swap3A_1454 = arith.constant 80 : index
        %swap3A_1455 = tpu.vector_load %arg14[%swap3A_1452, %swap3A_1453, %swap3A_1454] {strides = array<i32>} : memref<4x8x128xf32, #tpu.memory_space<vmem>>, vector<16xf32>,
        tpu.vector_store %arg14[%swap3A_1452, %swap3A_1453, %swap3A_1454], %unpack3A_1445 {strides = array<i32>} : memref<4x8x128xf32, #tpu.memory_space<vmem>>, vector<16xf32>,
        %unpack3A_1456 = tpu.unpack_subelements %add3A_1385, 0 {pack_format = #tpu.pack_format<interleaved>} : vector<32xbf16> -> vector<16xf32>
        %unpack3A_1457 = tpu.unpack_subelements %add3A_1385, 1 {pack_format = #tpu.pack_format<interleaved>} : vector<32xbf16> -> vector<16xf32>
        %swap3A_1458 = arith.constant 0 : i32
        %swap3A_1459 = arith.index_cast %swap3A_1458 : i32 to index
        %swap3A_1460 = arith.index_cast %scan3A_126 : i32 to index
        %swap3A_1461 = arith.constant 96 : index
        %swap3A_1462 = tpu.vector_load %arg14[%swap3A_1459, %swap3A_1460, %swap3A_1461] {strides = array<i32>} : memref<4x8x128xf32, #tpu.memory_space<vmem>>, vector<16xf32>,
        tpu.vector_store %arg14[%swap3A_1459, %swap3A_1460, %swap3A_1461], %unpack3A_1456 {strides = array<i32>} : memref<4x8x128xf32, #tpu.memory_space<vmem>>, vector<16xf32>,
        %swap3A_1463 = arith.constant 0 : i32
        %swap3A_1464 = arith.index_cast %swap3A_1463 : i32 to index
        %swap3A_1465 = arith.index_cast %scan3A_126 : i32 to index
        %swap3A_1466 = arith.constant 112 : index
        %swap3A_1467 = tpu.vector_load %arg14[%swap3A_1464, %swap3A_1465, %swap3A_1466] {strides = array<i32>} : memref<4x8x128xf32, #tpu.memory_space<vmem>>, vector<16xf32>,
        tpu.vector_store %arg14[%swap3A_1464, %swap3A_1465, %swap3A_1466], %unpack3A_1457 {strides = array<i32>} : memref<4x8x128xf32, #tpu.memory_space<vmem>>, vector<16xf32>,
        %unpack3A_1468 = tpu.unpack_subelements %add3A_1391, 0 {pack_format = #tpu.pack_format<interleaved>} : vector<32xbf16> -> vector<16xf32>
        %unpack3A_1469 = tpu.unpack_subelements %add3A_1391, 1 {pack_format = #tpu.pack_format<interleaved>} : vector<32xbf16> -> vector<16xf32>
        %swap3A_1470 = arith.constant 1 : i32
        %swap3A_1471 = arith.index_cast %swap3A_1470 : i32 to index
        %swap3A_1472 = arith.index_cast %scan3A_126 : i32 to index
        %swap3A_1473 = arith.constant 0 : index
        %swap3A_1474 = tpu.vector_load %arg14[%swap3A_1471, %swap3A_1472, %swap3A_1473] {strides = array<i32>} : memref<4x8x128xf32, #tpu.memory_space<vmem>>, vector<16xf32>,
        tpu.vector_store %arg14[%swap3A_1471, %swap3A_1472, %swap3A_1473], %unpack3A_1468 {strides = array<i32>} : memref<4x8x128xf32, #tpu.memory_space<vmem>>, vector<16xf32>,
        %swap3A_1475 = arith.constant 1 : i32
        %swap3A_1476 = arith.index_cast %swap3A_1475 : i32 to index
        %swap3A_1477 = arith.index_cast %scan3A_126 : i32 to index
        %swap3A_1478 = arith.constant 16 : index
        %swap3A_1479 = tpu.vector_load %arg14[%swap3A_1476, %swap3A_1477, %swap3A_1478] {strides = array<i32>} : memref<4x8x128xf32, #tpu.memory_space<vmem>>, vector<16xf32>,
        tpu.vector_store %arg14[%swap3A_1476, %swap3A_1477, %swap3A_1478], %unpack3A_1469 {strides = array<i32>} : memref<4x8x128xf32, #tpu.memory_space<vmem>>, vector<16xf32>,
        %unpack3A_1480 = tpu.unpack_subelements %add3A_1393, 0 {pack_format = #tpu.pack_format<interleaved>} : vector<32xbf16> -> vector<16xf32>
        %unpack3A_1481 = tpu.unpack_subelements %add3A_1393, 1 {pack_format = #tpu.pack_format<interleaved>} : vector<32xbf16> -> vector<16xf32>
        %swap3A_1482 = arith.constant 1 : i32
        %swap3A_1483 = arith.index_cast %swap3A_1482 : i32 to index
        %swap3A_1484 = arith.index_cast %scan3A_126 : i32 to index
        %swap3A_1485 = arith.constant 32 : index
        %swap3A_1486 = tpu.vector_load %arg14[%swap3A_1483, %swap3A_1484, %swap3A_1485] {strides = array<i32>} : memref<4x8x128xf32, #tpu.memory_space<vmem>>, vector<16xf32>,
        tpu.vector_store %arg14[%swap3A_1483, %swap3A_1484, %swap3A_1485], %unpack3A_1480 {strides = array<i32>} : memref<4x8x128xf32, #tpu.memory_space<vmem>>, vector<16xf32>,
        %swap3A_1487 = arith.constant 1 : i32
        %swap3A_1488 = arith.index_cast %swap3A_1487 : i32 to index
        %swap3A_1489 = arith.index_cast %scan3A_126 : i32 to index
        %swap3A_1490 = arith.constant 48 : index
        %swap3A_1491 = tpu.vector_load %arg14[%swap3A_1488, %swap3A_1489, %swap3A_1490] {strides = array<i32>} : memref<4x8x128xf32, #tpu.memory_space<vmem>>, vector<16xf32>,
        tpu.vector_store %arg14[%swap3A_1488, %swap3A_1489, %swap3A_1490], %unpack3A_1481 {strides = array<i32>} : memref<4x8x128xf32, #tpu.memory_space<vmem>>, vector<16xf32>,
        %unpack3A_1492 = tpu.unpack_subelements %add3A_1395, 0 {pack_format = #tpu.pack_format<interleaved>} : vector<32xbf16> -> vector<16xf32>
        %unpack3A_1493 = tpu.unpack_subelements %add3A_1395, 1 {pack_format = #tpu.pack_format<interleaved>} : vector<32xbf16> -> vector<16xf32>
        %swap3A_1494 = arith.constant 1 : i32
        %swap3A_1495 = arith.index_cast %swap3A_1494 : i32 to index
        %swap3A_1496 = arith.index_cast %scan3A_126 : i32 to index
        %swap3A_1497 = arith.constant 64 : index
        %swap3A_1498 = tpu.vector_load %arg14[%swap3A_1495, %swap3A_1496, %swap3A_1497] {strides = array<i32>} : memref<4x8x128xf32, #tpu.memory_space<vmem>>, vector<16xf32>,
        tpu.vector_store %arg14[%swap3A_1495, %swap3A_1496, %swap3A_1497], %unpack3A_1492 {strides = array<i32>} : memref<4x8x128xf32, #tpu.memory_space<vmem>>, vector<16xf32>,
        %swap3A_1499 = arith.constant 1 : i32
        %swap3A_1500 = arith.index_cast %swap3A_1499 : i32 to index
        %swap3A_1501 = arith.index_cast %scan3A_126 : i32 to index
        %swap3A_1502 = arith.constant 80 : index
        %swap3A_1503 = tpu.vector_load %arg14[%swap3A_1500, %swap3A_1501, %swap3A_1502] {strides = array<i32>} : memref<4x8x128xf32, #tpu.memory_space<vmem>>, vector<16xf32>,
        tpu.vector_store %arg14[%swap3A_1500, %swap3A_1501, %swap3A_1502], %unpack3A_1493 {strides = array<i32>} : memref<4x8x128xf32, #tpu.memory_space<vmem>>, vector<16xf32>,
        %unpack3A_1504 = tpu.unpack_subelements %add3A_1397, 0 {pack_format = #tpu.pack_format<interleaved>} : vector<32xbf16> -> vector<16xf32>
        %unpack3A_1505 = tpu.unpack_subelements %add3A_1397, 1 {pack_format = #tpu.pack_format<interleaved>} : vector<32xbf16> -> vector<16xf32>
        %swap3A_1506 = arith.constant 1 : i32
        %swap3A_1507 = arith.index_cast %swap3A_1506 : i32 to index
        %swap3A_1508 = arith.index_cast %scan3A_126 : i32 to index
        %swap3A_1509 = arith.constant 96 : index
        %swap3A_1510 = tpu.vector_load %arg14[%swap3A_1507, %swap3A_1508, %swap3A_1509] {strides = array<i32>} : memref<4x8x128xf32, #tpu.memory_space<vmem>>, vector<16xf32>,
        tpu.vector_store %arg14[%swap3A_1507, %swap3A_1508, %swap3A_1509], %unpack3A_1504 {strides = array<i32>} : memref<4x8x128xf32, #tpu.memory_space<vmem>>, vector<16xf32>,
        %swap3A_1511 = arith.constant 1 : i32
        %swap3A_1512 = arith.index_cast %swap3A_1511 : i32 to index
        %swap3A_1513 = arith.index_cast %scan3A_126 : i32 to index
        %swap3A_1514 = arith.constant 112 : index
        %swap3A_1515 = tpu.vector_load %arg14[%swap3A_1512, %swap3A_1513, %swap3A_1514] {strides = array<i32>} : memref<4x8x128xf32, #tpu.memory_space<vmem>>, vector<16xf32>,
        tpu.vector_store %arg14[%swap3A_1512, %swap3A_1513, %swap3A_1514], %unpack3A_1505 {strides = array<i32>} : memref<4x8x128xf32, #tpu.memory_space<vmem>>, vector<16xf32>,
        %unpack3A_1516 = tpu.unpack_subelements %add3A_1403, 0 {pack_format = #tpu.pack_format<interleaved>} : vector<32xbf16> -> vector<16xf32>
        %unpack3A_1517 = tpu.unpack_subelements %add3A_1403, 1 {pack_format = #tpu.pack_format<interleaved>} : vector<32xbf16> -> vector<16xf32>
        %swap3A_1518 = arith.constant 2 : i32
        %swap3A_1519 = arith.index_cast %swap3A_1518 : i32 to index
        %swap3A_1520 = arith.index_cast %scan3A_126 : i32 to index
        %swap3A_1521 = arith.constant 0 : index
        %swap3A_1522 = tpu.vector_load %arg14[%swap3A_1519, %swap3A_1520, %swap3A_1521] {strides = array<i32>} : memref<4x8x128xf32, #tpu.memory_space<vmem>>, vector<16xf32>,
        tpu.vector_store %arg14[%swap3A_1519, %swap3A_1520, %swap3A_1521], %unpack3A_1516 {strides = array<i32>} : memref<4x8x128xf32, #tpu.memory_space<vmem>>, vector<16xf32>,
        %swap3A_1523 = arith.constant 2 : i32
        %swap3A_1524 = arith.index_cast %swap3A_1523 : i32 to index
        %swap3A_1525 = arith.index_cast %scan3A_126 : i32 to index
        %swap3A_1526 = arith.constant 16 : index
        %swap3A_1527 = tpu.vector_load %arg14[%swap3A_1524, %swap3A_1525, %swap3A_1526] {strides = array<i32>} : memref<4x8x128xf32, #tpu.memory_space<vmem>>, vector<16xf32>,
        tpu.vector_store %arg14[%swap3A_1524, %swap3A_1525, %swap3A_1526], %unpack3A_1517 {strides = array<i32>} : memref<4x8x128xf32, #tpu.memory_space<vmem>>, vector<16xf32>,
        %unpack3A_1528 = tpu.unpack_subelements %add3A_1405, 0 {pack_format = #tpu.pack_format<interleaved>} : vector<32xbf16> -> vector<16xf32>
        %unpack3A_1529 = tpu.unpack_subelements %add3A_1405, 1 {pack_format = #tpu.pack_format<interleaved>} : vector<32xbf16> -> vector<16xf32>
        %swap3A_1530 = arith.constant 2 : i32
        %swap3A_1531 = arith.index_cast %swap3A_1530 : i32 to index
        %swap3A_1532 = arith.index_cast %scan3A_126 : i32 to index
        %swap3A_1533 = arith.constant 32 : index
        %swap3A_1534 = tpu.vector_load %arg14[%swap3A_1531, %swap3A_1532, %swap3A_1533] {strides = array<i32>} : memref<4x8x128xf32, #tpu.memory_space<vmem>>, vector<16xf32>,
        tpu.vector_store %arg14[%swap3A_1531, %swap3A_1532, %swap3A_1533], %unpack3A_1528 {strides = array<i32>} : memref<4x8x128xf32, #tpu.memory_space<vmem>>, vector<16xf32>,
        %swap3A_1535 = arith.constant 2 : i32
        %swap3A_1536 = arith.index_cast %swap3A_1535 : i32 to index
        %swap3A_1537 = arith.index_cast %scan3A_126 : i32 to index
        %swap3A_1538 = arith.constant 48 : index
        %swap3A_1539 = tpu.vector_load %arg14[%swap3A_1536, %swap3A_1537, %swap3A_1538] {strides = array<i32>} : memref<4x8x128xf32, #tpu.memory_space<vmem>>, vector<16xf32>,
        tpu.vector_store %arg14[%swap3A_1536, %swap3A_1537, %swap3A_1538], %unpack3A_1529 {strides = array<i32>} : memref<4x8x128xf32, #tpu.memory_space<vmem>>, vector<16xf32>,
        %unpack3A_1540 = tpu.unpack_subelements %add3A_1407, 0 {pack_format = #tpu.pack_format<interleaved>} : vector<32xbf16> -> vector<16xf32>
        %unpack3A_1541 = tpu.unpack_subelements %add3A_1407, 1 {pack_format = #tpu.pack_format<interleaved>} : vector<32xbf16> -> vector<16xf32>
        %swap3A_1542 = arith.constant 2 : i32
        %swap3A_1543 = arith.index_cast %swap3A_1542 : i32 to index
        %swap3A_1544 = arith.index_cast %scan3A_126 : i32 to index
        %swap3A_1545 = arith.constant 64 : index
        %swap3A_1546 = tpu.vector_load %arg14[%swap3A_1543, %swap3A_1544, %swap3A_1545] {strides = array<i32>} : memref<4x8x128xf32, #tpu.memory_space<vmem>>, vector<16xf32>,
        tpu.vector_store %arg14[%swap3A_1543, %swap3A_1544, %swap3A_1545], %unpack3A_1540 {strides = array<i32>} : memref<4x8x128xf32, #tpu.memory_space<vmem>>, vector<16xf32>,
        %swap3A_1547 = arith.constant 2 : i32
        %swap3A_1548 = arith.index_cast %swap3A_1547 : i32 to index
        %swap3A_1549 = arith.index_cast %scan3A_126 : i32 to index
        %swap3A_1550 = arith.constant 80 : index
        %swap3A_1551 = tpu.vector_load %arg14[%swap3A_1548, %swap3A_1549, %swap3A_1550] {strides = array<i32>} : memref<4x8x128xf32, #tpu.memory_space<vmem>>, vector<16xf32>,
        tpu.vector_store %arg14[%swap3A_1548, %swap3A_1549, %swap3A_1550], %unpack3A_1541 {strides = array<i32>} : memref<4x8x128xf32, #tpu.memory_space<vmem>>, vector<16xf32>,
        %unpack3A_1552 = tpu.unpack_subelements %add3A_1409, 0 {pack_format = #tpu.pack_format<interleaved>} : vector<32xbf16> -> vector<16xf32>
        %unpack3A_1553 = tpu.unpack_subelements %add3A_1409, 1 {pack_format = #tpu.pack_format<interleaved>} : vector<32xbf16> -> vector<16xf32>
        %swap3A_1554 = arith.constant 2 : i32
        %swap3A_1555 = arith.index_cast %swap3A_1554 : i32 to index
        %swap3A_1556 = arith.index_cast %scan3A_126 : i32 to index
        %swap3A_1557 = arith.constant 96 : index
        %swap3A_1558 = tpu.vector_load %arg14[%swap3A_1555, %swap3A_1556, %swap3A_1557] {strides = array<i32>} : memref<4x8x128xf32, #tpu.memory_space<vmem>>, vector<16xf32>,
        tpu.vector_store %arg14[%swap3A_1555, %swap3A_1556, %swap3A_1557], %unpack3A_1552 {strides = array<i32>} : memref<4x8x128xf32, #tpu.memory_space<vmem>>, vector<16xf32>,
        %swap3A_1559 = arith.constant 2 : i32
        %swap3A_1560 = arith.index_cast %swap3A_1559 : i32 to index
        %swap3A_1561 = arith.index_cast %scan3A_126 : i32 to index
        %swap3A_1562 = arith.constant 112 : index
        %swap3A_1563 = tpu.vector_load %arg14[%swap3A_1560, %swap3A_1561, %swap3A_1562] {strides = array<i32>} : memref<4x8x128xf32, #tpu.memory_space<vmem>>, vector<16xf32>,
        tpu.vector_store %arg14[%swap3A_1560, %swap3A_1561, %swap3A_1562], %unpack3A_1553 {strides = array<i32>} : memref<4x8x128xf32, #tpu.memory_space<vmem>>, vector<16xf32>,
        %unpack3A_1564 = tpu.unpack_subelements %add3A_1415, 0 {pack_format = #tpu.pack_format<interleaved>} : vector<32xbf16> -> vector<16xf32>
        %unpack3A_1565 = tpu.unpack_subelements %add3A_1415, 1 {pack_format = #tpu.pack_format<interleaved>} : vector<32xbf16> -> vector<16xf32>
        %swap3A_1566 = arith.constant 3 : i32
        %swap3A_1567 = arith.index_cast %swap3A_1566 : i32 to index
        %swap3A_1568 = arith.index_cast %scan3A_126 : i32 to index
        %swap3A_1569 = arith.constant 0 : index
        %swap3A_1570 = tpu.vector_load %arg14[%swap3A_1567, %swap3A_1568, %swap3A_1569] {strides = array<i32>} : memref<4x8x128xf32, #tpu.memory_space<vmem>>, vector<16xf32>,
        tpu.vector_store %arg14[%swap3A_1567, %swap3A_1568, %swap3A_1569], %unpack3A_1564 {strides = array<i32>} : memref<4x8x128xf32, #tpu.memory_space<vmem>>, vector<16xf32>,
        %swap3A_1571 = arith.constant 3 : i32
        %swap3A_1572 = arith.index_cast %swap3A_1571 : i32 to index
        %swap3A_1573 = arith.index_cast %scan3A_126 : i32 to index
        %swap3A_1574 = arith.constant 16 : index
        %swap3A_1575 = tpu.vector_load %arg14[%swap3A_1572, %swap3A_1573, %swap3A_1574] {strides = array<i32>} : memref<4x8x128xf32, #tpu.memory_space<vmem>>, vector<16xf32>,
        tpu.vector_store %arg14[%swap3A_1572, %swap3A_1573, %swap3A_1574], %unpack3A_1565 {strides = array<i32>} : memref<4x8x128xf32, #tpu.memory_space<vmem>>, vector<16xf32>,
        %unpack3A_1576 = tpu.unpack_subelements %add3A_1417, 0 {pack_format = #tpu.pack_format<interleaved>} : vector<32xbf16> -> vector<16xf32>
        %unpack3A_1577 = tpu.unpack_subelements %add3A_1417, 1 {pack_format = #tpu.pack_format<interleaved>} : vector<32xbf16> -> vector<16xf32>
        %swap3A_1578 = arith.constant 3 : i32
        %swap3A_1579 = arith.index_cast %swap3A_1578 : i32 to index
        %swap3A_1580 = arith.index_cast %scan3A_126 : i32 to index
        %swap3A_1581 = arith.constant 32 : index
        %swap3A_1582 = tpu.vector_load %arg14[%swap3A_1579, %swap3A_1580, %swap3A_1581] {strides = array<i32>} : memref<4x8x128xf32, #tpu.memory_space<vmem>>, vector<16xf32>,
        tpu.vector_store %arg14[%swap3A_1579, %swap3A_1580, %swap3A_1581], %unpack3A_1576 {strides = array<i32>} : memref<4x8x128xf32, #tpu.memory_space<vmem>>, vector<16xf32>,
        %swap3A_1583 = arith.constant 3 : i32
        %swap3A_1584 = arith.index_cast %swap3A_1583 : i32 to index
        %swap3A_1585 = arith.index_cast %scan3A_126 : i32 to index
        %swap3A_1586 = arith.constant 48 : index
        %swap3A_1587 = tpu.vector_load %arg14[%swap3A_1584, %swap3A_1585, %swap3A_1586] {strides = array<i32>} : memref<4x8x128xf32, #tpu.memory_space<vmem>>, vector<16xf32>,
        tpu.vector_store %arg14[%swap3A_1584, %swap3A_1585, %swap3A_1586], %unpack3A_1577 {strides = array<i32>} : memref<4x8x128xf32, #tpu.memory_space<vmem>>, vector<16xf32>,
        %unpack3A_1588 = tpu.unpack_subelements %add3A_1419, 0 {pack_format = #tpu.pack_format<interleaved>} : vector<32xbf16> -> vector<16xf32>
        %unpack3A_1589 = tpu.unpack_subelements %add3A_1419, 1 {pack_format = #tpu.pack_format<interleaved>} : vector<32xbf16> -> vector<16xf32>
        %swap3A_1590 = arith.constant 3 : i32
        %swap3A_1591 = arith.index_cast %swap3A_1590 : i32 to index
        %swap3A_1592 = arith.index_cast %scan3A_126 : i32 to index
        %swap3A_1593 = arith.constant 64 : index
        %swap3A_1594 = tpu.vector_load %arg14[%swap3A_1591, %swap3A_1592, %swap3A_1593] {strides = array<i32>} : memref<4x8x128xf32, #tpu.memory_space<vmem>>, vector<16xf32>,
        tpu.vector_store %arg14[%swap3A_1591, %swap3A_1592, %swap3A_1593], %unpack3A_1588 {strides = array<i32>} : memref<4x8x128xf32, #tpu.memory_space<vmem>>, vector<16xf32>,
        %swap3A_1595 = arith.constant 3 : i32
        %swap3A_1596 = arith.index_cast %swap3A_1595 : i32 to index
        %swap3A_1597 = arith.index_cast %scan3A_126 : i32 to index
        %swap3A_1598 = arith.constant 80 : index
        %swap3A_1599 = tpu.vector_load %arg14[%swap3A_1596, %swap3A_1597, %swap3A_1598] {strides = array<i32>} : memref<4x8x128xf32, #tpu.memory_space<vmem>>, vector<16xf32>,
        tpu.vector_store %arg14[%swap3A_1596, %swap3A_1597, %swap3A_1598], %unpack3A_1589 {strides = array<i32>} : memref<4x8x128xf32, #tpu.memory_space<vmem>>, vector<16xf32>,
        %unpack3A_1600 = tpu.unpack_subelements %add3A_1421, 0 {pack_format = #tpu.pack_format<interleaved>} : vector<32xbf16> -> vector<16xf32>
        %unpack3A_1601 = tpu.unpack_subelements %add3A_1421, 1 {pack_format = #tpu.pack_format<interleaved>} : vector<32xbf16> -> vector<16xf32>
        %swap3A_1602 = arith.constant 3 : i32
        %swap3A_1603 = arith.index_cast %swap3A_1602 : i32 to index
        %swap3A_1604 = arith.index_cast %scan3A_126 : i32 to index
        %swap3A_1605 = arith.constant 96 : index
        %swap3A_1606 = tpu.vector_load %arg14[%swap3A_1603, %swap3A_1604, %swap3A_1605] {strides = array<i32>} : memref<4x8x128xf32, #tpu.memory_space<vmem>>, vector<16xf32>,
        tpu.vector_store %arg14[%swap3A_1603, %swap3A_1604, %swap3A_1605], %unpack3A_1600 {strides = array<i32>} : memref<4x8x128xf32, #tpu.memory_space<vmem>>, vector<16xf32>,
        %swap3A_1607 = arith.constant 3 : i32
        %swap3A_1608 = arith.index_cast %swap3A_1607 : i32 to index
        %swap3A_1609 = arith.index_cast %scan3A_126 : i32 to index
        %swap3A_1610 = arith.constant 112 : index
        %swap3A_1611 = tpu.vector_load %arg14[%swap3A_1608, %swap3A_1609, %swap3A_1610] {strides = array<i32>} : memref<4x8x128xf32, #tpu.memory_space<vmem>>, vector<16xf32>,
        tpu.vector_store %arg14[%swap3A_1608, %swap3A_1609, %swap3A_1610], %unpack3A_1601 {strides = array<i32>} : memref<4x8x128xf32, #tpu.memory_space<vmem>>, vector<16xf32>,
      }
      %scan3A_77 = arith.constant 8 : i32
      %add3A_78 = arith.addi %mul3A_2, %mul3A_53 : i32
      %dma_start3A_79 = arith.constant 0 : i32
      %dma_start3A_80 = arith.constant 0 : i32
      %dma_start3A_81 = arith.constant 0 : i32
      %dma_start3A_82 = tpu.memref_slice %arg7[%add3A_78, %dma_start3A_79, %dma_start3A_80, %dma_start3A_81] : memref<1280x4x8x128xf32, #tpu.memory_space<hbm>> -> memref<1x4x8x128xf32, #tpu.memory_space<hbm>>
      %dma_start3A_83 = tpu.memref_squeeze %dma_start3A_82 : memref<1x4x8x128xf32, #tpu.memory_space<hbm>> -> memref<4x8x128xf32, #tpu.memory_space<hbm>>
      %dma_start3A_84 = arith.constant 0 : i32
      %dma_start3A_85 = arith.constant 0 : i32
      %dma_start3A_86 = arith.constant 0 : i32
      %dma_start3A_87 = tpu.memref_slice %arg7[%add3A_78, %dma_start3A_84, %dma_start3A_85, %dma_start3A_86] : memref<1280x4x8x128xf32, #tpu.memory_space<hbm>> -> memref<1x4x8x128xf32, #tpu.memory_space<hbm>>
      %dma_start3A_88 = tpu.memref_squeeze %dma_start3A_87 : memref<1x4x8x128xf32, #tpu.memory_space<hbm>> -> memref<4x8x128xf32, #tpu.memory_space<hbm>>
      tpu.enqueue_dma source(%arg14 : memref<4x8x128xf32, #tpu.memory_space<vmem>>) target(%dma_start3A_88 : memref<4x8x128xf32, #tpu.memory_space<hbm>>) target_semaphore(%arg18 : memref<!tpu.dma_semaphore, #tpu.memory_space<semaphore_mem>>)
      %add3A_89 = arith.constant 2 : i32
      %add3A_90 = arith.addi %mul3A_53, %add3A_89 : i32
      %min3A = arith.constant 39 : i32
      %min3A_91 = arith.minsi %add3A_90, %min3A : i32
      %dma_start3A_92 = arith.constant 0 : i32
      %dma_start3A_93 = tpu.memref_slice %arg11[%min3A_91, %dma_start3A_92] : memref<40x128xi32, #tpu.memory_space<vmem>> -> memref<1x128xi32, #tpu.memory_space<vmem>>
      %dma_start3A_94 = tpu.memref_squeeze %dma_start3A_93 : memref<1x128xi32, #tpu.memory_space<vmem>> -> memref<128xi32, #tpu.memory_space<vmem>>
      %dma_start3A_95 = arith.constant 0 : i32
      %dma_start3A_96 = arith.constant 0 : i32
      %dma_start3A_97 = tpu.memref_slice %arg2[%dma_start3A_95, %dma_start3A_96] : memref<10000x128xbf16, #tpu.memory_space<hbm>> -> memref<10000x128xbf16, #tpu.memory_space<hbm>>
      tpu.enqueue_indirect_dma source(%dma_start3A_97 : memref<10000x128xbf16, #tpu.memory_space<hbm>>) target(%arg12 : memref<128x128xbf16, #tpu.memory_space<vmem>>) offsets(%dma_start3A_94 : memref<128xi32, #tpu.memory_space<vmem>>) semaphore(%arg16 : memref<!tpu.dma_semaphore, #tpu.memory_space<semaphore_mem>>)
      %dma_wait3A_98 = arith.constant 0 : i32
      %dma_wait3A_99 = tpu.memref_slice %arg11[%add3A_57, %dma_wait3A_98] : memref<40x128xi32, #tpu.memory_space<vmem>> -> memref<1x128xi32, #tpu.memory_space<vmem>>
      %dma_wait3A_100 = tpu.memref_squeeze %dma_wait3A_99 : memref<1x128xi32, #tpu.memory_space<vmem>> -> memref<128xi32, #tpu.memory_space<vmem>>
      %dma_wait3A_101 = arith.constant 0 : i32
      %dma_wait3A_102 = arith.constant 0 : i32
      %dma_wait3A_103 = tpu.memref_slice %arg2[%dma_wait3A_101, %dma_wait3A_102] : memref<10000x128xbf16, #tpu.memory_space<hbm>> -> memref<10000x128xbf16, #tpu.memory_space<hbm>>
      tpu.wait_indirect_dma semaphore(%arg17 : memref<!tpu.dma_semaphore, #tpu.memory_space<semaphore_mem>>) src(%dma_wait3A_103 : memref<10000x128xbf16, #tpu.memory_space<hbm>>) dst(%arg13 : memref<128x128xbf16, #tpu.memory_space<vmem>>)
      %gt3A_104 = arith.constant 0 : i32
      %gt3A_105 = arith.cmpi sgt, %scan3A_51, %gt3A_104 : i32
      %convert_element_type3A_106 = arith.extui %gt3A_105 : i1 to i32
      %cond3A_107 = arith.constant 0 : i32
      %cond3A_108 = arith.cmpi ne, %convert_element_type3A_106, %cond3A_107 : i32
      scf.if %cond3A_108 {
        %dma_wait3A_126 = arith.constant 0 : i32
        %dma_wait3A_127 = arith.constant 0 : i32
        %dma_wait3A_128 = arith.constant 0 : i32
        %dma_wait3A_129 = arith.constant 0 : i32
        %dma_wait3A_130 = tpu.memref_slice %arg7[%dma_wait3A_126, %dma_wait3A_127, %dma_wait3A_128, %dma_wait3A_129] : memref<1280x4x8x128xf32, #tpu.memory_space<hbm>> -> memref<1x4x8x128xf32, #tpu.memory_space<hbm>>
        %dma_wait3A_131 = tpu.memref_squeeze %dma_wait3A_130 : memref<1x4x8x128xf32, #tpu.memory_space<hbm>> -> memref<4x8x128xf32, #tpu.memory_space<hbm>>
        %dma_wait3A_132 = arith.constant 0 : i32
        %dma_wait3A_133 = arith.constant 0 : i32
        %dma_wait3A_134 = arith.constant 0 : i32
        %dma_wait3A_135 = tpu.memref_slice %arg7[%dma_wait3A_126, %dma_wait3A_132, %dma_wait3A_133, %dma_wait3A_134] : memref<1280x4x8x128xf32, #tpu.memory_space<hbm>> -> memref<1x4x8x128xf32, #tpu.memory_space<hbm>>
        %dma_wait3A_136 = tpu.memref_squeeze %dma_wait3A_135 : memref<1x4x8x128xf32, #tpu.memory_space<hbm>> -> memref<4x8x128xf32, #tpu.memory_space<hbm>>
        tpu.wait_dma2 semaphore(%arg19 : memref<!tpu.dma_semaphore, #tpu.memory_space<semaphore_mem>>) src(%arg15 : memref<4x8x128xf32, #tpu.memory_space<vmem>>) dst(%dma_wait3A_136 : memref<4x8x128xf32, #tpu.memory_space<hbm>>)
      } else {
      }
      %scan3A_109 = arith.constant 0 : i32
      %scan3A_110 = arith.constant 0 : i32
      %scan3A_111 = arith.constant 8 : i32
      %scan3A_112 = arith.addi %scan3A_110, %scan3A_111 : i32
      %scan3A_113 = arith.constant 1 : i32
      scf.for %scan3A_126 = %scan3A_110 to %scan3A_112 step %scan3A_113  : i32 {
        %mul3A_127 = arith.constant 16 : i32
        %mul3A_128 = arith.muli %scan3A_126, %mul3A_127 : i32
        %get3A = arith.index_cast %add3A_57 : i32 to index
        %get3A_129 = arith.index_cast %mul3A_128 : i32 to index
        %get3A_130 = tpu.vector_load %arg10[%get3A, %get3A_129] {strides = array<i32>} : memref<40x128xi32, #tpu.memory_space<vmem>>, vector<16xi32>,
        %mul3A_131 = arith.constant 8 : i32
        %mul3A_132 = arith.muli %add3A_57, %mul3A_131 : i32
        %add3A_133 = arith.addi %mul3A_132, %scan3A_126 : i32
        %broadcast_in_dim3A_134 = vector.broadcast %add3A_133 : i32 to vector<16xi32>
        %gather3A = tpu.vector_load_idx %arg8[%get3A_130, %broadcast_in_dim3A_5] : memref<10016x4xf32, #tpu.memory_space<vmem>>[vector<16xi32>, vector<16xi32>], vector<16xf32>,
        %gather3A_135 = tpu.vector_load_idx %arg8[%get3A_130, %broadcast_in_dim3A_7] : memref<10016x4xf32, #tpu.memory_space<vmem>>[vector<16xi32>, vector<16xi32>], vector<16xf32>,
        %gather3A_136 = tpu.vector_load_idx %arg8[%get3A_130, %broadcast_in_dim3A_9] : memref<10016x4xf32, #tpu.memory_space<vmem>>[vector<16xi32>, vector<16xi32>], vector<16xf32>,
        %gather3A_137 = tpu.vector_load_idx %arg8[%get3A_130, %broadcast_in_dim3A_11] : memref<10016x4xf32, #tpu.memory_space<vmem>>[vector<16xi32>, vector<16xi32>], vector<16xf32>,
        %gather3A_138 = tpu.vector_load_idx %arg9[%broadcast_in_dim3A_134, %broadcast_in_dim3A_5] : memref<320x4xf32, #tpu.memory_space<vmem>>[vector<16xi32>, vector<16xi32>], vector<16xf32>,
        %gather3A_139 = tpu.vector_load_idx %arg9[%broadcast_in_dim3A_134, %broadcast_in_dim3A_7] : memref<320x4xf32, #tpu.memory_space<vmem>>[vector<16xi32>, vector<16xi32>], vector<16xf32>,
        %gather3A_140 = tpu.vector_load_idx %arg9[%broadcast_in_dim3A_134, %broadcast_in_dim3A_9] : memref<320x4xf32, #tpu.memory_space<vmem>>[vector<16xi32>, vector<16xi32>], vector<16xf32>,
        %gather3A_141 = tpu.vector_load_idx %arg9[%broadcast_in_dim3A_134, %broadcast_in_dim3A_11] : memref<320x4xf32, #tpu.memory_space<vmem>>[vector<16xi32>, vector<16xi32>], vector<16xf32>,
        %sub3A = arith.subf %gather3A_138, %gather3A : vector<16xf32>
        %sub3A_142 = arith.subf %gather3A_139, %gather3A_135 : vector<16xf32>
        %sub3A_143 = arith.subf %gather3A_140, %gather3A_136 : vector<16xf32>
        %sub3A_144 = arith.subf %gather3A_141, %gather3A_137 : vector<16xf32>
        %max3A = arith.maximumf %sub3A, %sub3A_142 : vector<16xf32>
        %max3A_145 = arith.maximumf %sub3A_143, %sub3A_144 : vector<16xf32>
        %max3A_146 = arith.maximumf %max3A, %max3A_145 : vector<16xf32>
        %sub3A_147 = arith.subf %sub3A, %max3A_146 : vector<16xf32>
        %exp3A = math.exp %sub3A_147 : vector<16xf32>
        %sub3A_148 = arith.subf %sub3A_142, %max3A_146 : vector<16xf32>
        %exp3A_149 = math.exp %sub3A_148 : vector<16xf32>
        %sub3A_150 = arith.subf %sub3A_143, %max3A_146 : vector<16xf32>
        %exp3A_151 = math.exp %sub3A_150 : vector<16xf32>
        %sub3A_152 = arith.subf %sub3A_144, %max3A_146 : vector<16xf32>
        %exp3A_153 = math.exp %sub3A_152 : vector<16xf32>
        %add3A_154 = arith.addf %exp3A, %exp3A_149 : vector<16xf32>
        %add3A_155 = arith.addf %add3A_154, %exp3A_151 : vector<16xf32>
        %add3A_156 = arith.addf %add3A_155, %exp3A_153 : vector<16xf32>
        %ne3A = arith.constant 0 : i32
        %ne3A_157 = vector.broadcast %ne3A : i32 to vector<16xi32>
        %ne3A_158 = arith.cmpi ne, %get3A_130, %ne3A_157 : vector<16xi32>
        %all_reduce_population_count3A = tpu.all_reduce %ne3A_158 {dim = 0 : i64, kind = #tpu.reduction_kind<sum>} : vector<16xi1> -> vector<16xi32>
        %gt3A_159 = arith.constant 0 : i32
        %gt3A_160 = vector.broadcast %gt3A_159 : i32 to vector<16xi32>
        %gt3A_161 = arith.cmpi sgt, %all_reduce_population_count3A, %gt3A_160 : vector<16xi32>
        %convert_element_type3A_162 = arith.sitofp %all_reduce_population_count3A : vector<16xi32> to vector<16xf32>
        %div3A = arith.constant 1.000000e+00 : f32
        %div3A_163 = vector.broadcast %div3A : f32 to vector<16xf32>
        %div3A_164 = arith.divf %div3A_163, %convert_element_type3A_162 : vector<16xf32>
        %jit3A = arith.constant 0.000000e+00 : f32
        %broadcast_in_dim3A_165 = vector.broadcast %jit3A : f32 to vector<16xf32>
        %select_n3A = arith.select %gt3A_161, %div3A_164, %broadcast_in_dim3A_165 : vector<16xi1>, vector<16xf32>
        %div3A_166 = arith.divf %select_n3A, %add3A_156 : vector<16xf32>
        %broadcast_in_dim3A_167 = arith.constant 0.000000e+00 : f32
        %broadcast_in_dim3A_168 = vector.broadcast %broadcast_in_dim3A_167 : f32 to vector<16xf32>
        %mul3A_169 = arith.mulf %exp3A, %div3A_166 : vector<16xf32>
        %select_n3A_170 = arith.select %ne3A_158, %mul3A_169, %broadcast_in_dim3A_168 : vector<16xi1>, vector<16xf32>
        %mul3A_171 = arith.mulf %exp3A_149, %div3A_166 : vector<16xf32>
        %select_n3A_172 = arith.select %ne3A_158, %mul3A_171, %broadcast_in_dim3A_168 : vector<16xi1>, vector<16xf32>
        %mul3A_173 = arith.mulf %exp3A_151, %div3A_166 : vector<16xf32>
        %select_n3A_174 = arith.select %ne3A_158, %mul3A_173, %broadcast_in_dim3A_168 : vector<16xi1>, vector<16xf32>
        %mul3A_175 = arith.mulf %exp3A_153, %div3A_166 : vector<16xf32>
        %select_n3A_176 = arith.select %ne3A_158, %mul3A_175, %broadcast_in_dim3A_168 : vector<16xi1>, vector<16xf32>
        %broadcast_in_dim3A_177 = arith.constant 0.000000e+00 : bf16
        %broadcast_in_dim3A_178 = vector.broadcast %broadcast_in_dim3A_177 : bf16 to vector<32xbf16>
        %broadcast_in_dim3A_179 = arith.constant 0.000000e+00 : bf16
        %broadcast_in_dim3A_180 = vector.broadcast %broadcast_in_dim3A_179 : bf16 to vector<32xbf16>
        %broadcast_in_dim3A_181 = arith.constant 0.000000e+00 : bf16
        %broadcast_in_dim3A_182 = vector.broadcast %broadcast_in_dim3A_181 : bf16 to vector<32xbf16>
        %broadcast_in_dim3A_183 = arith.constant 0.000000e+00 : bf16
        %broadcast_in_dim3A_184 = vector.broadcast %broadcast_in_dim3A_183 : bf16 to vector<32xbf16>
        %broadcast_in_dim3A_185 = arith.constant 0.000000e+00 : bf16
        %broadcast_in_dim3A_186 = vector.broadcast %broadcast_in_dim3A_185 : bf16 to vector<32xbf16>
        %broadcast_in_dim3A_187 = arith.constant 0.000000e+00 : bf16
        %broadcast_in_dim3A_188 = vector.broadcast %broadcast_in_dim3A_187 : bf16 to vector<32xbf16>
        %broadcast_in_dim3A_189 = arith.constant 0.000000e+00 : bf16
        %broadcast_in_dim3A_190 = vector.broadcast %broadcast_in_dim3A_189 : bf16 to vector<32xbf16>
        %broadcast_in_dim3A_191 = arith.constant 0.000000e+00 : bf16
        %broadcast_in_dim3A_192 = vector.broadcast %broadcast_in_dim3A_191 : bf16 to vector<32xbf16>
        %broadcast_in_dim3A_193 = arith.constant 0.000000e+00 : bf16
        %broadcast_in_dim3A_194 = vector.broadcast %broadcast_in_dim3A_193 : bf16 to vector<32xbf16>
        %broadcast_in_dim3A_195 = arith.constant 0.000000e+00 : bf16
        %broadcast_in_dim3A_196 = vector.broadcast %broadcast_in_dim3A_195 : bf16 to vector<32xbf16>
        %broadcast_in_dim3A_197 = arith.constant 0.000000e+00 : bf16
        %broadcast_in_dim3A_198 = vector.broadcast %broadcast_in_dim3A_197 : bf16 to vector<32xbf16>
        %broadcast_in_dim3A_199 = arith.constant 0.000000e+00 : bf16
        %broadcast_in_dim3A_200 = vector.broadcast %broadcast_in_dim3A_199 : bf16 to vector<32xbf16>
        %broadcast_in_dim3A_201 = arith.constant 0.000000e+00 : bf16
        %broadcast_in_dim3A_202 = vector.broadcast %broadcast_in_dim3A_201 : bf16 to vector<32xbf16>
        %broadcast_in_dim3A_203 = arith.constant 0.000000e+00 : bf16
        %broadcast_in_dim3A_204 = vector.broadcast %broadcast_in_dim3A_203 : bf16 to vector<32xbf16>
        %broadcast_in_dim3A_205 = arith.constant 0.000000e+00 : bf16
        %broadcast_in_dim3A_206 = vector.broadcast %broadcast_in_dim3A_205 : bf16 to vector<32xbf16>
        %broadcast_in_dim3A_207 = arith.constant 0.000000e+00 : bf16
        %broadcast_in_dim3A_208 = vector.broadcast %broadcast_in_dim3A_207 : bf16 to vector<32xbf16>
        %mul3A_209 = arith.constant 16 : i32
        %mul3A_210 = arith.muli %scan3A_126, %mul3A_209 : i32
        %add3A_211 = arith.constant 0 : i32
        %add3A_212 = arith.addi %mul3A_210, %add3A_211 : i32
        %get3A_213 = arith.index_cast %add3A_212 : i32 to index
        %get3A_214 = arith.constant 0 : index
        %get3A_215 = tpu.vector_load %arg13[%get3A_213, %get3A_214] {strides = array<i32>} : memref<128x128xbf16, #tpu.memory_space<vmem>>, vector<32xbf16>,
        %mul3A_216 = arith.constant 16 : i32
        %mul3A_217 = arith.muli %scan3A_126, %mul3A_216 : i32
        %add3A_218 = arith.constant 0 : i32
        %add3A_219 = arith.addi %mul3A_217, %add3A_218 : i32
        %get3A_220 = arith.index_cast %add3A_219 : i32 to index
        %get3A_221 = arith.constant 32 : index
        %get3A_222 = tpu.vector_load %arg13[%get3A_220, %get3A_221] {strides = array<i32>} : memref<128x128xbf16, #tpu.memory_space<vmem>>, vector<32xbf16>,
        %mul3A_223 = arith.constant 16 : i32
        %mul3A_224 = arith.muli %scan3A_126, %mul3A_223 : i32
        %add3A_225 = arith.constant 0 : i32
        %add3A_226 = arith.addi %mul3A_224, %add3A_225 : i32
        %get3A_227 = arith.index_cast %add3A_226 : i32 to index
        %get3A_228 = arith.constant 64 : index
        %get3A_229 = tpu.vector_load %arg13[%get3A_227, %get3A_228] {strides = array<i32>} : memref<128x128xbf16, #tpu.memory_space<vmem>>, vector<32xbf16>,
        %mul3A_230 = arith.constant 16 : i32
        %mul3A_231 = arith.muli %scan3A_126, %mul3A_230 : i32
        %add3A_232 = arith.constant 0 : i32
        %add3A_233 = arith.addi %mul3A_231, %add3A_232 : i32
        %get3A_234 = arith.index_cast %add3A_233 : i32 to index
        %get3A_235 = arith.constant 96 : index
        %get3A_236 = tpu.vector_load %arg13[%get3A_234, %get3A_235] {strides = array<i32>} : memref<128x128xbf16, #tpu.memory_space<vmem>>, vector<32xbf16>,
        %slice3A = vector.extract_strided_slice %select_n3A_170 {offsets = [0], sizes = [1], strides = [1]} : vector<16xf32> to vector<1xf32>
        %squeeze3A = vector.extract %slice3A[0] : f32 from vector<1xf32>
        %broadcast_in_dim3A_237 = vector.broadcast %squeeze3A : f32 to vector<16xf32>
        %pack3A = tpu.pack_subelements %broadcast_in_dim3A_237, %broadcast_in_dim3A_237 {pack_format = #tpu.pack_format<interleaved>, positions = array<i32: 0, 1>} : vector<16xf32>, vector<16xf32> -> vector<32xbf16>
        %mul3A_238 = arith.mulf %pack3A, %get3A_215 : vector<32xbf16>
        %add3A_239 = arith.addf %broadcast_in_dim3A_178, %mul3A_238 : vector<32xbf16>
        %mul3A_240 = arith.mulf %pack3A, %get3A_222 : vector<32xbf16>
        %add3A_241 = arith.addf %broadcast_in_dim3A_180, %mul3A_240 : vector<32xbf16>
        %mul3A_242 = arith.mulf %pack3A, %get3A_229 : vector<32xbf16>
        %add3A_243 = arith.addf %broadcast_in_dim3A_182, %mul3A_242 : vector<32xbf16>
        %mul3A_244 = arith.mulf %pack3A, %get3A_236 : vector<32xbf16>
        %add3A_245 = arith.addf %broadcast_in_dim3A_184, %mul3A_244 : vector<32xbf16>
        %slice3A_246 = vector.extract_strided_slice %select_n3A_172 {offsets = [0], sizes = [1], strides = [1]} : vector<16xf32> to vector<1xf32>
        %squeeze3A_247 = vector.extract %slice3A_246[0] : f32 from vector<1xf32>
        %broadcast_in_dim3A_248 = vector.broadcast %squeeze3A_247 : f32 to vector<16xf32>
        %pack3A_249 = tpu.pack_subelements %broadcast_in_dim3A_248, %broadcast_in_dim3A_248 {pack_format = #tpu.pack_format<interleaved>, positions = array<i32: 0, 1>} : vector<16xf32>, vector<16xf32> -> vector<32xbf16>
        %mul3A_250 = arith.mulf %pack3A_249, %get3A_215 : vector<32xbf16>
        %add3A_251 = arith.addf %broadcast_in_dim3A_186, %mul3A_250 : vector<32xbf16>
        %mul3A_252 = arith.mulf %pack3A_249, %get3A_222 : vector<32xbf16>
        %add3A_253 = arith.addf %broadcast_in_dim3A_188, %mul3A_252 : vector<32xbf16>
        %mul3A_254 = arith.mulf %pack3A_249, %get3A_229 : vector<32xbf16>
        %add3A_255 = arith.addf %broadcast_in_dim3A_190, %mul3A_254 : vector<32xbf16>
        %mul3A_256 = arith.mulf %pack3A_249, %get3A_236 : vector<32xbf16>
        %add3A_257 = arith.addf %broadcast_in_dim3A_192, %mul3A_256 : vector<32xbf16>
        %slice3A_258 = vector.extract_strided_slice %select_n3A_174 {offsets = [0], sizes = [1], strides = [1]} : vector<16xf32> to vector<1xf32>
        %squeeze3A_259 = vector.extract %slice3A_258[0] : f32 from vector<1xf32>
        %broadcast_in_dim3A_260 = vector.broadcast %squeeze3A_259 : f32 to vector<16xf32>
        %pack3A_261 = tpu.pack_subelements %broadcast_in_dim3A_260, %broadcast_in_dim3A_260 {pack_format = #tpu.pack_format<interleaved>, positions = array<i32: 0, 1>} : vector<16xf32>, vector<16xf32> -> vector<32xbf16>
        %mul3A_262 = arith.mulf %pack3A_261, %get3A_215 : vector<32xbf16>
        %add3A_263 = arith.addf %broadcast_in_dim3A_194, %mul3A_262 : vector<32xbf16>
        %mul3A_264 = arith.mulf %pack3A_261, %get3A_222 : vector<32xbf16>
        %add3A_265 = arith.addf %broadcast_in_dim3A_196, %mul3A_264 : vector<32xbf16>
        %mul3A_266 = arith.mulf %pack3A_261, %get3A_229 : vector<32xbf16>
        %add3A_267 = arith.addf %broadcast_in_dim3A_198, %mul3A_266 : vector<32xbf16>
        %mul3A_268 = arith.mulf %pack3A_261, %get3A_236 : vector<32xbf16>
        %add3A_269 = arith.addf %broadcast_in_dim3A_200, %mul3A_268 : vector<32xbf16>
        %slice3A_270 = vector.extract_strided_slice %select_n3A_176 {offsets = [0], sizes = [1], strides = [1]} : vector<16xf32> to vector<1xf32>
        %squeeze3A_271 = vector.extract %slice3A_270[0] : f32 from vector<1xf32>
        %broadcast_in_dim3A_272 = vector.broadcast %squeeze3A_271 : f32 to vector<16xf32>
        %pack3A_273 = tpu.pack_subelements %broadcast_in_dim3A_272, %broadcast_in_dim3A_272 {pack_format = #tpu.pack_format<interleaved>, positions = array<i32: 0, 1>} : vector<16xf32>, vector<16xf32> -> vector<32xbf16>
        %mul3A_274 = arith.mulf %pack3A_273, %get3A_215 : vector<32xbf16>
        %add3A_275 = arith.addf %broadcast_in_dim3A_202, %mul3A_274 : vector<32xbf16>
        %mul3A_276 = arith.mulf %pack3A_273, %get3A_222 : vector<32xbf16>
        %add3A_277 = arith.addf %broadcast_in_dim3A_204, %mul3A_276 : vector<32xbf16>
        %mul3A_278 = arith.mulf %pack3A_273, %get3A_229 : vector<32xbf16>
        %add3A_279 = arith.addf %broadcast_in_dim3A_206, %mul3A_278 : vector<32xbf16>
        %mul3A_280 = arith.mulf %pack3A_273, %get3A_236 : vector<32xbf16>
        %add3A_281 = arith.addf %broadcast_in_dim3A_208, %mul3A_280 : vector<32xbf16>
        %mul3A_282 = arith.constant 16 : i32
        %mul3A_283 = arith.muli %scan3A_126, %mul3A_282 : i32
        %add3A_284 = arith.constant 1 : i32
        %add3A_285 = arith.addi %mul3A_283, %add3A_284 : i32
        %get3A_286 = arith.index_cast %add3A_285 : i32 to index
        %get3A_287 = arith.constant 0 : index
        %get3A_288 = tpu.vector_load %arg13[%get3A_286, %get3A_287] {strides = array<i32>} : memref<128x128xbf16, #tpu.memory_space<vmem>>, vector<32xbf16>,
        %mul3A_289 = arith.constant 16 : i32
        %mul3A_290 = arith.muli %scan3A_126, %mul3A_289 : i32
        %add3A_291 = arith.constant 1 : i32
        %add3A_292 = arith.addi %mul3A_290, %add3A_291 : i32
        %get3A_293 = arith.index_cast %add3A_292 : i32 to index
        %get3A_294 = arith.constant 32 : index
        %get3A_295 = tpu.vector_load %arg13[%get3A_293, %get3A_294] {strides = array<i32>} : memref<128x128xbf16, #tpu.memory_space<vmem>>, vector<32xbf16>,
        %mul3A_296 = arith.constant 16 : i32
        %mul3A_297 = arith.muli %scan3A_126, %mul3A_296 : i32
        %add3A_298 = arith.constant 1 : i32
        %add3A_299 = arith.addi %mul3A_297, %add3A_298 : i32
        %get3A_300 = arith.index_cast %add3A_299 : i32 to index
        %get3A_301 = arith.constant 64 : index
        %get3A_302 = tpu.vector_load %arg13[%get3A_300, %get3A_301] {strides = array<i32>} : memref<128x128xbf16, #tpu.memory_space<vmem>>, vector<32xbf16>,
        %mul3A_303 = arith.constant 16 : i32
        %mul3A_304 = arith.muli %scan3A_126, %mul3A_303 : i32
        %add3A_305 = arith.constant 1 : i32
        %add3A_306 = arith.addi %mul3A_304, %add3A_305 : i32
        %get3A_307 = arith.index_cast %add3A_306 : i32 to index
        %get3A_308 = arith.constant 96 : index
        %get3A_309 = tpu.vector_load %arg13[%get3A_307, %get3A_308] {strides = array<i32>} : memref<128x128xbf16, #tpu.memory_space<vmem>>, vector<32xbf16>,
        %slice3A_310 = vector.extract_strided_slice %select_n3A_170 {offsets = [1], sizes = [1], strides = [1]} : vector<16xf32> to vector<1xf32>
        %squeeze3A_311 = vector.extract %slice3A_310[0] : f32 from vector<1xf32>
        %broadcast_in_dim3A_312 = vector.broadcast %squeeze3A_311 : f32 to vector<16xf32>
        %pack3A_313 = tpu.pack_subelements %broadcast_in_dim3A_312, %broadcast_in_dim3A_312 {pack_format = #tpu.pack_format<interleaved>, positions = array<i32: 0, 1>} : vector<16xf32>, vector<16xf32> -> vector<32xbf16>
        %mul3A_314 = arith.mulf %pack3A_313, %get3A_288 : vector<32xbf16>
        %add3A_315 = arith.addf %add3A_239, %mul3A_314 : vector<32xbf16>
        %mul3A_316 = arith.mulf %pack3A_313, %get3A_295 : vector<32xbf16>
        %add3A_317 = arith.addf %add3A_241, %mul3A_316 : vector<32xbf16>
        %mul3A_318 = arith.mulf %pack3A_313, %get3A_302 : vector<32xbf16>
        %add3A_319 = arith.addf %add3A_243, %mul3A_318 : vector<32xbf16>
        %mul3A_320 = arith.mulf %pack3A_313, %get3A_309 : vector<32xbf16>
        %add3A_321 = arith.addf %add3A_245, %mul3A_320 : vector<32xbf16>
        %slice3A_322 = vector.extract_strided_slice %select_n3A_172 {offsets = [1], sizes = [1], strides = [1]} : vector<16xf32> to vector<1xf32>
        %squeeze3A_323 = vector.extract %slice3A_322[0] : f32 from vector<1xf32>
        %broadcast_in_dim3A_324 = vector.broadcast %squeeze3A_323 : f32 to vector<16xf32>
        %pack3A_325 = tpu.pack_subelements %broadcast_in_dim3A_324, %broadcast_in_dim3A_324 {pack_format = #tpu.pack_format<interleaved>, positions = array<i32: 0, 1>} : vector<16xf32>, vector<16xf32> -> vector<32xbf16>
        %mul3A_326 = arith.mulf %pack3A_325, %get3A_288 : vector<32xbf16>
        %add3A_327 = arith.addf %add3A_251, %mul3A_326 : vector<32xbf16>
        %mul3A_328 = arith.mulf %pack3A_325, %get3A_295 : vector<32xbf16>
        %add3A_329 = arith.addf %add3A_253, %mul3A_328 : vector<32xbf16>
        %mul3A_330 = arith.mulf %pack3A_325, %get3A_302 : vector<32xbf16>
        %add3A_331 = arith.addf %add3A_255, %mul3A_330 : vector<32xbf16>
        %mul3A_332 = arith.mulf %pack3A_325, %get3A_309 : vector<32xbf16>
        %add3A_333 = arith.addf %add3A_257, %mul3A_332 : vector<32xbf16>
        %slice3A_334 = vector.extract_strided_slice %select_n3A_174 {offsets = [1], sizes = [1], strides = [1]} : vector<16xf32> to vector<1xf32>
        %squeeze3A_335 = vector.extract %slice3A_334[0] : f32 from vector<1xf32>
        %broadcast_in_dim3A_336 = vector.broadcast %squeeze3A_335 : f32 to vector<16xf32>
        %pack3A_337 = tpu.pack_subelements %broadcast_in_dim3A_336, %broadcast_in_dim3A_336 {pack_format = #tpu.pack_format<interleaved>, positions = array<i32: 0, 1>} : vector<16xf32>, vector<16xf32> -> vector<32xbf16>
        %mul3A_338 = arith.mulf %pack3A_337, %get3A_288 : vector<32xbf16>
        %add3A_339 = arith.addf %add3A_263, %mul3A_338 : vector<32xbf16>
        %mul3A_340 = arith.mulf %pack3A_337, %get3A_295 : vector<32xbf16>
        %add3A_341 = arith.addf %add3A_265, %mul3A_340 : vector<32xbf16>
        %mul3A_342 = arith.mulf %pack3A_337, %get3A_302 : vector<32xbf16>
        %add3A_343 = arith.addf %add3A_267, %mul3A_342 : vector<32xbf16>
        %mul3A_344 = arith.mulf %pack3A_337, %get3A_309 : vector<32xbf16>
        %add3A_345 = arith.addf %add3A_269, %mul3A_344 : vector<32xbf16>
        %slice3A_346 = vector.extract_strided_slice %select_n3A_176 {offsets = [1], sizes = [1], strides = [1]} : vector<16xf32> to vector<1xf32>
        %squeeze3A_347 = vector.extract %slice3A_346[0] : f32 from vector<1xf32>
        %broadcast_in_dim3A_348 = vector.broadcast %squeeze3A_347 : f32 to vector<16xf32>
        %pack3A_349 = tpu.pack_subelements %broadcast_in_dim3A_348, %broadcast_in_dim3A_348 {pack_format = #tpu.pack_format<interleaved>, positions = array<i32: 0, 1>} : vector<16xf32>, vector<16xf32> -> vector<32xbf16>
        %mul3A_350 = arith.mulf %pack3A_349, %get3A_288 : vector<32xbf16>
        %add3A_351 = arith.addf %add3A_275, %mul3A_350 : vector<32xbf16>
        %mul3A_352 = arith.mulf %pack3A_349, %get3A_295 : vector<32xbf16>
        %add3A_353 = arith.addf %add3A_277, %mul3A_352 : vector<32xbf16>
        %mul3A_354 = arith.mulf %pack3A_349, %get3A_302 : vector<32xbf16>
        %add3A_355 = arith.addf %add3A_279, %mul3A_354 : vector<32xbf16>
        %mul3A_356 = arith.mulf %pack3A_349, %get3A_309 : vector<32xbf16>
        %add3A_357 = arith.addf %add3A_281, %mul3A_356 : vector<32xbf16>
        %mul3A_358 = arith.constant 16 : i32
        %mul3A_359 = arith.muli %scan3A_126, %mul3A_358 : i32
        %add3A_360 = arith.constant 2 : i32
        %add3A_361 = arith.addi %mul3A_359, %add3A_360 : i32
        %get3A_362 = arith.index_cast %add3A_361 : i32 to index
        %get3A_363 = arith.constant 0 : index
        %get3A_364 = tpu.vector_load %arg13[%get3A_362, %get3A_363] {strides = array<i32>} : memref<128x128xbf16, #tpu.memory_space<vmem>>, vector<32xbf16>,
        %mul3A_365 = arith.constant 16 : i32
        %mul3A_366 = arith.muli %scan3A_126, %mul3A_365 : i32
        %add3A_367 = arith.constant 2 : i32
        %add3A_368 = arith.addi %mul3A_366, %add3A_367 : i32
        %get3A_369 = arith.index_cast %add3A_368 : i32 to index
        %get3A_370 = arith.constant 32 : index
        %get3A_371 = tpu.vector_load %arg13[%get3A_369, %get3A_370] {strides = array<i32>} : memref<128x128xbf16, #tpu.memory_space<vmem>>, vector<32xbf16>,
        %mul3A_372 = arith.constant 16 : i32
        %mul3A_373 = arith.muli %scan3A_126, %mul3A_372 : i32
        %add3A_374 = arith.constant 2 : i32
        %add3A_375 = arith.addi %mul3A_373, %add3A_374 : i32
        %get3A_376 = arith.index_cast %add3A_375 : i32 to index
        %get3A_377 = arith.constant 64 : index
        %get3A_378 = tpu.vector_load %arg13[%get3A_376, %get3A_377] {strides = array<i32>} : memref<128x128xbf16, #tpu.memory_space<vmem>>, vector<32xbf16>,
        %mul3A_379 = arith.constant 16 : i32
        %mul3A_380 = arith.muli %scan3A_126, %mul3A_379 : i32
        %add3A_381 = arith.constant 2 : i32
        %add3A_382 = arith.addi %mul3A_380, %add3A_381 : i32
        %get3A_383 = arith.index_cast %add3A_382 : i32 to index
        %get3A_384 = arith.constant 96 : index
        %get3A_385 = tpu.vector_load %arg13[%get3A_383, %get3A_384] {strides = array<i32>} : memref<128x128xbf16, #tpu.memory_space<vmem>>, vector<32xbf16>,
        %slice3A_386 = vector.extract_strided_slice %select_n3A_170 {offsets = [2], sizes = [1], strides = [1]} : vector<16xf32> to vector<1xf32>
        %squeeze3A_387 = vector.extract %slice3A_386[0] : f32 from vector<1xf32>
        %broadcast_in_dim3A_388 = vector.broadcast %squeeze3A_387 : f32 to vector<16xf32>
        %pack3A_389 = tpu.pack_subelements %broadcast_in_dim3A_388, %broadcast_in_dim3A_388 {pack_format = #tpu.pack_format<interleaved>, positions = array<i32: 0, 1>} : vector<16xf32>, vector<16xf32> -> vector<32xbf16>
        %mul3A_390 = arith.mulf %pack3A_389, %get3A_364 : vector<32xbf16>
        %add3A_391 = arith.addf %add3A_315, %mul3A_390 : vector<32xbf16>
        %mul3A_392 = arith.mulf %pack3A_389, %get3A_371 : vector<32xbf16>
        %add3A_393 = arith.addf %add3A_317, %mul3A_392 : vector<32xbf16>
        %mul3A_394 = arith.mulf %pack3A_389, %get3A_378 : vector<32xbf16>
        %add3A_395 = arith.addf %add3A_319, %mul3A_394 : vector<32xbf16>
        %mul3A_396 = arith.mulf %pack3A_389, %get3A_385 : vector<32xbf16>
        %add3A_397 = arith.addf %add3A_321, %mul3A_396 : vector<32xbf16>
        %slice3A_398 = vector.extract_strided_slice %select_n3A_172 {offsets = [2], sizes = [1], strides = [1]} : vector<16xf32> to vector<1xf32>
        %squeeze3A_399 = vector.extract %slice3A_398[0] : f32 from vector<1xf32>
        %broadcast_in_dim3A_400 = vector.broadcast %squeeze3A_399 : f32 to vector<16xf32>
        %pack3A_401 = tpu.pack_subelements %broadcast_in_dim3A_400, %broadcast_in_dim3A_400 {pack_format = #tpu.pack_format<interleaved>, positions = array<i32: 0, 1>} : vector<16xf32>, vector<16xf32> -> vector<32xbf16>
        %mul3A_402 = arith.mulf %pack3A_401, %get3A_364 : vector<32xbf16>
        %add3A_403 = arith.addf %add3A_327, %mul3A_402 : vector<32xbf16>
        %mul3A_404 = arith.mulf %pack3A_401, %get3A_371 : vector<32xbf16>
        %add3A_405 = arith.addf %add3A_329, %mul3A_404 : vector<32xbf16>
        %mul3A_406 = arith.mulf %pack3A_401, %get3A_378 : vector<32xbf16>
        %add3A_407 = arith.addf %add3A_331, %mul3A_406 : vector<32xbf16>
        %mul3A_408 = arith.mulf %pack3A_401, %get3A_385 : vector<32xbf16>
        %add3A_409 = arith.addf %add3A_333, %mul3A_408 : vector<32xbf16>
        %slice3A_410 = vector.extract_strided_slice %select_n3A_174 {offsets = [2], sizes = [1], strides = [1]} : vector<16xf32> to vector<1xf32>
        %squeeze3A_411 = vector.extract %slice3A_410[0] : f32 from vector<1xf32>
        %broadcast_in_dim3A_412 = vector.broadcast %squeeze3A_411 : f32 to vector<16xf32>
        %pack3A_413 = tpu.pack_subelements %broadcast_in_dim3A_412, %broadcast_in_dim3A_412 {pack_format = #tpu.pack_format<interleaved>, positions = array<i32: 0, 1>} : vector<16xf32>, vector<16xf32> -> vector<32xbf16>
        %mul3A_414 = arith.mulf %pack3A_413, %get3A_364 : vector<32xbf16>
        %add3A_415 = arith.addf %add3A_339, %mul3A_414 : vector<32xbf16>
        %mul3A_416 = arith.mulf %pack3A_413, %get3A_371 : vector<32xbf16>
        %add3A_417 = arith.addf %add3A_341, %mul3A_416 : vector<32xbf16>
        %mul3A_418 = arith.mulf %pack3A_413, %get3A_378 : vector<32xbf16>
        %add3A_419 = arith.addf %add3A_343, %mul3A_418 : vector<32xbf16>
        %mul3A_420 = arith.mulf %pack3A_413, %get3A_385 : vector<32xbf16>
        %add3A_421 = arith.addf %add3A_345, %mul3A_420 : vector<32xbf16>
        %slice3A_422 = vector.extract_strided_slice %select_n3A_176 {offsets = [2], sizes = [1], strides = [1]} : vector<16xf32> to vector<1xf32>
        %squeeze3A_423 = vector.extract %slice3A_422[0] : f32 from vector<1xf32>
        %broadcast_in_dim3A_424 = vector.broadcast %squeeze3A_423 : f32 to vector<16xf32>
        %pack3A_425 = tpu.pack_subelements %broadcast_in_dim3A_424, %broadcast_in_dim3A_424 {pack_format = #tpu.pack_format<interleaved>, positions = array<i32: 0, 1>} : vector<16xf32>, vector<16xf32> -> vector<32xbf16>
        %mul3A_426 = arith.mulf %pack3A_425, %get3A_364 : vector<32xbf16>
        %add3A_427 = arith.addf %add3A_351, %mul3A_426 : vector<32xbf16>
        %mul3A_428 = arith.mulf %pack3A_425, %get3A_371 : vector<32xbf16>
        %add3A_429 = arith.addf %add3A_353, %mul3A_428 : vector<32xbf16>
        %mul3A_430 = arith.mulf %pack3A_425, %get3A_378 : vector<32xbf16>
        %add3A_431 = arith.addf %add3A_355, %mul3A_430 : vector<32xbf16>
        %mul3A_432 = arith.mulf %pack3A_425, %get3A_385 : vector<32xbf16>
        %add3A_433 = arith.addf %add3A_357, %mul3A_432 : vector<32xbf16>
        %mul3A_434 = arith.constant 16 : i32
        %mul3A_435 = arith.muli %scan3A_126, %mul3A_434 : i32
        %add3A_436 = arith.constant 3 : i32
        %add3A_437 = arith.addi %mul3A_435, %add3A_436 : i32
        %get3A_438 = arith.index_cast %add3A_437 : i32 to index
        %get3A_439 = arith.constant 0 : index
        %get3A_440 = tpu.vector_load %arg13[%get3A_438, %get3A_439] {strides = array<i32>} : memref<128x128xbf16, #tpu.memory_space<vmem>>, vector<32xbf16>,
        %mul3A_441 = arith.constant 16 : i32
        %mul3A_442 = arith.muli %scan3A_126, %mul3A_441 : i32
        %add3A_443 = arith.constant 3 : i32
        %add3A_444 = arith.addi %mul3A_442, %add3A_443 : i32
        %get3A_445 = arith.index_cast %add3A_444 : i32 to index
        %get3A_446 = arith.constant 32 : index
        %get3A_447 = tpu.vector_load %arg13[%get3A_445, %get3A_446] {strides = array<i32>} : memref<128x128xbf16, #tpu.memory_space<vmem>>, vector<32xbf16>,
        %mul3A_448 = arith.constant 16 : i32
        %mul3A_449 = arith.muli %scan3A_126, %mul3A_448 : i32
        %add3A_450 = arith.constant 3 : i32
        %add3A_451 = arith.addi %mul3A_449, %add3A_450 : i32
        %get3A_452 = arith.index_cast %add3A_451 : i32 to index
        %get3A_453 = arith.constant 64 : index
        %get3A_454 = tpu.vector_load %arg13[%get3A_452, %get3A_453] {strides = array<i32>} : memref<128x128xbf16, #tpu.memory_space<vmem>>, vector<32xbf16>,
        %mul3A_455 = arith.constant 16 : i32
        %mul3A_456 = arith.muli %scan3A_126, %mul3A_455 : i32
        %add3A_457 = arith.constant 3 : i32
        %add3A_458 = arith.addi %mul3A_456, %add3A_457 : i32
        %get3A_459 = arith.index_cast %add3A_458 : i32 to index
        %get3A_460 = arith.constant 96 : index
        %get3A_461 = tpu.vector_load %arg13[%get3A_459, %get3A_460] {strides = array<i32>} : memref<128x128xbf16, #tpu.memory_space<vmem>>, vector<32xbf16>,
        %slice3A_462 = vector.extract_strided_slice %select_n3A_170 {offsets = [3], sizes = [1], strides = [1]} : vector<16xf32> to vector<1xf32>
        %squeeze3A_463 = vector.extract %slice3A_462[0] : f32 from vector<1xf32>
        %broadcast_in_dim3A_464 = vector.broadcast %squeeze3A_463 : f32 to vector<16xf32>
        %pack3A_465 = tpu.pack_subelements %broadcast_in_dim3A_464, %broadcast_in_dim3A_464 {pack_format = #tpu.pack_format<interleaved>, positions = array<i32: 0, 1>} : vector<16xf32>, vector<16xf32> -> vector<32xbf16>
        %mul3A_466 = arith.mulf %pack3A_465, %get3A_440 : vector<32xbf16>
        %add3A_467 = arith.addf %add3A_391, %mul3A_466 : vector<32xbf16>
        %mul3A_468 = arith.mulf %pack3A_465, %get3A_447 : vector<32xbf16>
        %add3A_469 = arith.addf %add3A_393, %mul3A_468 : vector<32xbf16>
        %mul3A_470 = arith.mulf %pack3A_465, %get3A_454 : vector<32xbf16>
        %add3A_471 = arith.addf %add3A_395, %mul3A_470 : vector<32xbf16>
        %mul3A_472 = arith.mulf %pack3A_465, %get3A_461 : vector<32xbf16>
        %add3A_473 = arith.addf %add3A_397, %mul3A_472 : vector<32xbf16>
        %slice3A_474 = vector.extract_strided_slice %select_n3A_172 {offsets = [3], sizes = [1], strides = [1]} : vector<16xf32> to vector<1xf32>
        %squeeze3A_475 = vector.extract %slice3A_474[0] : f32 from vector<1xf32>
        %broadcast_in_dim3A_476 = vector.broadcast %squeeze3A_475 : f32 to vector<16xf32>
        %pack3A_477 = tpu.pack_subelements %broadcast_in_dim3A_476, %broadcast_in_dim3A_476 {pack_format = #tpu.pack_format<interleaved>, positions = array<i32: 0, 1>} : vector<16xf32>, vector<16xf32> -> vector<32xbf16>
        %mul3A_478 = arith.mulf %pack3A_477, %get3A_440 : vector<32xbf16>
        %add3A_479 = arith.addf %add3A_403, %mul3A_478 : vector<32xbf16>
        %mul3A_480 = arith.mulf %pack3A_477, %get3A_447 : vector<32xbf16>
        %add3A_481 = arith.addf %add3A_405, %mul3A_480 : vector<32xbf16>
        %mul3A_482 = arith.mulf %pack3A_477, %get3A_454 : vector<32xbf16>
        %add3A_483 = arith.addf %add3A_407, %mul3A_482 : vector<32xbf16>
        %mul3A_484 = arith.mulf %pack3A_477, %get3A_461 : vector<32xbf16>
        %add3A_485 = arith.addf %add3A_409, %mul3A_484 : vector<32xbf16>
        %slice3A_486 = vector.extract_strided_slice %select_n3A_174 {offsets = [3], sizes = [1], strides = [1]} : vector<16xf32> to vector<1xf32>
        %squeeze3A_487 = vector.extract %slice3A_486[0] : f32 from vector<1xf32>
        %broadcast_in_dim3A_488 = vector.broadcast %squeeze3A_487 : f32 to vector<16xf32>
        %pack3A_489 = tpu.pack_subelements %broadcast_in_dim3A_488, %broadcast_in_dim3A_488 {pack_format = #tpu.pack_format<interleaved>, positions = array<i32: 0, 1>} : vector<16xf32>, vector<16xf32> -> vector<32xbf16>
        %mul3A_490 = arith.mulf %pack3A_489, %get3A_440 : vector<32xbf16>
        %add3A_491 = arith.addf %add3A_415, %mul3A_490 : vector<32xbf16>
        %mul3A_492 = arith.mulf %pack3A_489, %get3A_447 : vector<32xbf16>
        %add3A_493 = arith.addf %add3A_417, %mul3A_492 : vector<32xbf16>
        %mul3A_494 = arith.mulf %pack3A_489, %get3A_454 : vector<32xbf16>
        %add3A_495 = arith.addf %add3A_419, %mul3A_494 : vector<32xbf16>
        %mul3A_496 = arith.mulf %pack3A_489, %get3A_461 : vector<32xbf16>
        %add3A_497 = arith.addf %add3A_421, %mul3A_496 : vector<32xbf16>
        %slice3A_498 = vector.extract_strided_slice %select_n3A_176 {offsets = [3], sizes = [1], strides = [1]} : vector<16xf32> to vector<1xf32>
        %squeeze3A_499 = vector.extract %slice3A_498[0] : f32 from vector<1xf32>
        %broadcast_in_dim3A_500 = vector.broadcast %squeeze3A_499 : f32 to vector<16xf32>
        %pack3A_501 = tpu.pack_subelements %broadcast_in_dim3A_500, %broadcast_in_dim3A_500 {pack_format = #tpu.pack_format<interleaved>, positions = array<i32: 0, 1>} : vector<16xf32>, vector<16xf32> -> vector<32xbf16>
        %mul3A_502 = arith.mulf %pack3A_501, %get3A_440 : vector<32xbf16>
        %add3A_503 = arith.addf %add3A_427, %mul3A_502 : vector<32xbf16>
        %mul3A_504 = arith.mulf %pack3A_501, %get3A_447 : vector<32xbf16>
        %add3A_505 = arith.addf %add3A_429, %mul3A_504 : vector<32xbf16>
        %mul3A_506 = arith.mulf %pack3A_501, %get3A_454 : vector<32xbf16>
        %add3A_507 = arith.addf %add3A_431, %mul3A_506 : vector<32xbf16>
        %mul3A_508 = arith.mulf %pack3A_501, %get3A_461 : vector<32xbf16>
        %add3A_509 = arith.addf %add3A_433, %mul3A_508 : vector<32xbf16>
        %mul3A_510 = arith.constant 16 : i32
        %mul3A_511 = arith.muli %scan3A_126, %mul3A_510 : i32
        %add3A_512 = arith.constant 4 : i32
        %add3A_513 = arith.addi %mul3A_511, %add3A_512 : i32
        %get3A_514 = arith.index_cast %add3A_513 : i32 to index
        %get3A_515 = arith.constant 0 : index
        %get3A_516 = tpu.vector_load %arg13[%get3A_514, %get3A_515] {strides = array<i32>} : memref<128x128xbf16, #tpu.memory_space<vmem>>, vector<32xbf16>,
        %mul3A_517 = arith.constant 16 : i32
        %mul3A_518 = arith.muli %scan3A_126, %mul3A_517 : i32
        %add3A_519 = arith.constant 4 : i32
        %add3A_520 = arith.addi %mul3A_518, %add3A_519 : i32
        %get3A_521 = arith.index_cast %add3A_520 : i32 to index
        %get3A_522 = arith.constant 32 : index
        %get3A_523 = tpu.vector_load %arg13[%get3A_521, %get3A_522] {strides = array<i32>} : memref<128x128xbf16, #tpu.memory_space<vmem>>, vector<32xbf16>,
        %mul3A_524 = arith.constant 16 : i32
        %mul3A_525 = arith.muli %scan3A_126, %mul3A_524 : i32
        %add3A_526 = arith.constant 4 : i32
        %add3A_527 = arith.addi %mul3A_525, %add3A_526 : i32
        %get3A_528 = arith.index_cast %add3A_527 : i32 to index
        %get3A_529 = arith.constant 64 : index
        %get3A_530 = tpu.vector_load %arg13[%get3A_528, %get3A_529] {strides = array<i32>} : memref<128x128xbf16, #tpu.memory_space<vmem>>, vector<32xbf16>,
        %mul3A_531 = arith.constant 16 : i32
        %mul3A_532 = arith.muli %scan3A_126, %mul3A_531 : i32
        %add3A_533 = arith.constant 4 : i32
        %add3A_534 = arith.addi %mul3A_532, %add3A_533 : i32
        %get3A_535 = arith.index_cast %add3A_534 : i32 to index
        %get3A_536 = arith.constant 96 : index
        %get3A_537 = tpu.vector_load %arg13[%get3A_535, %get3A_536] {strides = array<i32>} : memref<128x128xbf16, #tpu.memory_space<vmem>>, vector<32xbf16>,
        %slice3A_538 = vector.extract_strided_slice %select_n3A_170 {offsets = [4], sizes = [1], strides = [1]} : vector<16xf32> to vector<1xf32>
        %squeeze3A_539 = vector.extract %slice3A_538[0] : f32 from vector<1xf32>
        %broadcast_in_dim3A_540 = vector.broadcast %squeeze3A_539 : f32 to vector<16xf32>
        %pack3A_541 = tpu.pack_subelements %broadcast_in_dim3A_540, %broadcast_in_dim3A_540 {pack_format = #tpu.pack_format<interleaved>, positions = array<i32: 0, 1>} : vector<16xf32>, vector<16xf32> -> vector<32xbf16>
        %mul3A_542 = arith.mulf %pack3A_541, %get3A_516 : vector<32xbf16>
        %add3A_543 = arith.addf %add3A_467, %mul3A_542 : vector<32xbf16>
        %mul3A_544 = arith.mulf %pack3A_541, %get3A_523 : vector<32xbf16>
        %add3A_545 = arith.addf %add3A_469, %mul3A_544 : vector<32xbf16>
        %mul3A_546 = arith.mulf %pack3A_541, %get3A_530 : vector<32xbf16>
        %add3A_547 = arith.addf %add3A_471, %mul3A_546 : vector<32xbf16>
        %mul3A_548 = arith.mulf %pack3A_541, %get3A_537 : vector<32xbf16>
        %add3A_549 = arith.addf %add3A_473, %mul3A_548 : vector<32xbf16>
        %slice3A_550 = vector.extract_strided_slice %select_n3A_172 {offsets = [4], sizes = [1], strides = [1]} : vector<16xf32> to vector<1xf32>
        %squeeze3A_551 = vector.extract %slice3A_550[0] : f32 from vector<1xf32>
        %broadcast_in_dim3A_552 = vector.broadcast %squeeze3A_551 : f32 to vector<16xf32>
        %pack3A_553 = tpu.pack_subelements %broadcast_in_dim3A_552, %broadcast_in_dim3A_552 {pack_format = #tpu.pack_format<interleaved>, positions = array<i32: 0, 1>} : vector<16xf32>, vector<16xf32> -> vector<32xbf16>
        %mul3A_554 = arith.mulf %pack3A_553, %get3A_516 : vector<32xbf16>
        %add3A_555 = arith.addf %add3A_479, %mul3A_554 : vector<32xbf16>
        %mul3A_556 = arith.mulf %pack3A_553, %get3A_523 : vector<32xbf16>
        %add3A_557 = arith.addf %add3A_481, %mul3A_556 : vector<32xbf16>
        %mul3A_558 = arith.mulf %pack3A_553, %get3A_530 : vector<32xbf16>
        %add3A_559 = arith.addf %add3A_483, %mul3A_558 : vector<32xbf16>
        %mul3A_560 = arith.mulf %pack3A_553, %get3A_537 : vector<32xbf16>
        %add3A_561 = arith.addf %add3A_485, %mul3A_560 : vector<32xbf16>
        %slice3A_562 = vector.extract_strided_slice %select_n3A_174 {offsets = [4], sizes = [1], strides = [1]} : vector<16xf32> to vector<1xf32>
        %squeeze3A_563 = vector.extract %slice3A_562[0] : f32 from vector<1xf32>
        %broadcast_in_dim3A_564 = vector.broadcast %squeeze3A_563 : f32 to vector<16xf32>
        %pack3A_565 = tpu.pack_subelements %broadcast_in_dim3A_564, %broadcast_in_dim3A_564 {pack_format = #tpu.pack_format<interleaved>, positions = array<i32: 0, 1>} : vector<16xf32>, vector<16xf32> -> vector<32xbf16>
        %mul3A_566 = arith.mulf %pack3A_565, %get3A_516 : vector<32xbf16>
        %add3A_567 = arith.addf %add3A_491, %mul3A_566 : vector<32xbf16>
        %mul3A_568 = arith.mulf %pack3A_565, %get3A_523 : vector<32xbf16>
        %add3A_569 = arith.addf %add3A_493, %mul3A_568 : vector<32xbf16>
        %mul3A_570 = arith.mulf %pack3A_565, %get3A_530 : vector<32xbf16>
        %add3A_571 = arith.addf %add3A_495, %mul3A_570 : vector<32xbf16>
        %mul3A_572 = arith.mulf %pack3A_565, %get3A_537 : vector<32xbf16>
        %add3A_573 = arith.addf %add3A_497, %mul3A_572 : vector<32xbf16>
        %slice3A_574 = vector.extract_strided_slice %select_n3A_176 {offsets = [4], sizes = [1], strides = [1]} : vector<16xf32> to vector<1xf32>
        %squeeze3A_575 = vector.extract %slice3A_574[0] : f32 from vector<1xf32>
        %broadcast_in_dim3A_576 = vector.broadcast %squeeze3A_575 : f32 to vector<16xf32>
        %pack3A_577 = tpu.pack_subelements %broadcast_in_dim3A_576, %broadcast_in_dim3A_576 {pack_format = #tpu.pack_format<interleaved>, positions = array<i32: 0, 1>} : vector<16xf32>, vector<16xf32> -> vector<32xbf16>
        %mul3A_578 = arith.mulf %pack3A_577, %get3A_516 : vector<32xbf16>
        %add3A_579 = arith.addf %add3A_503, %mul3A_578 : vector<32xbf16>
        %mul3A_580 = arith.mulf %pack3A_577, %get3A_523 : vector<32xbf16>
        %add3A_581 = arith.addf %add3A_505, %mul3A_580 : vector<32xbf16>
        %mul3A_582 = arith.mulf %pack3A_577, %get3A_530 : vector<32xbf16>
        %add3A_583 = arith.addf %add3A_507, %mul3A_582 : vector<32xbf16>
        %mul3A_584 = arith.mulf %pack3A_577, %get3A_537 : vector<32xbf16>
        %add3A_585 = arith.addf %add3A_509, %mul3A_584 : vector<32xbf16>
        %mul3A_586 = arith.constant 16 : i32
        %mul3A_587 = arith.muli %scan3A_126, %mul3A_586 : i32
        %add3A_588 = arith.constant 5 : i32
        %add3A_589 = arith.addi %mul3A_587, %add3A_588 : i32
        %get3A_590 = arith.index_cast %add3A_589 : i32 to index
        %get3A_591 = arith.constant 0 : index
        %get3A_592 = tpu.vector_load %arg13[%get3A_590, %get3A_591] {strides = array<i32>} : memref<128x128xbf16, #tpu.memory_space<vmem>>, vector<32xbf16>,
        %mul3A_593 = arith.constant 16 : i32
        %mul3A_594 = arith.muli %scan3A_126, %mul3A_593 : i32
        %add3A_595 = arith.constant 5 : i32
        %add3A_596 = arith.addi %mul3A_594, %add3A_595 : i32
        %get3A_597 = arith.index_cast %add3A_596 : i32 to index
        %get3A_598 = arith.constant 32 : index
        %get3A_599 = tpu.vector_load %arg13[%get3A_597, %get3A_598] {strides = array<i32>} : memref<128x128xbf16, #tpu.memory_space<vmem>>, vector<32xbf16>,
        %mul3A_600 = arith.constant 16 : i32
        %mul3A_601 = arith.muli %scan3A_126, %mul3A_600 : i32
        %add3A_602 = arith.constant 5 : i32
        %add3A_603 = arith.addi %mul3A_601, %add3A_602 : i32
        %get3A_604 = arith.index_cast %add3A_603 : i32 to index
        %get3A_605 = arith.constant 64 : index
        %get3A_606 = tpu.vector_load %arg13[%get3A_604, %get3A_605] {strides = array<i32>} : memref<128x128xbf16, #tpu.memory_space<vmem>>, vector<32xbf16>,
        %mul3A_607 = arith.constant 16 : i32
        %mul3A_608 = arith.muli %scan3A_126, %mul3A_607 : i32
        %add3A_609 = arith.constant 5 : i32
        %add3A_610 = arith.addi %mul3A_608, %add3A_609 : i32
        %get3A_611 = arith.index_cast %add3A_610 : i32 to index
        %get3A_612 = arith.constant 96 : index
        %get3A_613 = tpu.vector_load %arg13[%get3A_611, %get3A_612] {strides = array<i32>} : memref<128x128xbf16, #tpu.memory_space<vmem>>, vector<32xbf16>,
        %slice3A_614 = vector.extract_strided_slice %select_n3A_170 {offsets = [5], sizes = [1], strides = [1]} : vector<16xf32> to vector<1xf32>
        %squeeze3A_615 = vector.extract %slice3A_614[0] : f32 from vector<1xf32>
        %broadcast_in_dim3A_616 = vector.broadcast %squeeze3A_615 : f32 to vector<16xf32>
        %pack3A_617 = tpu.pack_subelements %broadcast_in_dim3A_616, %broadcast_in_dim3A_616 {pack_format = #tpu.pack_format<interleaved>, positions = array<i32: 0, 1>} : vector<16xf32>, vector<16xf32> -> vector<32xbf16>
        %mul3A_618 = arith.mulf %pack3A_617, %get3A_592 : vector<32xbf16>
        %add3A_619 = arith.addf %add3A_543, %mul3A_618 : vector<32xbf16>
        %mul3A_620 = arith.mulf %pack3A_617, %get3A_599 : vector<32xbf16>
        %add3A_621 = arith.addf %add3A_545, %mul3A_620 : vector<32xbf16>
        %mul3A_622 = arith.mulf %pack3A_617, %get3A_606 : vector<32xbf16>
        %add3A_623 = arith.addf %add3A_547, %mul3A_622 : vector<32xbf16>
        %mul3A_624 = arith.mulf %pack3A_617, %get3A_613 : vector<32xbf16>
        %add3A_625 = arith.addf %add3A_549, %mul3A_624 : vector<32xbf16>
        %slice3A_626 = vector.extract_strided_slice %select_n3A_172 {offsets = [5], sizes = [1], strides = [1]} : vector<16xf32> to vector<1xf32>
        %squeeze3A_627 = vector.extract %slice3A_626[0] : f32 from vector<1xf32>
        %broadcast_in_dim3A_628 = vector.broadcast %squeeze3A_627 : f32 to vector<16xf32>
        %pack3A_629 = tpu.pack_subelements %broadcast_in_dim3A_628, %broadcast_in_dim3A_628 {pack_format = #tpu.pack_format<interleaved>, positions = array<i32: 0, 1>} : vector<16xf32>, vector<16xf32> -> vector<32xbf16>
        %mul3A_630 = arith.mulf %pack3A_629, %get3A_592 : vector<32xbf16>
        %add3A_631 = arith.addf %add3A_555, %mul3A_630 : vector<32xbf16>
        %mul3A_632 = arith.mulf %pack3A_629, %get3A_599 : vector<32xbf16>
        %add3A_633 = arith.addf %add3A_557, %mul3A_632 : vector<32xbf16>
        %mul3A_634 = arith.mulf %pack3A_629, %get3A_606 : vector<32xbf16>
        %add3A_635 = arith.addf %add3A_559, %mul3A_634 : vector<32xbf16>
        %mul3A_636 = arith.mulf %pack3A_629, %get3A_613 : vector<32xbf16>
        %add3A_637 = arith.addf %add3A_561, %mul3A_636 : vector<32xbf16>
        %slice3A_638 = vector.extract_strided_slice %select_n3A_174 {offsets = [5], sizes = [1], strides = [1]} : vector<16xf32> to vector<1xf32>
        %squeeze3A_639 = vector.extract %slice3A_638[0] : f32 from vector<1xf32>
        %broadcast_in_dim3A_640 = vector.broadcast %squeeze3A_639 : f32 to vector<16xf32>
        %pack3A_641 = tpu.pack_subelements %broadcast_in_dim3A_640, %broadcast_in_dim3A_640 {pack_format = #tpu.pack_format<interleaved>, positions = array<i32: 0, 1>} : vector<16xf32>, vector<16xf32> -> vector<32xbf16>
        %mul3A_642 = arith.mulf %pack3A_641, %get3A_592 : vector<32xbf16>
        %add3A_643 = arith.addf %add3A_567, %mul3A_642 : vector<32xbf16>
        %mul3A_644 = arith.mulf %pack3A_641, %get3A_599 : vector<32xbf16>
        %add3A_645 = arith.addf %add3A_569, %mul3A_644 : vector<32xbf16>
        %mul3A_646 = arith.mulf %pack3A_641, %get3A_606 : vector<32xbf16>
        %add3A_647 = arith.addf %add3A_571, %mul3A_646 : vector<32xbf16>
        %mul3A_648 = arith.mulf %pack3A_641, %get3A_613 : vector<32xbf16>
        %add3A_649 = arith.addf %add3A_573, %mul3A_648 : vector<32xbf16>
        %slice3A_650 = vector.extract_strided_slice %select_n3A_176 {offsets = [5], sizes = [1], strides = [1]} : vector<16xf32> to vector<1xf32>
        %squeeze3A_651 = vector.extract %slice3A_650[0] : f32 from vector<1xf32>
        %broadcast_in_dim3A_652 = vector.broadcast %squeeze3A_651 : f32 to vector<16xf32>
        %pack3A_653 = tpu.pack_subelements %broadcast_in_dim3A_652, %broadcast_in_dim3A_652 {pack_format = #tpu.pack_format<interleaved>, positions = array<i32: 0, 1>} : vector<16xf32>, vector<16xf32> -> vector<32xbf16>
        %mul3A_654 = arith.mulf %pack3A_653, %get3A_592 : vector<32xbf16>
        %add3A_655 = arith.addf %add3A_579, %mul3A_654 : vector<32xbf16>
        %mul3A_656 = arith.mulf %pack3A_653, %get3A_599 : vector<32xbf16>
        %add3A_657 = arith.addf %add3A_581, %mul3A_656 : vector<32xbf16>
        %mul3A_658 = arith.mulf %pack3A_653, %get3A_606 : vector<32xbf16>
        %add3A_659 = arith.addf %add3A_583, %mul3A_658 : vector<32xbf16>
        %mul3A_660 = arith.mulf %pack3A_653, %get3A_613 : vector<32xbf16>
        %add3A_661 = arith.addf %add3A_585, %mul3A_660 : vector<32xbf16>
        %mul3A_662 = arith.constant 16 : i32
        %mul3A_663 = arith.muli %scan3A_126, %mul3A_662 : i32
        %add3A_664 = arith.constant 6 : i32
        %add3A_665 = arith.addi %mul3A_663, %add3A_664 : i32
        %get3A_666 = arith.index_cast %add3A_665 : i32 to index
        %get3A_667 = arith.constant 0 : index
        %get3A_668 = tpu.vector_load %arg13[%get3A_666, %get3A_667] {strides = array<i32>} : memref<128x128xbf16, #tpu.memory_space<vmem>>, vector<32xbf16>,
        %mul3A_669 = arith.constant 16 : i32
        %mul3A_670 = arith.muli %scan3A_126, %mul3A_669 : i32
        %add3A_671 = arith.constant 6 : i32
        %add3A_672 = arith.addi %mul3A_670, %add3A_671 : i32
        %get3A_673 = arith.index_cast %add3A_672 : i32 to index
        %get3A_674 = arith.constant 32 : index
        %get3A_675 = tpu.vector_load %arg13[%get3A_673, %get3A_674] {strides = array<i32>} : memref<128x128xbf16, #tpu.memory_space<vmem>>, vector<32xbf16>,
        %mul3A_676 = arith.constant 16 : i32
        %mul3A_677 = arith.muli %scan3A_126, %mul3A_676 : i32
        %add3A_678 = arith.constant 6 : i32
        %add3A_679 = arith.addi %mul3A_677, %add3A_678 : i32
        %get3A_680 = arith.index_cast %add3A_679 : i32 to index
        %get3A_681 = arith.constant 64 : index
        %get3A_682 = tpu.vector_load %arg13[%get3A_680, %get3A_681] {strides = array<i32>} : memref<128x128xbf16, #tpu.memory_space<vmem>>, vector<32xbf16>,
        %mul3A_683 = arith.constant 16 : i32
        %mul3A_684 = arith.muli %scan3A_126, %mul3A_683 : i32
        %add3A_685 = arith.constant 6 : i32
        %add3A_686 = arith.addi %mul3A_684, %add3A_685 : i32
        %get3A_687 = arith.index_cast %add3A_686 : i32 to index
        %get3A_688 = arith.constant 96 : index
        %get3A_689 = tpu.vector_load %arg13[%get3A_687, %get3A_688] {strides = array<i32>} : memref<128x128xbf16, #tpu.memory_space<vmem>>, vector<32xbf16>,
        %slice3A_690 = vector.extract_strided_slice %select_n3A_170 {offsets = [6], sizes = [1], strides = [1]} : vector<16xf32> to vector<1xf32>
        %squeeze3A_691 = vector.extract %slice3A_690[0] : f32 from vector<1xf32>
        %broadcast_in_dim3A_692 = vector.broadcast %squeeze3A_691 : f32 to vector<16xf32>
        %pack3A_693 = tpu.pack_subelements %broadcast_in_dim3A_692, %broadcast_in_dim3A_692 {pack_format = #tpu.pack_format<interleaved>, positions = array<i32: 0, 1>} : vector<16xf32>, vector<16xf32> -> vector<32xbf16>
        %mul3A_694 = arith.mulf %pack3A_693, %get3A_668 : vector<32xbf16>
        %add3A_695 = arith.addf %add3A_619, %mul3A_694 : vector<32xbf16>
        %mul3A_696 = arith.mulf %pack3A_693, %get3A_675 : vector<32xbf16>
        %add3A_697 = arith.addf %add3A_621, %mul3A_696 : vector<32xbf16>
        %mul3A_698 = arith.mulf %pack3A_693, %get3A_682 : vector<32xbf16>
        %add3A_699 = arith.addf %add3A_623, %mul3A_698 : vector<32xbf16>
        %mul3A_700 = arith.mulf %pack3A_693, %get3A_689 : vector<32xbf16>
        %add3A_701 = arith.addf %add3A_625, %mul3A_700 : vector<32xbf16>
        %slice3A_702 = vector.extract_strided_slice %select_n3A_172 {offsets = [6], sizes = [1], strides = [1]} : vector<16xf32> to vector<1xf32>
        %squeeze3A_703 = vector.extract %slice3A_702[0] : f32 from vector<1xf32>
        %broadcast_in_dim3A_704 = vector.broadcast %squeeze3A_703 : f32 to vector<16xf32>
        %pack3A_705 = tpu.pack_subelements %broadcast_in_dim3A_704, %broadcast_in_dim3A_704 {pack_format = #tpu.pack_format<interleaved>, positions = array<i32: 0, 1>} : vector<16xf32>, vector<16xf32> -> vector<32xbf16>
        %mul3A_706 = arith.mulf %pack3A_705, %get3A_668 : vector<32xbf16>
        %add3A_707 = arith.addf %add3A_631, %mul3A_706 : vector<32xbf16>
        %mul3A_708 = arith.mulf %pack3A_705, %get3A_675 : vector<32xbf16>
        %add3A_709 = arith.addf %add3A_633, %mul3A_708 : vector<32xbf16>
        %mul3A_710 = arith.mulf %pack3A_705, %get3A_682 : vector<32xbf16>
        %add3A_711 = arith.addf %add3A_635, %mul3A_710 : vector<32xbf16>
        %mul3A_712 = arith.mulf %pack3A_705, %get3A_689 : vector<32xbf16>
        %add3A_713 = arith.addf %add3A_637, %mul3A_712 : vector<32xbf16>
        %slice3A_714 = vector.extract_strided_slice %select_n3A_174 {offsets = [6], sizes = [1], strides = [1]} : vector<16xf32> to vector<1xf32>
        %squeeze3A_715 = vector.extract %slice3A_714[0] : f32 from vector<1xf32>
        %broadcast_in_dim3A_716 = vector.broadcast %squeeze3A_715 : f32 to vector<16xf32>
        %pack3A_717 = tpu.pack_subelements %broadcast_in_dim3A_716, %broadcast_in_dim3A_716 {pack_format = #tpu.pack_format<interleaved>, positions = array<i32: 0, 1>} : vector<16xf32>, vector<16xf32> -> vector<32xbf16>
        %mul3A_718 = arith.mulf %pack3A_717, %get3A_668 : vector<32xbf16>
        %add3A_719 = arith.addf %add3A_643, %mul3A_718 : vector<32xbf16>
        %mul3A_720 = arith.mulf %pack3A_717, %get3A_675 : vector<32xbf16>
        %add3A_721 = arith.addf %add3A_645, %mul3A_720 : vector<32xbf16>
        %mul3A_722 = arith.mulf %pack3A_717, %get3A_682 : vector<32xbf16>
        %add3A_723 = arith.addf %add3A_647, %mul3A_722 : vector<32xbf16>
        %mul3A_724 = arith.mulf %pack3A_717, %get3A_689 : vector<32xbf16>
        %add3A_725 = arith.addf %add3A_649, %mul3A_724 : vector<32xbf16>
        %slice3A_726 = vector.extract_strided_slice %select_n3A_176 {offsets = [6], sizes = [1], strides = [1]} : vector<16xf32> to vector<1xf32>
        %squeeze3A_727 = vector.extract %slice3A_726[0] : f32 from vector<1xf32>
        %broadcast_in_dim3A_728 = vector.broadcast %squeeze3A_727 : f32 to vector<16xf32>
        %pack3A_729 = tpu.pack_subelements %broadcast_in_dim3A_728, %broadcast_in_dim3A_728 {pack_format = #tpu.pack_format<interleaved>, positions = array<i32: 0, 1>} : vector<16xf32>, vector<16xf32> -> vector<32xbf16>
        %mul3A_730 = arith.mulf %pack3A_729, %get3A_668 : vector<32xbf16>
        %add3A_731 = arith.addf %add3A_655, %mul3A_730 : vector<32xbf16>
        %mul3A_732 = arith.mulf %pack3A_729, %get3A_675 : vector<32xbf16>
        %add3A_733 = arith.addf %add3A_657, %mul3A_732 : vector<32xbf16>
        %mul3A_734 = arith.mulf %pack3A_729, %get3A_682 : vector<32xbf16>
        %add3A_735 = arith.addf %add3A_659, %mul3A_734 : vector<32xbf16>
        %mul3A_736 = arith.mulf %pack3A_729, %get3A_689 : vector<32xbf16>
        %add3A_737 = arith.addf %add3A_661, %mul3A_736 : vector<32xbf16>
        %mul3A_738 = arith.constant 16 : i32
        %mul3A_739 = arith.muli %scan3A_126, %mul3A_738 : i32
        %add3A_740 = arith.constant 7 : i32
        %add3A_741 = arith.addi %mul3A_739, %add3A_740 : i32
        %get3A_742 = arith.index_cast %add3A_741 : i32 to index
        %get3A_743 = arith.constant 0 : index
        %get3A_744 = tpu.vector_load %arg13[%get3A_742, %get3A_743] {strides = array<i32>} : memref<128x128xbf16, #tpu.memory_space<vmem>>, vector<32xbf16>,
        %mul3A_745 = arith.constant 16 : i32
        %mul3A_746 = arith.muli %scan3A_126, %mul3A_745 : i32
        %add3A_747 = arith.constant 7 : i32
        %add3A_748 = arith.addi %mul3A_746, %add3A_747 : i32
        %get3A_749 = arith.index_cast %add3A_748 : i32 to index
        %get3A_750 = arith.constant 32 : index
        %get3A_751 = tpu.vector_load %arg13[%get3A_749, %get3A_750] {strides = array<i32>} : memref<128x128xbf16, #tpu.memory_space<vmem>>, vector<32xbf16>,
        %mul3A_752 = arith.constant 16 : i32
        %mul3A_753 = arith.muli %scan3A_126, %mul3A_752 : i32
        %add3A_754 = arith.constant 7 : i32
        %add3A_755 = arith.addi %mul3A_753, %add3A_754 : i32
        %get3A_756 = arith.index_cast %add3A_755 : i32 to index
        %get3A_757 = arith.constant 64 : index
        %get3A_758 = tpu.vector_load %arg13[%get3A_756, %get3A_757] {strides = array<i32>} : memref<128x128xbf16, #tpu.memory_space<vmem>>, vector<32xbf16>,
        %mul3A_759 = arith.constant 16 : i32
        %mul3A_760 = arith.muli %scan3A_126, %mul3A_759 : i32
        %add3A_761 = arith.constant 7 : i32
        %add3A_762 = arith.addi %mul3A_760, %add3A_761 : i32
        %get3A_763 = arith.index_cast %add3A_762 : i32 to index
        %get3A_764 = arith.constant 96 : index
        %get3A_765 = tpu.vector_load %arg13[%get3A_763, %get3A_764] {strides = array<i32>} : memref<128x128xbf16, #tpu.memory_space<vmem>>, vector<32xbf16>,
        %slice3A_766 = vector.extract_strided_slice %select_n3A_170 {offsets = [7], sizes = [1], strides = [1]} : vector<16xf32> to vector<1xf32>
        %squeeze3A_767 = vector.extract %slice3A_766[0] : f32 from vector<1xf32>
        %broadcast_in_dim3A_768 = vector.broadcast %squeeze3A_767 : f32 to vector<16xf32>
        %pack3A_769 = tpu.pack_subelements %broadcast_in_dim3A_768, %broadcast_in_dim3A_768 {pack_format = #tpu.pack_format<interleaved>, positions = array<i32: 0, 1>} : vector<16xf32>, vector<16xf32> -> vector<32xbf16>
        %mul3A_770 = arith.mulf %pack3A_769, %get3A_744 : vector<32xbf16>
        %add3A_771 = arith.addf %add3A_695, %mul3A_770 : vector<32xbf16>
        %mul3A_772 = arith.mulf %pack3A_769, %get3A_751 : vector<32xbf16>
        %add3A_773 = arith.addf %add3A_697, %mul3A_772 : vector<32xbf16>
        %mul3A_774 = arith.mulf %pack3A_769, %get3A_758 : vector<32xbf16>
        %add3A_775 = arith.addf %add3A_699, %mul3A_774 : vector<32xbf16>
        %mul3A_776 = arith.mulf %pack3A_769, %get3A_765 : vector<32xbf16>
        %add3A_777 = arith.addf %add3A_701, %mul3A_776 : vector<32xbf16>
        %slice3A_778 = vector.extract_strided_slice %select_n3A_172 {offsets = [7], sizes = [1], strides = [1]} : vector<16xf32> to vector<1xf32>
        %squeeze3A_779 = vector.extract %slice3A_778[0] : f32 from vector<1xf32>
        %broadcast_in_dim3A_780 = vector.broadcast %squeeze3A_779 : f32 to vector<16xf32>
        %pack3A_781 = tpu.pack_subelements %broadcast_in_dim3A_780, %broadcast_in_dim3A_780 {pack_format = #tpu.pack_format<interleaved>, positions = array<i32: 0, 1>} : vector<16xf32>, vector<16xf32> -> vector<32xbf16>
        %mul3A_782 = arith.mulf %pack3A_781, %get3A_744 : vector<32xbf16>
        %add3A_783 = arith.addf %add3A_707, %mul3A_782 : vector<32xbf16>
        %mul3A_784 = arith.mulf %pack3A_781, %get3A_751 : vector<32xbf16>
        %add3A_785 = arith.addf %add3A_709, %mul3A_784 : vector<32xbf16>
        %mul3A_786 = arith.mulf %pack3A_781, %get3A_758 : vector<32xbf16>
        %add3A_787 = arith.addf %add3A_711, %mul3A_786 : vector<32xbf16>
        %mul3A_788 = arith.mulf %pack3A_781, %get3A_765 : vector<32xbf16>
        %add3A_789 = arith.addf %add3A_713, %mul3A_788 : vector<32xbf16>
        %slice3A_790 = vector.extract_strided_slice %select_n3A_174 {offsets = [7], sizes = [1], strides = [1]} : vector<16xf32> to vector<1xf32>
        %squeeze3A_791 = vector.extract %slice3A_790[0] : f32 from vector<1xf32>
        %broadcast_in_dim3A_792 = vector.broadcast %squeeze3A_791 : f32 to vector<16xf32>
        %pack3A_793 = tpu.pack_subelements %broadcast_in_dim3A_792, %broadcast_in_dim3A_792 {pack_format = #tpu.pack_format<interleaved>, positions = array<i32: 0, 1>} : vector<16xf32>, vector<16xf32> -> vector<32xbf16>
        %mul3A_794 = arith.mulf %pack3A_793, %get3A_744 : vector<32xbf16>
        %add3A_795 = arith.addf %add3A_719, %mul3A_794 : vector<32xbf16>
        %mul3A_796 = arith.mulf %pack3A_793, %get3A_751 : vector<32xbf16>
        %add3A_797 = arith.addf %add3A_721, %mul3A_796 : vector<32xbf16>
        %mul3A_798 = arith.mulf %pack3A_793, %get3A_758 : vector<32xbf16>
        %add3A_799 = arith.addf %add3A_723, %mul3A_798 : vector<32xbf16>
        %mul3A_800 = arith.mulf %pack3A_793, %get3A_765 : vector<32xbf16>
        %add3A_801 = arith.addf %add3A_725, %mul3A_800 : vector<32xbf16>
        %slice3A_802 = vector.extract_strided_slice %select_n3A_176 {offsets = [7], sizes = [1], strides = [1]} : vector<16xf32> to vector<1xf32>
        %squeeze3A_803 = vector.extract %slice3A_802[0] : f32 from vector<1xf32>
        %broadcast_in_dim3A_804 = vector.broadcast %squeeze3A_803 : f32 to vector<16xf32>
        %pack3A_805 = tpu.pack_subelements %broadcast_in_dim3A_804, %broadcast_in_dim3A_804 {pack_format = #tpu.pack_format<interleaved>, positions = array<i32: 0, 1>} : vector<16xf32>, vector<16xf32> -> vector<32xbf16>
        %mul3A_806 = arith.mulf %pack3A_805, %get3A_744 : vector<32xbf16>
        %add3A_807 = arith.addf %add3A_731, %mul3A_806 : vector<32xbf16>
        %mul3A_808 = arith.mulf %pack3A_805, %get3A_751 : vector<32xbf16>
        %add3A_809 = arith.addf %add3A_733, %mul3A_808 : vector<32xbf16>
        %mul3A_810 = arith.mulf %pack3A_805, %get3A_758 : vector<32xbf16>
        %add3A_811 = arith.addf %add3A_735, %mul3A_810 : vector<32xbf16>
        %mul3A_812 = arith.mulf %pack3A_805, %get3A_765 : vector<32xbf16>
        %add3A_813 = arith.addf %add3A_737, %mul3A_812 : vector<32xbf16>
        %mul3A_814 = arith.constant 16 : i32
        %mul3A_815 = arith.muli %scan3A_126, %mul3A_814 : i32
        %add3A_816 = arith.constant 8 : i32
        %add3A_817 = arith.addi %mul3A_815, %add3A_816 : i32
        %get3A_818 = arith.index_cast %add3A_817 : i32 to index
        %get3A_819 = arith.constant 0 : index
        %get3A_820 = tpu.vector_load %arg13[%get3A_818, %get3A_819] {strides = array<i32>} : memref<128x128xbf16, #tpu.memory_space<vmem>>, vector<32xbf16>,
        %mul3A_821 = arith.constant 16 : i32
        %mul3A_822 = arith.muli %scan3A_126, %mul3A_821 : i32
        %add3A_823 = arith.constant 8 : i32
        %add3A_824 = arith.addi %mul3A_822, %add3A_823 : i32
        %get3A_825 = arith.index_cast %add3A_824 : i32 to index
        %get3A_826 = arith.constant 32 : index
        %get3A_827 = tpu.vector_load %arg13[%get3A_825, %get3A_826] {strides = array<i32>} : memref<128x128xbf16, #tpu.memory_space<vmem>>, vector<32xbf16>,
        %mul3A_828 = arith.constant 16 : i32
        %mul3A_829 = arith.muli %scan3A_126, %mul3A_828 : i32
        %add3A_830 = arith.constant 8 : i32
        %add3A_831 = arith.addi %mul3A_829, %add3A_830 : i32
        %get3A_832 = arith.index_cast %add3A_831 : i32 to index
        %get3A_833 = arith.constant 64 : index
        %get3A_834 = tpu.vector_load %arg13[%get3A_832, %get3A_833] {strides = array<i32>} : memref<128x128xbf16, #tpu.memory_space<vmem>>, vector<32xbf16>,
        %mul3A_835 = arith.constant 16 : i32
        %mul3A_836 = arith.muli %scan3A_126, %mul3A_835 : i32
        %add3A_837 = arith.constant 8 : i32
        %add3A_838 = arith.addi %mul3A_836, %add3A_837 : i32
        %get3A_839 = arith.index_cast %add3A_838 : i32 to index
        %get3A_840 = arith.constant 96 : index
        %get3A_841 = tpu.vector_load %arg13[%get3A_839, %get3A_840] {strides = array<i32>} : memref<128x128xbf16, #tpu.memory_space<vmem>>, vector<32xbf16>,
        %slice3A_842 = vector.extract_strided_slice %select_n3A_170 {offsets = [8], sizes = [1], strides = [1]} : vector<16xf32> to vector<1xf32>
        %squeeze3A_843 = vector.extract %slice3A_842[0] : f32 from vector<1xf32>
        %broadcast_in_dim3A_844 = vector.broadcast %squeeze3A_843 : f32 to vector<16xf32>
        %pack3A_845 = tpu.pack_subelements %broadcast_in_dim3A_844, %broadcast_in_dim3A_844 {pack_format = #tpu.pack_format<interleaved>, positions = array<i32: 0, 1>} : vector<16xf32>, vector<16xf32> -> vector<32xbf16>
        %mul3A_846 = arith.mulf %pack3A_845, %get3A_820 : vector<32xbf16>
        %add3A_847 = arith.addf %add3A_771, %mul3A_846 : vector<32xbf16>
        %mul3A_848 = arith.mulf %pack3A_845, %get3A_827 : vector<32xbf16>
        %add3A_849 = arith.addf %add3A_773, %mul3A_848 : vector<32xbf16>
        %mul3A_850 = arith.mulf %pack3A_845, %get3A_834 : vector<32xbf16>
        %add3A_851 = arith.addf %add3A_775, %mul3A_850 : vector<32xbf16>
        %mul3A_852 = arith.mulf %pack3A_845, %get3A_841 : vector<32xbf16>
        %add3A_853 = arith.addf %add3A_777, %mul3A_852 : vector<32xbf16>
        %slice3A_854 = vector.extract_strided_slice %select_n3A_172 {offsets = [8], sizes = [1], strides = [1]} : vector<16xf32> to vector<1xf32>
        %squeeze3A_855 = vector.extract %slice3A_854[0] : f32 from vector<1xf32>
        %broadcast_in_dim3A_856 = vector.broadcast %squeeze3A_855 : f32 to vector<16xf32>
        %pack3A_857 = tpu.pack_subelements %broadcast_in_dim3A_856, %broadcast_in_dim3A_856 {pack_format = #tpu.pack_format<interleaved>, positions = array<i32: 0, 1>} : vector<16xf32>, vector<16xf32> -> vector<32xbf16>
        %mul3A_858 = arith.mulf %pack3A_857, %get3A_820 : vector<32xbf16>
        %add3A_859 = arith.addf %add3A_783, %mul3A_858 : vector<32xbf16>
        %mul3A_860 = arith.mulf %pack3A_857, %get3A_827 : vector<32xbf16>
        %add3A_861 = arith.addf %add3A_785, %mul3A_860 : vector<32xbf16>
        %mul3A_862 = arith.mulf %pack3A_857, %get3A_834 : vector<32xbf16>
        %add3A_863 = arith.addf %add3A_787, %mul3A_862 : vector<32xbf16>
        %mul3A_864 = arith.mulf %pack3A_857, %get3A_841 : vector<32xbf16>
        %add3A_865 = arith.addf %add3A_789, %mul3A_864 : vector<32xbf16>
        %slice3A_866 = vector.extract_strided_slice %select_n3A_174 {offsets = [8], sizes = [1], strides = [1]} : vector<16xf32> to vector<1xf32>
        %squeeze3A_867 = vector.extract %slice3A_866[0] : f32 from vector<1xf32>
        %broadcast_in_dim3A_868 = vector.broadcast %squeeze3A_867 : f32 to vector<16xf32>
        %pack3A_869 = tpu.pack_subelements %broadcast_in_dim3A_868, %broadcast_in_dim3A_868 {pack_format = #tpu.pack_format<interleaved>, positions = array<i32: 0, 1>} : vector<16xf32>, vector<16xf32> -> vector<32xbf16>
        %mul3A_870 = arith.mulf %pack3A_869, %get3A_820 : vector<32xbf16>
        %add3A_871 = arith.addf %add3A_795, %mul3A_870 : vector<32xbf16>
        %mul3A_872 = arith.mulf %pack3A_869, %get3A_827 : vector<32xbf16>
        %add3A_873 = arith.addf %add3A_797, %mul3A_872 : vector<32xbf16>
        %mul3A_874 = arith.mulf %pack3A_869, %get3A_834 : vector<32xbf16>
        %add3A_875 = arith.addf %add3A_799, %mul3A_874 : vector<32xbf16>
        %mul3A_876 = arith.mulf %pack3A_869, %get3A_841 : vector<32xbf16>
        %add3A_877 = arith.addf %add3A_801, %mul3A_876 : vector<32xbf16>
        %slice3A_878 = vector.extract_strided_slice %select_n3A_176 {offsets = [8], sizes = [1], strides = [1]} : vector<16xf32> to vector<1xf32>
        %squeeze3A_879 = vector.extract %slice3A_878[0] : f32 from vector<1xf32>
        %broadcast_in_dim3A_880 = vector.broadcast %squeeze3A_879 : f32 to vector<16xf32>
        %pack3A_881 = tpu.pack_subelements %broadcast_in_dim3A_880, %broadcast_in_dim3A_880 {pack_format = #tpu.pack_format<interleaved>, positions = array<i32: 0, 1>} : vector<16xf32>, vector<16xf32> -> vector<32xbf16>
        %mul3A_882 = arith.mulf %pack3A_881, %get3A_820 : vector<32xbf16>
        %add3A_883 = arith.addf %add3A_807, %mul3A_882 : vector<32xbf16>
        %mul3A_884 = arith.mulf %pack3A_881, %get3A_827 : vector<32xbf16>
        %add3A_885 = arith.addf %add3A_809, %mul3A_884 : vector<32xbf16>
        %mul3A_886 = arith.mulf %pack3A_881, %get3A_834 : vector<32xbf16>
        %add3A_887 = arith.addf %add3A_811, %mul3A_886 : vector<32xbf16>
        %mul3A_888 = arith.mulf %pack3A_881, %get3A_841 : vector<32xbf16>
        %add3A_889 = arith.addf %add3A_813, %mul3A_888 : vector<32xbf16>
        %mul3A_890 = arith.constant 16 : i32
        %mul3A_891 = arith.muli %scan3A_126, %mul3A_890 : i32
        %add3A_892 = arith.constant 9 : i32
        %add3A_893 = arith.addi %mul3A_891, %add3A_892 : i32
        %get3A_894 = arith.index_cast %add3A_893 : i32 to index
        %get3A_895 = arith.constant 0 : index
        %get3A_896 = tpu.vector_load %arg13[%get3A_894, %get3A_895] {strides = array<i32>} : memref<128x128xbf16, #tpu.memory_space<vmem>>, vector<32xbf16>,
        %mul3A_897 = arith.constant 16 : i32
        %mul3A_898 = arith.muli %scan3A_126, %mul3A_897 : i32
        %add3A_899 = arith.constant 9 : i32
        %add3A_900 = arith.addi %mul3A_898, %add3A_899 : i32
        %get3A_901 = arith.index_cast %add3A_900 : i32 to index
        %get3A_902 = arith.constant 32 : index
        %get3A_903 = tpu.vector_load %arg13[%get3A_901, %get3A_902] {strides = array<i32>} : memref<128x128xbf16, #tpu.memory_space<vmem>>, vector<32xbf16>,
        %mul3A_904 = arith.constant 16 : i32
        %mul3A_905 = arith.muli %scan3A_126, %mul3A_904 : i32
        %add3A_906 = arith.constant 9 : i32
        %add3A_907 = arith.addi %mul3A_905, %add3A_906 : i32
        %get3A_908 = arith.index_cast %add3A_907 : i32 to index
        %get3A_909 = arith.constant 64 : index
        %get3A_910 = tpu.vector_load %arg13[%get3A_908, %get3A_909] {strides = array<i32>} : memref<128x128xbf16, #tpu.memory_space<vmem>>, vector<32xbf16>,
        %mul3A_911 = arith.constant 16 : i32
        %mul3A_912 = arith.muli %scan3A_126, %mul3A_911 : i32
        %add3A_913 = arith.constant 9 : i32
        %add3A_914 = arith.addi %mul3A_912, %add3A_913 : i32
        %get3A_915 = arith.index_cast %add3A_914 : i32 to index
        %get3A_916 = arith.constant 96 : index
        %get3A_917 = tpu.vector_load %arg13[%get3A_915, %get3A_916] {strides = array<i32>} : memref<128x128xbf16, #tpu.memory_space<vmem>>, vector<32xbf16>,
        %slice3A_918 = vector.extract_strided_slice %select_n3A_170 {offsets = [9], sizes = [1], strides = [1]} : vector<16xf32> to vector<1xf32>
        %squeeze3A_919 = vector.extract %slice3A_918[0] : f32 from vector<1xf32>
        %broadcast_in_dim3A_920 = vector.broadcast %squeeze3A_919 : f32 to vector<16xf32>
        %pack3A_921 = tpu.pack_subelements %broadcast_in_dim3A_920, %broadcast_in_dim3A_920 {pack_format = #tpu.pack_format<interleaved>, positions = array<i32: 0, 1>} : vector<16xf32>, vector<16xf32> -> vector<32xbf16>
        %mul3A_922 = arith.mulf %pack3A_921, %get3A_896 : vector<32xbf16>
        %add3A_923 = arith.addf %add3A_847, %mul3A_922 : vector<32xbf16>
        %mul3A_924 = arith.mulf %pack3A_921, %get3A_903 : vector<32xbf16>
        %add3A_925 = arith.addf %add3A_849, %mul3A_924 : vector<32xbf16>
        %mul3A_926 = arith.mulf %pack3A_921, %get3A_910 : vector<32xbf16>
        %add3A_927 = arith.addf %add3A_851, %mul3A_926 : vector<32xbf16>
        %mul3A_928 = arith.mulf %pack3A_921, %get3A_917 : vector<32xbf16>
        %add3A_929 = arith.addf %add3A_853, %mul3A_928 : vector<32xbf16>
        %slice3A_930 = vector.extract_strided_slice %select_n3A_172 {offsets = [9], sizes = [1], strides = [1]} : vector<16xf32> to vector<1xf32>
        %squeeze3A_931 = vector.extract %slice3A_930[0] : f32 from vector<1xf32>
        %broadcast_in_dim3A_932 = vector.broadcast %squeeze3A_931 : f32 to vector<16xf32>
        %pack3A_933 = tpu.pack_subelements %broadcast_in_dim3A_932, %broadcast_in_dim3A_932 {pack_format = #tpu.pack_format<interleaved>, positions = array<i32: 0, 1>} : vector<16xf32>, vector<16xf32> -> vector<32xbf16>
        %mul3A_934 = arith.mulf %pack3A_933, %get3A_896 : vector<32xbf16>
        %add3A_935 = arith.addf %add3A_859, %mul3A_934 : vector<32xbf16>
        %mul3A_936 = arith.mulf %pack3A_933, %get3A_903 : vector<32xbf16>
        %add3A_937 = arith.addf %add3A_861, %mul3A_936 : vector<32xbf16>
        %mul3A_938 = arith.mulf %pack3A_933, %get3A_910 : vector<32xbf16>
        %add3A_939 = arith.addf %add3A_863, %mul3A_938 : vector<32xbf16>
        %mul3A_940 = arith.mulf %pack3A_933, %get3A_917 : vector<32xbf16>
        %add3A_941 = arith.addf %add3A_865, %mul3A_940 : vector<32xbf16>
        %slice3A_942 = vector.extract_strided_slice %select_n3A_174 {offsets = [9], sizes = [1], strides = [1]} : vector<16xf32> to vector<1xf32>
        %squeeze3A_943 = vector.extract %slice3A_942[0] : f32 from vector<1xf32>
        %broadcast_in_dim3A_944 = vector.broadcast %squeeze3A_943 : f32 to vector<16xf32>
        %pack3A_945 = tpu.pack_subelements %broadcast_in_dim3A_944, %broadcast_in_dim3A_944 {pack_format = #tpu.pack_format<interleaved>, positions = array<i32: 0, 1>} : vector<16xf32>, vector<16xf32> -> vector<32xbf16>
        %mul3A_946 = arith.mulf %pack3A_945, %get3A_896 : vector<32xbf16>
        %add3A_947 = arith.addf %add3A_871, %mul3A_946 : vector<32xbf16>
        %mul3A_948 = arith.mulf %pack3A_945, %get3A_903 : vector<32xbf16>
        %add3A_949 = arith.addf %add3A_873, %mul3A_948 : vector<32xbf16>
        %mul3A_950 = arith.mulf %pack3A_945, %get3A_910 : vector<32xbf16>
        %add3A_951 = arith.addf %add3A_875, %mul3A_950 : vector<32xbf16>
        %mul3A_952 = arith.mulf %pack3A_945, %get3A_917 : vector<32xbf16>
        %add3A_953 = arith.addf %add3A_877, %mul3A_952 : vector<32xbf16>
        %slice3A_954 = vector.extract_strided_slice %select_n3A_176 {offsets = [9], sizes = [1], strides = [1]} : vector<16xf32> to vector<1xf32>
        %squeeze3A_955 = vector.extract %slice3A_954[0] : f32 from vector<1xf32>
        %broadcast_in_dim3A_956 = vector.broadcast %squeeze3A_955 : f32 to vector<16xf32>
        %pack3A_957 = tpu.pack_subelements %broadcast_in_dim3A_956, %broadcast_in_dim3A_956 {pack_format = #tpu.pack_format<interleaved>, positions = array<i32: 0, 1>} : vector<16xf32>, vector<16xf32> -> vector<32xbf16>
        %mul3A_958 = arith.mulf %pack3A_957, %get3A_896 : vector<32xbf16>
        %add3A_959 = arith.addf %add3A_883, %mul3A_958 : vector<32xbf16>
        %mul3A_960 = arith.mulf %pack3A_957, %get3A_903 : vector<32xbf16>
        %add3A_961 = arith.addf %add3A_885, %mul3A_960 : vector<32xbf16>
        %mul3A_962 = arith.mulf %pack3A_957, %get3A_910 : vector<32xbf16>
        %add3A_963 = arith.addf %add3A_887, %mul3A_962 : vector<32xbf16>
        %mul3A_964 = arith.mulf %pack3A_957, %get3A_917 : vector<32xbf16>
        %add3A_965 = arith.addf %add3A_889, %mul3A_964 : vector<32xbf16>
        %mul3A_966 = arith.constant 16 : i32
        %mul3A_967 = arith.muli %scan3A_126, %mul3A_966 : i32
        %add3A_968 = arith.constant 10 : i32
        %add3A_969 = arith.addi %mul3A_967, %add3A_968 : i32
        %get3A_970 = arith.index_cast %add3A_969 : i32 to index
        %get3A_971 = arith.constant 0 : index
        %get3A_972 = tpu.vector_load %arg13[%get3A_970, %get3A_971] {strides = array<i32>} : memref<128x128xbf16, #tpu.memory_space<vmem>>, vector<32xbf16>,
        %mul3A_973 = arith.constant 16 : i32
        %mul3A_974 = arith.muli %scan3A_126, %mul3A_973 : i32
        %add3A_975 = arith.constant 10 : i32
        %add3A_976 = arith.addi %mul3A_974, %add3A_975 : i32
        %get3A_977 = arith.index_cast %add3A_976 : i32 to index
        %get3A_978 = arith.constant 32 : index
        %get3A_979 = tpu.vector_load %arg13[%get3A_977, %get3A_978] {strides = array<i32>} : memref<128x128xbf16, #tpu.memory_space<vmem>>, vector<32xbf16>,
        %mul3A_980 = arith.constant 16 : i32
        %mul3A_981 = arith.muli %scan3A_126, %mul3A_980 : i32
        %add3A_982 = arith.constant 10 : i32
        %add3A_983 = arith.addi %mul3A_981, %add3A_982 : i32
        %get3A_984 = arith.index_cast %add3A_983 : i32 to index
        %get3A_985 = arith.constant 64 : index
        %get3A_986 = tpu.vector_load %arg13[%get3A_984, %get3A_985] {strides = array<i32>} : memref<128x128xbf16, #tpu.memory_space<vmem>>, vector<32xbf16>,
        %mul3A_987 = arith.constant 16 : i32
        %mul3A_988 = arith.muli %scan3A_126, %mul3A_987 : i32
        %add3A_989 = arith.constant 10 : i32
        %add3A_990 = arith.addi %mul3A_988, %add3A_989 : i32
        %get3A_991 = arith.index_cast %add3A_990 : i32 to index
        %get3A_992 = arith.constant 96 : index
        %get3A_993 = tpu.vector_load %arg13[%get3A_991, %get3A_992] {strides = array<i32>} : memref<128x128xbf16, #tpu.memory_space<vmem>>, vector<32xbf16>,
        %slice3A_994 = vector.extract_strided_slice %select_n3A_170 {offsets = [10], sizes = [1], strides = [1]} : vector<16xf32> to vector<1xf32>
        %squeeze3A_995 = vector.extract %slice3A_994[0] : f32 from vector<1xf32>
        %broadcast_in_dim3A_996 = vector.broadcast %squeeze3A_995 : f32 to vector<16xf32>
        %pack3A_997 = tpu.pack_subelements %broadcast_in_dim3A_996, %broadcast_in_dim3A_996 {pack_format = #tpu.pack_format<interleaved>, positions = array<i32: 0, 1>} : vector<16xf32>, vector<16xf32> -> vector<32xbf16>
        %mul3A_998 = arith.mulf %pack3A_997, %get3A_972 : vector<32xbf16>
        %add3A_999 = arith.addf %add3A_923, %mul3A_998 : vector<32xbf16>
        %mul3A_1000 = arith.mulf %pack3A_997, %get3A_979 : vector<32xbf16>
        %add3A_1001 = arith.addf %add3A_925, %mul3A_1000 : vector<32xbf16>
        %mul3A_1002 = arith.mulf %pack3A_997, %get3A_986 : vector<32xbf16>
        %add3A_1003 = arith.addf %add3A_927, %mul3A_1002 : vector<32xbf16>
        %mul3A_1004 = arith.mulf %pack3A_997, %get3A_993 : vector<32xbf16>
        %add3A_1005 = arith.addf %add3A_929, %mul3A_1004 : vector<32xbf16>
        %slice3A_1006 = vector.extract_strided_slice %select_n3A_172 {offsets = [10], sizes = [1], strides = [1]} : vector<16xf32> to vector<1xf32>
        %squeeze3A_1007 = vector.extract %slice3A_1006[0] : f32 from vector<1xf32>
        %broadcast_in_dim3A_1008 = vector.broadcast %squeeze3A_1007 : f32 to vector<16xf32>
        %pack3A_1009 = tpu.pack_subelements %broadcast_in_dim3A_1008, %broadcast_in_dim3A_1008 {pack_format = #tpu.pack_format<interleaved>, positions = array<i32: 0, 1>} : vector<16xf32>, vector<16xf32> -> vector<32xbf16>
        %mul3A_1010 = arith.mulf %pack3A_1009, %get3A_972 : vector<32xbf16>
        %add3A_1011 = arith.addf %add3A_935, %mul3A_1010 : vector<32xbf16>
        %mul3A_1012 = arith.mulf %pack3A_1009, %get3A_979 : vector<32xbf16>
        %add3A_1013 = arith.addf %add3A_937, %mul3A_1012 : vector<32xbf16>
        %mul3A_1014 = arith.mulf %pack3A_1009, %get3A_986 : vector<32xbf16>
        %add3A_1015 = arith.addf %add3A_939, %mul3A_1014 : vector<32xbf16>
        %mul3A_1016 = arith.mulf %pack3A_1009, %get3A_993 : vector<32xbf16>
        %add3A_1017 = arith.addf %add3A_941, %mul3A_1016 : vector<32xbf16>
        %slice3A_1018 = vector.extract_strided_slice %select_n3A_174 {offsets = [10], sizes = [1], strides = [1]} : vector<16xf32> to vector<1xf32>
        %squeeze3A_1019 = vector.extract %slice3A_1018[0] : f32 from vector<1xf32>
        %broadcast_in_dim3A_1020 = vector.broadcast %squeeze3A_1019 : f32 to vector<16xf32>
        %pack3A_1021 = tpu.pack_subelements %broadcast_in_dim3A_1020, %broadcast_in_dim3A_1020 {pack_format = #tpu.pack_format<interleaved>, positions = array<i32: 0, 1>} : vector<16xf32>, vector<16xf32> -> vector<32xbf16>
        %mul3A_1022 = arith.mulf %pack3A_1021, %get3A_972 : vector<32xbf16>
        %add3A_1023 = arith.addf %add3A_947, %mul3A_1022 : vector<32xbf16>
        %mul3A_1024 = arith.mulf %pack3A_1021, %get3A_979 : vector<32xbf16>
        %add3A_1025 = arith.addf %add3A_949, %mul3A_1024 : vector<32xbf16>
        %mul3A_1026 = arith.mulf %pack3A_1021, %get3A_986 : vector<32xbf16>
        %add3A_1027 = arith.addf %add3A_951, %mul3A_1026 : vector<32xbf16>
        %mul3A_1028 = arith.mulf %pack3A_1021, %get3A_993 : vector<32xbf16>
        %add3A_1029 = arith.addf %add3A_953, %mul3A_1028 : vector<32xbf16>
        %slice3A_1030 = vector.extract_strided_slice %select_n3A_176 {offsets = [10], sizes = [1], strides = [1]} : vector<16xf32> to vector<1xf32>
        %squeeze3A_1031 = vector.extract %slice3A_1030[0] : f32 from vector<1xf32>
        %broadcast_in_dim3A_1032 = vector.broadcast %squeeze3A_1031 : f32 to vector<16xf32>
        %pack3A_1033 = tpu.pack_subelements %broadcast_in_dim3A_1032, %broadcast_in_dim3A_1032 {pack_format = #tpu.pack_format<interleaved>, positions = array<i32: 0, 1>} : vector<16xf32>, vector<16xf32> -> vector<32xbf16>
        %mul3A_1034 = arith.mulf %pack3A_1033, %get3A_972 : vector<32xbf16>
        %add3A_1035 = arith.addf %add3A_959, %mul3A_1034 : vector<32xbf16>
        %mul3A_1036 = arith.mulf %pack3A_1033, %get3A_979 : vector<32xbf16>
        %add3A_1037 = arith.addf %add3A_961, %mul3A_1036 : vector<32xbf16>
        %mul3A_1038 = arith.mulf %pack3A_1033, %get3A_986 : vector<32xbf16>
        %add3A_1039 = arith.addf %add3A_963, %mul3A_1038 : vector<32xbf16>
        %mul3A_1040 = arith.mulf %pack3A_1033, %get3A_993 : vector<32xbf16>
        %add3A_1041 = arith.addf %add3A_965, %mul3A_1040 : vector<32xbf16>
        %mul3A_1042 = arith.constant 16 : i32
        %mul3A_1043 = arith.muli %scan3A_126, %mul3A_1042 : i32
        %add3A_1044 = arith.constant 11 : i32
        %add3A_1045 = arith.addi %mul3A_1043, %add3A_1044 : i32
        %get3A_1046 = arith.index_cast %add3A_1045 : i32 to index
        %get3A_1047 = arith.constant 0 : index
        %get3A_1048 = tpu.vector_load %arg13[%get3A_1046, %get3A_1047] {strides = array<i32>} : memref<128x128xbf16, #tpu.memory_space<vmem>>, vector<32xbf16>,
        %mul3A_1049 = arith.constant 16 : i32
        %mul3A_1050 = arith.muli %scan3A_126, %mul3A_1049 : i32
        %add3A_1051 = arith.constant 11 : i32
        %add3A_1052 = arith.addi %mul3A_1050, %add3A_1051 : i32
        %get3A_1053 = arith.index_cast %add3A_1052 : i32 to index
        %get3A_1054 = arith.constant 32 : index
        %get3A_1055 = tpu.vector_load %arg13[%get3A_1053, %get3A_1054] {strides = array<i32>} : memref<128x128xbf16, #tpu.memory_space<vmem>>, vector<32xbf16>,
        %mul3A_1056 = arith.constant 16 : i32
        %mul3A_1057 = arith.muli %scan3A_126, %mul3A_1056 : i32
        %add3A_1058 = arith.constant 11 : i32
        %add3A_1059 = arith.addi %mul3A_1057, %add3A_1058 : i32
        %get3A_1060 = arith.index_cast %add3A_1059 : i32 to index
        %get3A_1061 = arith.constant 64 : index
        %get3A_1062 = tpu.vector_load %arg13[%get3A_1060, %get3A_1061] {strides = array<i32>} : memref<128x128xbf16, #tpu.memory_space<vmem>>, vector<32xbf16>,
        %mul3A_1063 = arith.constant 16 : i32
        %mul3A_1064 = arith.muli %scan3A_126, %mul3A_1063 : i32
        %add3A_1065 = arith.constant 11 : i32
        %add3A_1066 = arith.addi %mul3A_1064, %add3A_1065 : i32
        %get3A_1067 = arith.index_cast %add3A_1066 : i32 to index
        %get3A_1068 = arith.constant 96 : index
        %get3A_1069 = tpu.vector_load %arg13[%get3A_1067, %get3A_1068] {strides = array<i32>} : memref<128x128xbf16, #tpu.memory_space<vmem>>, vector<32xbf16>,
        %slice3A_1070 = vector.extract_strided_slice %select_n3A_170 {offsets = [11], sizes = [1], strides = [1]} : vector<16xf32> to vector<1xf32>
        %squeeze3A_1071 = vector.extract %slice3A_1070[0] : f32 from vector<1xf32>
        %broadcast_in_dim3A_1072 = vector.broadcast %squeeze3A_1071 : f32 to vector<16xf32>
        %pack3A_1073 = tpu.pack_subelements %broadcast_in_dim3A_1072, %broadcast_in_dim3A_1072 {pack_format = #tpu.pack_format<interleaved>, positions = array<i32: 0, 1>} : vector<16xf32>, vector<16xf32> -> vector<32xbf16>
        %mul3A_1074 = arith.mulf %pack3A_1073, %get3A_1048 : vector<32xbf16>
        %add3A_1075 = arith.addf %add3A_999, %mul3A_1074 : vector<32xbf16>
        %mul3A_1076 = arith.mulf %pack3A_1073, %get3A_1055 : vector<32xbf16>
        %add3A_1077 = arith.addf %add3A_1001, %mul3A_1076 : vector<32xbf16>
        %mul3A_1078 = arith.mulf %pack3A_1073, %get3A_1062 : vector<32xbf16>
        %add3A_1079 = arith.addf %add3A_1003, %mul3A_1078 : vector<32xbf16>
        %mul3A_1080 = arith.mulf %pack3A_1073, %get3A_1069 : vector<32xbf16>
        %add3A_1081 = arith.addf %add3A_1005, %mul3A_1080 : vector<32xbf16>
        %slice3A_1082 = vector.extract_strided_slice %select_n3A_172 {offsets = [11], sizes = [1], strides = [1]} : vector<16xf32> to vector<1xf32>
        %squeeze3A_1083 = vector.extract %slice3A_1082[0] : f32 from vector<1xf32>
        %broadcast_in_dim3A_1084 = vector.broadcast %squeeze3A_1083 : f32 to vector<16xf32>
        %pack3A_1085 = tpu.pack_subelements %broadcast_in_dim3A_1084, %broadcast_in_dim3A_1084 {pack_format = #tpu.pack_format<interleaved>, positions = array<i32: 0, 1>} : vector<16xf32>, vector<16xf32> -> vector<32xbf16>
        %mul3A_1086 = arith.mulf %pack3A_1085, %get3A_1048 : vector<32xbf16>
        %add3A_1087 = arith.addf %add3A_1011, %mul3A_1086 : vector<32xbf16>
        %mul3A_1088 = arith.mulf %pack3A_1085, %get3A_1055 : vector<32xbf16>
        %add3A_1089 = arith.addf %add3A_1013, %mul3A_1088 : vector<32xbf16>
        %mul3A_1090 = arith.mulf %pack3A_1085, %get3A_1062 : vector<32xbf16>
        %add3A_1091 = arith.addf %add3A_1015, %mul3A_1090 : vector<32xbf16>
        %mul3A_1092 = arith.mulf %pack3A_1085, %get3A_1069 : vector<32xbf16>
        %add3A_1093 = arith.addf %add3A_1017, %mul3A_1092 : vector<32xbf16>
        %slice3A_1094 = vector.extract_strided_slice %select_n3A_174 {offsets = [11], sizes = [1], strides = [1]} : vector<16xf32> to vector<1xf32>
        %squeeze3A_1095 = vector.extract %slice3A_1094[0] : f32 from vector<1xf32>
        %broadcast_in_dim3A_1096 = vector.broadcast %squeeze3A_1095 : f32 to vector<16xf32>
        %pack3A_1097 = tpu.pack_subelements %broadcast_in_dim3A_1096, %broadcast_in_dim3A_1096 {pack_format = #tpu.pack_format<interleaved>, positions = array<i32: 0, 1>} : vector<16xf32>, vector<16xf32> -> vector<32xbf16>
        %mul3A_1098 = arith.mulf %pack3A_1097, %get3A_1048 : vector<32xbf16>
        %add3A_1099 = arith.addf %add3A_1023, %mul3A_1098 : vector<32xbf16>
        %mul3A_1100 = arith.mulf %pack3A_1097, %get3A_1055 : vector<32xbf16>
        %add3A_1101 = arith.addf %add3A_1025, %mul3A_1100 : vector<32xbf16>
        %mul3A_1102 = arith.mulf %pack3A_1097, %get3A_1062 : vector<32xbf16>
        %add3A_1103 = arith.addf %add3A_1027, %mul3A_1102 : vector<32xbf16>
        %mul3A_1104 = arith.mulf %pack3A_1097, %get3A_1069 : vector<32xbf16>
        %add3A_1105 = arith.addf %add3A_1029, %mul3A_1104 : vector<32xbf16>
        %slice3A_1106 = vector.extract_strided_slice %select_n3A_176 {offsets = [11], sizes = [1], strides = [1]} : vector<16xf32> to vector<1xf32>
        %squeeze3A_1107 = vector.extract %slice3A_1106[0] : f32 from vector<1xf32>
        %broadcast_in_dim3A_1108 = vector.broadcast %squeeze3A_1107 : f32 to vector<16xf32>
        %pack3A_1109 = tpu.pack_subelements %broadcast_in_dim3A_1108, %broadcast_in_dim3A_1108 {pack_format = #tpu.pack_format<interleaved>, positions = array<i32: 0, 1>} : vector<16xf32>, vector<16xf32> -> vector<32xbf16>
        %mul3A_1110 = arith.mulf %pack3A_1109, %get3A_1048 : vector<32xbf16>
        %add3A_1111 = arith.addf %add3A_1035, %mul3A_1110 : vector<32xbf16>
        %mul3A_1112 = arith.mulf %pack3A_1109, %get3A_1055 : vector<32xbf16>
        %add3A_1113 = arith.addf %add3A_1037, %mul3A_1112 : vector<32xbf16>
        %mul3A_1114 = arith.mulf %pack3A_1109, %get3A_1062 : vector<32xbf16>
        %add3A_1115 = arith.addf %add3A_1039, %mul3A_1114 : vector<32xbf16>
        %mul3A_1116 = arith.mulf %pack3A_1109, %get3A_1069 : vector<32xbf16>
        %add3A_1117 = arith.addf %add3A_1041, %mul3A_1116 : vector<32xbf16>
        %mul3A_1118 = arith.constant 16 : i32
        %mul3A_1119 = arith.muli %scan3A_126, %mul3A_1118 : i32
        %add3A_1120 = arith.constant 12 : i32
        %add3A_1121 = arith.addi %mul3A_1119, %add3A_1120 : i32
        %get3A_1122 = arith.index_cast %add3A_1121 : i32 to index
        %get3A_1123 = arith.constant 0 : index
        %get3A_1124 = tpu.vector_load %arg13[%get3A_1122, %get3A_1123] {strides = array<i32>} : memref<128x128xbf16, #tpu.memory_space<vmem>>, vector<32xbf16>,
        %mul3A_1125 = arith.constant 16 : i32
        %mul3A_1126 = arith.muli %scan3A_126, %mul3A_1125 : i32
        %add3A_1127 = arith.constant 12 : i32
        %add3A_1128 = arith.addi %mul3A_1126, %add3A_1127 : i32
        %get3A_1129 = arith.index_cast %add3A_1128 : i32 to index
        %get3A_1130 = arith.constant 32 : index
        %get3A_1131 = tpu.vector_load %arg13[%get3A_1129, %get3A_1130] {strides = array<i32>} : memref<128x128xbf16, #tpu.memory_space<vmem>>, vector<32xbf16>,
        %mul3A_1132 = arith.constant 16 : i32
        %mul3A_1133 = arith.muli %scan3A_126, %mul3A_1132 : i32
        %add3A_1134 = arith.constant 12 : i32
        %add3A_1135 = arith.addi %mul3A_1133, %add3A_1134 : i32
        %get3A_1136 = arith.index_cast %add3A_1135 : i32 to index
        %get3A_1137 = arith.constant 64 : index
        %get3A_1138 = tpu.vector_load %arg13[%get3A_1136, %get3A_1137] {strides = array<i32>} : memref<128x128xbf16, #tpu.memory_space<vmem>>, vector<32xbf16>,
        %mul3A_1139 = arith.constant 16 : i32
        %mul3A_1140 = arith.muli %scan3A_126, %mul3A_1139 : i32
        %add3A_1141 = arith.constant 12 : i32
        %add3A_1142 = arith.addi %mul3A_1140, %add3A_1141 : i32
        %get3A_1143 = arith.index_cast %add3A_1142 : i32 to index
        %get3A_1144 = arith.constant 96 : index
        %get3A_1145 = tpu.vector_load %arg13[%get3A_1143, %get3A_1144] {strides = array<i32>} : memref<128x128xbf16, #tpu.memory_space<vmem>>, vector<32xbf16>,
        %slice3A_1146 = vector.extract_strided_slice %select_n3A_170 {offsets = [12], sizes = [1], strides = [1]} : vector<16xf32> to vector<1xf32>
        %squeeze3A_1147 = vector.extract %slice3A_1146[0] : f32 from vector<1xf32>
        %broadcast_in_dim3A_1148 = vector.broadcast %squeeze3A_1147 : f32 to vector<16xf32>
        %pack3A_1149 = tpu.pack_subelements %broadcast_in_dim3A_1148, %broadcast_in_dim3A_1148 {pack_format = #tpu.pack_format<interleaved>, positions = array<i32: 0, 1>} : vector<16xf32>, vector<16xf32> -> vector<32xbf16>
        %mul3A_1150 = arith.mulf %pack3A_1149, %get3A_1124 : vector<32xbf16>
        %add3A_1151 = arith.addf %add3A_1075, %mul3A_1150 : vector<32xbf16>
        %mul3A_1152 = arith.mulf %pack3A_1149, %get3A_1131 : vector<32xbf16>
        %add3A_1153 = arith.addf %add3A_1077, %mul3A_1152 : vector<32xbf16>
        %mul3A_1154 = arith.mulf %pack3A_1149, %get3A_1138 : vector<32xbf16>
        %add3A_1155 = arith.addf %add3A_1079, %mul3A_1154 : vector<32xbf16>
        %mul3A_1156 = arith.mulf %pack3A_1149, %get3A_1145 : vector<32xbf16>
        %add3A_1157 = arith.addf %add3A_1081, %mul3A_1156 : vector<32xbf16>
        %slice3A_1158 = vector.extract_strided_slice %select_n3A_172 {offsets = [12], sizes = [1], strides = [1]} : vector<16xf32> to vector<1xf32>
        %squeeze3A_1159 = vector.extract %slice3A_1158[0] : f32 from vector<1xf32>
        %broadcast_in_dim3A_1160 = vector.broadcast %squeeze3A_1159 : f32 to vector<16xf32>
        %pack3A_1161 = tpu.pack_subelements %broadcast_in_dim3A_1160, %broadcast_in_dim3A_1160 {pack_format = #tpu.pack_format<interleaved>, positions = array<i32: 0, 1>} : vector<16xf32>, vector<16xf32> -> vector<32xbf16>
        %mul3A_1162 = arith.mulf %pack3A_1161, %get3A_1124 : vector<32xbf16>
        %add3A_1163 = arith.addf %add3A_1087, %mul3A_1162 : vector<32xbf16>
        %mul3A_1164 = arith.mulf %pack3A_1161, %get3A_1131 : vector<32xbf16>
        %add3A_1165 = arith.addf %add3A_1089, %mul3A_1164 : vector<32xbf16>
        %mul3A_1166 = arith.mulf %pack3A_1161, %get3A_1138 : vector<32xbf16>
        %add3A_1167 = arith.addf %add3A_1091, %mul3A_1166 : vector<32xbf16>
        %mul3A_1168 = arith.mulf %pack3A_1161, %get3A_1145 : vector<32xbf16>
        %add3A_1169 = arith.addf %add3A_1093, %mul3A_1168 : vector<32xbf16>
        %slice3A_1170 = vector.extract_strided_slice %select_n3A_174 {offsets = [12], sizes = [1], strides = [1]} : vector<16xf32> to vector<1xf32>
        %squeeze3A_1171 = vector.extract %slice3A_1170[0] : f32 from vector<1xf32>
        %broadcast_in_dim3A_1172 = vector.broadcast %squeeze3A_1171 : f32 to vector<16xf32>
        %pack3A_1173 = tpu.pack_subelements %broadcast_in_dim3A_1172, %broadcast_in_dim3A_1172 {pack_format = #tpu.pack_format<interleaved>, positions = array<i32: 0, 1>} : vector<16xf32>, vector<16xf32> -> vector<32xbf16>
        %mul3A_1174 = arith.mulf %pack3A_1173, %get3A_1124 : vector<32xbf16>
        %add3A_1175 = arith.addf %add3A_1099, %mul3A_1174 : vector<32xbf16>
        %mul3A_1176 = arith.mulf %pack3A_1173, %get3A_1131 : vector<32xbf16>
        %add3A_1177 = arith.addf %add3A_1101, %mul3A_1176 : vector<32xbf16>
        %mul3A_1178 = arith.mulf %pack3A_1173, %get3A_1138 : vector<32xbf16>
        %add3A_1179 = arith.addf %add3A_1103, %mul3A_1178 : vector<32xbf16>
        %mul3A_1180 = arith.mulf %pack3A_1173, %get3A_1145 : vector<32xbf16>
        %add3A_1181 = arith.addf %add3A_1105, %mul3A_1180 : vector<32xbf16>
        %slice3A_1182 = vector.extract_strided_slice %select_n3A_176 {offsets = [12], sizes = [1], strides = [1]} : vector<16xf32> to vector<1xf32>
        %squeeze3A_1183 = vector.extract %slice3A_1182[0] : f32 from vector<1xf32>
        %broadcast_in_dim3A_1184 = vector.broadcast %squeeze3A_1183 : f32 to vector<16xf32>
        %pack3A_1185 = tpu.pack_subelements %broadcast_in_dim3A_1184, %broadcast_in_dim3A_1184 {pack_format = #tpu.pack_format<interleaved>, positions = array<i32: 0, 1>} : vector<16xf32>, vector<16xf32> -> vector<32xbf16>
        %mul3A_1186 = arith.mulf %pack3A_1185, %get3A_1124 : vector<32xbf16>
        %add3A_1187 = arith.addf %add3A_1111, %mul3A_1186 : vector<32xbf16>
        %mul3A_1188 = arith.mulf %pack3A_1185, %get3A_1131 : vector<32xbf16>
        %add3A_1189 = arith.addf %add3A_1113, %mul3A_1188 : vector<32xbf16>
        %mul3A_1190 = arith.mulf %pack3A_1185, %get3A_1138 : vector<32xbf16>
        %add3A_1191 = arith.addf %add3A_1115, %mul3A_1190 : vector<32xbf16>
        %mul3A_1192 = arith.mulf %pack3A_1185, %get3A_1145 : vector<32xbf16>
        %add3A_1193 = arith.addf %add3A_1117, %mul3A_1192 : vector<32xbf16>
        %mul3A_1194 = arith.constant 16 : i32
        %mul3A_1195 = arith.muli %scan3A_126, %mul3A_1194 : i32
        %add3A_1196 = arith.constant 13 : i32
        %add3A_1197 = arith.addi %mul3A_1195, %add3A_1196 : i32
        %get3A_1198 = arith.index_cast %add3A_1197 : i32 to index
        %get3A_1199 = arith.constant 0 : index
        %get3A_1200 = tpu.vector_load %arg13[%get3A_1198, %get3A_1199] {strides = array<i32>} : memref<128x128xbf16, #tpu.memory_space<vmem>>, vector<32xbf16>,
        %mul3A_1201 = arith.constant 16 : i32
        %mul3A_1202 = arith.muli %scan3A_126, %mul3A_1201 : i32
        %add3A_1203 = arith.constant 13 : i32
        %add3A_1204 = arith.addi %mul3A_1202, %add3A_1203 : i32
        %get3A_1205 = arith.index_cast %add3A_1204 : i32 to index
        %get3A_1206 = arith.constant 32 : index
        %get3A_1207 = tpu.vector_load %arg13[%get3A_1205, %get3A_1206] {strides = array<i32>} : memref<128x128xbf16, #tpu.memory_space<vmem>>, vector<32xbf16>,
        %mul3A_1208 = arith.constant 16 : i32
        %mul3A_1209 = arith.muli %scan3A_126, %mul3A_1208 : i32
        %add3A_1210 = arith.constant 13 : i32
        %add3A_1211 = arith.addi %mul3A_1209, %add3A_1210 : i32
        %get3A_1212 = arith.index_cast %add3A_1211 : i32 to index
        %get3A_1213 = arith.constant 64 : index
        %get3A_1214 = tpu.vector_load %arg13[%get3A_1212, %get3A_1213] {strides = array<i32>} : memref<128x128xbf16, #tpu.memory_space<vmem>>, vector<32xbf16>,
        %mul3A_1215 = arith.constant 16 : i32
        %mul3A_1216 = arith.muli %scan3A_126, %mul3A_1215 : i32
        %add3A_1217 = arith.constant 13 : i32
        %add3A_1218 = arith.addi %mul3A_1216, %add3A_1217 : i32
        %get3A_1219 = arith.index_cast %add3A_1218 : i32 to index
        %get3A_1220 = arith.constant 96 : index
        %get3A_1221 = tpu.vector_load %arg13[%get3A_1219, %get3A_1220] {strides = array<i32>} : memref<128x128xbf16, #tpu.memory_space<vmem>>, vector<32xbf16>,
        %slice3A_1222 = vector.extract_strided_slice %select_n3A_170 {offsets = [13], sizes = [1], strides = [1]} : vector<16xf32> to vector<1xf32>
        %squeeze3A_1223 = vector.extract %slice3A_1222[0] : f32 from vector<1xf32>
        %broadcast_in_dim3A_1224 = vector.broadcast %squeeze3A_1223 : f32 to vector<16xf32>
        %pack3A_1225 = tpu.pack_subelements %broadcast_in_dim3A_1224, %broadcast_in_dim3A_1224 {pack_format = #tpu.pack_format<interleaved>, positions = array<i32: 0, 1>} : vector<16xf32>, vector<16xf32> -> vector<32xbf16>
        %mul3A_1226 = arith.mulf %pack3A_1225, %get3A_1200 : vector<32xbf16>
        %add3A_1227 = arith.addf %add3A_1151, %mul3A_1226 : vector<32xbf16>
        %mul3A_1228 = arith.mulf %pack3A_1225, %get3A_1207 : vector<32xbf16>
        %add3A_1229 = arith.addf %add3A_1153, %mul3A_1228 : vector<32xbf16>
        %mul3A_1230 = arith.mulf %pack3A_1225, %get3A_1214 : vector<32xbf16>
        %add3A_1231 = arith.addf %add3A_1155, %mul3A_1230 : vector<32xbf16>
        %mul3A_1232 = arith.mulf %pack3A_1225, %get3A_1221 : vector<32xbf16>
        %add3A_1233 = arith.addf %add3A_1157, %mul3A_1232 : vector<32xbf16>
        %slice3A_1234 = vector.extract_strided_slice %select_n3A_172 {offsets = [13], sizes = [1], strides = [1]} : vector<16xf32> to vector<1xf32>
        %squeeze3A_1235 = vector.extract %slice3A_1234[0] : f32 from vector<1xf32>
        %broadcast_in_dim3A_1236 = vector.broadcast %squeeze3A_1235 : f32 to vector<16xf32>
        %pack3A_1237 = tpu.pack_subelements %broadcast_in_dim3A_1236, %broadcast_in_dim3A_1236 {pack_format = #tpu.pack_format<interleaved>, positions = array<i32: 0, 1>} : vector<16xf32>, vector<16xf32> -> vector<32xbf16>
        %mul3A_1238 = arith.mulf %pack3A_1237, %get3A_1200 : vector<32xbf16>
        %add3A_1239 = arith.addf %add3A_1163, %mul3A_1238 : vector<32xbf16>
        %mul3A_1240 = arith.mulf %pack3A_1237, %get3A_1207 : vector<32xbf16>
        %add3A_1241 = arith.addf %add3A_1165, %mul3A_1240 : vector<32xbf16>
        %mul3A_1242 = arith.mulf %pack3A_1237, %get3A_1214 : vector<32xbf16>
        %add3A_1243 = arith.addf %add3A_1167, %mul3A_1242 : vector<32xbf16>
        %mul3A_1244 = arith.mulf %pack3A_1237, %get3A_1221 : vector<32xbf16>
        %add3A_1245 = arith.addf %add3A_1169, %mul3A_1244 : vector<32xbf16>
        %slice3A_1246 = vector.extract_strided_slice %select_n3A_174 {offsets = [13], sizes = [1], strides = [1]} : vector<16xf32> to vector<1xf32>
        %squeeze3A_1247 = vector.extract %slice3A_1246[0] : f32 from vector<1xf32>
        %broadcast_in_dim3A_1248 = vector.broadcast %squeeze3A_1247 : f32 to vector<16xf32>
        %pack3A_1249 = tpu.pack_subelements %broadcast_in_dim3A_1248, %broadcast_in_dim3A_1248 {pack_format = #tpu.pack_format<interleaved>, positions = array<i32: 0, 1>} : vector<16xf32>, vector<16xf32> -> vector<32xbf16>
        %mul3A_1250 = arith.mulf %pack3A_1249, %get3A_1200 : vector<32xbf16>
        %add3A_1251 = arith.addf %add3A_1175, %mul3A_1250 : vector<32xbf16>
        %mul3A_1252 = arith.mulf %pack3A_1249, %get3A_1207 : vector<32xbf16>
        %add3A_1253 = arith.addf %add3A_1177, %mul3A_1252 : vector<32xbf16>
        %mul3A_1254 = arith.mulf %pack3A_1249, %get3A_1214 : vector<32xbf16>
        %add3A_1255 = arith.addf %add3A_1179, %mul3A_1254 : vector<32xbf16>
        %mul3A_1256 = arith.mulf %pack3A_1249, %get3A_1221 : vector<32xbf16>
        %add3A_1257 = arith.addf %add3A_1181, %mul3A_1256 : vector<32xbf16>
        %slice3A_1258 = vector.extract_strided_slice %select_n3A_176 {offsets = [13], sizes = [1], strides = [1]} : vector<16xf32> to vector<1xf32>
        %squeeze3A_1259 = vector.extract %slice3A_1258[0] : f32 from vector<1xf32>
        %broadcast_in_dim3A_1260 = vector.broadcast %squeeze3A_1259 : f32 to vector<16xf32>
        %pack3A_1261 = tpu.pack_subelements %broadcast_in_dim3A_1260, %broadcast_in_dim3A_1260 {pack_format = #tpu.pack_format<interleaved>, positions = array<i32: 0, 1>} : vector<16xf32>, vector<16xf32> -> vector<32xbf16>
        %mul3A_1262 = arith.mulf %pack3A_1261, %get3A_1200 : vector<32xbf16>
        %add3A_1263 = arith.addf %add3A_1187, %mul3A_1262 : vector<32xbf16>
        %mul3A_1264 = arith.mulf %pack3A_1261, %get3A_1207 : vector<32xbf16>
        %add3A_1265 = arith.addf %add3A_1189, %mul3A_1264 : vector<32xbf16>
        %mul3A_1266 = arith.mulf %pack3A_1261, %get3A_1214 : vector<32xbf16>
        %add3A_1267 = arith.addf %add3A_1191, %mul3A_1266 : vector<32xbf16>
        %mul3A_1268 = arith.mulf %pack3A_1261, %get3A_1221 : vector<32xbf16>
        %add3A_1269 = arith.addf %add3A_1193, %mul3A_1268 : vector<32xbf16>
        %mul3A_1270 = arith.constant 16 : i32
        %mul3A_1271 = arith.muli %scan3A_126, %mul3A_1270 : i32
        %add3A_1272 = arith.constant 14 : i32
        %add3A_1273 = arith.addi %mul3A_1271, %add3A_1272 : i32
        %get3A_1274 = arith.index_cast %add3A_1273 : i32 to index
        %get3A_1275 = arith.constant 0 : index
        %get3A_1276 = tpu.vector_load %arg13[%get3A_1274, %get3A_1275] {strides = array<i32>} : memref<128x128xbf16, #tpu.memory_space<vmem>>, vector<32xbf16>,
        %mul3A_1277 = arith.constant 16 : i32
        %mul3A_1278 = arith.muli %scan3A_126, %mul3A_1277 : i32
        %add3A_1279 = arith.constant 14 : i32
        %add3A_1280 = arith.addi %mul3A_1278, %add3A_1279 : i32
        %get3A_1281 = arith.index_cast %add3A_1280 : i32 to index
        %get3A_1282 = arith.constant 32 : index
        %get3A_1283 = tpu.vector_load %arg13[%get3A_1281, %get3A_1282] {strides = array<i32>} : memref<128x128xbf16, #tpu.memory_space<vmem>>, vector<32xbf16>,
        %mul3A_1284 = arith.constant 16 : i32
        %mul3A_1285 = arith.muli %scan3A_126, %mul3A_1284 : i32
        %add3A_1286 = arith.constant 14 : i32
        %add3A_1287 = arith.addi %mul3A_1285, %add3A_1286 : i32
        %get3A_1288 = arith.index_cast %add3A_1287 : i32 to index
        %get3A_1289 = arith.constant 64 : index
        %get3A_1290 = tpu.vector_load %arg13[%get3A_1288, %get3A_1289] {strides = array<i32>} : memref<128x128xbf16, #tpu.memory_space<vmem>>, vector<32xbf16>,
        %mul3A_1291 = arith.constant 16 : i32
        %mul3A_1292 = arith.muli %scan3A_126, %mul3A_1291 : i32
        %add3A_1293 = arith.constant 14 : i32
        %add3A_1294 = arith.addi %mul3A_1292, %add3A_1293 : i32
        %get3A_1295 = arith.index_cast %add3A_1294 : i32 to index
        %get3A_1296 = arith.constant 96 : index
        %get3A_1297 = tpu.vector_load %arg13[%get3A_1295, %get3A_1296] {strides = array<i32>} : memref<128x128xbf16, #tpu.memory_space<vmem>>, vector<32xbf16>,
        %slice3A_1298 = vector.extract_strided_slice %select_n3A_170 {offsets = [14], sizes = [1], strides = [1]} : vector<16xf32> to vector<1xf32>
        %squeeze3A_1299 = vector.extract %slice3A_1298[0] : f32 from vector<1xf32>
        %broadcast_in_dim3A_1300 = vector.broadcast %squeeze3A_1299 : f32 to vector<16xf32>
        %pack3A_1301 = tpu.pack_subelements %broadcast_in_dim3A_1300, %broadcast_in_dim3A_1300 {pack_format = #tpu.pack_format<interleaved>, positions = array<i32: 0, 1>} : vector<16xf32>, vector<16xf32> -> vector<32xbf16>
        %mul3A_1302 = arith.mulf %pack3A_1301, %get3A_1276 : vector<32xbf16>
        %add3A_1303 = arith.addf %add3A_1227, %mul3A_1302 : vector<32xbf16>
        %mul3A_1304 = arith.mulf %pack3A_1301, %get3A_1283 : vector<32xbf16>
        %add3A_1305 = arith.addf %add3A_1229, %mul3A_1304 : vector<32xbf16>
        %mul3A_1306 = arith.mulf %pack3A_1301, %get3A_1290 : vector<32xbf16>
        %add3A_1307 = arith.addf %add3A_1231, %mul3A_1306 : vector<32xbf16>
        %mul3A_1308 = arith.mulf %pack3A_1301, %get3A_1297 : vector<32xbf16>
        %add3A_1309 = arith.addf %add3A_1233, %mul3A_1308 : vector<32xbf16>
        %slice3A_1310 = vector.extract_strided_slice %select_n3A_172 {offsets = [14], sizes = [1], strides = [1]} : vector<16xf32> to vector<1xf32>
        %squeeze3A_1311 = vector.extract %slice3A_1310[0] : f32 from vector<1xf32>
        %broadcast_in_dim3A_1312 = vector.broadcast %squeeze3A_1311 : f32 to vector<16xf32>
        %pack3A_1313 = tpu.pack_subelements %broadcast_in_dim3A_1312, %broadcast_in_dim3A_1312 {pack_format = #tpu.pack_format<interleaved>, positions = array<i32: 0, 1>} : vector<16xf32>, vector<16xf32> -> vector<32xbf16>
        %mul3A_1314 = arith.mulf %pack3A_1313, %get3A_1276 : vector<32xbf16>
        %add3A_1315 = arith.addf %add3A_1239, %mul3A_1314 : vector<32xbf16>
        %mul3A_1316 = arith.mulf %pack3A_1313, %get3A_1283 : vector<32xbf16>
        %add3A_1317 = arith.addf %add3A_1241, %mul3A_1316 : vector<32xbf16>
        %mul3A_1318 = arith.mulf %pack3A_1313, %get3A_1290 : vector<32xbf16>
        %add3A_1319 = arith.addf %add3A_1243, %mul3A_1318 : vector<32xbf16>
        %mul3A_1320 = arith.mulf %pack3A_1313, %get3A_1297 : vector<32xbf16>
        %add3A_1321 = arith.addf %add3A_1245, %mul3A_1320 : vector<32xbf16>
        %slice3A_1322 = vector.extract_strided_slice %select_n3A_174 {offsets = [14], sizes = [1], strides = [1]} : vector<16xf32> to vector<1xf32>
        %squeeze3A_1323 = vector.extract %slice3A_1322[0] : f32 from vector<1xf32>
        %broadcast_in_dim3A_1324 = vector.broadcast %squeeze3A_1323 : f32 to vector<16xf32>
        %pack3A_1325 = tpu.pack_subelements %broadcast_in_dim3A_1324, %broadcast_in_dim3A_1324 {pack_format = #tpu.pack_format<interleaved>, positions = array<i32: 0, 1>} : vector<16xf32>, vector<16xf32> -> vector<32xbf16>
        %mul3A_1326 = arith.mulf %pack3A_1325, %get3A_1276 : vector<32xbf16>
        %add3A_1327 = arith.addf %add3A_1251, %mul3A_1326 : vector<32xbf16>
        %mul3A_1328 = arith.mulf %pack3A_1325, %get3A_1283 : vector<32xbf16>
        %add3A_1329 = arith.addf %add3A_1253, %mul3A_1328 : vector<32xbf16>
        %mul3A_1330 = arith.mulf %pack3A_1325, %get3A_1290 : vector<32xbf16>
        %add3A_1331 = arith.addf %add3A_1255, %mul3A_1330 : vector<32xbf16>
        %mul3A_1332 = arith.mulf %pack3A_1325, %get3A_1297 : vector<32xbf16>
        %add3A_1333 = arith.addf %add3A_1257, %mul3A_1332 : vector<32xbf16>
        %slice3A_1334 = vector.extract_strided_slice %select_n3A_176 {offsets = [14], sizes = [1], strides = [1]} : vector<16xf32> to vector<1xf32>
        %squeeze3A_1335 = vector.extract %slice3A_1334[0] : f32 from vector<1xf32>
        %broadcast_in_dim3A_1336 = vector.broadcast %squeeze3A_1335 : f32 to vector<16xf32>
        %pack3A_1337 = tpu.pack_subelements %broadcast_in_dim3A_1336, %broadcast_in_dim3A_1336 {pack_format = #tpu.pack_format<interleaved>, positions = array<i32: 0, 1>} : vector<16xf32>, vector<16xf32> -> vector<32xbf16>
        %mul3A_1338 = arith.mulf %pack3A_1337, %get3A_1276 : vector<32xbf16>
        %add3A_1339 = arith.addf %add3A_1263, %mul3A_1338 : vector<32xbf16>
        %mul3A_1340 = arith.mulf %pack3A_1337, %get3A_1283 : vector<32xbf16>
        %add3A_1341 = arith.addf %add3A_1265, %mul3A_1340 : vector<32xbf16>
        %mul3A_1342 = arith.mulf %pack3A_1337, %get3A_1290 : vector<32xbf16>
        %add3A_1343 = arith.addf %add3A_1267, %mul3A_1342 : vector<32xbf16>
        %mul3A_1344 = arith.mulf %pack3A_1337, %get3A_1297 : vector<32xbf16>
        %add3A_1345 = arith.addf %add3A_1269, %mul3A_1344 : vector<32xbf16>
        %mul3A_1346 = arith.constant 16 : i32
        %mul3A_1347 = arith.muli %scan3A_126, %mul3A_1346 : i32
        %add3A_1348 = arith.constant 15 : i32
        %add3A_1349 = arith.addi %mul3A_1347, %add3A_1348 : i32
        %get3A_1350 = arith.index_cast %add3A_1349 : i32 to index
        %get3A_1351 = arith.constant 0 : index
        %get3A_1352 = tpu.vector_load %arg13[%get3A_1350, %get3A_1351] {strides = array<i32>} : memref<128x128xbf16, #tpu.memory_space<vmem>>, vector<32xbf16>,
        %mul3A_1353 = arith.constant 16 : i32
        %mul3A_1354 = arith.muli %scan3A_126, %mul3A_1353 : i32
        %add3A_1355 = arith.constant 15 : i32
        %add3A_1356 = arith.addi %mul3A_1354, %add3A_1355 : i32
        %get3A_1357 = arith.index_cast %add3A_1356 : i32 to index
        %get3A_1358 = arith.constant 32 : index
        %get3A_1359 = tpu.vector_load %arg13[%get3A_1357, %get3A_1358] {strides = array<i32>} : memref<128x128xbf16, #tpu.memory_space<vmem>>, vector<32xbf16>,
        %mul3A_1360 = arith.constant 16 : i32
        %mul3A_1361 = arith.muli %scan3A_126, %mul3A_1360 : i32
        %add3A_1362 = arith.constant 15 : i32
        %add3A_1363 = arith.addi %mul3A_1361, %add3A_1362 : i32
        %get3A_1364 = arith.index_cast %add3A_1363 : i32 to index
        %get3A_1365 = arith.constant 64 : index
        %get3A_1366 = tpu.vector_load %arg13[%get3A_1364, %get3A_1365] {strides = array<i32>} : memref<128x128xbf16, #tpu.memory_space<vmem>>, vector<32xbf16>,
        %mul3A_1367 = arith.constant 16 : i32
        %mul3A_1368 = arith.muli %scan3A_126, %mul3A_1367 : i32
        %add3A_1369 = arith.constant 15 : i32
        %add3A_1370 = arith.addi %mul3A_1368, %add3A_1369 : i32
        %get3A_1371 = arith.index_cast %add3A_1370 : i32 to index
        %get3A_1372 = arith.constant 96 : index
        %get3A_1373 = tpu.vector_load %arg13[%get3A_1371, %get3A_1372] {strides = array<i32>} : memref<128x128xbf16, #tpu.memory_space<vmem>>, vector<32xbf16>,
        %slice3A_1374 = vector.extract_strided_slice %select_n3A_170 {offsets = [15], sizes = [1], strides = [1]} : vector<16xf32> to vector<1xf32>
        %squeeze3A_1375 = vector.extract %slice3A_1374[0] : f32 from vector<1xf32>
        %broadcast_in_dim3A_1376 = vector.broadcast %squeeze3A_1375 : f32 to vector<16xf32>
        %pack3A_1377 = tpu.pack_subelements %broadcast_in_dim3A_1376, %broadcast_in_dim3A_1376 {pack_format = #tpu.pack_format<interleaved>, positions = array<i32: 0, 1>} : vector<16xf32>, vector<16xf32> -> vector<32xbf16>
        %mul3A_1378 = arith.mulf %pack3A_1377, %get3A_1352 : vector<32xbf16>
        %add3A_1379 = arith.addf %add3A_1303, %mul3A_1378 : vector<32xbf16>
        %mul3A_1380 = arith.mulf %pack3A_1377, %get3A_1359 : vector<32xbf16>
        %add3A_1381 = arith.addf %add3A_1305, %mul3A_1380 : vector<32xbf16>
        %mul3A_1382 = arith.mulf %pack3A_1377, %get3A_1366 : vector<32xbf16>
        %add3A_1383 = arith.addf %add3A_1307, %mul3A_1382 : vector<32xbf16>
        %mul3A_1384 = arith.mulf %pack3A_1377, %get3A_1373 : vector<32xbf16>
        %add3A_1385 = arith.addf %add3A_1309, %mul3A_1384 : vector<32xbf16>
        %slice3A_1386 = vector.extract_strided_slice %select_n3A_172 {offsets = [15], sizes = [1], strides = [1]} : vector<16xf32> to vector<1xf32>
        %squeeze3A_1387 = vector.extract %slice3A_1386[0] : f32 from vector<1xf32>
        %broadcast_in_dim3A_1388 = vector.broadcast %squeeze3A_1387 : f32 to vector<16xf32>
        %pack3A_1389 = tpu.pack_subelements %broadcast_in_dim3A_1388, %broadcast_in_dim3A_1388 {pack_format = #tpu.pack_format<interleaved>, positions = array<i32: 0, 1>} : vector<16xf32>, vector<16xf32> -> vector<32xbf16>
        %mul3A_1390 = arith.mulf %pack3A_1389, %get3A_1352 : vector<32xbf16>
        %add3A_1391 = arith.addf %add3A_1315, %mul3A_1390 : vector<32xbf16>
        %mul3A_1392 = arith.mulf %pack3A_1389, %get3A_1359 : vector<32xbf16>
        %add3A_1393 = arith.addf %add3A_1317, %mul3A_1392 : vector<32xbf16>
        %mul3A_1394 = arith.mulf %pack3A_1389, %get3A_1366 : vector<32xbf16>
        %add3A_1395 = arith.addf %add3A_1319, %mul3A_1394 : vector<32xbf16>
        %mul3A_1396 = arith.mulf %pack3A_1389, %get3A_1373 : vector<32xbf16>
        %add3A_1397 = arith.addf %add3A_1321, %mul3A_1396 : vector<32xbf16>
        %slice3A_1398 = vector.extract_strided_slice %select_n3A_174 {offsets = [15], sizes = [1], strides = [1]} : vector<16xf32> to vector<1xf32>
        %squeeze3A_1399 = vector.extract %slice3A_1398[0] : f32 from vector<1xf32>
        %broadcast_in_dim3A_1400 = vector.broadcast %squeeze3A_1399 : f32 to vector<16xf32>
        %pack3A_1401 = tpu.pack_subelements %broadcast_in_dim3A_1400, %broadcast_in_dim3A_1400 {pack_format = #tpu.pack_format<interleaved>, positions = array<i32: 0, 1>} : vector<16xf32>, vector<16xf32> -> vector<32xbf16>
        %mul3A_1402 = arith.mulf %pack3A_1401, %get3A_1352 : vector<32xbf16>
        %add3A_1403 = arith.addf %add3A_1327, %mul3A_1402 : vector<32xbf16>
        %mul3A_1404 = arith.mulf %pack3A_1401, %get3A_1359 : vector<32xbf16>
        %add3A_1405 = arith.addf %add3A_1329, %mul3A_1404 : vector<32xbf16>
        %mul3A_1406 = arith.mulf %pack3A_1401, %get3A_1366 : vector<32xbf16>
        %add3A_1407 = arith.addf %add3A_1331, %mul3A_1406 : vector<32xbf16>
        %mul3A_1408 = arith.mulf %pack3A_1401, %get3A_1373 : vector<32xbf16>
        %add3A_1409 = arith.addf %add3A_1333, %mul3A_1408 : vector<32xbf16>
        %slice3A_1410 = vector.extract_strided_slice %select_n3A_176 {offsets = [15], sizes = [1], strides = [1]} : vector<16xf32> to vector<1xf32>
        %squeeze3A_1411 = vector.extract %slice3A_1410[0] : f32 from vector<1xf32>
        %broadcast_in_dim3A_1412 = vector.broadcast %squeeze3A_1411 : f32 to vector<16xf32>
        %pack3A_1413 = tpu.pack_subelements %broadcast_in_dim3A_1412, %broadcast_in_dim3A_1412 {pack_format = #tpu.pack_format<interleaved>, positions = array<i32: 0, 1>} : vector<16xf32>, vector<16xf32> -> vector<32xbf16>
        %mul3A_1414 = arith.mulf %pack3A_1413, %get3A_1352 : vector<32xbf16>
        %add3A_1415 = arith.addf %add3A_1339, %mul3A_1414 : vector<32xbf16>
        %mul3A_1416 = arith.mulf %pack3A_1413, %get3A_1359 : vector<32xbf16>
        %add3A_1417 = arith.addf %add3A_1341, %mul3A_1416 : vector<32xbf16>
        %mul3A_1418 = arith.mulf %pack3A_1413, %get3A_1366 : vector<32xbf16>
        %add3A_1419 = arith.addf %add3A_1343, %mul3A_1418 : vector<32xbf16>
        %mul3A_1420 = arith.mulf %pack3A_1413, %get3A_1373 : vector<32xbf16>
        %add3A_1421 = arith.addf %add3A_1345, %mul3A_1420 : vector<32xbf16>
        %unpack3A = tpu.unpack_subelements %add3A_1379, 0 {pack_format = #tpu.pack_format<interleaved>} : vector<32xbf16> -> vector<16xf32>
        %unpack3A_1422 = tpu.unpack_subelements %add3A_1379, 1 {pack_format = #tpu.pack_format<interleaved>} : vector<32xbf16> -> vector<16xf32>
        %swap3A = arith.constant 0 : i32
        %swap3A_1423 = arith.index_cast %swap3A : i32 to index
        %swap3A_1424 = arith.index_cast %scan3A_126 : i32 to index
        %swap3A_1425 = arith.constant 0 : index
        %swap3A_1426 = tpu.vector_load %arg15[%swap3A_1423, %swap3A_1424, %swap3A_1425] {strides = array<i32>} : memref<4x8x128xf32, #tpu.memory_space<vmem>>, vector<16xf32>,
        tpu.vector_store %arg15[%swap3A_1423, %swap3A_1424, %swap3A_1425], %unpack3A {strides = array<i32>} : memref<4x8x128xf32, #tpu.memory_space<vmem>>, vector<16xf32>,
        %swap3A_1427 = arith.constant 0 : i32
        %swap3A_1428 = arith.index_cast %swap3A_1427 : i32 to index
        %swap3A_1429 = arith.index_cast %scan3A_126 : i32 to index
        %swap3A_1430 = arith.constant 16 : index
        %swap3A_1431 = tpu.vector_load %arg15[%swap3A_1428, %swap3A_1429, %swap3A_1430] {strides = array<i32>} : memref<4x8x128xf32, #tpu.memory_space<vmem>>, vector<16xf32>,
        tpu.vector_store %arg15[%swap3A_1428, %swap3A_1429, %swap3A_1430], %unpack3A_1422 {strides = array<i32>} : memref<4x8x128xf32, #tpu.memory_space<vmem>>, vector<16xf32>,
        %unpack3A_1432 = tpu.unpack_subelements %add3A_1381, 0 {pack_format = #tpu.pack_format<interleaved>} : vector<32xbf16> -> vector<16xf32>
        %unpack3A_1433 = tpu.unpack_subelements %add3A_1381, 1 {pack_format = #tpu.pack_format<interleaved>} : vector<32xbf16> -> vector<16xf32>
        %swap3A_1434 = arith.constant 0 : i32
        %swap3A_1435 = arith.index_cast %swap3A_1434 : i32 to index
        %swap3A_1436 = arith.index_cast %scan3A_126 : i32 to index
        %swap3A_1437 = arith.constant 32 : index
        %swap3A_1438 = tpu.vector_load %arg15[%swap3A_1435, %swap3A_1436, %swap3A_1437] {strides = array<i32>} : memref<4x8x128xf32, #tpu.memory_space<vmem>>, vector<16xf32>,
        tpu.vector_store %arg15[%swap3A_1435, %swap3A_1436, %swap3A_1437], %unpack3A_1432 {strides = array<i32>} : memref<4x8x128xf32, #tpu.memory_space<vmem>>, vector<16xf32>,
        %swap3A_1439 = arith.constant 0 : i32
        %swap3A_1440 = arith.index_cast %swap3A_1439 : i32 to index
        %swap3A_1441 = arith.index_cast %scan3A_126 : i32 to index
        %swap3A_1442 = arith.constant 48 : index
        %swap3A_1443 = tpu.vector_load %arg15[%swap3A_1440, %swap3A_1441, %swap3A_1442] {strides = array<i32>} : memref<4x8x128xf32, #tpu.memory_space<vmem>>, vector<16xf32>,
        tpu.vector_store %arg15[%swap3A_1440, %swap3A_1441, %swap3A_1442], %unpack3A_1433 {strides = array<i32>} : memref<4x8x128xf32, #tpu.memory_space<vmem>>, vector<16xf32>,
        %unpack3A_1444 = tpu.unpack_subelements %add3A_1383, 0 {pack_format = #tpu.pack_format<interleaved>} : vector<32xbf16> -> vector<16xf32>
        %unpack3A_1445 = tpu.unpack_subelements %add3A_1383, 1 {pack_format = #tpu.pack_format<interleaved>} : vector<32xbf16> -> vector<16xf32>
        %swap3A_1446 = arith.constant 0 : i32
        %swap3A_1447 = arith.index_cast %swap3A_1446 : i32 to index
        %swap3A_1448 = arith.index_cast %scan3A_126 : i32 to index
        %swap3A_1449 = arith.constant 64 : index
        %swap3A_1450 = tpu.vector_load %arg15[%swap3A_1447, %swap3A_1448, %swap3A_1449] {strides = array<i32>} : memref<4x8x128xf32, #tpu.memory_space<vmem>>, vector<16xf32>,
        tpu.vector_store %arg15[%swap3A_1447, %swap3A_1448, %swap3A_1449], %unpack3A_1444 {strides = array<i32>} : memref<4x8x128xf32, #tpu.memory_space<vmem>>, vector<16xf32>,
        %swap3A_1451 = arith.constant 0 : i32
        %swap3A_1452 = arith.index_cast %swap3A_1451 : i32 to index
        %swap3A_1453 = arith.index_cast %scan3A_126 : i32 to index
        %swap3A_1454 = arith.constant 80 : index
        %swap3A_1455 = tpu.vector_load %arg15[%swap3A_1452, %swap3A_1453, %swap3A_1454] {strides = array<i32>} : memref<4x8x128xf32, #tpu.memory_space<vmem>>, vector<16xf32>,
        tpu.vector_store %arg15[%swap3A_1452, %swap3A_1453, %swap3A_1454], %unpack3A_1445 {strides = array<i32>} : memref<4x8x128xf32, #tpu.memory_space<vmem>>, vector<16xf32>,
        %unpack3A_1456 = tpu.unpack_subelements %add3A_1385, 0 {pack_format = #tpu.pack_format<interleaved>} : vector<32xbf16> -> vector<16xf32>
        %unpack3A_1457 = tpu.unpack_subelements %add3A_1385, 1 {pack_format = #tpu.pack_format<interleaved>} : vector<32xbf16> -> vector<16xf32>
        %swap3A_1458 = arith.constant 0 : i32
        %swap3A_1459 = arith.index_cast %swap3A_1458 : i32 to index
        %swap3A_1460 = arith.index_cast %scan3A_126 : i32 to index
        %swap3A_1461 = arith.constant 96 : index
        %swap3A_1462 = tpu.vector_load %arg15[%swap3A_1459, %swap3A_1460, %swap3A_1461] {strides = array<i32>} : memref<4x8x128xf32, #tpu.memory_space<vmem>>, vector<16xf32>,
        tpu.vector_store %arg15[%swap3A_1459, %swap3A_1460, %swap3A_1461], %unpack3A_1456 {strides = array<i32>} : memref<4x8x128xf32, #tpu.memory_space<vmem>>, vector<16xf32>,
        %swap3A_1463 = arith.constant 0 : i32
        %swap3A_1464 = arith.index_cast %swap3A_1463 : i32 to index
        %swap3A_1465 = arith.index_cast %scan3A_126 : i32 to index
        %swap3A_1466 = arith.constant 112 : index
        %swap3A_1467 = tpu.vector_load %arg15[%swap3A_1464, %swap3A_1465, %swap3A_1466] {strides = array<i32>} : memref<4x8x128xf32, #tpu.memory_space<vmem>>, vector<16xf32>,
        tpu.vector_store %arg15[%swap3A_1464, %swap3A_1465, %swap3A_1466], %unpack3A_1457 {strides = array<i32>} : memref<4x8x128xf32, #tpu.memory_space<vmem>>, vector<16xf32>,
        %unpack3A_1468 = tpu.unpack_subelements %add3A_1391, 0 {pack_format = #tpu.pack_format<interleaved>} : vector<32xbf16> -> vector<16xf32>
        %unpack3A_1469 = tpu.unpack_subelements %add3A_1391, 1 {pack_format = #tpu.pack_format<interleaved>} : vector<32xbf16> -> vector<16xf32>
        %swap3A_1470 = arith.constant 1 : i32
        %swap3A_1471 = arith.index_cast %swap3A_1470 : i32 to index
        %swap3A_1472 = arith.index_cast %scan3A_126 : i32 to index
        %swap3A_1473 = arith.constant 0 : index
        %swap3A_1474 = tpu.vector_load %arg15[%swap3A_1471, %swap3A_1472, %swap3A_1473] {strides = array<i32>} : memref<4x8x128xf32, #tpu.memory_space<vmem>>, vector<16xf32>,
        tpu.vector_store %arg15[%swap3A_1471, %swap3A_1472, %swap3A_1473], %unpack3A_1468 {strides = array<i32>} : memref<4x8x128xf32, #tpu.memory_space<vmem>>, vector<16xf32>,
        %swap3A_1475 = arith.constant 1 : i32
        %swap3A_1476 = arith.index_cast %swap3A_1475 : i32 to index
        %swap3A_1477 = arith.index_cast %scan3A_126 : i32 to index
        %swap3A_1478 = arith.constant 16 : index
        %swap3A_1479 = tpu.vector_load %arg15[%swap3A_1476, %swap3A_1477, %swap3A_1478] {strides = array<i32>} : memref<4x8x128xf32, #tpu.memory_space<vmem>>, vector<16xf32>,
        tpu.vector_store %arg15[%swap3A_1476, %swap3A_1477, %swap3A_1478], %unpack3A_1469 {strides = array<i32>} : memref<4x8x128xf32, #tpu.memory_space<vmem>>, vector<16xf32>,
        %unpack3A_1480 = tpu.unpack_subelements %add3A_1393, 0 {pack_format = #tpu.pack_format<interleaved>} : vector<32xbf16> -> vector<16xf32>
        %unpack3A_1481 = tpu.unpack_subelements %add3A_1393, 1 {pack_format = #tpu.pack_format<interleaved>} : vector<32xbf16> -> vector<16xf32>
        %swap3A_1482 = arith.constant 1 : i32
        %swap3A_1483 = arith.index_cast %swap3A_1482 : i32 to index
        %swap3A_1484 = arith.index_cast %scan3A_126 : i32 to index
        %swap3A_1485 = arith.constant 32 : index
        %swap3A_1486 = tpu.vector_load %arg15[%swap3A_1483, %swap3A_1484, %swap3A_1485] {strides = array<i32>} : memref<4x8x128xf32, #tpu.memory_space<vmem>>, vector<16xf32>,
        tpu.vector_store %arg15[%swap3A_1483, %swap3A_1484, %swap3A_1485], %unpack3A_1480 {strides = array<i32>} : memref<4x8x128xf32, #tpu.memory_space<vmem>>, vector<16xf32>,
        %swap3A_1487 = arith.constant 1 : i32
        %swap3A_1488 = arith.index_cast %swap3A_1487 : i32 to index
        %swap3A_1489 = arith.index_cast %scan3A_126 : i32 to index
        %swap3A_1490 = arith.constant 48 : index
        %swap3A_1491 = tpu.vector_load %arg15[%swap3A_1488, %swap3A_1489, %swap3A_1490] {strides = array<i32>} : memref<4x8x128xf32, #tpu.memory_space<vmem>>, vector<16xf32>,
        tpu.vector_store %arg15[%swap3A_1488, %swap3A_1489, %swap3A_1490], %unpack3A_1481 {strides = array<i32>} : memref<4x8x128xf32, #tpu.memory_space<vmem>>, vector<16xf32>,
        %unpack3A_1492 = tpu.unpack_subelements %add3A_1395, 0 {pack_format = #tpu.pack_format<interleaved>} : vector<32xbf16> -> vector<16xf32>
        %unpack3A_1493 = tpu.unpack_subelements %add3A_1395, 1 {pack_format = #tpu.pack_format<interleaved>} : vector<32xbf16> -> vector<16xf32>
        %swap3A_1494 = arith.constant 1 : i32
        %swap3A_1495 = arith.index_cast %swap3A_1494 : i32 to index
        %swap3A_1496 = arith.index_cast %scan3A_126 : i32 to index
        %swap3A_1497 = arith.constant 64 : index
        %swap3A_1498 = tpu.vector_load %arg15[%swap3A_1495, %swap3A_1496, %swap3A_1497] {strides = array<i32>} : memref<4x8x128xf32, #tpu.memory_space<vmem>>, vector<16xf32>,
        tpu.vector_store %arg15[%swap3A_1495, %swap3A_1496, %swap3A_1497], %unpack3A_1492 {strides = array<i32>} : memref<4x8x128xf32, #tpu.memory_space<vmem>>, vector<16xf32>,
        %swap3A_1499 = arith.constant 1 : i32
        %swap3A_1500 = arith.index_cast %swap3A_1499 : i32 to index
        %swap3A_1501 = arith.index_cast %scan3A_126 : i32 to index
        %swap3A_1502 = arith.constant 80 : index
        %swap3A_1503 = tpu.vector_load %arg15[%swap3A_1500, %swap3A_1501, %swap3A_1502] {strides = array<i32>} : memref<4x8x128xf32, #tpu.memory_space<vmem>>, vector<16xf32>,
        tpu.vector_store %arg15[%swap3A_1500, %swap3A_1501, %swap3A_1502], %unpack3A_1493 {strides = array<i32>} : memref<4x8x128xf32, #tpu.memory_space<vmem>>, vector<16xf32>,
        %unpack3A_1504 = tpu.unpack_subelements %add3A_1397, 0 {pack_format = #tpu.pack_format<interleaved>} : vector<32xbf16> -> vector<16xf32>
        %unpack3A_1505 = tpu.unpack_subelements %add3A_1397, 1 {pack_format = #tpu.pack_format<interleaved>} : vector<32xbf16> -> vector<16xf32>
        %swap3A_1506 = arith.constant 1 : i32
        %swap3A_1507 = arith.index_cast %swap3A_1506 : i32 to index
        %swap3A_1508 = arith.index_cast %scan3A_126 : i32 to index
        %swap3A_1509 = arith.constant 96 : index
        %swap3A_1510 = tpu.vector_load %arg15[%swap3A_1507, %swap3A_1508, %swap3A_1509] {strides = array<i32>} : memref<4x8x128xf32, #tpu.memory_space<vmem>>, vector<16xf32>,
        tpu.vector_store %arg15[%swap3A_1507, %swap3A_1508, %swap3A_1509], %unpack3A_1504 {strides = array<i32>} : memref<4x8x128xf32, #tpu.memory_space<vmem>>, vector<16xf32>,
        %swap3A_1511 = arith.constant 1 : i32
        %swap3A_1512 = arith.index_cast %swap3A_1511 : i32 to index
        %swap3A_1513 = arith.index_cast %scan3A_126 : i32 to index
        %swap3A_1514 = arith.constant 112 : index
        %swap3A_1515 = tpu.vector_load %arg15[%swap3A_1512, %swap3A_1513, %swap3A_1514] {strides = array<i32>} : memref<4x8x128xf32, #tpu.memory_space<vmem>>, vector<16xf32>,
        tpu.vector_store %arg15[%swap3A_1512, %swap3A_1513, %swap3A_1514], %unpack3A_1505 {strides = array<i32>} : memref<4x8x128xf32, #tpu.memory_space<vmem>>, vector<16xf32>,
        %unpack3A_1516 = tpu.unpack_subelements %add3A_1403, 0 {pack_format = #tpu.pack_format<interleaved>} : vector<32xbf16> -> vector<16xf32>
        %unpack3A_1517 = tpu.unpack_subelements %add3A_1403, 1 {pack_format = #tpu.pack_format<interleaved>} : vector<32xbf16> -> vector<16xf32>
        %swap3A_1518 = arith.constant 2 : i32
        %swap3A_1519 = arith.index_cast %swap3A_1518 : i32 to index
        %swap3A_1520 = arith.index_cast %scan3A_126 : i32 to index
        %swap3A_1521 = arith.constant 0 : index
        %swap3A_1522 = tpu.vector_load %arg15[%swap3A_1519, %swap3A_1520, %swap3A_1521] {strides = array<i32>} : memref<4x8x128xf32, #tpu.memory_space<vmem>>, vector<16xf32>,
        tpu.vector_store %arg15[%swap3A_1519, %swap3A_1520, %swap3A_1521], %unpack3A_1516 {strides = array<i32>} : memref<4x8x128xf32, #tpu.memory_space<vmem>>, vector<16xf32>,
        %swap3A_1523 = arith.constant 2 : i32
        %swap3A_1524 = arith.index_cast %swap3A_1523 : i32 to index
        %swap3A_1525 = arith.index_cast %scan3A_126 : i32 to index
        %swap3A_1526 = arith.constant 16 : index
        %swap3A_1527 = tpu.vector_load %arg15[%swap3A_1524, %swap3A_1525, %swap3A_1526] {strides = array<i32>} : memref<4x8x128xf32, #tpu.memory_space<vmem>>, vector<16xf32>,
        tpu.vector_store %arg15[%swap3A_1524, %swap3A_1525, %swap3A_1526], %unpack3A_1517 {strides = array<i32>} : memref<4x8x128xf32, #tpu.memory_space<vmem>>, vector<16xf32>,
        %unpack3A_1528 = tpu.unpack_subelements %add3A_1405, 0 {pack_format = #tpu.pack_format<interleaved>} : vector<32xbf16> -> vector<16xf32>
        %unpack3A_1529 = tpu.unpack_subelements %add3A_1405, 1 {pack_format = #tpu.pack_format<interleaved>} : vector<32xbf16> -> vector<16xf32>
        %swap3A_1530 = arith.constant 2 : i32
        %swap3A_1531 = arith.index_cast %swap3A_1530 : i32 to index
        %swap3A_1532 = arith.index_cast %scan3A_126 : i32 to index
        %swap3A_1533 = arith.constant 32 : index
        %swap3A_1534 = tpu.vector_load %arg15[%swap3A_1531, %swap3A_1532, %swap3A_1533] {strides = array<i32>} : memref<4x8x128xf32, #tpu.memory_space<vmem>>, vector<16xf32>,
        tpu.vector_store %arg15[%swap3A_1531, %swap3A_1532, %swap3A_1533], %unpack3A_1528 {strides = array<i32>} : memref<4x8x128xf32, #tpu.memory_space<vmem>>, vector<16xf32>,
        %swap3A_1535 = arith.constant 2 : i32
        %swap3A_1536 = arith.index_cast %swap3A_1535 : i32 to index
        %swap3A_1537 = arith.index_cast %scan3A_126 : i32 to index
        %swap3A_1538 = arith.constant 48 : index
        %swap3A_1539 = tpu.vector_load %arg15[%swap3A_1536, %swap3A_1537, %swap3A_1538] {strides = array<i32>} : memref<4x8x128xf32, #tpu.memory_space<vmem>>, vector<16xf32>,
        tpu.vector_store %arg15[%swap3A_1536, %swap3A_1537, %swap3A_1538], %unpack3A_1529 {strides = array<i32>} : memref<4x8x128xf32, #tpu.memory_space<vmem>>, vector<16xf32>,
        %unpack3A_1540 = tpu.unpack_subelements %add3A_1407, 0 {pack_format = #tpu.pack_format<interleaved>} : vector<32xbf16> -> vector<16xf32>
        %unpack3A_1541 = tpu.unpack_subelements %add3A_1407, 1 {pack_format = #tpu.pack_format<interleaved>} : vector<32xbf16> -> vector<16xf32>
        %swap3A_1542 = arith.constant 2 : i32
        %swap3A_1543 = arith.index_cast %swap3A_1542 : i32 to index
        %swap3A_1544 = arith.index_cast %scan3A_126 : i32 to index
        %swap3A_1545 = arith.constant 64 : index
        %swap3A_1546 = tpu.vector_load %arg15[%swap3A_1543, %swap3A_1544, %swap3A_1545] {strides = array<i32>} : memref<4x8x128xf32, #tpu.memory_space<vmem>>, vector<16xf32>,
        tpu.vector_store %arg15[%swap3A_1543, %swap3A_1544, %swap3A_1545], %unpack3A_1540 {strides = array<i32>} : memref<4x8x128xf32, #tpu.memory_space<vmem>>, vector<16xf32>,
        %swap3A_1547 = arith.constant 2 : i32
        %swap3A_1548 = arith.index_cast %swap3A_1547 : i32 to index
        %swap3A_1549 = arith.index_cast %scan3A_126 : i32 to index
        %swap3A_1550 = arith.constant 80 : index
        %swap3A_1551 = tpu.vector_load %arg15[%swap3A_1548, %swap3A_1549, %swap3A_1550] {strides = array<i32>} : memref<4x8x128xf32, #tpu.memory_space<vmem>>, vector<16xf32>,
        tpu.vector_store %arg15[%swap3A_1548, %swap3A_1549, %swap3A_1550], %unpack3A_1541 {strides = array<i32>} : memref<4x8x128xf32, #tpu.memory_space<vmem>>, vector<16xf32>,
        %unpack3A_1552 = tpu.unpack_subelements %add3A_1409, 0 {pack_format = #tpu.pack_format<interleaved>} : vector<32xbf16> -> vector<16xf32>
        %unpack3A_1553 = tpu.unpack_subelements %add3A_1409, 1 {pack_format = #tpu.pack_format<interleaved>} : vector<32xbf16> -> vector<16xf32>
        %swap3A_1554 = arith.constant 2 : i32
        %swap3A_1555 = arith.index_cast %swap3A_1554 : i32 to index
        %swap3A_1556 = arith.index_cast %scan3A_126 : i32 to index
        %swap3A_1557 = arith.constant 96 : index
        %swap3A_1558 = tpu.vector_load %arg15[%swap3A_1555, %swap3A_1556, %swap3A_1557] {strides = array<i32>} : memref<4x8x128xf32, #tpu.memory_space<vmem>>, vector<16xf32>,
        tpu.vector_store %arg15[%swap3A_1555, %swap3A_1556, %swap3A_1557], %unpack3A_1552 {strides = array<i32>} : memref<4x8x128xf32, #tpu.memory_space<vmem>>, vector<16xf32>,
        %swap3A_1559 = arith.constant 2 : i32
        %swap3A_1560 = arith.index_cast %swap3A_1559 : i32 to index
        %swap3A_1561 = arith.index_cast %scan3A_126 : i32 to index
        %swap3A_1562 = arith.constant 112 : index
        %swap3A_1563 = tpu.vector_load %arg15[%swap3A_1560, %swap3A_1561, %swap3A_1562] {strides = array<i32>} : memref<4x8x128xf32, #tpu.memory_space<vmem>>, vector<16xf32>,
        tpu.vector_store %arg15[%swap3A_1560, %swap3A_1561, %swap3A_1562], %unpack3A_1553 {strides = array<i32>} : memref<4x8x128xf32, #tpu.memory_space<vmem>>, vector<16xf32>,
        %unpack3A_1564 = tpu.unpack_subelements %add3A_1415, 0 {pack_format = #tpu.pack_format<interleaved>} : vector<32xbf16> -> vector<16xf32>
        %unpack3A_1565 = tpu.unpack_subelements %add3A_1415, 1 {pack_format = #tpu.pack_format<interleaved>} : vector<32xbf16> -> vector<16xf32>
        %swap3A_1566 = arith.constant 3 : i32
        %swap3A_1567 = arith.index_cast %swap3A_1566 : i32 to index
        %swap3A_1568 = arith.index_cast %scan3A_126 : i32 to index
        %swap3A_1569 = arith.constant 0 : index
        %swap3A_1570 = tpu.vector_load %arg15[%swap3A_1567, %swap3A_1568, %swap3A_1569] {strides = array<i32>} : memref<4x8x128xf32, #tpu.memory_space<vmem>>, vector<16xf32>,
        tpu.vector_store %arg15[%swap3A_1567, %swap3A_1568, %swap3A_1569], %unpack3A_1564 {strides = array<i32>} : memref<4x8x128xf32, #tpu.memory_space<vmem>>, vector<16xf32>,
        %swap3A_1571 = arith.constant 3 : i32
        %swap3A_1572 = arith.index_cast %swap3A_1571 : i32 to index
        %swap3A_1573 = arith.index_cast %scan3A_126 : i32 to index
        %swap3A_1574 = arith.constant 16 : index
        %swap3A_1575 = tpu.vector_load %arg15[%swap3A_1572, %swap3A_1573, %swap3A_1574] {strides = array<i32>} : memref<4x8x128xf32, #tpu.memory_space<vmem>>, vector<16xf32>,
        tpu.vector_store %arg15[%swap3A_1572, %swap3A_1573, %swap3A_1574], %unpack3A_1565 {strides = array<i32>} : memref<4x8x128xf32, #tpu.memory_space<vmem>>, vector<16xf32>,
        %unpack3A_1576 = tpu.unpack_subelements %add3A_1417, 0 {pack_format = #tpu.pack_format<interleaved>} : vector<32xbf16> -> vector<16xf32>
        %unpack3A_1577 = tpu.unpack_subelements %add3A_1417, 1 {pack_format = #tpu.pack_format<interleaved>} : vector<32xbf16> -> vector<16xf32>
        %swap3A_1578 = arith.constant 3 : i32
        %swap3A_1579 = arith.index_cast %swap3A_1578 : i32 to index
        %swap3A_1580 = arith.index_cast %scan3A_126 : i32 to index
        %swap3A_1581 = arith.constant 32 : index
        %swap3A_1582 = tpu.vector_load %arg15[%swap3A_1579, %swap3A_1580, %swap3A_1581] {strides = array<i32>} : memref<4x8x128xf32, #tpu.memory_space<vmem>>, vector<16xf32>,
        tpu.vector_store %arg15[%swap3A_1579, %swap3A_1580, %swap3A_1581], %unpack3A_1576 {strides = array<i32>} : memref<4x8x128xf32, #tpu.memory_space<vmem>>, vector<16xf32>,
        %swap3A_1583 = arith.constant 3 : i32
        %swap3A_1584 = arith.index_cast %swap3A_1583 : i32 to index
        %swap3A_1585 = arith.index_cast %scan3A_126 : i32 to index
        %swap3A_1586 = arith.constant 48 : index
        %swap3A_1587 = tpu.vector_load %arg15[%swap3A_1584, %swap3A_1585, %swap3A_1586] {strides = array<i32>} : memref<4x8x128xf32, #tpu.memory_space<vmem>>, vector<16xf32>,
        tpu.vector_store %arg15[%swap3A_1584, %swap3A_1585, %swap3A_1586], %unpack3A_1577 {strides = array<i32>} : memref<4x8x128xf32, #tpu.memory_space<vmem>>, vector<16xf32>,
        %unpack3A_1588 = tpu.unpack_subelements %add3A_1419, 0 {pack_format = #tpu.pack_format<interleaved>} : vector<32xbf16> -> vector<16xf32>
        %unpack3A_1589 = tpu.unpack_subelements %add3A_1419, 1 {pack_format = #tpu.pack_format<interleaved>} : vector<32xbf16> -> vector<16xf32>
        %swap3A_1590 = arith.constant 3 : i32
        %swap3A_1591 = arith.index_cast %swap3A_1590 : i32 to index
        %swap3A_1592 = arith.index_cast %scan3A_126 : i32 to index
        %swap3A_1593 = arith.constant 64 : index
        %swap3A_1594 = tpu.vector_load %arg15[%swap3A_1591, %swap3A_1592, %swap3A_1593] {strides = array<i32>} : memref<4x8x128xf32, #tpu.memory_space<vmem>>, vector<16xf32>,
        tpu.vector_store %arg15[%swap3A_1591, %swap3A_1592, %swap3A_1593], %unpack3A_1588 {strides = array<i32>} : memref<4x8x128xf32, #tpu.memory_space<vmem>>, vector<16xf32>,
        %swap3A_1595 = arith.constant 3 : i32
        %swap3A_1596 = arith.index_cast %swap3A_1595 : i32 to index
        %swap3A_1597 = arith.index_cast %scan3A_126 : i32 to index
        %swap3A_1598 = arith.constant 80 : index
        %swap3A_1599 = tpu.vector_load %arg15[%swap3A_1596, %swap3A_1597, %swap3A_1598] {strides = array<i32>} : memref<4x8x128xf32, #tpu.memory_space<vmem>>, vector<16xf32>,
        tpu.vector_store %arg15[%swap3A_1596, %swap3A_1597, %swap3A_1598], %unpack3A_1589 {strides = array<i32>} : memref<4x8x128xf32, #tpu.memory_space<vmem>>, vector<16xf32>,
        %unpack3A_1600 = tpu.unpack_subelements %add3A_1421, 0 {pack_format = #tpu.pack_format<interleaved>} : vector<32xbf16> -> vector<16xf32>
        %unpack3A_1601 = tpu.unpack_subelements %add3A_1421, 1 {pack_format = #tpu.pack_format<interleaved>} : vector<32xbf16> -> vector<16xf32>
        %swap3A_1602 = arith.constant 3 : i32
        %swap3A_1603 = arith.index_cast %swap3A_1602 : i32 to index
        %swap3A_1604 = arith.index_cast %scan3A_126 : i32 to index
        %swap3A_1605 = arith.constant 96 : index
        %swap3A_1606 = tpu.vector_load %arg15[%swap3A_1603, %swap3A_1604, %swap3A_1605] {strides = array<i32>} : memref<4x8x128xf32, #tpu.memory_space<vmem>>, vector<16xf32>,
        tpu.vector_store %arg15[%swap3A_1603, %swap3A_1604, %swap3A_1605], %unpack3A_1600 {strides = array<i32>} : memref<4x8x128xf32, #tpu.memory_space<vmem>>, vector<16xf32>,
        %swap3A_1607 = arith.constant 3 : i32
        %swap3A_1608 = arith.index_cast %swap3A_1607 : i32 to index
        %swap3A_1609 = arith.index_cast %scan3A_126 : i32 to index
        %swap3A_1610 = arith.constant 112 : index
        %swap3A_1611 = tpu.vector_load %arg15[%swap3A_1608, %swap3A_1609, %swap3A_1610] {strides = array<i32>} : memref<4x8x128xf32, #tpu.memory_space<vmem>>, vector<16xf32>,
        tpu.vector_store %arg15[%swap3A_1608, %swap3A_1609, %swap3A_1610], %unpack3A_1601 {strides = array<i32>} : memref<4x8x128xf32, #tpu.memory_space<vmem>>, vector<16xf32>,
      }
      %scan3A_114 = arith.constant 8 : i32
      %add3A_115 = arith.addi %mul3A_2, %add3A_57 : i32
      %dma_start3A_116 = arith.constant 0 : i32
      %dma_start3A_117 = arith.constant 0 : i32
      %dma_start3A_118 = arith.constant 0 : i32
      %dma_start3A_119 = tpu.memref_slice %arg7[%add3A_115, %dma_start3A_116, %dma_start3A_117, %dma_start3A_118] : memref<1280x4x8x128xf32, #tpu.memory_space<hbm>> -> memref<1x4x8x128xf32, #tpu.memory_space<hbm>>
      %dma_start3A_120 = tpu.memref_squeeze %dma_start3A_119 : memref<1x4x8x128xf32, #tpu.memory_space<hbm>> -> memref<4x8x128xf32, #tpu.memory_space<hbm>>
      %dma_start3A_121 = arith.constant 0 : i32
      %dma_start3A_122 = arith.constant 0 : i32
      %dma_start3A_123 = arith.constant 0 : i32
      %dma_start3A_124 = tpu.memref_slice %arg7[%add3A_115, %dma_start3A_121, %dma_start3A_122, %dma_start3A_123] : memref<1280x4x8x128xf32, #tpu.memory_space<hbm>> -> memref<1x4x8x128xf32, #tpu.memory_space<hbm>>
      %dma_start3A_125 = tpu.memref_squeeze %dma_start3A_124 : memref<1x4x8x128xf32, #tpu.memory_space<hbm>> -> memref<4x8x128xf32, #tpu.memory_space<hbm>>
      tpu.enqueue_dma source(%arg15 : memref<4x8x128xf32, #tpu.memory_space<vmem>>) target(%dma_start3A_125 : memref<4x8x128xf32, #tpu.memory_space<hbm>>) target_semaphore(%arg19 : memref<!tpu.dma_semaphore, #tpu.memory_space<semaphore_mem>>)
    }
    %scan3A_22 = arith.constant 20 : i32
    %dma_wait3A = arith.constant 39 : i32
    %dma_wait3A_23 = arith.constant 0 : i32
    %dma_wait3A_24 = tpu.memref_slice %arg11[%dma_wait3A, %dma_wait3A_23] : memref<40x128xi32, #tpu.memory_space<vmem>> -> memref<1x128xi32, #tpu.memory_space<vmem>>
    %dma_wait3A_25 = tpu.memref_squeeze %dma_wait3A_24 : memref<1x128xi32, #tpu.memory_space<vmem>> -> memref<128xi32, #tpu.memory_space<vmem>>
    %dma_wait3A_26 = arith.constant 0 : i32
    %dma_wait3A_27 = arith.constant 0 : i32
    %dma_wait3A_28 = tpu.memref_slice %arg2[%dma_wait3A_26, %dma_wait3A_27] : memref<10000x128xbf16, #tpu.memory_space<hbm>> -> memref<10000x128xbf16, #tpu.memory_space<hbm>>
    tpu.wait_indirect_dma semaphore(%arg16 : memref<!tpu.dma_semaphore, #tpu.memory_space<semaphore_mem>>) src(%dma_wait3A_28 : memref<10000x128xbf16, #tpu.memory_space<hbm>>) dst(%arg12 : memref<128x128xbf16, #tpu.memory_space<vmem>>)
    %dma_wait3A_29 = arith.constant 0 : i32
    %dma_wait3A_30 = arith.constant 0 : i32
    %dma_wait3A_31 = arith.constant 0 : i32
    %dma_wait3A_32 = arith.constant 0 : i32
    %dma_wait3A_33 = tpu.memref_slice %arg7[%dma_wait3A_29, %dma_wait3A_30, %dma_wait3A_31, %dma_wait3A_32] : memref<1280x4x8x128xf32, #tpu.memory_space<hbm>> -> memref<1x4x8x128xf32, #tpu.memory_space<hbm>>
    %dma_wait3A_34 = tpu.memref_squeeze %dma_wait3A_33 : memref<1x4x8x128xf32, #tpu.memory_space<hbm>> -> memref<4x8x128xf32, #tpu.memory_space<hbm>>
    %dma_wait3A_35 = arith.constant 0 : i32
    %dma_wait3A_36 = arith.constant 0 : i32
    %dma_wait3A_37 = arith.constant 0 : i32
    %dma_wait3A_38 = tpu.memref_slice %arg7[%dma_wait3A_29, %dma_wait3A_35, %dma_wait3A_36, %dma_wait3A_37] : memref<1280x4x8x128xf32, #tpu.memory_space<hbm>> -> memref<1x4x8x128xf32, #tpu.memory_space<hbm>>
    %dma_wait3A_39 = tpu.memref_squeeze %dma_wait3A_38 : memref<1x4x8x128xf32, #tpu.memory_space<hbm>> -> memref<4x8x128xf32, #tpu.memory_space<hbm>>
    tpu.wait_dma2 semaphore(%arg18 : memref<!tpu.dma_semaphore, #tpu.memory_space<semaphore_mem>>) src(%arg14 : memref<4x8x128xf32, #tpu.memory_space<vmem>>) dst(%dma_wait3A_39 : memref<4x8x128xf32, #tpu.memory_space<hbm>>)
    %dma_wait3A_40 = arith.constant 0 : i32
    %dma_wait3A_41 = arith.constant 0 : i32
    %dma_wait3A_42 = arith.constant 0 : i32
    %dma_wait3A_43 = arith.constant 0 : i32
    %dma_wait3A_44 = tpu.memref_slice %arg7[%dma_wait3A_40, %dma_wait3A_41, %dma_wait3A_42, %dma_wait3A_43] : memref<1280x4x8x128xf32, #tpu.memory_space<hbm>> -> memref<1x4x8x128xf32, #tpu.memory_space<hbm>>
    %dma_wait3A_45 = tpu.memref_squeeze %dma_wait3A_44 : memref<1x4x8x128xf32, #tpu.memory_space<hbm>> -> memref<4x8x128xf32, #tpu.memory_space<hbm>>
    %dma_wait3A_46 = arith.constant 0 : i32
    %dma_wait3A_47 = arith.constant 0 : i32
    %dma_wait3A_48 = arith.constant 0 : i32
    %dma_wait3A_49 = tpu.memref_slice %arg7[%dma_wait3A_40, %dma_wait3A_46, %dma_wait3A_47, %dma_wait3A_48] : memref<1280x4x8x128xf32, #tpu.memory_space<hbm>> -> memref<1x4x8x128xf32, #tpu.memory_space<hbm>>
    %dma_wait3A_50 = tpu.memref_squeeze %dma_wait3A_49 : memref<1x4x8x128xf32, #tpu.memory_space<hbm>> -> memref<4x8x128xf32, #tpu.memory_space<hbm>>
    tpu.wait_dma2 semaphore(%arg19 : memref<!tpu.dma_semaphore, #tpu.memory_space<semaphore_mem>>) src(%arg15 : memref<4x8x128xf32, #tpu.memory_space<vmem>>) dst(%dma_wait3A_50 : memref<4x8x128xf32, #tpu.memory_space<hbm>>)
    return
  }
}

module attributes {stable_mosaic.version = 14 : i64} {
  func.func @_pre_body(%arg0: i32, %arg1: memref<2000x128xf32, #tpu.memory_space<vmem>>, %arg2: memref<128x128xf32, #tpu.memory_space<vmem>>, %arg3: memref<2000x128xf32, #tpu.memory_space<vmem>>, %arg4: memref<2000x128xbf16, #tpu.memory_space<vmem>>) attributes {dimension_semantics = [#tpu.dimension_semantics<arbitrary>], iteration_bounds = array<i64: 5>, scalar_prefetch = 0 : i64, scratch_operands = 0 : i64, tpu.core_type = #tpu.core_type<tc>, window_params = [{transform_indices = @transform_0, window_bounds = array<i64: 2000, 128>}, {pipeline_mode = #tpu.pipeline_mode<synchronous>, transform_indices = @transform_1, window_bounds = array<i64: 128, 128>}, {transform_indices = @transform_2, window_bounds = array<i64: 2000, 128>}, {transform_indices = @transform_3, window_bounds = array<i64: 2000, 128>}]} {
    %get3A = arith.constant 0 : index
    %get3A_0 = arith.constant 0 : index
    %get3A_1 = vector.load %arg1[%get3A, %get3A_0] : memref<2000x128xf32, #tpu.memory_space<vmem>>, vector<2000x128xf32>
    %get3A_2 = arith.constant 0 : index
    %get3A_3 = arith.constant 0 : index
    %get3A_4 = vector.load %arg2[%get3A_2, %get3A_3] : memref<128x128xf32, #tpu.memory_space<vmem>>, vector<128x128xf32>
    %dot_general3A = arith.constant dense<0.000000e+00> : vector<2000x128xf32>
    %dot_general3A_5 = tpu.matmul %get3A_1, %get3A_4, %dot_general3A {dimension_numbers = #tpu.dot_dimension_numbers<[1], [0], [0], [1], [0, 0, 1, 1], [], []>, transpose_lhs_hint = false} : vector<2000x128xf32>, vector<128x128xf32>, vector<2000x128xf32> -> vector<2000x128xf32>
    %swap3A = arith.constant 0 : index
    %swap3A_6 = arith.constant 0 : index
    %swap3A_7 = vector.load %arg3[%swap3A, %swap3A_6] : memref<2000x128xf32, #tpu.memory_space<vmem>>, vector<2000x128xf32>
    tpu.vector_store %arg3[%swap3A, %swap3A_6], %dot_general3A_5 {strides = array<i32>} : memref<2000x128xf32, #tpu.memory_space<vmem>>, vector<2000x128xf32>,
    %convert_element_type3A = arith.truncf %get3A_1 : vector<2000x128xf32> to vector<2000x128xbf16>
    %swap3A_8 = arith.constant 0 : index
    %swap3A_9 = arith.constant 0 : index
    %swap3A_10 = vector.load %arg4[%swap3A_8, %swap3A_9] : memref<2000x128xbf16, #tpu.memory_space<vmem>>, vector<2000x128xbf16>
    tpu.vector_store %arg4[%swap3A_8, %swap3A_9], %convert_element_type3A {strides = array<i32>} : memref<2000x128xbf16, #tpu.memory_space<vmem>>, vector<2000x128xbf16>,
    return
  }
  func.func @transform_0(%arg0: i32) -> (i32, i32) {
    %c0_i32 = arith.constant 0 : i32
    %c0_i32_0 = arith.constant 0 : i32
    return %arg0, %c0_i32 : i32, i32
  }
  func.func @transform_1(%arg0: i32) -> (i32, i32) {
    %c0_i32 = arith.constant 0 : i32
    %c0_i32_0 = arith.constant 0 : i32
    %c0_i32_1 = arith.constant 0 : i32
    return %c0_i32, %c0_i32_0 : i32, i32
  }
  func.func @transform_2(%arg0: i32) -> (i32, i32) {
    %c0_i32 = arith.constant 0 : i32
    %c0_i32_0 = arith.constant 0 : i32
    return %arg0, %c0_i32 : i32, i32
  }
  func.func @transform_3(%arg0: i32) -> (i32, i32) {
    %c0_i32 = arith.constant 0 : i32
    %c0_i32_0 = arith.constant 0 : i32
    return %arg0, %c0_i32 : i32, i32
  }
}

module attributes {stable_mosaic.version = 14 : i64} {
  func.func @_mm_bias_body(%arg0: i32, %arg1: memref<256x4x8x128xf32, #tpu.memory_space<vmem>>, %arg2: memref<4x128x128xbf16, #tpu.memory_space<vmem>>, %arg3: memref<1x128xf32, #tpu.memory_space<vmem>>, %arg4: memref<2048x128xf32, #tpu.memory_space<vmem>>) attributes {dimension_semantics = [#tpu.dimension_semantics<arbitrary>], iteration_bounds = array<i64: 5>, scalar_prefetch = 0 : i64, scratch_operands = 0 : i64, tpu.core_type = #tpu.core_type<tc>, window_params = [{transform_indices = @transform_0, window_bounds = array<i64: 256, 4, 8, 128>}, {pipeline_mode = #tpu.pipeline_mode<synchronous>, transform_indices = @transform_1, window_bounds = array<i64: 4, 128, 128>}, {pipeline_mode = #tpu.pipeline_mode<synchronous>, transform_indices = @transform_2, window_bounds = array<i64: 1, 128>}, {transform_indices = @transform_3, window_bounds = array<i64: 2048, 128>}]} {
    %get3A = arith.constant 0 : index
    %get3A_0 = arith.constant 0 : index
    %get3A_1 = arith.constant 0 : index
    %get3A_2 = arith.constant 0 : index
    %get3A_3 = vector.load %arg1[%get3A, %get3A_0, %get3A_1, %get3A_2] : memref<256x4x8x128xf32, #tpu.memory_space<vmem>>, vector<256x1x8x128xf32>
    %get3A_4 = vector.shape_cast %get3A_3 : vector<256x1x8x128xf32> to vector<256x8x128xf32>
    %reshape3A = vector.shape_cast %get3A_4 : vector<256x8x128xf32> to vector<2048x128xf32>
    %convert_element_type3A = arith.truncf %reshape3A : vector<2048x128xf32> to vector<2048x128xbf16>
    %get3A_5 = arith.constant 0 : index
    %get3A_6 = arith.constant 0 : index
    %get3A_7 = arith.constant 0 : index
    %get3A_8 = vector.load %arg2[%get3A_5, %get3A_6, %get3A_7] : memref<4x128x128xbf16, #tpu.memory_space<vmem>>, vector<1x128x128xbf16>
    %get3A_9 = vector.shape_cast %get3A_8 : vector<1x128x128xbf16> to vector<128x128xbf16>
    %dot_general3A = arith.constant dense<0.000000e+00> : vector<2048x128xf32>
    %dot_general3A_10 = tpu.matmul %convert_element_type3A, %get3A_9, %dot_general3A {dimension_numbers = #tpu.dot_dimension_numbers<[1], [0], [0], [1], [0, 0, 1, 1], [], []>, transpose_lhs_hint = false} : vector<2048x128xbf16>, vector<128x128xbf16>, vector<2048x128xf32> -> vector<2048x128xf32>
    %get3A_11 = arith.constant 0 : index
    %get3A_12 = arith.constant 1 : index
    %get3A_13 = arith.constant 0 : index
    %get3A_14 = arith.constant 0 : index
    %get3A_15 = vector.load %arg1[%get3A_11, %get3A_12, %get3A_13, %get3A_14] : memref<256x4x8x128xf32, #tpu.memory_space<vmem>>, vector<256x1x8x128xf32>
    %get3A_16 = vector.shape_cast %get3A_15 : vector<256x1x8x128xf32> to vector<256x8x128xf32>
    %reshape3A_17 = vector.shape_cast %get3A_16 : vector<256x8x128xf32> to vector<2048x128xf32>
    %convert_element_type3A_18 = arith.truncf %reshape3A_17 : vector<2048x128xf32> to vector<2048x128xbf16>
    %get3A_19 = arith.constant 1 : index
    %get3A_20 = arith.constant 0 : index
    %get3A_21 = arith.constant 0 : index
    %get3A_22 = vector.load %arg2[%get3A_19, %get3A_20, %get3A_21] : memref<4x128x128xbf16, #tpu.memory_space<vmem>>, vector<1x128x128xbf16>
    %get3A_23 = vector.shape_cast %get3A_22 : vector<1x128x128xbf16> to vector<128x128xbf16>
    %dot_general3A_24 = arith.constant dense<0.000000e+00> : vector<2048x128xf32>
    %dot_general3A_25 = tpu.matmul %convert_element_type3A_18, %get3A_23, %dot_general3A_24 {dimension_numbers = #tpu.dot_dimension_numbers<[1], [0], [0], [1], [0, 0, 1, 1], [], []>, transpose_lhs_hint = false} : vector<2048x128xbf16>, vector<128x128xbf16>, vector<2048x128xf32> -> vector<2048x128xf32>
    %add3A = arith.addf %dot_general3A_10, %dot_general3A_25 : vector<2048x128xf32>
    %get3A_26 = arith.constant 0 : index
    %get3A_27 = arith.constant 2 : index
    %get3A_28 = arith.constant 0 : index
    %get3A_29 = arith.constant 0 : index
    %get3A_30 = vector.load %arg1[%get3A_26, %get3A_27, %get3A_28, %get3A_29] : memref<256x4x8x128xf32, #tpu.memory_space<vmem>>, vector<256x1x8x128xf32>
    %get3A_31 = vector.shape_cast %get3A_30 : vector<256x1x8x128xf32> to vector<256x8x128xf32>
    %reshape3A_32 = vector.shape_cast %get3A_31 : vector<256x8x128xf32> to vector<2048x128xf32>
    %convert_element_type3A_33 = arith.truncf %reshape3A_32 : vector<2048x128xf32> to vector<2048x128xbf16>
    %get3A_34 = arith.constant 2 : index
    %get3A_35 = arith.constant 0 : index
    %get3A_36 = arith.constant 0 : index
    %get3A_37 = vector.load %arg2[%get3A_34, %get3A_35, %get3A_36] : memref<4x128x128xbf16, #tpu.memory_space<vmem>>, vector<1x128x128xbf16>
    %get3A_38 = vector.shape_cast %get3A_37 : vector<1x128x128xbf16> to vector<128x128xbf16>
    %dot_general3A_39 = arith.constant dense<0.000000e+00> : vector<2048x128xf32>
    %dot_general3A_40 = tpu.matmul %convert_element_type3A_33, %get3A_38, %dot_general3A_39 {dimension_numbers = #tpu.dot_dimension_numbers<[1], [0], [0], [1], [0, 0, 1, 1], [], []>, transpose_lhs_hint = false} : vector<2048x128xbf16>, vector<128x128xbf16>, vector<2048x128xf32> -> vector<2048x128xf32>
    %add3A_41 = arith.addf %add3A, %dot_general3A_40 : vector<2048x128xf32>
    %get3A_42 = arith.constant 0 : index
    %get3A_43 = arith.constant 3 : index
    %get3A_44 = arith.constant 0 : index
    %get3A_45 = arith.constant 0 : index
    %get3A_46 = vector.load %arg1[%get3A_42, %get3A_43, %get3A_44, %get3A_45] : memref<256x4x8x128xf32, #tpu.memory_space<vmem>>, vector<256x1x8x128xf32>
    %get3A_47 = vector.shape_cast %get3A_46 : vector<256x1x8x128xf32> to vector<256x8x128xf32>
    %reshape3A_48 = vector.shape_cast %get3A_47 : vector<256x8x128xf32> to vector<2048x128xf32>
    %convert_element_type3A_49 = arith.truncf %reshape3A_48 : vector<2048x128xf32> to vector<2048x128xbf16>
    %get3A_50 = arith.constant 3 : index
    %get3A_51 = arith.constant 0 : index
    %get3A_52 = arith.constant 0 : index
    %get3A_53 = vector.load %arg2[%get3A_50, %get3A_51, %get3A_52] : memref<4x128x128xbf16, #tpu.memory_space<vmem>>, vector<1x128x128xbf16>
    %get3A_54 = vector.shape_cast %get3A_53 : vector<1x128x128xbf16> to vector<128x128xbf16>
    %dot_general3A_55 = arith.constant dense<0.000000e+00> : vector<2048x128xf32>
    %dot_general3A_56 = tpu.matmul %convert_element_type3A_49, %get3A_54, %dot_general3A_55 {dimension_numbers = #tpu.dot_dimension_numbers<[1], [0], [0], [1], [0, 0, 1, 1], [], []>, transpose_lhs_hint = false} : vector<2048x128xbf16>, vector<128x128xbf16>, vector<2048x128xf32> -> vector<2048x128xf32>
    %add3A_57 = arith.addf %add3A_41, %dot_general3A_56 : vector<2048x128xf32>
    %get3A_58 = arith.constant 0 : index
    %get3A_59 = arith.constant 0 : index
    %get3A_60 = vector.load %arg3[%get3A_58, %get3A_59] : memref<1x128xf32, #tpu.memory_space<vmem>>, vector<1x128xf32>
    %add3A_61 = vector.broadcast %get3A_60 : vector<1x128xf32> to vector<2048x128xf32>
    %add3A_62 = arith.addf %add3A_57, %add3A_61 : vector<2048x128xf32>
    %swap3A = arith.constant 0 : index
    %swap3A_63 = arith.constant 0 : index
    %swap3A_64 = vector.load %arg4[%swap3A, %swap3A_63] : memref<2048x128xf32, #tpu.memory_space<vmem>>, vector<2048x128xf32>
    tpu.vector_store %arg4[%swap3A, %swap3A_63], %add3A_62 {strides = array<i32>} : memref<2048x128xf32, #tpu.memory_space<vmem>>, vector<2048x128xf32>,
    return
  }
  func.func @transform_0(%arg0: i32) -> (i32, i32, i32, i32) {
    %c0_i32 = arith.constant 0 : i32
    %c0_i32_0 = arith.constant 0 : i32
    %c0_i32_1 = arith.constant 0 : i32
    %c0_i32_2 = arith.constant 0 : i32
    return %arg0, %c0_i32, %c0_i32_0, %c0_i32_1 : i32, i32, i32, i32
  }
  func.func @transform_1(%arg0: i32) -> (i32, i32, i32) {
    %c0_i32 = arith.constant 0 : i32
    %c0_i32_0 = arith.constant 0 : i32
    %c0_i32_1 = arith.constant 0 : i32
    %c0_i32_2 = arith.constant 0 : i32
    return %c0_i32, %c0_i32_0, %c0_i32_1 : i32, i32, i32
  }
  func.func @transform_2(%arg0: i32) -> (i32, i32) {
    %c0_i32 = arith.constant 0 : i32
    %c0_i32_0 = arith.constant 0 : i32
    %c0_i32_1 = arith.constant 0 : i32
    return %c0_i32, %c0_i32_0 : i32, i32
  }
  func.func @transform_3(%arg0: i32) -> (i32, i32) {
    %c0_i32 = arith.constant 0 : i32
    %c0_i32_0 = arith.constant 0 : i32
    return %arg0, %c0_i32 : i32, i32
  }
}

</mosaic_0001>

<sc_bundles>
// kernel: kernel.5.cloned.1.call-start
scs
__scs_entry_jumppad:
0x0: {  	(pc) =	sbr.rel $0x88, $3  }
0x1: {  	(tag) =	ssettag $0x0;
	lr =	simm.s32 $0x1  }
0x2: {  	[smem:$0x3F9B] =	sst lr;
	_ =	strace $0xD0000000  }
0x3: {  	_ = 	snop  }
0x4: {  	_ = 	snop  }
0x5: {  	_ = 	snop  }
0x6: {  	_ = 	snop  }
0x7: {  	_ = 	snop  }
__scs_overlays_trampoline_lowered:
0x8: {  	[smem:$0x3FAA] =	sst s0  }
0x9: {  	[smem:$0x3FAB] =	sst s1  }
0xa: {  	[smem:$0x3FAC] =	sst s2  }
0xb: {  	[smem:$0x3FAD] =	sst s3  }
0xc: {  	[smem:$0x3FAE] =	sst s4  }
0xd: {  	[smem:$0x3FAF] =	sst s5  }
0xe: {  	[smem:$0x3FB0] =	sst s6  }
0xf: {  	[smem:$0x3FB1] =	sst s7  }
0x10: {  	[smem:$0x3FB2] =	sst s8  }
0x11: {  	[smem:$0x3FB3] =	sst s9;
	s0 =	simm.s32 @!p0 $0x0  }
0x12: {  	s1 =	sld [smem:$0x3F99];
	s0 =	simm.s32 @p0 $0x1  }
0x13: {  	[smem:$0x3FB4] =	sst s0;
	s0 =	simm.s32 @!p1 $0x0  }
0x14: {  	s2 =	sld [smem:$0x3F98];
	s0 =	simm.s32 @p1 $0x1  }
0x15: {  	[smem:$0x3FB5] =	sst s0;
	s0 =	simm.s32 @!p2 $0x0  }
0x16: {  	s3 =	sld [smem:$0x3FDB];
	s0 =	simm.s32 @p2 $0x1  }
0x17: {  	s4 =	simm.s32 $0x1BF5;
	[smem:$0x3FB7] =	sst s0  }
0x18: {  	s0 =	sld [smem:$0x3F9A];
	_ =	swait.ge [sflag:s4], $0x0  }
0x19: {  	s7 =	sld [smem:$0x3F9B]  }
0x1a: {  	s8 =	sadd.s32 $0xFFFFE003, lr  }
0x1b: {  	s9 =	sadd.s32 $0xFFFFFEF7, lr;
	s5 =	simm.s32 $0xFFFFFFFF;
	p2 =	slt.u32 s8, $0xFFFFF086  }
0x1c: {  	p1 =	slt.u32 s9, $0xF7A;
	s5 =	simm.s32 @!p2 $0x0  }
0x1d: {  	s5 =	simm.s32 @p1 $0x1;
	p0 =	seq.s32 s7, s2  }
0x1e: {  	s7 =	smul.u32 @!p0 $0xF7A, s2;
	p2 =	seq.s32 @!p0 s5, $0x0  }
0x1f: {  	s9 =	smul.u32 $0xF7A, s1;
	s8 =	simm.s32 @!p0 $0x1BF5;
	p2 =	por !p2, p0  }
0x20: {  	[sflag:s8] =	ssyncset.s32 @!p0 $0xFFFFF086;
	s6 =	sadd.s32 @!p0 s3, s7;
	s7 =	simm.s32 @!p0 $0x108  }
0x21: {  	s3 =	sadd.s32 s3, s9;
	s6 =	sadd.s32 @!p0 $0x88, s6;
	s7 =	simm.s32 @p2 $0x1082  }
0x22: {  	[simem:s7], [sflag:s8] =	dma.local @!p0 [hbm:s6], $0xF7A  }
0x23: {  	s9 =	sor.u32 $0xD0000000, s2;
	s6 =	simm.s32 $0x108;
	_ =	swait.ge @!p0 [sflag:s8], $0x0  }
0x24: {  	s3 =	sadd.s32 $0x88, s3;
	s6 =	simm.s32 @!p1 $0x1082;
	[sflag:s4] =	ssyncset.s32 $0xFFFFF086  }
0x25: {  	[simem:s6], [sflag:s4] =	dma.local [hbm:s3], $0xF7A  }
0x26: {  	[smem:$0x3F9B] =	sst s1;
	(tag) =	ssettag s2;
	_ =	strace s9  }
0x27: {  	s1 =	sld [smem:$0x3FAB]  }
0x28: {  	s2 =	sld [smem:$0x3FAC]  }
0x29: {  	s4 =	sld [smem:$0x3FAE]  }
0x2a: {  	p0 =	seq.s32 s5, $0x0;
	s5 =	sld [smem:$0x3FAF]  }
0x2b: {  	s6 =	sld [smem:$0x3FB0]  }
0x2c: {  	s7 =	sld [smem:$0x3FB1]  }
0x2d: {  	s3 =	simm.s32 $0x108;
	s8 =	sld [smem:$0x3FB2]  }
0x2e: {  	s3 =	simm.s32 @!p0 $0x1082;
	s9 =	sld [smem:$0x3FB3]  }
0x2f: {  	lr =	sadd.s32 s0, s3;
	s0 =	sld [smem:$0x3FAA]  }
0x30: {  	s3 =	sld [smem:$0x3FAD]  }
0x31: {  	[smem:$0x3FB6] =	sst s10  }
0x32: {  	s10 =	sld [smem:$0x3FB4];
	_ =	sdelay $0x3  }
0x33: {  	p0 =	seq.s32 s10, $0x1;
	s10 =	sld [smem:$0x3FB6];
	_ =	sdelay $0x3  }
0x34: {  	[smem:$0x3FB6] =	sst s10  }
0x35: {  	s10 =	sld [smem:$0x3FB5];
	_ =	sdelay $0x3  }
0x36: {  	p1 =	seq.s32 s10, $0x1;
	s10 =	sld [smem:$0x3FB6];
	_ =	sdelay $0x3  }
0x37: {  	[smem:$0x3FB6] =	sst s10  }
0x38: {  	s10 =	sld [smem:$0x3FB7]  }
0x39: {  	_ = 	snop;
	(pc) =	sbr.ind lr, $3  }
0x3a: {  	_ = 	snop  }
0x3b: {  	_ = 	snop  }
0x3c: {  	p2 =	seq.s32 s10, $0x1;
	s10 =	sld [smem:$0x3FB6]  }
0x3d: {  	_ =	shalt  }
0x3e: {  	_ =	shalt  }
0x3f: {  	_ =	shalt  }
0x40: {  	_ =	shalt  }
0x41: {  	_ =	shalt  }
0x42: {  	_ =	shalt  }
0x43: {  	_ =	shalt  }
0x44: {  	_ =	shalt  }
0x45: {  	_ =	shalt  }
0x46: {  	_ =	shalt  }
0x47: {  	_ =	shalt  }
0x48: {  	_ =	shalt  }
0x49: {  	_ =	shalt  }
0x4a: {  	_ =	shalt  }
0x4b: {  	_ =	shalt  }
0x4c: {  	_ =	shalt  }
0x4d: {  	_ =	shalt  }
0x4e: {  	_ =	shalt  }
0x4f: {  	_ =	shalt  }
0x50: {  	_ =	shalt  }
0x51: {  	_ =	shalt  }
0x52: {  	_ =	shalt  }
0x53: {  	_ =	shalt  }
0x54: {  	_ =	shalt  }
0x55: {  	_ =	shalt  }
0x56: {  	_ =	shalt  }
0x57: {  	_ =	shalt  }
0x58: {  	_ =	shalt  }
0x59: {  	_ =	shalt  }
0x5a: {  	_ =	shalt  }
0x5b: {  	_ =	shalt  }
0x5c: {  	_ =	shalt  }
0x5d: {  	_ =	shalt  }
0x5e: {  	_ =	shalt  }
0x5f: {  	_ =	shalt  }
0x60: {  	_ =	shalt  }
0x61: {  	_ =	shalt  }
0x62: {  	_ =	shalt  }
0x63: {  	_ =	shalt  }
0x64: {  	_ =	shalt  }
0x65: {  	_ =	shalt  }
0x66: {  	_ =	shalt  }
0x67: {  	_ =	shalt  }
0x68: {  	_ =	shalt  }
0x69: {  	_ =	shalt  }
0x6a: {  	_ =	shalt  }
0x6b: {  	_ =	shalt  }
0x6c: {  	_ =	shalt  }
0x6d: {  	_ =	shalt  }
0x6e: {  	_ =	shalt  }
0x6f: {  	_ =	shalt  }
0x70: {  	_ =	shalt  }
0x71: {  	_ =	shalt  }
0x72: {  	_ =	shalt  }
0x73: {  	_ =	shalt  }
0x74: {  	_ =	shalt  }
0x75: {  	_ =	shalt  }
0x76: {  	_ =	shalt  }
0x77: {  	_ =	shalt  }
0x78: {  	_ =	shalt  }
0x79: {  	_ =	shalt  }
0x7a: {  	_ =	shalt  }
0x7b: {  	_ =	shalt  }
0x7c: {  	_ =	shalt  }
0x7d: {  	_ =	shalt  }
0x7e: {  	_ =	shalt  }
0x7f: {  	_ =	shalt  }
0x80: {  	_ =	shalt  }
0x81: {  	_ =	shalt  }
0x82: {  	_ =	shalt  }
0x83: {  	_ =	shalt  }
0x84: {  	_ =	shalt  }
0x85: {  	_ =	shalt  }
0x86: {  	_ =	shalt  }
0x87: {  	_ =	shalt  }
.Lfunc_end0:
.L_simem_size_0:
called_computation_lowered:
.L_overlay_start_0:
0x88: {  	s2 =	sld [smem:$0x3FD9]  }
0x89: {  	s3 =	sld [smem:$0x3FFE];
	_ =	sdelay $0x1  }
0x8a: {  	s1 =	srdreg.scid  }
0x8b: {  	s0 =	sand.u32 $0x1, s1  }
0x8c: {  	s17 =	sshll.u32 s0, $0xA;
	s2 =	sadd.s32 s3, s2  }
0x8d: {  	s2 =	sadd.s32 s2, s17  }
0x8e: {  	[smem:$0x3FC2] =	sst s2  }
0x8f: {  	_ = 	snop  }
0x90: {  	s2 =	sld [smem:$0x3FD0];
	(tm) =	ssettm $0x1  }
0x91: {  	s18 =	sld [smem:$0x3FFB];
	_ =	sdelay $0x3  }
0x92: {  	_ =	strace s18  }
0x93: {  	s3 =	sld [smem:$0x3FFC];
	_ =	sdelay $0x3  }
0x94: {  	_ =	strace s3  }
0x95: {  	s3 =	sld [smem:$0x3FFD];
	_ =	sdelay $0x3  }
0x96: {  	_ =	strace s3  }
0x97: {  	_ =	strace $0x8FFFFFFF  }
0x98: {  	s19 =	sld [smem:$0x3FDB];
	_ =	sdelay $0x1  }
0x99: {  	s4 =	simm.s32 $_scs_section_size  }
0x9a: {  	s5 =	simm.s32 $_size__tile_overlayer_lowered;
	s6 =	simm.s32 $_tile_overlayer_lowered  }
0x9b: {  	s22 =	simm.s32 $0x1BFF;
	s21 =	sshll.u32 s6, $0x1;
	s3 =	sadd.s32 s4, s19  }
0x9c: {  	s7 =	simm.s32 $0x0;
	s20 =	sshll.u32 s5, $0x1;
	s5 =	sadd.s32 s21, s3  }
0x9d: {  	[timem:s7], [sflag:s22] =	dma.local [hbm:s5], s20  }
0x9e: {  	_ =	swait.ge [sflag:s22], s20  }
0x9f: {  	s4 =	ssub.s32 $0x0, s20;
	[sflag:s22] =	ssyncset.done $0x0  }
0xa0: {  	[sflag:s22] =	ssyncadd.s32 s4;
	_ =	sdelay $0x1  }
0xa1: {  	s23 =	simm.s32 $0x1B8B  }
0xa2: {  	_ =	swait.ge [sflag:s23], $0x1  }
0xa3: {  	[sflag:s23] =	ssyncset.done $0x0  }
0xa4: {  	s25 =	simm.s32 $0x1B8E;
	s24 =	sld [smem:$0x3FFE];
	[sflag:s23] =	ssyncadd.s32 $0xFFFFFFFF  }
0xa5: {  	s26 =	simm.s32 $execute0_lowered;
	[smem:$0x3FD2] =	sst s25  }
0xa6: {  	s5 =	sshll.u32 s26, $0x1;
	_ =	strace $0x80000046;
	[dreg:$0x1] =	wrdreg $0xFFFFFFFF  }
0xa7: {  	s28 =	simm.s32 $_size_execute0_lowered;
	s3 =	sadd.s32 s3, s5;
	[dreg:$0x0] =	wrdreg $0x0  }
0xa8: {  	s5 =	sshll.u32 s28, $0x1;
	[dreg:$0x2] =	wrdreg s3  }
0xa9: {  	[dreg:$0x3] =	wrdreg s5  }
0xaa: {  	[dreg:$0x4] =	wrdreg $0xC0  }
0xab: {  	_ =	task [dreg:s7], $0x5FFFF  }
0xac: {  	[dreg:$0x1] =	wrdreg $0xFFFFFFFF  }
0xad: {  	[dreg:$0x0] =	wrdreg $0x60  }
0xae: {  	[dreg:$0x2] =	wrdreg s2  }
0xaf: {  	[dreg:$0x3] =	wrdreg s24  }
0xb0: {  	[dreg:$0x4] =	wrdreg $0x9  }
0xb1: {  	_ =	task.clear_ibuf [dreg:s7], $0x5FFFF;
	_ =	strace $0x90000046  }
0xb2: {  	s29 =	simm.s32 $0x9;
	_ =	strace $0x80000048  }
0xb3: {  	_ =	swait.ge [sflag:s29], $0x1  }
0xb4: {  	[sflag:s29] =	ssyncadd.s32 $0xFFFFFFFF  }
0xb5: {  	_ =	strace $0x90000048  }
0xb6: {  	_ =	sfence  }
0xb7: {  	s30 =	sld [smem:$0x0];
	_ =	sdelay $0x2  }
0xb8: {  	s31 =	sshll.u32 s1, $0xD;
	s1 =	sshrl.u32 s1, $0x2  }
0xb9: {  	s3 =	sand.u32 $0x4000, s31;
	s1 =	sadd.s32 s1, s30  }
0xba: {  	s0 =	sor.u32 s3, s0;
	s1 =	sshll.u32 s1, $0x11  }
0xbb: {  	s0 =	sor.u32 s1, s0  }
0xbc: {  	s0 =	sadd.s32 $0x8F2B, s0  }
0xbd: {  	[sflag:s0] =	ssyncadd.remote.s32 $0x1  }
0xbe: {  	_ =	sfence.sel $0xFFFF  }
0xbf: {  	[dreg:$0x0] =	wrdreg $0xFFFFFFFF;
	(pc) =	sbr.abs _section_cstart, $3  }
0xc0: {  	[dreg:$0x1] =	wrdreg $0xFFFFFFFF  }
0xc1: {  	_ =	task.clear_ibuf [dreg:s7], $0x2FFFF;
	_ =	strace $0x9FFFFFFF  }
0xc2: {  	(tm) =	ssettm $0x7FFFFFFF  }
0xc3: {  	_ =	shalt  }
tec
execute0_lowered:
.L_overlay_start_1:
0x0: {  	(tag) =	ssettag $0x1  }
0x1: {  	s2 =	rddreg [dreg:$0x0];
	s0 =	srdreg.scid  }
0x2: {  	s3 =	stileid.u32;
	s1 =	rddreg [dreg:$0x1];
	s11 =	simm.s32 $0x5  }
0x3: {  	s13 =	simm.s32 $0x13900;
	s14 =	simm.s32 $0x80;
	s15 =	simm.s32 $0x16B00  }
0x4: {  	s16 =	simm.s32 $0x18B00;
	s17 =	simm.s32 $0x1;
	s18 =	simm.s32 $0x1AB00  }
0x5: {  	s19 =	simm.s32 $0x2;
	s20 =	simm.s32 $0x1BB00;
	s21 =	simm.s32 $0x3  }
0x6: {  	s22 =	simm.s32 $0x4;
	s0 =	sand.u32 $0x1, s0;
	s4 =	sshll.u32 s3, $0x1  }
0x7: {  	s23 =	simm.s32 $0x0;
	s3 =	simm.s32 $0x0;
	s4 =	sor.u32 s0, s4  }
0x8: {  	s30 =	sadd.s32 $0xE000, s1;
	s0 =	ssub.s32 $0x2, s0;
	s5 =	smul.u32 $0x280, s4  }
0x9: {  	[smem:$0x7FF] =	sst s3;
	s6 =	smul.u32 $0x140, s4;
	s7 =	sshrl.u32 s0, $0x1  }
0xa: {  	_ =	strace $0x80000047;
	[dreg:$0x3] =	wrdreg s30;
	s0 =	ssub.s32 s0, s7  }
0xb: {  	s8 =	sadd.s32 s5, s1;
	s9 =	sadd.s32 s6, s1;
	s5 =	sadd.s32 $0x10800, s1  }
0xc: {  	s6 =	smul.u32 $0x28, s4;
	s10 =	smax.u32 s0, $0x1;
	s31 =	sadd.s32 $0x1800, s8  }
0xd: {  	v0 =	vimm.bf16 $0.0e+00;
	s8 =	sadd.s32 $0x6800, s8;
	s9 =	sadd.s32 $0xB800, s9;
	[dreg:$0x4] =	wrdreg s31  }
.LBB2_1:
0xe: {  	s0 =	rddreg [dreg:$0x3]  }
0xf: {  	[tilespmem:s3], [sflag:$0x5] =	stream.linear.gather [hbm4b:s0+s3], $0x13900, $0x38;
	[tilespmem:$0x1CB00] =	vst v63  }
0x10: {  	_ =	swait.ge [sflag:s11], $0x13900  }
0x11: {  	[sflag:s11] =	ssyncset.done $0x0  }
0x12: {  	s24 =	simm.s32 $0x14300;
	s30 =	rddreg [dreg:$0x4];
	[sflag:s11] =	ssyncadd.s32 $0xFFFEC700  }
0x13: {  	[tilespmem:s24], [sflag:$0x5] =	stream.linear.gather [hbm4b:s30+s3], $0x1400, $0x38;
	[tilespmem:$0x1CB00] =	vst v63  }
0x14: {  	_ =	swait.ge [sflag:s11], $0x1400  }
0x15: {  	[sflag:s11] =	ssyncset.done $0x0  }
0x16: {  	s31 =	simm.s32 $0x15700;
	[sflag:s11] =	ssyncadd.s32 $0xFFFFEC00  }
0x17: {  	[tilespmem:s31], [sflag:$0x5] =	stream.linear.gather [hbm4b:s8+s3], $0x1400, $0x38;
	[tilespmem:$0x1CB00] =	vst v63  }
0x18: {  	_ =	swait.ge [sflag:s11], $0x1400  }
0x19: {  	[sflag:s11] =	ssyncset.done $0x0  }
0x1a: {  	[sflag:s11] =	ssyncadd.s32 $0xFFFFEC00  }
0x1b: {  	[tilespmem:s13], [sflag:$0x5] =	stream.linear.gather [hbm4b:s9+s3], $0xA00, $0x38;
	[tilespmem:$0x1CB00] =	vst v63  }
0x1c: {  	_ =	swait.ge [sflag:s11], $0xA00  }
0x1d: {  	s25 =	simm.s32 $0x14380;
	s26 =	simm.s32 $0x8;
	[sflag:s11] =	ssyncset.done $0x0  }
0x1e: {  	s4 =	simm.s32 $0x0;
	s29 =	simm.s32 $0x0;
	[sflag:s11] =	ssyncadd.s32 $0xFFFFF600  }
0x1f: {  	[tilespmem:s15], [sflag:$0x1] =	stream.indirect.gather [hbm4b:s2+s14], $0x40, s31, s14, $0xb8;
	[tilespmem:$0x1CB00] =	vst v63  }
.LBB2_2:
0x20: {  	s30 =	sshllo.u32 s29, $0x1  }
0x21: {  	s0 =	sshll.u32 s30, $0x7  }
0x22: {  	s0 =	sadd.s32 $0x15700, s0  }
0x23: {  	[tilespmem:s16], [sflag:$0x2] =	stream.indirect.gather [hbm4b:s2+s14], $0x40, s0, s14, $0xb8;
	[tilespmem:$0x1CB00] =	vst v63  }
0x24: {  	_ =	swait.ge [sflag:s17], $0x2000  }
0x25: {  	p0 =	seq.s32 s29, $0x0;
	[sflag:s17] =	ssyncset.done $0x0  }
0x26: {  	v1 =	vmov s24;
	s0 =	simm.s32 @!p0 $0x3;
	[sflag:s17] =	ssyncadd.s32 $0xFFFFE000  }
0x27: {  	s31 =	sshll.u32 s29, $0x1;
	_ =	swait.ge @!p0 [sflag:s0], $0x1000  }
0x28: {  	s1 =	simm.s32 $0x0;
	s12 =	simm.s32 $0x16D00;
	[sflag:s0] =	ssyncset.done @!p0 $0x0  }
0x29: {  	s28 =	smov.u32 s4;
	[sflag:s0] =	ssyncadd.s32 @!p0 $0xFFFFF000;
	s0 =	simm.s32 $0x1B300  }
.LBB2_3:
0x2a: {  	s7 =	sshra.s32 s1, $0x2  }
0x2b: {  	v2 =	vld.idx.msk [tilespmem:v1+s7+$0x0 ss:$0x1], $0xffff;
	s7 =	sshll.u32 s28, $0x3  }
0x2c: {  	v7 =	vmov s7  }
0x2d: {  	v8 =	vor.u32 $0x1, v7  }
0x2e: {  	v9 =	vor.u32 $0x2, v7  }
0x2f: {  	v10 =	vor.u32 $0x3, v7  }
0x30: {  	v3 =	vshll.u32 v2, $0x3  }
0x31: {  	v4 =	vor.u32 $0x1, v3;
	v7 =	vld.idx.msk [tilespmem:v7+s13+$0x0], $0xffff  }
0x32: {  	v5 =	vor.u32 $0x2, v3;
	v8 =	vld.idx.msk [tilespmem:v8+s13+$0x0], $0xffff  }
0x33: {  	v6 =	vor.u32 $0x3, v3;
	v9 =	vld.idx.msk [tilespmem:v9+s13+$0x0], $0xffff  }
0x34: {  	v10 =	vld.idx.msk [tilespmem:v10+s13+$0x0], $0xffff  }
0x35: {  	v3 =	vld.idx.msk [tilespmem:v3+s3+$0x0], $0xffff  }
0x36: {  	v4 =	vld.idx.msk [tilespmem:v4+s3+$0x0], $0xffff  }
0x37: {  	v5 =	vld.idx.msk [tilespmem:v5+s3+$0x0], $0xffff  }
0x38: {  	v6 =	vld.idx.msk [tilespmem:v6+s3+$0x0], $0xffff;
	_ =	sdelay $0x3  }
0x39: {  	v3 =	vsub.f32 v7, v3;
	v4 =	vsub.f32 v8, v4  }
0x3a: {  	v5 =	vsub.f32 v9, v5;
	v6 =	vsub.f32 v10, v6;
	_ =	sdelay $0x1  }
0x3b: {  	v7 =	vmax.f32 v3, v4;
	v31 =	vmax.f32 v5, v6  }
0x3c: {  	v7 =	vmax.f32 v7, v31  }
0x3d: {  	v3 =	vsub.f32 v3, v7  }
0x3e: {  	v4 =	vsub.f32 v4, v7  }
0x3f: {  	v3 =	vmul.f32 $1.442695020e+00, v3  }
0x40: {  	v5 =	vsub.f32 v5, v7;
	v4 =	vmul.f32 $1.442695020e+00, v4  }
0x41: {  	(erf) = vpow2.f32 v3  }
0x42: {  	v32 =	vsub.f32 v6, v7;
	v3 =	vmul.f32 $1.442695020e+00, v5;
	(erf) = vpow2.f32 v4;
	_ =	sdelay $0x1  }
0x43: {  	(erf) = vpow2.f32 v3;
	v3 =	vmul.f32 $1.442695020e+00, v32;
	_ =	sdelay $0x1  }
0x44: {  	(erf) = vpow2.f32 v3;
	_ =	sdelay $0x3  }
0x45: {  	v3 =	vpop (erf)  }
0x46: {  	v33 =	vpop (erf)  }
0x47: {  	vm0 =	vne.s32 v2, $0x0;
	v34 =	vadd.f32 v33, v3  }
0x48: {  	v35 =	vmpcnt.ones.xlane vm0;
	v2 =	vpop (erf)  }
0x49: {  	v5 =	vadd.f32 v34, v2  }
0x4a: {  	v37 =	vcvt.s32.f32 v35;
	v36 =	vpop (erf)  }
0x4b: {  	v5 =	vadd.f32 v5, v36  }
0x4c: {  	(erf) = vrcp.f32 v37  }
0x4d: {  	(erf) = vrcp.f32 v5;
	_ =	sdelay $0x7  }
0x4e: {  	vm1 =	vgt.s32 v35, $0x0;
	v38 =	vpop (erf)  }
0x4f: {  	v5 =	vnsel vm1, $0x0, v38;
	v39 =	vpop (erf)  }
0x50: {  	v6 =	vmul.f32 v39, v5  }
0x51: {  	v40 =	vld [tilespmem:s12+$0xFFFFFE00]  }
0x52: {  	v41 =	vld [tilespmem:s12+$0xFFFFFE10];
	v3 =	vmul.f32 v6, v3;
	v4 =	vmul.f32 v6, v33  }
0x53: {  	v42 =	vld [tilespmem:s12+$0xFFFFFE20];
	v2 =	vmul.f32 v6, v2  }
0x54: {  	v11 =	vld [tilespmem:s12+$0xFFFFFE30];
	v6 =	vmul.f32 v6, v36;
	v5 =	vnsel vm0, $0x0, v3;
	v4 =	vnsel vm0, $0x0, v4  }
0x55: {  	v3 =	vbroadcast v5, $0x0;
	v14 =	vbroadcast v4, $0x0  }
0x56: {  	v22 =	vld [tilespmem:s12+$0xFFFFFE40];
	v26 =	vbroadcast v5, $0x1;
	v28 =	vbroadcast v4, $0x1  }
0x57: {  	v24 =	vld [tilespmem:s12+$0xFFFFFE50];
	v32 =	vbroadcast v5, $0x2;
	v36 =	vbroadcast v4, $0x2;
	v12 =	vpack.i.f32.bf16 v3, v3  }
0x58: {  	v25 =	vld [tilespmem:s12+$0xFFFFFE60];
	v3 =	vnsel vm0, $0x0, v2;
	v43 =	vmul.bf16 v12, v40;
	v13 =	vmul.bf16 v12, v41  }
0x59: {  	v27 =	vld [tilespmem:s12+$0xFFFFFE70];
	v14 =	vpack.i.f32.bf16 v14, v14;
	v45 =	vmul.bf16 v12, v42;
	v12 =	vmul.bf16 v12, v11  }
0x5a: {  	v15 =	vmul.bf16 v14, v40;
	v16 =	vbroadcast v3, $0x0  }
0x5b: {  	v2 =	vnsel vm0, $0x0, v6;
	v17 =	vmul.bf16 v14, v41;
	v18 =	vmul.bf16 v14, v42  }
0x5c: {  	v57 =	vld [tilespmem:s12+$0xFFFFFE90];
	v26 =	vpack.i.f32.bf16 v26, v26;
	v14 =	vmul.bf16 v14, v11;
	v21 =	vbroadcast v2, $0x0  }
0x5d: {  	v31 =	vld [tilespmem:s12+$0xFFFFFE80];
	v46 =	vmul.bf16 v26, v22;
	v47 =	vmul.bf16 v26, v24  }
0x5e: {  	v60 =	vld [tilespmem:s12+$0xFFFFFEA0];
	v28 =	vpack.i.f32.bf16 v28, v28;
	v29 =	vmul.bf16 v26, v25;
	v26 =	vmul.bf16 v26, v27  }
0x5f: {  	v48 =	vmul.bf16 v28, v22;
	v30 =	vbroadcast v3, $0x1  }
0x60: {  	v61 =	vld [tilespmem:s12+$0xFFFFFEB0];
	v49 =	vmul.bf16 v28, v24;
	v50 =	vmul.bf16 v28, v25  }
0x61: {  	v33 =	vpack.i.f32.bf16 v32, v32;
	v52 =	vmul.bf16 v28, v27;
	v55 =	vbroadcast v2, $0x1  }
0x62: {  	v38 =	vpack.i.f32.bf16 v36, v36;
	v34 =	vmul.bf16 v33, v31;
	v35 =	vmul.bf16 v33, v57  }
0x63: {  	v37 =	vmul.bf16 v33, v60;
	v44 =	vadd.bf16 v0, v43;
	v13 =	vadd.bf16 v0, v13  }
0x64: {  	v39 =	vbroadcast v3, $0x2;
	v7 =	vadd.bf16 v0, v45;
	v12 =	vadd.bf16 v0, v12  }
0x65: {  	v16 =	vpack.i.f32.bf16 v16, v16;
	v43 =	vmul.bf16 v38, v61;
	v45 =	vbroadcast v2, $0x2  }
0x66: {  	v15 =	vadd.bf16 v0, v15;
	v19 =	vmul.bf16 v16, v40;
	v20 =	vmul.bf16 v16, v41  }
0x67: {  	v21 =	vpack.i.f32.bf16 v21, v21;
	v23 =	vmul.bf16 v16, v42;
	v16 =	vmul.bf16 v16, v11  }
0x68: {  	v17 =	vadd.bf16 v0, v17;
	v8 =	vmul.bf16 v21, v40;
	v9 =	vmul.bf16 v21, v41  }
0x69: {  	v51 =	vpack.i.f32.bf16 v30, v30;
	v10 =	vmul.bf16 v21, v42;
	v11 =	vmul.bf16 v21, v11  }
0x6a: {  	v18 =	vadd.bf16 v0, v18;
	v53 =	vmul.bf16 v51, v22;
	v54 =	vmul.bf16 v51, v24  }
0x6b: {  	v59 =	vpack.i.f32.bf16 v55, v55;
	v56 =	vmul.bf16 v51, v25;
	v58 =	vmul.bf16 v51, v27  }
0x6c: {  	v14 =	vadd.bf16 v0, v14;
	v22 =	vmul.bf16 v59, v22;
	v62 =	vmul.bf16 v59, v24  }
0x6d: {  	v63 =	vmul.bf16 v59, v25;
	v25 =	vmul.bf16 v33, v61;
	v6 =	vadd.bf16 v46, v44  }
0x6e: {  	v40 =	vmul.bf16 v38, v31;
	v13 =	vadd.bf16 v47, v13;
	v7 =	vadd.bf16 v29, v7  }
0x6f: {  	v41 =	vmul.bf16 v38, v57;
	v12 =	vadd.bf16 v26, v12;
	v15 =	vadd.bf16 v48, v15  }
0x70: {  	v42 =	vmul.bf16 v38, v60;
	v17 =	vadd.bf16 v49, v17;
	v18 =	vadd.bf16 v50, v18  }
0x71: {  	v24 =	vpack.i.f32.bf16 v39, v39;
	v14 =	vadd.bf16 v52, v14;
	v19 =	vadd.bf16 v0, v19  }
0x72: {  	v33 =	vbroadcast v3, $0x3;
	v20 =	vadd.bf16 v0, v20;
	v23 =	vadd.bf16 v0, v23  }
0x73: {  	v29 =	vmul.bf16 v59, v27;
	v16 =	vadd.bf16 v0, v16;
	v8 =	vadd.bf16 v0, v8  }
0x74: {  	v44 =	vmul.bf16 v24, v31;
	v9 =	vadd.bf16 v0, v9;
	v10 =	vadd.bf16 v0, v10  }
0x75: {  	v46 =	vmul.bf16 v24, v57;
	v11 =	vadd.bf16 v0, v11;
	v6 =	vadd.bf16 v34, v6  }
0x76: {  	v48 =	vmul.bf16 v24, v60;
	v13 =	vadd.bf16 v35, v13;
	v7 =	vadd.bf16 v37, v7  }
0x77: {  	v24 =	vmul.bf16 v24, v61;
	v12 =	vadd.bf16 v25, v12;
	v15 =	vadd.bf16 v40, v15  }
0x78: {  	v52 =	vbroadcast v5, $0x3;
	v17 =	vadd.bf16 v41, v17;
	v18 =	vadd.bf16 v42, v18  }
0x79: {  	v14 =	vadd.bf16 v43, v14;
	v25 =	vpack.i.f32.bf16 v45, v45;
	v19 =	vadd.bf16 v53, v19  }
0x7a: {  	v51 =	vld [tilespmem:s12+$0xFFFFFEE0];
	v37 =	vpack.i.f32.bf16 v33, v33;
	v20 =	vadd.bf16 v54, v20;
	v23 =	vadd.bf16 v56, v23  }
0x7b: {  	v40 =	vbroadcast v2, $0x3;
	v16 =	vadd.bf16 v58, v16;
	v8 =	vadd.bf16 v22, v8  }
0x7c: {  	v47 =	vld [tilespmem:s12+$0xFFFFFEC0];
	v9 =	vadd.bf16 v62, v9;
	v10 =	vadd.bf16 v63, v10;
	v50 =	vmul.bf16 v25, v31  }
0x7d: {  	v49 =	vld [tilespmem:s12+$0xFFFFFED0];
	v11 =	vadd.bf16 v29, v11;
	v53 =	vmul.bf16 v25, v57;
	v55 =	vmul.bf16 v25, v60  }
0x7e: {  	v56 =	vpack.i.f32.bf16 v52, v52;
	v57 =	vmul.bf16 v25, v61;
	v60 =	vbroadcast v4, $0x3  }
0x7f: {  	v61 =	vmul.bf16 v56, v51;
	v42 =	vmul.bf16 v37, v51;
	v19 =	vadd.bf16 v44, v19  }
0x80: {  	v43 =	vpack.i.f32.bf16 v40, v40;
	v20 =	vadd.bf16 v46, v20;
	v23 =	vadd.bf16 v48, v23  }
0x81: {  	v16 =	vadd.bf16 v24, v16;
	v8 =	vadd.bf16 v50, v8;
	v58 =	vmul.bf16 v56, v47  }
0x82: {  	v9 =	vadd.bf16 v53, v9;
	v59 =	vmul.bf16 v56, v49;
	v38 =	vmul.bf16 v37, v47  }
0x83: {  	v10 =	vadd.bf16 v55, v10;
	v39 =	vmul.bf16 v37, v49;
	v44 =	vbroadcast v5, $0x4  }
0x84: {  	v11 =	vadd.bf16 v57, v11;
	v22 =	vmul.bf16 v43, v47;
	v45 =	vmul.bf16 v43, v49  }
0x85: {  	v54 =	vld [tilespmem:s12+$0xFFFFFEF0];
	v63 =	vpack.i.f32.bf16 v60, v60;
	v46 =	vmul.bf16 v43, v51;
	v50 =	vbroadcast v4, $0x4  }
0x86: {  	v30 =	vld [tilespmem:s12+$0xFFFFFF10];
	v55 =	vbroadcast v3, $0x4;
	v7 =	vadd.bf16 v61, v7;
	v32 =	vmul.bf16 v63, v47  }
0x87: {  	v41 =	vld [tilespmem:s12+$0xFFFFFF00];
	v34 =	vmul.bf16 v63, v49;
	v6 =	vadd.bf16 v58, v6;
	v13 =	vadd.bf16 v59, v13  }
0x88: {  	v26 =	vld [tilespmem:s12+$0xFFFFFF20];
	v35 =	vmul.bf16 v63, v51;
	v19 =	vadd.bf16 v38, v19;
	v20 =	vadd.bf16 v39, v20  }
0x89: {  	v21 =	vadd.bf16 v42, v23;
	v47 =	vpack.i.f32.bf16 v44, v44;
	v8 =	vadd.bf16 v22, v8  }
0x8a: {  	v9 =	vadd.bf16 v45, v9;
	v10 =	vadd.bf16 v46, v10;
	v62 =	vmul.bf16 v56, v54  }
0x8b: {  	v58 =	vpack.i.f32.bf16 v55, v55;
	v36 =	vmul.bf16 v63, v54;
	v25 =	vmul.bf16 v37, v54  }
0x8c: {  	v15 =	vadd.bf16 v32, v15;
	v48 =	vmul.bf16 v43, v54;
	v49 =	vmul.bf16 v47, v41  }
0x8d: {  	v17 =	vadd.bf16 v34, v17;
	v51 =	vmul.bf16 v47, v30;
	v52 =	vmul.bf16 v47, v26  }
0x8e: {  	v18 =	vadd.bf16 v35, v18;
	v60 =	vmul.bf16 v58, v41;
	v61 =	vmul.bf16 v58, v30  }
0x8f: {  	v40 =	vld [tilespmem:s12+$0xFFFFFF60];
	v43 =	vbroadcast v5, $0x5;
	v12 =	vadd.bf16 v62, v12;
	v14 =	vadd.bf16 v36, v14  }
0x90: {  	v23 =	vld [tilespmem:s12+$0xFFFFFF30];
	v34 =	vbroadcast v4, $0x7;
	v16 =	vadd.bf16 v25, v16;
	v11 =	vadd.bf16 v48, v11  }
0x91: {  	v6 =	vadd.bf16 v49, v6;
	v25 =	vpack.i.f32.bf16 v50, v50;
	v62 =	vbroadcast v2, $0x4  }
0x92: {  	v42 =	vld [tilespmem:s12+$0xFFFFFF70];
	v13 =	vadd.bf16 v51, v13;
	v36 =	vmul.bf16 v58, v26;
	v48 =	vbroadcast v4, $0x5  }
0x93: {  	v7 =	vadd.bf16 v52, v7;
	v51 =	vbroadcast v3, $0x5;
	v54 =	vmul.bf16 v25, v41  }
0x94: {  	v45 =	vpack.i.f32.bf16 v43, v43;
	v56 =	vmul.bf16 v25, v30;
	v57 =	vmul.bf16 v25, v26  }
0x95: {  	v63 =	vld [tilespmem:s12+$0xFFFFFF40];
	v19 =	vadd.bf16 v60, v19;
	v49 =	vmul.bf16 v45, v40;
	v53 =	vmul.bf16 v47, v23  }
0x96: {  	v37 =	vld [tilespmem:s12+$0xFFFFFF50];
	v20 =	vadd.bf16 v61, v20;
	v59 =	vmul.bf16 v25, v23;
	v38 =	vmul.bf16 v58, v23  }
0x97: {  	v39 =	vpack.i.f32.bf16 v62, v62;
	v21 =	vadd.bf16 v36, v21;
	v24 =	vmul.bf16 v45, v42  }
0x98: {  	v50 =	vpack.i.f32.bf16 v48, v48;
	v36 =	vbroadcast v5, $0x6;
	v15 =	vadd.bf16 v54, v15  }
0x99: {  	v17 =	vadd.bf16 v56, v17;
	v41 =	vmul.bf16 v39, v41;
	v44 =	vmul.bf16 v39, v30  }
0x9a: {  	v18 =	vadd.bf16 v57, v18;
	v26 =	vmul.bf16 v39, v26;
	v23 =	vmul.bf16 v39, v23  }
0x9b: {  	v46 =	vmul.bf16 v45, v63;
	v47 =	vmul.bf16 v45, v37;
	v7 =	vadd.bf16 v49, v7  }
0x9c: {  	v61 =	vld [tilespmem:s12+$0xFFFFFF90];
	v52 =	vmul.bf16 v50, v63;
	v54 =	vmul.bf16 v50, v40;
	v12 =	vadd.bf16 v53, v12  }
0x9d: {  	v55 =	vmul.bf16 v50, v42;
	v14 =	vadd.bf16 v59, v14;
	v16 =	vadd.bf16 v38, v16  }
0x9e: {  	v57 =	vbroadcast v2, $0x5;
	v8 =	vadd.bf16 v41, v8;
	v9 =	vadd.bf16 v44, v9  }
0x9f: {  	v53 =	vmul.bf16 v50, v37;
	v10 =	vadd.bf16 v26, v10;
	v11 =	vadd.bf16 v23, v11  }
0xa0: {  	v39 =	vpack.i.f32.bf16 v36, v36;
	v6 =	vadd.bf16 v46, v6;
	v13 =	vadd.bf16 v47, v13  }
0xa1: {  	v26 =	vpack.i.f32.bf16 v51, v51;
	v15 =	vadd.bf16 v52, v15;
	v41 =	vmul.bf16 v39, v61  }
0xa2: {  	v47 =	vbroadcast v3, $0x6;
	v12 =	vadd.bf16 v24, v12;
	v56 =	vmul.bf16 v26, v63  }
0xa3: {  	v17 =	vadd.bf16 v53, v17;
	v58 =	vmul.bf16 v26, v37;
	v60 =	vmul.bf16 v26, v40  }
0xa4: {  	v26 =	vmul.bf16 v26, v42;
	v24 =	vpack.i.f32.bf16 v57, v57;
	v53 =	vbroadcast v2, $0x6  }
0xa5: {  	v18 =	vadd.bf16 v54, v18;
	v62 =	vmul.bf16 v24, v63;
	v25 =	vmul.bf16 v24, v37  }
0xa6: {  	v59 =	vld [tilespmem:s12+$0xFFFFFF80];
	v14 =	vadd.bf16 v55, v14;
	v38 =	vmul.bf16 v24, v40;
	v24 =	vmul.bf16 v24, v42  }
0xa7: {  	v42 =	vbroadcast v4, $0x6;
	v13 =	vadd.bf16 v41, v13;
	v19 =	vadd.bf16 v56, v19  }
0xa8: {  	v50 =	vpack.i.f32.bf16 v47, v47;
	v20 =	vadd.bf16 v58, v20;
	v21 =	vadd.bf16 v60, v21  }
0xa9: {  	v63 =	vld [tilespmem:s12+$0xFFFFFFA0];
	v16 =	vadd.bf16 v26, v16;
	v52 =	vmul.bf16 v50, v61;
	v56 =	vpack.i.f32.bf16 v53, v53  }
0xaa: {  	v37 =	vld [tilespmem:s12+$0xFFFFFFB0];
	v58 =	vbroadcast v5, $0x7;
	v8 =	vadd.bf16 v62, v8;
	v9 =	vadd.bf16 v25, v9  }
0xab: {  	v40 =	vmul.bf16 v39, v59;
	v10 =	vadd.bf16 v38, v10;
	v45 =	vpack.i.f32.bf16 v42, v42  }
0xac: {  	v11 =	vadd.bf16 v24, v11;
	v51 =	vmul.bf16 v50, v59;
	v46 =	vmul.bf16 v45, v59  }
0xad: {  	v29 =	vld [tilespmem:s12+$0xFFFFFFD0];
	v48 =	vmul.bf16 v45, v61;
	v20 =	vadd.bf16 v52, v20;
	v59 =	vmul.bf16 v56, v59  }
0xae: {  	v54 =	vld [tilespmem:s12+$0xFFFFFFC0];
	v61 =	vmul.bf16 v56, v61;
	v6 =	vadd.bf16 v40, v6;
	v43 =	vmul.bf16 v39, v63  }
0xaf: {  	v57 =	vld [tilespmem:s12+$0xFFFFFFE0];
	v19 =	vadd.bf16 v51, v19;
	v44 =	vmul.bf16 v39, v37;
	v28 =	vmul.bf16 v45, v63  }
0xb0: {  	v60 =	vld [tilespmem:s12+$0xFFFFFFF0];
	v15 =	vadd.bf16 v46, v15;
	v49 =	vmul.bf16 v45, v37;
	v55 =	vmul.bf16 v50, v63  }
0xb1: {  	v17 =	vadd.bf16 v48, v17;
	v25 =	vmul.bf16 v50, v37;
	v62 =	vmul.bf16 v56, v63  }
0xb2: {  	v63 =	vpack.i.f32.bf16 v58, v58;
	v32 =	vmul.bf16 v56, v37;
	v39 =	vbroadcast v3, $0x7  }
0xb3: {  	v8 =	vadd.bf16 v59, v8;
	v46 =	vbroadcast v2, $0x7;
	v33 =	vmul.bf16 v63, v54  }
0xb4: {  	v9 =	vadd.bf16 v61, v9;
	v35 =	vmul.bf16 v63, v29;
	v36 =	vmul.bf16 v63, v57  }
0xb5: {  	v37 =	vmul.bf16 v63, v60;
	v7 =	vadd.bf16 v43, v7;
	v12 =	vadd.bf16 v44, v12  }
0xb6: {  	v63 =	vbroadcast v3, $0x8;
	v18 =	vadd.bf16 v28, v18;
	v14 =	vadd.bf16 v49, v14  }
0xb7: {  	v21 =	vadd.bf16 v55, v21;
	v16 =	vadd.bf16 v25, v16;
	v25 =	vpack.i.f32.bf16 v34, v34  }
0xb8: {  	v10 =	vadd.bf16 v62, v10;
	v55 =	vbroadcast v5, $0x8;
	v38 =	vmul.bf16 v25, v54  }
0xb9: {  	v42 =	vpack.i.f32.bf16 v39, v39;
	v40 =	vmul.bf16 v25, v29;
	v41 =	vmul.bf16 v25, v57  }
0xba: {  	v11 =	vadd.bf16 v32, v11;
	v43 =	vmul.bf16 v25, v60;
	v44 =	vmul.bf16 v42, v54  }
0xbb: {  	v51 =	vpack.i.f32.bf16 v46, v46;
	v45 =	vmul.bf16 v42, v29;
	v48 =	vmul.bf16 v42, v57  }
0xbc: {  	v47 =	vld [tilespmem:s12+$0x0];
	v6 =	vadd.bf16 v33, v6;
	v50 =	vmul.bf16 v42, v60;
	v53 =	vmul.bf16 v51, v54  }
0xbd: {  	v13 =	vadd.bf16 v35, v13;
	v56 =	vmul.bf16 v51, v29;
	v27 =	vmul.bf16 v51, v57  }
0xbe: {  	v23 =	vmul.bf16 v51, v60;
	v60 =	vbroadcast v4, $0x8;
	v7 =	vadd.bf16 v36, v7  }
0xbf: {  	v52 =	vld [tilespmem:s12+$0x20];
	v26 =	vpack.i.f32.bf16 v63, v63;
	v12 =	vadd.bf16 v37, v12;
	v15 =	vadd.bf16 v38, v15  }
0xc0: {  	v57 =	vpack.i.f32.bf16 v55, v55;
	v17 =	vadd.bf16 v40, v17;
	v18 =	vadd.bf16 v41, v18  }
0xc1: {  	v36 =	vmul.bf16 v26, v47;
	v14 =	vadd.bf16 v43, v14;
	v19 =	vadd.bf16 v44, v19  }
0xc2: {  	v49 =	vld [tilespmem:s12+$0x10];
	v37 =	vbroadcast v2, $0x8;
	v20 =	vadd.bf16 v45, v20;
	v21 =	vadd.bf16 v48, v21  }
0xc3: {  	v55 =	vbroadcast v3, $0x9;
	v16 =	vadd.bf16 v50, v16;
	v8 =	vadd.bf16 v53, v8  }
0xc4: {  	v9 =	vadd.bf16 v56, v9;
	v58 =	vmul.bf16 v57, v47;
	v61 =	vmul.bf16 v57, v52  }
0xc5: {  	v62 =	vpack.i.f32.bf16 v60, v60;
	v40 =	vmul.bf16 v26, v52;
	v44 =	vbroadcast v5, $0x9  }
0xc6: {  	v54 =	vld [tilespmem:s12+$0x30];
	v10 =	vadd.bf16 v27, v10;
	v50 =	vbroadcast v4, $0x9;
	v32 =	vmul.bf16 v62, v47  }
0xc7: {  	v11 =	vadd.bf16 v23, v11;
	v34 =	vmul.bf16 v62, v52;
	v59 =	vmul.bf16 v57, v49  }
0xc8: {  	v39 =	vld [tilespmem:s12+$0x40];
	v6 =	vadd.bf16 v58, v6;
	v7 =	vadd.bf16 v61, v7;
	v33 =	vmul.bf16 v62, v49  }
0xc9: {  	v41 =	vld [tilespmem:s12+$0x50];
	v19 =	vadd.bf16 v36, v19;
	v38 =	vmul.bf16 v26, v49;
	v21 =	vadd.bf16 v40, v21  }
0xca: {  	v43 =	vld [tilespmem:s12+$0x60];
	v53 =	vpack.i.f32.bf16 v50, v50;
	v61 =	vbroadcast v2, $0x9;
	v36 =	vbroadcast v5, $0xA  }
0xcb: {  	v45 =	vld [tilespmem:s12+$0x70];
	v58 =	vpack.i.f32.bf16 v55, v55;
	v55 =	vbroadcast v2, $0xA;
	v24 =	vmul.bf16 v57, v54  }
0xcc: {  	v15 =	vadd.bf16 v32, v15;
	v35 =	vmul.bf16 v62, v54;
	v18 =	vadd.bf16 v34, v18  }
0xcd: {  	v26 =	vmul.bf16 v26, v54;
	v13 =	vadd.bf16 v59, v13;
	v20 =	vadd.bf16 v38, v20  }
0xce: {  	v59 =	vmul.bf16 v58, v39;
	v40 =	vpack.i.f32.bf16 v36, v36;
	v36 =	vbroadcast v5, $0xB  }
0xcf: {  	v63 =	vpack.i.f32.bf16 v61, v61;
	v56 =	vmul.bf16 v53, v41;
	v28 =	vmul.bf16 v53, v43  }
0xd0: {  	v30 =	vld [tilespmem:s12+$0x90];
	v12 =	vadd.bf16 v24, v12;
	v57 =	vmul.bf16 v53, v45;
	v60 =	vmul.bf16 v58, v41  }
0xd1: {  	v24 =	vpack.i.f32.bf16 v37, v37;
	v62 =	vmul.bf16 v58, v43;
	v37 =	vmul.bf16 v63, v39  }
0xd2: {  	v14 =	vadd.bf16 v35, v14;
	v38 =	vmul.bf16 v63, v41;
	v35 =	vbroadcast v3, $0xC  }
0xd3: {  	v17 =	vadd.bf16 v33, v17;
	v42 =	vmul.bf16 v24, v47;
	v25 =	vmul.bf16 v24, v49  }
0xd4: {  	v16 =	vadd.bf16 v26, v16;
	v46 =	vmul.bf16 v24, v52;
	v24 =	vmul.bf16 v24, v54  }
0xd5: {  	v47 =	vpack.i.f32.bf16 v44, v44;
	v54 =	vmul.bf16 v53, v39;
	v44 =	vmul.bf16 v40, v30  }
0xd6: {  	v19 =	vadd.bf16 v59, v19;
	v48 =	vmul.bf16 v47, v39;
	v49 =	vmul.bf16 v47, v41  }
0xd7: {  	v51 =	vmul.bf16 v47, v43;
	v17 =	vadd.bf16 v56, v17;
	v18 =	vadd.bf16 v28, v18  }
0xd8: {  	v27 =	vld [tilespmem:s12+$0xA0];
	v52 =	vmul.bf16 v47, v45;
	v14 =	vadd.bf16 v57, v14;
	v20 =	vadd.bf16 v60, v20  }
0xd9: {  	v23 =	vld [tilespmem:s12+$0xB0];
	v21 =	vadd.bf16 v62, v21;
	v39 =	vmul.bf16 v63, v43;
	v41 =	vmul.bf16 v63, v45  }
0xda: {  	v43 =	vbroadcast v4, $0xA;
	v8 =	vadd.bf16 v42, v8;
	v9 =	vadd.bf16 v25, v9  }
0xdb: {  	v60 =	vpack.i.f32.bf16 v55, v55;
	v10 =	vadd.bf16 v46, v10;
	v11 =	vadd.bf16 v24, v11  }
0xdc: {  	v15 =	vadd.bf16 v54, v15;
	v25 =	vmul.bf16 v58, v45;
	v6 =	vadd.bf16 v48, v6  }
0xdd: {  	v45 =	vmul.bf16 v40, v27;
	v13 =	vadd.bf16 v49, v13;
	v7 =	vadd.bf16 v51, v7  }
0xde: {  	v28 =	vld [tilespmem:s12+$0x80];
	v46 =	vmul.bf16 v40, v23;
	v12 =	vadd.bf16 v52, v12;
	v16 =	vadd.bf16 v25, v16  }
0xdf: {  	v48 =	vbroadcast v3, $0xA;
	v8 =	vadd.bf16 v37, v8;
	v9 =	vadd.bf16 v38, v9  }
0xe0: {  	v10 =	vadd.bf16 v39, v10;
	v25 =	vpack.i.f32.bf16 v43, v43;
	v37 =	vmul.bf16 v60, v30  }
0xe1: {  	v11 =	vadd.bf16 v41, v11;
	v41 =	vbroadcast v4, $0xB;
	v49 =	vmul.bf16 v25, v30  }
0xe2: {  	v56 =	vld [tilespmem:s12+$0xC0];
	v13 =	vadd.bf16 v44, v13;
	v50 =	vmul.bf16 v25, v27;
	v52 =	vmul.bf16 v25, v23  }
0xe3: {  	v63 =	vld [tilespmem:s12+$0xF0];
	v51 =	vpack.i.f32.bf16 v48, v48;
	v44 =	vbroadcast v3, $0xB;
	v42 =	vmul.bf16 v40, v28  }
0xe4: {  	v38 =	vpack.i.f32.bf16 v36, v36;
	v47 =	vmul.bf16 v25, v28;
	v53 =	vmul.bf16 v51, v28  }
0xe5: {  	v58 =	vld [tilespmem:s12+$0xD0];
	v7 =	vadd.bf16 v45, v7;
	v54 =	vmul.bf16 v51, v30;
	v57 =	vmul.bf16 v51, v27  }
0xe6: {  	v12 =	vadd.bf16 v46, v12;
	v59 =	vmul.bf16 v51, v23;
	v62 =	vmul.bf16 v60, v28  }
0xe7: {  	v27 =	vmul.bf16 v60, v27;
	v23 =	vmul.bf16 v60, v23;
	v9 =	vadd.bf16 v37, v9  }
0xe8: {  	v39 =	vmul.bf16 v38, v56;
	v24 =	vmul.bf16 v38, v63;
	v43 =	vpack.i.f32.bf16 v41, v41  }
0xe9: {  	v41 =	vbroadcast v2, $0xC;
	v17 =	vadd.bf16 v49, v17;
	v18 =	vadd.bf16 v50, v18  }
0xea: {  	v61 =	vld [tilespmem:s12+$0xE0];
	v14 =	vadd.bf16 v52, v14;
	v40 =	vmul.bf16 v38, v58;
	v45 =	vmul.bf16 v43, v56  }
0xeb: {  	v46 =	vmul.bf16 v43, v58;
	v6 =	vadd.bf16 v42, v6;
	v15 =	vadd.bf16 v47, v15  }
0xec: {  	v26 =	vpack.i.f32.bf16 v44, v44;
	v19 =	vadd.bf16 v53, v19;
	v20 =	vadd.bf16 v54, v20  }
0xed: {  	v48 =	vmul.bf16 v43, v63;
	v21 =	vadd.bf16 v57, v21;
	v16 =	vadd.bf16 v59, v16  }
0xee: {  	v50 =	vbroadcast v2, $0xB;
	v8 =	vadd.bf16 v62, v8;
	v10 =	vadd.bf16 v27, v10  }
0xef: {  	v11 =	vadd.bf16 v23, v11;
	v42 =	vmul.bf16 v38, v61;
	v47 =	vmul.bf16 v43, v61  }
0xf0: {  	v12 =	vadd.bf16 v24, v12;
	v49 =	vmul.bf16 v26, v56;
	v51 =	vmul.bf16 v26, v58  }
0xf1: {  	v53 =	vmul.bf16 v26, v61;
	v26 =	vmul.bf16 v26, v63;
	v13 =	vadd.bf16 v40, v13  }
0xf2: {  	v57 =	vbroadcast v5, $0xC;
	v17 =	vadd.bf16 v46, v17;
	v14 =	vadd.bf16 v48, v14  }
0xf3: {  	v38 =	vpack.i.f32.bf16 v35, v35;
	v6 =	vadd.bf16 v39, v6;
	v7 =	vadd.bf16 v42, v7  }
0xf4: {  	v24 =	vpack.i.f32.bf16 v50, v50;
	v15 =	vadd.bf16 v45, v15;
	v18 =	vadd.bf16 v47, v18  }
0xf5: {  	v52 =	vld [tilespmem:s12+$0x100];
	v19 =	vadd.bf16 v49, v19;
	v20 =	vadd.bf16 v51, v20;
	v55 =	vmul.bf16 v24, v56  }
0xf6: {  	v21 =	vadd.bf16 v53, v21;
	v16 =	vadd.bf16 v26, v16;
	v25 =	vmul.bf16 v24, v58  }
0xf7: {  	v54 =	vld [tilespmem:s12+$0x110];
	v59 =	vmul.bf16 v24, v61;
	v60 =	vpack.i.f32.bf16 v57, v57;
	v24 =	vmul.bf16 v24, v63  }
0xf8: {  	v63 =	vbroadcast v4, $0xC;
	v45 =	vpack.i.f32.bf16 v41, v41;
	v47 =	vbroadcast v5, $0xD  }
0xf9: {  	v46 =	vld [tilespmem:s12+$0x160];
	v41 =	vbroadcast v5, $0xE;
	v5 =	vbroadcast v5, $0xF;
	v8 =	vadd.bf16 v55, v8  }
0xfa: {  	v56 =	vld [tilespmem:s12+$0x120];
	v9 =	vadd.bf16 v25, v9;
	v61 =	vmul.bf16 v60, v52;
	v10 =	vadd.bf16 v59, v10  }
0xfb: {  	v58 =	vld [tilespmem:s12+$0x130];
	v11 =	vadd.bf16 v24, v11;
	v39 =	vmul.bf16 v38, v52;
	v48 =	vmul.bf16 v45, v52  }
0xfc: {  	v33 =	vpack.i.f32.bf16 v63, v63;
	v55 =	vbroadcast v4, $0xD;
	v62 =	vmul.bf16 v60, v54  }
0xfd: {  	v5 =	vpack.i.f32.bf16 v5, v5;
	v34 =	vmul.bf16 v33, v52;
	v36 =	vmul.bf16 v33, v54  }
0xfe: {  	v44 =	vld [tilespmem:s12+$0x150];
	v40 =	vmul.bf16 v38, v54;
	v50 =	vmul.bf16 v45, v54;
	v52 =	vpack.i.f32.bf16 v47, v47  }
0xff: {  	v42 =	vld [tilespmem:s12+$0x140];
	v6 =	vadd.bf16 v61, v6;
	v19 =	vadd.bf16 v39, v19;
	v57 =	vmul.bf16 v52, v46  }
0x100: {  	v49 =	vld [tilespmem:s12+$0x170];
	v8 =	vadd.bf16 v48, v8;
	v29 =	vmul.bf16 v60, v56;
	v32 =	vmul.bf16 v60, v58  }
0x101: {  	v13 =	vadd.bf16 v62, v13;
	v28 =	vmul.bf16 v33, v56;
	v37 =	vmul.bf16 v33, v58  }
0x102: {  	v26 =	vld [tilespmem:s12+$0x1C0];
	v15 =	vadd.bf16 v34, v15;
	v43 =	vmul.bf16 v38, v56;
	v25 =	vmul.bf16 v38, v58  }
0x103: {  	v17 =	vadd.bf16 v36, v17;
	v51 =	vmul.bf16 v45, v56;
	v53 =	vmul.bf16 v45, v58  }
0x104: {  	v31 =	vld [tilespmem:s12+$0x1D0];
	v20 =	vadd.bf16 v40, v20;
	v54 =	vmul.bf16 v52, v42;
	v56 =	vmul.bf16 v52, v44  }
0x105: {  	v9 =	vadd.bf16 v50, v9;
	v58 =	vmul.bf16 v52, v49;
	v60 =	vbroadcast v3, $0xD  }
0x106: {  	v36 =	vbroadcast v2, $0xD;
	v7 =	vadd.bf16 v29, v7;
	v12 =	vadd.bf16 v32, v12  }
0x107: {  	v52 =	vmul.bf16 v5, v26;
	v18 =	vadd.bf16 v28, v18;
	v14 =	vadd.bf16 v37, v14  }
0x108: {  	v16 =	vadd.bf16 v25, v16;
	v6 =	vadd.bf16 v54, v6;
	v25 =	vpack.i.f32.bf16 v55, v55  }
0x109: {  	v13 =	vadd.bf16 v56, v13;
	v54 =	vmul.bf16 v5, v31;
	v56 =	vbroadcast v3, $0xE  }
0x10a: {  	v21 =	vadd.bf16 v43, v21;
	v3 =	vbroadcast v3, $0xF;
	v59 =	vmul.bf16 v25, v42  }
0x10b: {  	v63 =	vpack.i.f32.bf16 v60, v60;
	v61 =	vmul.bf16 v25, v44;
	v62 =	vmul.bf16 v25, v46  }
0x10c: {  	v30 =	vld [tilespmem:s12+$0x190];
	v10 =	vadd.bf16 v51, v10;
	v33 =	vmul.bf16 v25, v49;
	v34 =	vmul.bf16 v63, v42  }
0x10d: {  	v39 =	vpack.i.f32.bf16 v36, v36;
	v35 =	vmul.bf16 v63, v44;
	v37 =	vmul.bf16 v63, v46  }
0x10e: {  	v11 =	vadd.bf16 v53, v11;
	v38 =	vmul.bf16 v63, v49;
	v40 =	vmul.bf16 v39, v42  }
0x10f: {  	v43 =	vpack.i.f32.bf16 v41, v41;
	v42 =	vmul.bf16 v39, v44;
	v27 =	vmul.bf16 v39, v46  }
0x110: {  	v23 =	vmul.bf16 v39, v49;
	v7 =	vadd.bf16 v57, v7;
	v12 =	vadd.bf16 v58, v12  }
0x111: {  	v45 =	vmul.bf16 v43, v30;
	v15 =	vadd.bf16 v59, v15;
	v17 =	vadd.bf16 v61, v17  }
0x112: {  	v25 =	vld [tilespmem:s12+$0x180];
	v46 =	vbroadcast v4, $0xE;
	v18 =	vadd.bf16 v62, v18;
	v14 =	vadd.bf16 v33, v14  }
0x113: {  	v28 =	vld [tilespmem:s12+$0x1A0];
	v4 =	vbroadcast v4, $0xF;
	v19 =	vadd.bf16 v34, v19;
	v20 =	vadd.bf16 v35, v20  }
0x114: {  	v58 =	vpack.i.f32.bf16 v56, v56;
	v21 =	vadd.bf16 v37, v21;
	v16 =	vadd.bf16 v38, v16  }
0x115: {  	v29 =	vld [tilespmem:s12+$0x1B0];
	v3 =	vpack.i.f32.bf16 v3, v3;
	v8 =	vadd.bf16 v40, v8;
	v10 =	vadd.bf16 v27, v10  }
0x116: {  	v11 =	vadd.bf16 v23, v11;
	v13 =	vadd.bf16 v45, v13;
	v27 =	vld [tilespmem:s12+$0x1E0];
	v63 =	vmul.bf16 v58, v30  }
0x117: {  	v49 =	vpack.i.f32.bf16 v46, v46;
	v37 =	vbroadcast v2, $0xE;
	v44 =	vmul.bf16 v43, v25  }
0x118: {  	v33 =	vld [tilespmem:s12+$0x1F0];
	v4 =	vpack.i.f32.bf16 v4, v4;
	v38 =	vmul.bf16 v3, v26;
	v47 =	vmul.bf16 v43, v28  }
0x119: {  	v41 =	vmul.bf16 v3, v31;
	v13 =	vadd.bf16 v54, v13;
	v6 =	vadd.bf16 v44, v6  }
0x11a: {  	v61 =	vmul.bf16 v4, v26;
	v48 =	vmul.bf16 v43, v29;
	v7 =	vadd.bf16 v47, v7  }
0x11b: {  	v59 =	vunpack.i.l.bf16.f32 v13;
	v55 =	vmul.bf16 v5, v27;
	v6 =	vadd.bf16 v52, v6  }
0x11c: {  	v50 =	vmul.bf16 v49, v25;
	v12 =	vadd.bf16 v48, v12;
	v13 =	vunpack.i.u.bf16.f32 v13;
	[tilespmem:s0+$0xFFFFF820] =	vst v59  }
0x11d: {  	v5 =	vmul.bf16 v5, v33;
	[tilespmem:s0+$0xFFFFF830] =	vst v13;
	v7 =	vadd.bf16 v55, v7;
	v57 =	vunpack.i.l.bf16.f32 v6  }
0x11e: {  	v53 =	vmul.bf16 v49, v28;
	v40 =	vmul.bf16 v58, v29;
	v6 =	vunpack.i.u.bf16.f32 v6;
	[tilespmem:s0+$0xFFFFF800] =	vst v57  }
0x11f: {  	v15 =	vadd.bf16 v50, v15;
	v5 =	vadd.bf16 v5, v12;
	v62 =	vunpack.i.l.bf16.f32 v7;
	[tilespmem:s0+$0xFFFFF810] =	vst v6  }
0x120: {  	v18 =	vadd.bf16 v53, v18;
	v43 =	vadd.bf16 v40, v16;
	v7 =	vunpack.i.u.bf16.f32 v7;
	[tilespmem:s0+$0xFFFFF840] =	vst v62  }
0x121: {  	v32 =	vmul.bf16 v4, v27;
	v12 =	vadd.bf16 v61, v15;
	v23 =	vunpack.i.l.bf16.f32 v5;
	[tilespmem:s0+$0xFFFFF850] =	vst v7  }
0x122: {  	v13 =	vadd.bf16 v63, v20;
	v46 =	vmul.bf16 v3, v27;
	v5 =	vunpack.i.u.bf16.f32 v5;
	[tilespmem:s0+$0xFFFFF860] =	vst v23  }
0x123: {  	v3 =	vmul.bf16 v3, v33;
	v35 =	vadd.bf16 v32, v18;
	v34 =	vunpack.i.l.bf16.f32 v12;
	[tilespmem:s0+$0xFFFFF870] =	vst v5  }
0x124: {  	v51 =	vmul.bf16 v49, v30;
	v45 =	vadd.bf16 v41, v13;
	v12 =	vunpack.i.u.bf16.f32 v12;
	[tilespmem:s0+$0xFFFFFC00] =	vst v34  }
0x125: {  	v60 =	vmul.bf16 v58, v25;
	v3 =	vadd.bf16 v3, v43;
	v39 =	vunpack.i.l.bf16.f32 v35;
	[tilespmem:s0+$0xFFFFFC10] =	vst v12  }
0x126: {  	v24 =	vmul.bf16 v49, v29;
	v17 =	vadd.bf16 v51, v17;
	v49 =	vunpack.i.l.bf16.f32 v45;
	[tilespmem:s0+$0xFFFFFC40] =	vst v39  }
0x127: {  	v56 =	vunpack.i.l.bf16.f32 v3;
	v6 =	vadd.bf16 v60, v19;
	v19 =	vmul.bf16 v4, v31;
	[tilespmem:s0+$0x20] =	vst v49  }
0x128: {  	v2 =	vbroadcast v2, $0xF;
	v14 =	vadd.bf16 v24, v14;
	v3 =	vunpack.i.u.bf16.f32 v3;
	[tilespmem:s0+$0x60] =	vst v56  }
0x129: {  	v4 =	vmul.bf16 v4, v33;
	v5 =	vunpack.i.u.bf16.f32 v35;
	[tilespmem:s0+$0x70] =	vst v3;
	v15 =	vadd.bf16 v19, v17  }
0x12a: {  	v9 =	vadd.bf16 v42, v9;
	v24 =	vmul.bf16 v58, v28;
	[tilespmem:s0+$0xFFFFFC50] =	vst v5;
	v5 =	vunpack.i.u.bf16.f32 v45  }
0x12b: {  	v2 =	vpack.i.f32.bf16 v2, v2;
	v4 =	vadd.bf16 v4, v14;
	[tilespmem:s0+$0x30] =	vst v5;
	v36 =	vunpack.i.l.bf16.f32 v15  }
0x12c: {  	v7 =	vadd.bf16 v24, v21;
	v17 =	vpack.i.f32.bf16 v37, v37;
	v15 =	vunpack.i.u.bf16.f32 v15;
	[tilespmem:s0+$0xFFFFFC20] =	vst v36  }
0x12d: {  	v6 =	vadd.bf16 v38, v6;
	v44 =	vmul.bf16 v17, v25;
	v42 =	vunpack.i.l.bf16.f32 v4;
	[tilespmem:s0+$0xFFFFFC30] =	vst v15  }
0x12e: {  	v51 =	vmul.bf16 v2, v26;
	v48 =	vadd.bf16 v46, v7;
	v4 =	vunpack.i.u.bf16.f32 v4;
	[tilespmem:s0+$0xFFFFFC60] =	vst v42  }
0x12f: {  	v50 =	vmul.bf16 v17, v30;
	v47 =	vunpack.i.l.bf16.f32 v6;
	[tilespmem:s0+$0xFFFFFC70] =	vst v4;
	v8 =	vadd.bf16 v44, v8  }
0x130: {  	v55 =	vmul.bf16 v2, v31;
	v53 =	vmul.bf16 v17, v28;
	v6 =	vunpack.i.u.bf16.f32 v6;
	[tilespmem:s0+$0x0] =	vst v47  }
0x131: {  	v52 =	vunpack.i.l.bf16.f32 v48;
	[tilespmem:s0+$0x10] =	vst v6;
	v7 =	vadd.bf16 v50, v9;
	v54 =	vadd.bf16 v51, v8  }
0x132: {  	v60 =	vmul.bf16 v2, v27;
	v58 =	vmul.bf16 v17, v29;
	v4 =	vunpack.i.u.bf16.f32 v48;
	[tilespmem:s0+$0x40] =	vst v52  }
0x133: {  	v57 =	vadd.bf16 v53, v10;
	[tilespmem:s0+$0x50] =	vst v4;
	v59 =	vadd.bf16 v55, v7;
	v3 =	vunpack.i.l.bf16.f32 v54  }
0x134: {  	v2 =	vmul.bf16 v2, v33;
	v5 =	vunpack.i.u.bf16.f32 v54;
	[tilespmem:s0+$0x400] =	vst v3  }
0x135: {  	v61 =	vadd.bf16 v58, v11;
	v62 =	vunpack.i.l.bf16.f32 v59;
	v3 =	vadd.bf16 v60, v57;
	[tilespmem:s0+$0x410] =	vst v5  }
0x136: {  	p1 =	sne.s32 s1, $0x1C0;
	v4 =	vunpack.i.u.bf16.f32 v59;
	[tilespmem:s0+$0x420] =	vst v62  }
.Ltmp0:
0x137: {  	v2 =	vadd.bf16 v2, v61;
	[tilespmem:s0+$0x430] =	vst v4;
	v63 =	vunpack.i.l.bf16.f32 v3;
	(pc) =	sbr.rel @p1 .LBB2_3-.Ltmp0, $4  }
0x138: {  	v3 =	vunpack.i.u.bf16.f32 v3;
	[tilespmem:s0+$0x440] =	vst v63  }
0x139: {  	[tilespmem:s0+$0x450] =	vst v3;
	v3 =	vunpack.i.l.bf16.f32 v2  }
0x13a: {  	s1 =	sadd.s32 $0x40, s1;
	v2 =	vunpack.i.u.bf16.f32 v2;
	[tilespmem:s0+$0x460] =	vst v3  }
0x13b: {  	s28 =	sadd.s32 $0x1, s28;
	s12 =	sadd.s32 $0x400, s12;
	[tilespmem:s0+$0x470] =	vst v2;
	s0 =	sadd.s32 $0x80, s0  }
0x13c: {  	s0 =	sadd.s32 s6, s31  }
0x13d: {  	s0 =	sshll.u32 s0, $0x9  }
0x13e: {  	s31 =	smin.u32 s31, $0x25;
	s0 =	sadd.s32 s5, s0  }
0x13f: {  	[hbm4b:s0+s3] =	stream.linear.scatter [tilespmem:s18], [sflag:$0x3], $0x1000, $0x38;
	[tilespmem:$0x1CB00] =	vst v63  }
0x140: {  	s0 =	sshll.u32 s31, $0x7  }
0x141: {  	s0 =	sadd.s32 $0x15800, s0  }
0x142: {  	[tilespmem:s15], [sflag:$0x1] =	stream.indirect.gather [hbm4b:s2+s14], $0x40, s0, s14, $0xb8;
	[tilespmem:$0x1CB00] =	vst v63  }
0x143: {  	_ =	swait.ge [sflag:s19], $0x2000  }
0x144: {  	[sflag:s19] =	ssyncset.done $0x0  }
0x145: {  	v1 =	vmov s25;
	s0 =	simm.s32 @!p0 $0x4;
	[sflag:s19] =	ssyncadd.s32 $0xFFFFE000  }
0x146: {  	_ =	swait.ge @!p0 [sflag:s0], $0x1000  }
0x147: {  	s1 =	simm.s32 $0x0;
	s12 =	simm.s32 $0x18D00;
	[sflag:s0] =	ssyncset.done @!p0 $0x0  }
0x148: {  	s28 =	smov.u32 s26;
	[sflag:s0] =	ssyncadd.s32 @!p0 $0xFFFFF000;
	s0 =	simm.s32 $0x1C300  }
.LBB2_5:
0x149: {  	s7 =	sshra.s32 s1, $0x2  }
0x14a: {  	s31 =	sshll.u32 s28, $0x3;
	v2 =	vld.idx.msk [tilespmem:v1+s7+$0x0 ss:$0x1], $0xffff  }
0x14b: {  	v7 =	vmov s31  }
0x14c: {  	v8 =	vor.u32 $0x1, v7  }
0x14d: {  	v9 =	vor.u32 $0x2, v7  }
0x14e: {  	v10 =	vor.u32 $0x3, v7  }
0x14f: {  	v3 =	vshll.u32 v2, $0x3  }
0x150: {  	v7 =	vld.idx.msk [tilespmem:v7+s13+$0x0], $0xffff;
	v4 =	vor.u32 $0x1, v3  }
0x151: {  	v5 =	vor.u32 $0x2, v3;
	v8 =	vld.idx.msk [tilespmem:v8+s13+$0x0], $0xffff  }
0x152: {  	v6 =	vor.u32 $0x3, v3;
	v9 =	vld.idx.msk [tilespmem:v9+s13+$0x0], $0xffff  }
0x153: {  	v10 =	vld.idx.msk [tilespmem:v10+s13+$0x0], $0xffff  }
0x154: {  	v3 =	vld.idx.msk [tilespmem:v3+s3+$0x0], $0xffff  }
0x155: {  	v4 =	vld.idx.msk [tilespmem:v4+s3+$0x0], $0xffff  }
0x156: {  	v5 =	vld.idx.msk [tilespmem:v5+s3+$0x0], $0xffff  }
0x157: {  	v6 =	vld.idx.msk [tilespmem:v6+s3+$0x0], $0xffff;
	_ =	sdelay $0x3  }
0x158: {  	v3 =	vsub.f32 v7, v3;
	v4 =	vsub.f32 v8, v4  }
0x159: {  	v5 =	vsub.f32 v9, v5;
	v6 =	vsub.f32 v10, v6;
	_ =	sdelay $0x1  }
0x15a: {  	v7 =	vmax.f32 v3, v4;
	v31 =	vmax.f32 v5, v6  }
0x15b: {  	v7 =	vmax.f32 v7, v31  }
0x15c: {  	v3 =	vsub.f32 v3, v7  }
0x15d: {  	v4 =	vsub.f32 v4, v7  }
0x15e: {  	v3 =	vmul.f32 $1.442695020e+00, v3  }
0x15f: {  	v5 =	vsub.f32 v5, v7;
	v4 =	vmul.f32 $1.442695020e+00, v4  }
0x160: {  	(erf) = vpow2.f32 v3  }
0x161: {  	v32 =	vsub.f32 v6, v7;
	v3 =	vmul.f32 $1.442695020e+00, v5;
	(erf) = vpow2.f32 v4;
	_ =	sdelay $0x1  }
0x162: {  	(erf) = vpow2.f32 v3;
	v3 =	vmul.f32 $1.442695020e+00, v32;
	_ =	sdelay $0x1  }
0x163: {  	(erf) = vpow2.f32 v3;
	_ =	sdelay $0x3  }
0x164: {  	v3 =	vpop (erf)  }
0x165: {  	v33 =	vpop (erf)  }
0x166: {  	vm0 =	vne.s32 v2, $0x0;
	v34 =	vadd.f32 v33, v3  }
0x167: {  	v35 =	vmpcnt.ones.xlane vm0;
	v2 =	vpop (erf)  }
0x168: {  	v5 =	vadd.f32 v34, v2  }
0x169: {  	v37 =	vcvt.s32.f32 v35;
	v36 =	vpop (erf)  }
0x16a: {  	v5 =	vadd.f32 v5, v36  }
0x16b: {  	(erf) = vrcp.f32 v37  }
0x16c: {  	(erf) = vrcp.f32 v5;
	_ =	sdelay $0x7  }
0x16d: {  	vm1 =	vgt.s32 v35, $0x0;
	v38 =	vpop (erf)  }
0x16e: {  	v5 =	vnsel vm1, $0x0, v38;
	v39 =	vpop (erf)  }
0x16f: {  	v6 =	vmul.f32 v39, v5  }
0x170: {  	v40 =	vld [tilespmem:s12+$0xFFFFFE00]  }
0x171: {  	v41 =	vld [tilespmem:s12+$0xFFFFFE10];
	v3 =	vmul.f32 v6, v3;
	v4 =	vmul.f32 v6, v33  }
0x172: {  	v42 =	vld [tilespmem:s12+$0xFFFFFE20];
	v2 =	vmul.f32 v6, v2  }
0x173: {  	v11 =	vld [tilespmem:s12+$0xFFFFFE30];
	v6 =	vmul.f32 v6, v36;
	v5 =	vnsel vm0, $0x0, v3;
	v4 =	vnsel vm0, $0x0, v4  }
0x174: {  	v3 =	vbroadcast v5, $0x0;
	v14 =	vbroadcast v4, $0x0  }
0x175: {  	v22 =	vld [tilespmem:s12+$0xFFFFFE40];
	v26 =	vbroadcast v5, $0x1;
	v28 =	vbroadcast v4, $0x1  }
0x176: {  	v24 =	vld [tilespmem:s12+$0xFFFFFE50];
	v32 =	vbroadcast v5, $0x2;
	v36 =	vbroadcast v4, $0x2;
	v12 =	vpack.i.f32.bf16 v3, v3  }
0x177: {  	v25 =	vld [tilespmem:s12+$0xFFFFFE60];
	v3 =	vnsel vm0, $0x0, v2;
	v43 =	vmul.bf16 v12, v40;
	v13 =	vmul.bf16 v12, v41  }
0x178: {  	v27 =	vld [tilespmem:s12+$0xFFFFFE70];
	v14 =	vpack.i.f32.bf16 v14, v14;
	v45 =	vmul.bf16 v12, v42;
	v12 =	vmul.bf16 v12, v11  }
0x179: {  	v15 =	vmul.bf16 v14, v40;
	v16 =	vbroadcast v3, $0x0  }
0x17a: {  	v2 =	vnsel vm0, $0x0, v6;
	v17 =	vmul.bf16 v14, v41;
	v18 =	vmul.bf16 v14, v42  }
0x17b: {  	v57 =	vld [tilespmem:s12+$0xFFFFFE90];
	v26 =	vpack.i.f32.bf16 v26, v26;
	v14 =	vmul.bf16 v14, v11;
	v21 =	vbroadcast v2, $0x0  }
0x17c: {  	v31 =	vld [tilespmem:s12+$0xFFFFFE80];
	v46 =	vmul.bf16 v26, v22;
	v47 =	vmul.bf16 v26, v24  }
0x17d: {  	v60 =	vld [tilespmem:s12+$0xFFFFFEA0];
	v28 =	vpack.i.f32.bf16 v28, v28;
	v29 =	vmul.bf16 v26, v25;
	v26 =	vmul.bf16 v26, v27  }
0x17e: {  	v48 =	vmul.bf16 v28, v22;
	v30 =	vbroadcast v3, $0x1  }
0x17f: {  	v61 =	vld [tilespmem:s12+$0xFFFFFEB0];
	v49 =	vmul.bf16 v28, v24;
	v50 =	vmul.bf16 v28, v25  }
0x180: {  	v33 =	vpack.i.f32.bf16 v32, v32;
	v52 =	vmul.bf16 v28, v27;
	v55 =	vbroadcast v2, $0x1  }
0x181: {  	v38 =	vpack.i.f32.bf16 v36, v36;
	v34 =	vmul.bf16 v33, v31;
	v35 =	vmul.bf16 v33, v57  }
0x182: {  	v37 =	vmul.bf16 v33, v60;
	v44 =	vadd.bf16 v0, v43;
	v13 =	vadd.bf16 v0, v13  }
0x183: {  	v39 =	vbroadcast v3, $0x2;
	v7 =	vadd.bf16 v0, v45;
	v12 =	vadd.bf16 v0, v12  }
0x184: {  	v16 =	vpack.i.f32.bf16 v16, v16;
	v43 =	vmul.bf16 v38, v61;
	v45 =	vbroadcast v2, $0x2  }
0x185: {  	v15 =	vadd.bf16 v0, v15;
	v19 =	vmul.bf16 v16, v40;
	v20 =	vmul.bf16 v16, v41  }
0x186: {  	v21 =	vpack.i.f32.bf16 v21, v21;
	v23 =	vmul.bf16 v16, v42;
	v16 =	vmul.bf16 v16, v11  }
0x187: {  	v17 =	vadd.bf16 v0, v17;
	v8 =	vmul.bf16 v21, v40;
	v9 =	vmul.bf16 v21, v41  }
0x188: {  	v51 =	vpack.i.f32.bf16 v30, v30;
	v10 =	vmul.bf16 v21, v42;
	v11 =	vmul.bf16 v21, v11  }
0x189: {  	v18 =	vadd.bf16 v0, v18;
	v53 =	vmul.bf16 v51, v22;
	v54 =	vmul.bf16 v51, v24  }
0x18a: {  	v59 =	vpack.i.f32.bf16 v55, v55;
	v56 =	vmul.bf16 v51, v25;
	v58 =	vmul.bf16 v51, v27  }
0x18b: {  	v14 =	vadd.bf16 v0, v14;
	v22 =	vmul.bf16 v59, v22;
	v62 =	vmul.bf16 v59, v24  }
0x18c: {  	v63 =	vmul.bf16 v59, v25;
	v25 =	vmul.bf16 v33, v61;
	v6 =	vadd.bf16 v46, v44  }
0x18d: {  	v40 =	vmul.bf16 v38, v31;
	v13 =	vadd.bf16 v47, v13;
	v7 =	vadd.bf16 v29, v7  }
0x18e: {  	v41 =	vmul.bf16 v38, v57;
	v12 =	vadd.bf16 v26, v12;
	v15 =	vadd.bf16 v48, v15  }
0x18f: {  	v42 =	vmul.bf16 v38, v60;
	v17 =	vadd.bf16 v49, v17;
	v18 =	vadd.bf16 v50, v18  }
0x190: {  	v24 =	vpack.i.f32.bf16 v39, v39;
	v14 =	vadd.bf16 v52, v14;
	v19 =	vadd.bf16 v0, v19  }
0x191: {  	v33 =	vbroadcast v3, $0x3;
	v20 =	vadd.bf16 v0, v20;
	v23 =	vadd.bf16 v0, v23  }
0x192: {  	v29 =	vmul.bf16 v59, v27;
	v16 =	vadd.bf16 v0, v16;
	v8 =	vadd.bf16 v0, v8  }
0x193: {  	v44 =	vmul.bf16 v24, v31;
	v9 =	vadd.bf16 v0, v9;
	v10 =	vadd.bf16 v0, v10  }
0x194: {  	v46 =	vmul.bf16 v24, v57;
	v11 =	vadd.bf16 v0, v11;
	v6 =	vadd.bf16 v34, v6  }
0x195: {  	v48 =	vmul.bf16 v24, v60;
	v13 =	vadd.bf16 v35, v13;
	v7 =	vadd.bf16 v37, v7  }
0x196: {  	v24 =	vmul.bf16 v24, v61;
	v12 =	vadd.bf16 v25, v12;
	v15 =	vadd.bf16 v40, v15  }
0x197: {  	v52 =	vbroadcast v5, $0x3;
	v17 =	vadd.bf16 v41, v17;
	v18 =	vadd.bf16 v42, v18  }
0x198: {  	v14 =	vadd.bf16 v43, v14;
	v25 =	vpack.i.f32.bf16 v45, v45;
	v19 =	vadd.bf16 v53, v19  }
0x199: {  	v51 =	vld [tilespmem:s12+$0xFFFFFEE0];
	v37 =	vpack.i.f32.bf16 v33, v33;
	v20 =	vadd.bf16 v54, v20;
	v23 =	vadd.bf16 v56, v23  }
0x19a: {  	v40 =	vbroadcast v2, $0x3;
	v16 =	vadd.bf16 v58, v16;
	v8 =	vadd.bf16 v22, v8  }
0x19b: {  	v47 =	vld [tilespmem:s12+$0xFFFFFEC0];
	v9 =	vadd.bf16 v62, v9;
	v10 =	vadd.bf16 v63, v10;
	v50 =	vmul.bf16 v25, v31  }
0x19c: {  	v49 =	vld [tilespmem:s12+$0xFFFFFED0];
	v11 =	vadd.bf16 v29, v11;
	v53 =	vmul.bf16 v25, v57;
	v55 =	vmul.bf16 v25, v60  }
0x19d: {  	v56 =	vpack.i.f32.bf16 v52, v52;
	v57 =	vmul.bf16 v25, v61;
	v60 =	vbroadcast v4, $0x3  }
0x19e: {  	v61 =	vmul.bf16 v56, v51;
	v42 =	vmul.bf16 v37, v51;
	v19 =	vadd.bf16 v44, v19  }
0x19f: {  	v43 =	vpack.i.f32.bf16 v40, v40;
	v20 =	vadd.bf16 v46, v20;
	v23 =	vadd.bf16 v48, v23  }
0x1a0: {  	v16 =	vadd.bf16 v24, v16;
	v8 =	vadd.bf16 v50, v8;
	v58 =	vmul.bf16 v56, v47  }
0x1a1: {  	v9 =	vadd.bf16 v53, v9;
	v59 =	vmul.bf16 v56, v49;
	v38 =	vmul.bf16 v37, v47  }
0x1a2: {  	v10 =	vadd.bf16 v55, v10;
	v39 =	vmul.bf16 v37, v49;
	v44 =	vbroadcast v5, $0x4  }
0x1a3: {  	v11 =	vadd.bf16 v57, v11;
	v22 =	vmul.bf16 v43, v47;
	v45 =	vmul.bf16 v43, v49  }
0x1a4: {  	v54 =	vld [tilespmem:s12+$0xFFFFFEF0];
	v63 =	vpack.i.f32.bf16 v60, v60;
	v46 =	vmul.bf16 v43, v51;
	v50 =	vbroadcast v4, $0x4  }
0x1a5: {  	v30 =	vld [tilespmem:s12+$0xFFFFFF10];
	v55 =	vbroadcast v3, $0x4;
	v7 =	vadd.bf16 v61, v7;
	v32 =	vmul.bf16 v63, v47  }
0x1a6: {  	v41 =	vld [tilespmem:s12+$0xFFFFFF00];
	v34 =	vmul.bf16 v63, v49;
	v6 =	vadd.bf16 v58, v6;
	v13 =	vadd.bf16 v59, v13  }
0x1a7: {  	v26 =	vld [tilespmem:s12+$0xFFFFFF20];
	v35 =	vmul.bf16 v63, v51;
	v19 =	vadd.bf16 v38, v19;
	v20 =	vadd.bf16 v39, v20  }
0x1a8: {  	v21 =	vadd.bf16 v42, v23;
	v47 =	vpack.i.f32.bf16 v44, v44;
	v8 =	vadd.bf16 v22, v8  }
0x1a9: {  	v9 =	vadd.bf16 v45, v9;
	v10 =	vadd.bf16 v46, v10;
	v62 =	vmul.bf16 v56, v54  }
0x1aa: {  	v58 =	vpack.i.f32.bf16 v55, v55;
	v36 =	vmul.bf16 v63, v54;
	v25 =	vmul.bf16 v37, v54  }
0x1ab: {  	v15 =	vadd.bf16 v32, v15;
	v48 =	vmul.bf16 v43, v54;
	v49 =	vmul.bf16 v47, v41  }
0x1ac: {  	v17 =	vadd.bf16 v34, v17;
	v51 =	vmul.bf16 v47, v30;
	v52 =	vmul.bf16 v47, v26  }
0x1ad: {  	v18 =	vadd.bf16 v35, v18;
	v60 =	vmul.bf16 v58, v41;
	v61 =	vmul.bf16 v58, v30  }
0x1ae: {  	v40 =	vld [tilespmem:s12+$0xFFFFFF60];
	v43 =	vbroadcast v5, $0x5;
	v12 =	vadd.bf16 v62, v12;
	v14 =	vadd.bf16 v36, v14  }
0x1af: {  	v23 =	vld [tilespmem:s12+$0xFFFFFF30];
	v34 =	vbroadcast v4, $0x7;
	v16 =	vadd.bf16 v25, v16;
	v11 =	vadd.bf16 v48, v11  }
0x1b0: {  	v6 =	vadd.bf16 v49, v6;
	v25 =	vpack.i.f32.bf16 v50, v50;
	v62 =	vbroadcast v2, $0x4  }
0x1b1: {  	v42 =	vld [tilespmem:s12+$0xFFFFFF70];
	v13 =	vadd.bf16 v51, v13;
	v36 =	vmul.bf16 v58, v26;
	v48 =	vbroadcast v4, $0x5  }
0x1b2: {  	v7 =	vadd.bf16 v52, v7;
	v51 =	vbroadcast v3, $0x5;
	v54 =	vmul.bf16 v25, v41  }
0x1b3: {  	v45 =	vpack.i.f32.bf16 v43, v43;
	v56 =	vmul.bf16 v25, v30;
	v57 =	vmul.bf16 v25, v26  }
0x1b4: {  	v63 =	vld [tilespmem:s12+$0xFFFFFF40];
	v19 =	vadd.bf16 v60, v19;
	v49 =	vmul.bf16 v45, v40;
	v53 =	vmul.bf16 v47, v23  }
0x1b5: {  	v37 =	vld [tilespmem:s12+$0xFFFFFF50];
	v20 =	vadd.bf16 v61, v20;
	v59 =	vmul.bf16 v25, v23;
	v38 =	vmul.bf16 v58, v23  }
0x1b6: {  	v39 =	vpack.i.f32.bf16 v62, v62;
	v21 =	vadd.bf16 v36, v21;
	v24 =	vmul.bf16 v45, v42  }
0x1b7: {  	v50 =	vpack.i.f32.bf16 v48, v48;
	v36 =	vbroadcast v5, $0x6;
	v15 =	vadd.bf16 v54, v15  }
0x1b8: {  	v17 =	vadd.bf16 v56, v17;
	v41 =	vmul.bf16 v39, v41;
	v44 =	vmul.bf16 v39, v30  }
0x1b9: {  	v18 =	vadd.bf16 v57, v18;
	v26 =	vmul.bf16 v39, v26;
	v23 =	vmul.bf16 v39, v23  }
0x1ba: {  	v46 =	vmul.bf16 v45, v63;
	v47 =	vmul.bf16 v45, v37;
	v7 =	vadd.bf16 v49, v7  }
0x1bb: {  	v61 =	vld [tilespmem:s12+$0xFFFFFF90];
	v52 =	vmul.bf16 v50, v63;
	v54 =	vmul.bf16 v50, v40;
	v12 =	vadd.bf16 v53, v12  }
0x1bc: {  	v55 =	vmul.bf16 v50, v42;
	v14 =	vadd.bf16 v59, v14;
	v16 =	vadd.bf16 v38, v16  }
0x1bd: {  	v57 =	vbroadcast v2, $0x5;
	v8 =	vadd.bf16 v41, v8;
	v9 =	vadd.bf16 v44, v9  }
0x1be: {  	v53 =	vmul.bf16 v50, v37;
	v10 =	vadd.bf16 v26, v10;
	v11 =	vadd.bf16 v23, v11  }
0x1bf: {  	v39 =	vpack.i.f32.bf16 v36, v36;
	v6 =	vadd.bf16 v46, v6;
	v13 =	vadd.bf16 v47, v13  }
0x1c0: {  	v26 =	vpack.i.f32.bf16 v51, v51;
	v15 =	vadd.bf16 v52, v15;
	v41 =	vmul.bf16 v39, v61  }
0x1c1: {  	v47 =	vbroadcast v3, $0x6;
	v12 =	vadd.bf16 v24, v12;
	v56 =	vmul.bf16 v26, v63  }
0x1c2: {  	v17 =	vadd.bf16 v53, v17;
	v58 =	vmul.bf16 v26, v37;
	v60 =	vmul.bf16 v26, v40  }
0x1c3: {  	v26 =	vmul.bf16 v26, v42;
	v24 =	vpack.i.f32.bf16 v57, v57;
	v53 =	vbroadcast v2, $0x6  }
0x1c4: {  	v18 =	vadd.bf16 v54, v18;
	v62 =	vmul.bf16 v24, v63;
	v25 =	vmul.bf16 v24, v37  }
0x1c5: {  	v59 =	vld [tilespmem:s12+$0xFFFFFF80];
	v14 =	vadd.bf16 v55, v14;
	v38 =	vmul.bf16 v24, v40;
	v24 =	vmul.bf16 v24, v42  }
0x1c6: {  	v42 =	vbroadcast v4, $0x6;
	v13 =	vadd.bf16 v41, v13;
	v19 =	vadd.bf16 v56, v19  }
0x1c7: {  	v50 =	vpack.i.f32.bf16 v47, v47;
	v20 =	vadd.bf16 v58, v20;
	v21 =	vadd.bf16 v60, v21  }
0x1c8: {  	v63 =	vld [tilespmem:s12+$0xFFFFFFA0];
	v16 =	vadd.bf16 v26, v16;
	v52 =	vmul.bf16 v50, v61;
	v56 =	vpack.i.f32.bf16 v53, v53  }
0x1c9: {  	v37 =	vld [tilespmem:s12+$0xFFFFFFB0];
	v58 =	vbroadcast v5, $0x7;
	v8 =	vadd.bf16 v62, v8;
	v9 =	vadd.bf16 v25, v9  }
0x1ca: {  	v40 =	vmul.bf16 v39, v59;
	v10 =	vadd.bf16 v38, v10;
	v45 =	vpack.i.f32.bf16 v42, v42  }
0x1cb: {  	v11 =	vadd.bf16 v24, v11;
	v51 =	vmul.bf16 v50, v59;
	v46 =	vmul.bf16 v45, v59  }
0x1cc: {  	v29 =	vld [tilespmem:s12+$0xFFFFFFD0];
	v48 =	vmul.bf16 v45, v61;
	v20 =	vadd.bf16 v52, v20;
	v59 =	vmul.bf16 v56, v59  }
0x1cd: {  	v54 =	vld [tilespmem:s12+$0xFFFFFFC0];
	v61 =	vmul.bf16 v56, v61;
	v6 =	vadd.bf16 v40, v6;
	v43 =	vmul.bf16 v39, v63  }
0x1ce: {  	v57 =	vld [tilespmem:s12+$0xFFFFFFE0];
	v19 =	vadd.bf16 v51, v19;
	v44 =	vmul.bf16 v39, v37;
	v28 =	vmul.bf16 v45, v63  }
0x1cf: {  	v60 =	vld [tilespmem:s12+$0xFFFFFFF0];
	v15 =	vadd.bf16 v46, v15;
	v49 =	vmul.bf16 v45, v37;
	v55 =	vmul.bf16 v50, v63  }
0x1d0: {  	v17 =	vadd.bf16 v48, v17;
	v25 =	vmul.bf16 v50, v37;
	v62 =	vmul.bf16 v56, v63  }
0x1d1: {  	v63 =	vpack.i.f32.bf16 v58, v58;
	v32 =	vmul.bf16 v56, v37;
	v39 =	vbroadcast v3, $0x7  }
0x1d2: {  	v8 =	vadd.bf16 v59, v8;
	v46 =	vbroadcast v2, $0x7;
	v33 =	vmul.bf16 v63, v54  }
0x1d3: {  	v9 =	vadd.bf16 v61, v9;
	v35 =	vmul.bf16 v63, v29;
	v36 =	vmul.bf16 v63, v57  }
0x1d4: {  	v37 =	vmul.bf16 v63, v60;
	v7 =	vadd.bf16 v43, v7;
	v12 =	vadd.bf16 v44, v12  }
0x1d5: {  	v63 =	vbroadcast v3, $0x8;
	v18 =	vadd.bf16 v28, v18;
	v14 =	vadd.bf16 v49, v14  }
0x1d6: {  	v21 =	vadd.bf16 v55, v21;
	v16 =	vadd.bf16 v25, v16;
	v25 =	vpack.i.f32.bf16 v34, v34  }
0x1d7: {  	v10 =	vadd.bf16 v62, v10;
	v55 =	vbroadcast v5, $0x8;
	v38 =	vmul.bf16 v25, v54  }
0x1d8: {  	v42 =	vpack.i.f32.bf16 v39, v39;
	v40 =	vmul.bf16 v25, v29;
	v41 =	vmul.bf16 v25, v57  }
0x1d9: {  	v11 =	vadd.bf16 v32, v11;
	v43 =	vmul.bf16 v25, v60;
	v44 =	vmul.bf16 v42, v54  }
0x1da: {  	v51 =	vpack.i.f32.bf16 v46, v46;
	v45 =	vmul.bf16 v42, v29;
	v48 =	vmul.bf16 v42, v57  }
0x1db: {  	v47 =	vld [tilespmem:s12+$0x0];
	v6 =	vadd.bf16 v33, v6;
	v50 =	vmul.bf16 v42, v60;
	v53 =	vmul.bf16 v51, v54  }
0x1dc: {  	v13 =	vadd.bf16 v35, v13;
	v56 =	vmul.bf16 v51, v29;
	v27 =	vmul.bf16 v51, v57  }
0x1dd: {  	v23 =	vmul.bf16 v51, v60;
	v60 =	vbroadcast v4, $0x8;
	v7 =	vadd.bf16 v36, v7  }
0x1de: {  	v52 =	vld [tilespmem:s12+$0x20];
	v26 =	vpack.i.f32.bf16 v63, v63;
	v12 =	vadd.bf16 v37, v12;
	v15 =	vadd.bf16 v38, v15  }
0x1df: {  	v57 =	vpack.i.f32.bf16 v55, v55;
	v17 =	vadd.bf16 v40, v17;
	v18 =	vadd.bf16 v41, v18  }
0x1e0: {  	v36 =	vmul.bf16 v26, v47;
	v14 =	vadd.bf16 v43, v14;
	v19 =	vadd.bf16 v44, v19  }
0x1e1: {  	v49 =	vld [tilespmem:s12+$0x10];
	v37 =	vbroadcast v2, $0x8;
	v20 =	vadd.bf16 v45, v20;
	v21 =	vadd.bf16 v48, v21  }
0x1e2: {  	v55 =	vbroadcast v3, $0x9;
	v16 =	vadd.bf16 v50, v16;
	v8 =	vadd.bf16 v53, v8  }
0x1e3: {  	v9 =	vadd.bf16 v56, v9;
	v58 =	vmul.bf16 v57, v47;
	v61 =	vmul.bf16 v57, v52  }
0x1e4: {  	v62 =	vpack.i.f32.bf16 v60, v60;
	v40 =	vmul.bf16 v26, v52;
	v44 =	vbroadcast v5, $0x9  }
0x1e5: {  	v54 =	vld [tilespmem:s12+$0x30];
	v10 =	vadd.bf16 v27, v10;
	v50 =	vbroadcast v4, $0x9;
	v32 =	vmul.bf16 v62, v47  }
0x1e6: {  	v11 =	vadd.bf16 v23, v11;
	v34 =	vmul.bf16 v62, v52;
	v59 =	vmul.bf16 v57, v49  }
0x1e7: {  	v39 =	vld [tilespmem:s12+$0x40];
	v6 =	vadd.bf16 v58, v6;
	v7 =	vadd.bf16 v61, v7;
	v33 =	vmul.bf16 v62, v49  }
0x1e8: {  	v41 =	vld [tilespmem:s12+$0x50];
	v19 =	vadd.bf16 v36, v19;
	v38 =	vmul.bf16 v26, v49;
	v21 =	vadd.bf16 v40, v21  }
0x1e9: {  	v43 =	vld [tilespmem:s12+$0x60];
	v53 =	vpack.i.f32.bf16 v50, v50;
	v61 =	vbroadcast v2, $0x9;
	v36 =	vbroadcast v5, $0xA  }
0x1ea: {  	v45 =	vld [tilespmem:s12+$0x70];
	v58 =	vpack.i.f32.bf16 v55, v55;
	v55 =	vbroadcast v2, $0xA;
	v24 =	vmul.bf16 v57, v54  }
0x1eb: {  	v15 =	vadd.bf16 v32, v15;
	v35 =	vmul.bf16 v62, v54;
	v18 =	vadd.bf16 v34, v18  }
0x1ec: {  	v26 =	vmul.bf16 v26, v54;
	v13 =	vadd.bf16 v59, v13;
	v20 =	vadd.bf16 v38, v20  }
0x1ed: {  	v59 =	vmul.bf16 v58, v39;
	v40 =	vpack.i.f32.bf16 v36, v36;
	v36 =	vbroadcast v5, $0xB  }
0x1ee: {  	v63 =	vpack.i.f32.bf16 v61, v61;
	v56 =	vmul.bf16 v53, v41;
	v28 =	vmul.bf16 v53, v43  }
0x1ef: {  	v30 =	vld [tilespmem:s12+$0x90];
	v12 =	vadd.bf16 v24, v12;
	v57 =	vmul.bf16 v53, v45;
	v60 =	vmul.bf16 v58, v41  }
0x1f0: {  	v24 =	vpack.i.f32.bf16 v37, v37;
	v62 =	vmul.bf16 v58, v43;
	v37 =	vmul.bf16 v63, v39  }
0x1f1: {  	v14 =	vadd.bf16 v35, v14;
	v38 =	vmul.bf16 v63, v41;
	v35 =	vbroadcast v3, $0xC  }
0x1f2: {  	v17 =	vadd.bf16 v33, v17;
	v42 =	vmul.bf16 v24, v47;
	v25 =	vmul.bf16 v24, v49  }
0x1f3: {  	v16 =	vadd.bf16 v26, v16;
	v46 =	vmul.bf16 v24, v52;
	v24 =	vmul.bf16 v24, v54  }
0x1f4: {  	v47 =	vpack.i.f32.bf16 v44, v44;
	v54 =	vmul.bf16 v53, v39;
	v44 =	vmul.bf16 v40, v30  }
0x1f5: {  	v19 =	vadd.bf16 v59, v19;
	v48 =	vmul.bf16 v47, v39;
	v49 =	vmul.bf16 v47, v41  }
0x1f6: {  	v51 =	vmul.bf16 v47, v43;
	v17 =	vadd.bf16 v56, v17;
	v18 =	vadd.bf16 v28, v18  }
0x1f7: {  	v27 =	vld [tilespmem:s12+$0xA0];
	v52 =	vmul.bf16 v47, v45;
	v14 =	vadd.bf16 v57, v14;
	v20 =	vadd.bf16 v60, v20  }
0x1f8: {  	v23 =	vld [tilespmem:s12+$0xB0];
	v21 =	vadd.bf16 v62, v21;
	v39 =	vmul.bf16 v63, v43;
	v41 =	vmul.bf16 v63, v45  }
0x1f9: {  	v43 =	vbroadcast v4, $0xA;
	v8 =	vadd.bf16 v42, v8;
	v9 =	vadd.bf16 v25, v9  }
0x1fa: {  	v60 =	vpack.i.f32.bf16 v55, v55;
	v10 =	vadd.bf16 v46, v10;
	v11 =	vadd.bf16 v24, v11  }
0x1fb: {  	v15 =	vadd.bf16 v54, v15;
	v25 =	vmul.bf16 v58, v45;
	v6 =	vadd.bf16 v48, v6  }
0x1fc: {  	v45 =	vmul.bf16 v40, v27;
	v13 =	vadd.bf16 v49, v13;
	v7 =	vadd.bf16 v51, v7  }
0x1fd: {  	v28 =	vld [tilespmem:s12+$0x80];
	v46 =	vmul.bf16 v40, v23;
	v12 =	vadd.bf16 v52, v12;
	v16 =	vadd.bf16 v25, v16  }
0x1fe: {  	v48 =	vbroadcast v3, $0xA;
	v8 =	vadd.bf16 v37, v8;
	v9 =	vadd.bf16 v38, v9  }
0x1ff: {  	v10 =	vadd.bf16 v39, v10;
	v25 =	vpack.i.f32.bf16 v43, v43;
	v37 =	vmul.bf16 v60, v30  }
0x200: {  	v11 =	vadd.bf16 v41, v11;
	v41 =	vbroadcast v4, $0xB;
	v49 =	vmul.bf16 v25, v30  }
0x201: {  	v56 =	vld [tilespmem:s12+$0xC0];
	v13 =	vadd.bf16 v44, v13;
	v50 =	vmul.bf16 v25, v27;
	v52 =	vmul.bf16 v25, v23  }
0x202: {  	v63 =	vld [tilespmem:s12+$0xF0];
	v51 =	vpack.i.f32.bf16 v48, v48;
	v44 =	vbroadcast v3, $0xB;
	v42 =	vmul.bf16 v40, v28  }
0x203: {  	v38 =	vpack.i.f32.bf16 v36, v36;
	v47 =	vmul.bf16 v25, v28;
	v53 =	vmul.bf16 v51, v28  }
0x204: {  	v58 =	vld [tilespmem:s12+$0xD0];
	v7 =	vadd.bf16 v45, v7;
	v54 =	vmul.bf16 v51, v30;
	v57 =	vmul.bf16 v51, v27  }
0x205: {  	v12 =	vadd.bf16 v46, v12;
	v59 =	vmul.bf16 v51, v23;
	v62 =	vmul.bf16 v60, v28  }
0x206: {  	v27 =	vmul.bf16 v60, v27;
	v23 =	vmul.bf16 v60, v23;
	v9 =	vadd.bf16 v37, v9  }
0x207: {  	v39 =	vmul.bf16 v38, v56;
	v24 =	vmul.bf16 v38, v63;
	v43 =	vpack.i.f32.bf16 v41, v41  }
0x208: {  	v41 =	vbroadcast v2, $0xC;
	v17 =	vadd.bf16 v49, v17;
	v18 =	vadd.bf16 v50, v18  }
0x209: {  	v61 =	vld [tilespmem:s12+$0xE0];
	v14 =	vadd.bf16 v52, v14;
	v40 =	vmul.bf16 v38, v58;
	v45 =	vmul.bf16 v43, v56  }
0x20a: {  	v46 =	vmul.bf16 v43, v58;
	v6 =	vadd.bf16 v42, v6;
	v15 =	vadd.bf16 v47, v15  }
0x20b: {  	v26 =	vpack.i.f32.bf16 v44, v44;
	v19 =	vadd.bf16 v53, v19;
	v20 =	vadd.bf16 v54, v20  }
0x20c: {  	v48 =	vmul.bf16 v43, v63;
	v21 =	vadd.bf16 v57, v21;
	v16 =	vadd.bf16 v59, v16  }
0x20d: {  	v50 =	vbroadcast v2, $0xB;
	v8 =	vadd.bf16 v62, v8;
	v10 =	vadd.bf16 v27, v10  }
0x20e: {  	v11 =	vadd.bf16 v23, v11;
	v42 =	vmul.bf16 v38, v61;
	v47 =	vmul.bf16 v43, v61  }
0x20f: {  	v12 =	vadd.bf16 v24, v12;
	v49 =	vmul.bf16 v26, v56;
	v51 =	vmul.bf16 v26, v58  }
0x210: {  	v53 =	vmul.bf16 v26, v61;
	v26 =	vmul.bf16 v26, v63;
	v13 =	vadd.bf16 v40, v13  }
0x211: {  	v57 =	vbroadcast v5, $0xC;
	v17 =	vadd.bf16 v46, v17;
	v14 =	vadd.bf16 v48, v14  }
0x212: {  	v38 =	vpack.i.f32.bf16 v35, v35;
	v6 =	vadd.bf16 v39, v6;
	v7 =	vadd.bf16 v42, v7  }
0x213: {  	v24 =	vpack.i.f32.bf16 v50, v50;
	v15 =	vadd.bf16 v45, v15;
	v18 =	vadd.bf16 v47, v18  }
0x214: {  	v52 =	vld [tilespmem:s12+$0x100];
	v19 =	vadd.bf16 v49, v19;
	v20 =	vadd.bf16 v51, v20;
	v55 =	vmul.bf16 v24, v56  }
0x215: {  	v21 =	vadd.bf16 v53, v21;
	v16 =	vadd.bf16 v26, v16;
	v25 =	vmul.bf16 v24, v58  }
0x216: {  	v54 =	vld [tilespmem:s12+$0x110];
	v59 =	vmul.bf16 v24, v61;
	v60 =	vpack.i.f32.bf16 v57, v57;
	v24 =	vmul.bf16 v24, v63  }
0x217: {  	v63 =	vbroadcast v4, $0xC;
	v45 =	vpack.i.f32.bf16 v41, v41;
	v47 =	vbroadcast v5, $0xD  }
0x218: {  	v46 =	vld [tilespmem:s12+$0x160];
	v41 =	vbroadcast v5, $0xE;
	v5 =	vbroadcast v5, $0xF;
	v8 =	vadd.bf16 v55, v8  }
0x219: {  	v56 =	vld [tilespmem:s12+$0x120];
	v9 =	vadd.bf16 v25, v9;
	v61 =	vmul.bf16 v60, v52;
	v10 =	vadd.bf16 v59, v10  }
0x21a: {  	v58 =	vld [tilespmem:s12+$0x130];
	v11 =	vadd.bf16 v24, v11;
	v39 =	vmul.bf16 v38, v52;
	v48 =	vmul.bf16 v45, v52  }
0x21b: {  	v33 =	vpack.i.f32.bf16 v63, v63;
	v55 =	vbroadcast v4, $0xD;
	v62 =	vmul.bf16 v60, v54  }
0x21c: {  	v5 =	vpack.i.f32.bf16 v5, v5;
	v34 =	vmul.bf16 v33, v52;
	v36 =	vmul.bf16 v33, v54  }
0x21d: {  	v44 =	vld [tilespmem:s12+$0x150];
	v40 =	vmul.bf16 v38, v54;
	v50 =	vmul.bf16 v45, v54;
	v52 =	vpack.i.f32.bf16 v47, v47  }
0x21e: {  	v42 =	vld [tilespmem:s12+$0x140];
	v6 =	vadd.bf16 v61, v6;
	v19 =	vadd.bf16 v39, v19;
	v57 =	vmul.bf16 v52, v46  }
0x21f: {  	v49 =	vld [tilespmem:s12+$0x170];
	v8 =	vadd.bf16 v48, v8;
	v29 =	vmul.bf16 v60, v56;
	v32 =	vmul.bf16 v60, v58  }
0x220: {  	v13 =	vadd.bf16 v62, v13;
	v28 =	vmul.bf16 v33, v56;
	v37 =	vmul.bf16 v33, v58  }
0x221: {  	v26 =	vld [tilespmem:s12+$0x1C0];
	v15 =	vadd.bf16 v34, v15;
	v43 =	vmul.bf16 v38, v56;
	v25 =	vmul.bf16 v38, v58  }
0x222: {  	v17 =	vadd.bf16 v36, v17;
	v51 =	vmul.bf16 v45, v56;
	v53 =	vmul.bf16 v45, v58  }
0x223: {  	v31 =	vld [tilespmem:s12+$0x1D0];
	v20 =	vadd.bf16 v40, v20;
	v54 =	vmul.bf16 v52, v42;
	v56 =	vmul.bf16 v52, v44  }
0x224: {  	v9 =	vadd.bf16 v50, v9;
	v58 =	vmul.bf16 v52, v49;
	v60 =	vbroadcast v3, $0xD  }
0x225: {  	v36 =	vbroadcast v2, $0xD;
	v7 =	vadd.bf16 v29, v7;
	v12 =	vadd.bf16 v32, v12  }
0x226: {  	v52 =	vmul.bf16 v5, v26;
	v18 =	vadd.bf16 v28, v18;
	v14 =	vadd.bf16 v37, v14  }
0x227: {  	v16 =	vadd.bf16 v25, v16;
	v6 =	vadd.bf16 v54, v6;
	v25 =	vpack.i.f32.bf16 v55, v55  }
0x228: {  	v13 =	vadd.bf16 v56, v13;
	v54 =	vmul.bf16 v5, v31;
	v56 =	vbroadcast v3, $0xE  }
0x229: {  	v21 =	vadd.bf16 v43, v21;
	v3 =	vbroadcast v3, $0xF;
	v59 =	vmul.bf16 v25, v42  }
0x22a: {  	v63 =	vpack.i.f32.bf16 v60, v60;
	v61 =	vmul.bf16 v25, v44;
	v62 =	vmul.bf16 v25, v46  }
0x22b: {  	v30 =	vld [tilespmem:s12+$0x190];
	v10 =	vadd.bf16 v51, v10;
	v33 =	vmul.bf16 v25, v49;
	v34 =	vmul.bf16 v63, v42  }
0x22c: {  	v39 =	vpack.i.f32.bf16 v36, v36;
	v35 =	vmul.bf16 v63, v44;
	v37 =	vmul.bf16 v63, v46  }
0x22d: {  	v11 =	vadd.bf16 v53, v11;
	v38 =	vmul.bf16 v63, v49;
	v40 =	vmul.bf16 v39, v42  }
0x22e: {  	v43 =	vpack.i.f32.bf16 v41, v41;
	v42 =	vmul.bf16 v39, v44;
	v27 =	vmul.bf16 v39, v46  }
0x22f: {  	v23 =	vmul.bf16 v39, v49;
	v7 =	vadd.bf16 v57, v7;
	v12 =	vadd.bf16 v58, v12  }
0x230: {  	v45 =	vmul.bf16 v43, v30;
	v15 =	vadd.bf16 v59, v15;
	v17 =	vadd.bf16 v61, v17  }
0x231: {  	v25 =	vld [tilespmem:s12+$0x180];
	v46 =	vbroadcast v4, $0xE;
	v18 =	vadd.bf16 v62, v18;
	v14 =	vadd.bf16 v33, v14  }
0x232: {  	v28 =	vld [tilespmem:s12+$0x1A0];
	v4 =	vbroadcast v4, $0xF;
	v19 =	vadd.bf16 v34, v19;
	v20 =	vadd.bf16 v35, v20  }
0x233: {  	v58 =	vpack.i.f32.bf16 v56, v56;
	v21 =	vadd.bf16 v37, v21;
	v16 =	vadd.bf16 v38, v16  }
0x234: {  	v29 =	vld [tilespmem:s12+$0x1B0];
	v3 =	vpack.i.f32.bf16 v3, v3;
	v8 =	vadd.bf16 v40, v8;
	v10 =	vadd.bf16 v27, v10  }
0x235: {  	v11 =	vadd.bf16 v23, v11;
	v13 =	vadd.bf16 v45, v13;
	v27 =	vld [tilespmem:s12+$0x1E0];
	v63 =	vmul.bf16 v58, v30  }
0x236: {  	v49 =	vpack.i.f32.bf16 v46, v46;
	v37 =	vbroadcast v2, $0xE;
	v44 =	vmul.bf16 v43, v25  }
0x237: {  	v33 =	vld [tilespmem:s12+$0x1F0];
	v4 =	vpack.i.f32.bf16 v4, v4;
	v38 =	vmul.bf16 v3, v26;
	v47 =	vmul.bf16 v43, v28  }
0x238: {  	v41 =	vmul.bf16 v3, v31;
	v13 =	vadd.bf16 v54, v13;
	v6 =	vadd.bf16 v44, v6  }
0x239: {  	v61 =	vmul.bf16 v4, v26;
	v48 =	vmul.bf16 v43, v29;
	v7 =	vadd.bf16 v47, v7  }
0x23a: {  	v59 =	vunpack.i.l.bf16.f32 v13;
	v55 =	vmul.bf16 v5, v27;
	v6 =	vadd.bf16 v52, v6  }
0x23b: {  	v50 =	vmul.bf16 v49, v25;
	v12 =	vadd.bf16 v48, v12;
	v13 =	vunpack.i.u.bf16.f32 v13;
	[tilespmem:s0+$0xFFFFF820] =	vst v59  }
0x23c: {  	v5 =	vmul.bf16 v5, v33;
	[tilespmem:s0+$0xFFFFF830] =	vst v13;
	v7 =	vadd.bf16 v55, v7;
	v57 =	vunpack.i.l.bf16.f32 v6  }
0x23d: {  	v53 =	vmul.bf16 v49, v28;
	v40 =	vmul.bf16 v58, v29;
	v6 =	vunpack.i.u.bf16.f32 v6;
	[tilespmem:s0+$0xFFFFF800] =	vst v57  }
0x23e: {  	v15 =	vadd.bf16 v50, v15;
	v5 =	vadd.bf16 v5, v12;
	v62 =	vunpack.i.l.bf16.f32 v7;
	[tilespmem:s0+$0xFFFFF810] =	vst v6  }
0x23f: {  	v18 =	vadd.bf16 v53, v18;
	v43 =	vadd.bf16 v40, v16;
	v7 =	vunpack.i.u.bf16.f32 v7;
	[tilespmem:s0+$0xFFFFF840] =	vst v62  }
0x240: {  	v32 =	vmul.bf16 v4, v27;
	v12 =	vadd.bf16 v61, v15;
	v23 =	vunpack.i.l.bf16.f32 v5;
	[tilespmem:s0+$0xFFFFF850] =	vst v7  }
0x241: {  	v13 =	vadd.bf16 v63, v20;
	v46 =	vmul.bf16 v3, v27;
	v5 =	vunpack.i.u.bf16.f32 v5;
	[tilespmem:s0+$0xFFFFF860] =	vst v23  }
0x242: {  	v3 =	vmul.bf16 v3, v33;
	v35 =	vadd.bf16 v32, v18;
	v34 =	vunpack.i.l.bf16.f32 v12;
	[tilespmem:s0+$0xFFFFF870] =	vst v5  }
0x243: {  	v51 =	vmul.bf16 v49, v30;
	v45 =	vadd.bf16 v41, v13;
	v12 =	vunpack.i.u.bf16.f32 v12;
	[tilespmem:s0+$0xFFFFFC00] =	vst v34  }
0x244: {  	v60 =	vmul.bf16 v58, v25;
	v3 =	vadd.bf16 v3, v43;
	v39 =	vunpack.i.l.bf16.f32 v35;
	[tilespmem:s0+$0xFFFFFC10] =	vst v12  }
0x245: {  	v24 =	vmul.bf16 v49, v29;
	v17 =	vadd.bf16 v51, v17;
	v49 =	vunpack.i.l.bf16.f32 v45;
	[tilespmem:s0+$0xFFFFFC40] =	vst v39  }
0x246: {  	v56 =	vunpack.i.l.bf16.f32 v3;
	v6 =	vadd.bf16 v60, v19;
	v19 =	vmul.bf16 v4, v31;
	[tilespmem:s0+$0x20] =	vst v49  }
0x247: {  	v2 =	vbroadcast v2, $0xF;
	v14 =	vadd.bf16 v24, v14;
	v3 =	vunpack.i.u.bf16.f32 v3;
	[tilespmem:s0+$0x60] =	vst v56  }
0x248: {  	v4 =	vmul.bf16 v4, v33;
	v5 =	vunpack.i.u.bf16.f32 v35;
	[tilespmem:s0+$0x70] =	vst v3;
	v15 =	vadd.bf16 v19, v17  }
0x249: {  	v9 =	vadd.bf16 v42, v9;
	v24 =	vmul.bf16 v58, v28;
	[tilespmem:s0+$0xFFFFFC50] =	vst v5;
	v5 =	vunpack.i.u.bf16.f32 v45  }
0x24a: {  	v2 =	vpack.i.f32.bf16 v2, v2;
	v4 =	vadd.bf16 v4, v14;
	[tilespmem:s0+$0x30] =	vst v5;
	v36 =	vunpack.i.l.bf16.f32 v15  }
0x24b: {  	v7 =	vadd.bf16 v24, v21;
	v17 =	vpack.i.f32.bf16 v37, v37;
	v15 =	vunpack.i.u.bf16.f32 v15;
	[tilespmem:s0+$0xFFFFFC20] =	vst v36  }
0x24c: {  	v6 =	vadd.bf16 v38, v6;
	v44 =	vmul.bf16 v17, v25;
	v42 =	vunpack.i.l.bf16.f32 v4;
	[tilespmem:s0+$0xFFFFFC30] =	vst v15  }
0x24d: {  	v51 =	vmul.bf16 v2, v26;
	v48 =	vadd.bf16 v46, v7;
	v4 =	vunpack.i.u.bf16.f32 v4;
	[tilespmem:s0+$0xFFFFFC60] =	vst v42  }
0x24e: {  	v50 =	vmul.bf16 v17, v30;
	v47 =	vunpack.i.l.bf16.f32 v6;
	[tilespmem:s0+$0xFFFFFC70] =	vst v4;
	v8 =	vadd.bf16 v44, v8  }
0x24f: {  	v55 =	vmul.bf16 v2, v31;
	v53 =	vmul.bf16 v17, v28;
	v6 =	vunpack.i.u.bf16.f32 v6;
	[tilespmem:s0+$0x0] =	vst v47  }
0x250: {  	v52 =	vunpack.i.l.bf16.f32 v48;
	[tilespmem:s0+$0x10] =	vst v6;
	v7 =	vadd.bf16 v50, v9;
	v54 =	vadd.bf16 v51, v8  }
0x251: {  	v60 =	vmul.bf16 v2, v27;
	v58 =	vmul.bf16 v17, v29;
	v4 =	vunpack.i.u.bf16.f32 v48;
	[tilespmem:s0+$0x40] =	vst v52  }
0x252: {  	v57 =	vadd.bf16 v53, v10;
	[tilespmem:s0+$0x50] =	vst v4;
	v59 =	vadd.bf16 v55, v7;
	v3 =	vunpack.i.l.bf16.f32 v54  }
0x253: {  	v2 =	vmul.bf16 v2, v33;
	v5 =	vunpack.i.u.bf16.f32 v54;
	[tilespmem:s0+$0x400] =	vst v3  }
0x254: {  	v61 =	vadd.bf16 v58, v11;
	v62 =	vunpack.i.l.bf16.f32 v59;
	v3 =	vadd.bf16 v60, v57;
	[tilespmem:s0+$0x410] =	vst v5  }
0x255: {  	p0 =	sne.s32 s1, $0x1C0;
	v4 =	vunpack.i.u.bf16.f32 v59;
	[tilespmem:s0+$0x420] =	vst v62  }
.Ltmp1:
0x256: {  	v2 =	vadd.bf16 v2, v61;
	[tilespmem:s0+$0x430] =	vst v4;
	v63 =	vunpack.i.l.bf16.f32 v3;
	(pc) =	sbr.rel @p0 .LBB2_5-.Ltmp1, $4  }
0x257: {  	v3 =	vunpack.i.u.bf16.f32 v3;
	[tilespmem:s0+$0x440] =	vst v63  }
0x258: {  	[tilespmem:s0+$0x450] =	vst v3;
	v3 =	vunpack.i.l.bf16.f32 v2  }
0x259: {  	s28 =	sadd.s32 $0x1, s28;
	v2 =	vunpack.i.u.bf16.f32 v2;
	[tilespmem:s0+$0x460] =	vst v3  }
0x25a: {  	s1 =	sadd.s32 $0x40, s1;
	s12 =	sadd.s32 $0x400, s12;
	[tilespmem:s0+$0x470] =	vst v2;
	s0 =	sadd.s32 $0x80, s0  }
0x25b: {  	s29 =	sadd.s32 $0x1, s29  }
0x25c: {  	p0 =	sne.s32 s29, $0x14  }
.Ltmp2:
0x25d: {  	s0 =	sadd.s32 s6, s30;
	(pc) =	sbr.rel @p0 .LBB2_2-.Ltmp2, $4  }
0x25e: {  	s0 =	sshll.u32 s0, $0x9  }
0x25f: {  	s24 =	sadd.s32 $0x100, s24;
	s4 =	sadd.s32 $0x10, s4;
	s0 =	sand.u32 $0x1FFFFE00, s0  }
0x260: {  	s25 =	sadd.s32 $0x100, s25;
	s26 =	sadd.s32 $0x10, s26;
	s0 =	sadd.s32 s5, s0  }
0x261: {  	[hbm4b:s0+s3] =	stream.linear.scatter [tilespmem:s20], [sflag:$0x4], $0x1000, $0x38;
	[tilespmem:$0x1CB00] =	vst v63  }
0x262: {  	_ =	swait.ge [sflag:s17], $0x2000  }
0x263: {  	[sflag:s17] =	ssyncset.done $0x0  }
0x264: {  	s23 =	sadd.s32 $0x1, s23;
	[sflag:s17] =	ssyncadd.s32 $0xFFFFE000  }
0x265: {  	p0 =	sne.s32 s23, s10;
	_ =	swait.ge [sflag:s21], $0x1000  }
.Ltmp3:
0x266: {  	[sflag:s21] =	ssyncset.done $0x0;
	(pc) =	sbr.rel @p0 .LBB2_1-.Ltmp3, $4  }
0x267: {  	[sflag:s21] =	ssyncadd.s32 $0xFFFFF000  }
0x268: {  	_ =	swait.ge [sflag:s22], $0x1000  }
0x269: {  	[sflag:s22] =	ssyncset.done $0x0  }
0x26a: {  	[sflag:s22] =	ssyncadd.s32 $0xFFFFF000  }
0x26b: {  	_ =	sfence.sel $0x180000  }
0x26c: {  	[bflag:$0x0] =	sbarrier.arrive $0xFFFF  }
0x26d: {  	_ =	strace $0x90000047  }
0x26e: {  	s0 =	stileid.u32;
	[bflag:$0x2] =	sbarrier.arrive $0xFFFF  }
0x26f: {  	p0 =	sne.s32 s0, $0x0;
	s0 =	rddreg [dreg:$0x2]  }
0x270: {  	s0 =	sadd.s32 @!p0 $0x100000, s0  }
0x271: {  	[sflag:s0] =	ssyncadd.tile.s32 @!p0 $0x1;
	_ =	shalt  }
.Lfunc_end2:
_tile_overlayer_lowered:
.L_overlay_start_2:
0x272: {  	(tag) =	ssettag $0x2  }
0x273: {  	s0 =	rddreg [dreg:$0x0];
	s2 =	stileid.u32  }
0x274: {  	s1 =	rddreg [dreg:$0x1];
	p0 =	sne.s32 s2, $0x0  }
0x275: {  	s3 =	rddreg [dreg:$0x2];
	[bflag:$0x3] =	sbarrier.arrive $0xFFFF;
	s2 =	simm.s32 @!p0 $0x1C05  }
0x276: {  	[timem:s3], [sflag:s2] =	dma.local @!p0 [hbm:s0], s1  }
0x277: {  	s0 =	simm.s32 @!p0 $0x5  }
0x278: {  	_ =	swait.ge @!p0 [sflag:s0], s1  }
0x279: {  	s1 =	ssub.s32 @!p0 $0x0, s1;
	[sflag:s0] =	ssyncset.done @!p0 $0x0  }
0x27a: {  	[sflag:s0] =	ssyncadd.s32 @!p0 s1  }
0x27b: {  	[bflag:$0x3] =	sbarrier.arrive $0xFFFF  }
0x27c: {  	_ =	shalt  }

</sc_bundles>
